<compile_context>
chip_gen: v7x
topology: tpu7x:2x2x1
jax: 0.10.2.dev20260603
libtpu: 0.0.44.dev20260713+nightly
codegen_flags: <defaults>
</compile_context>

<pallas_src>
import jax
import jax.numpy as jnp
from jax import lax
from jax.experimental import pallas as pl
from jax.experimental.pallas import tpu as pltpu
from jax.experimental.pallas import tpu_sc as plsc

N = 10000
F_IN = 256
HC = 64
NPAD = 10112
STRIPE = NPAD // 16
E = 160000
NC, NS = 2, 16
NW = NC * NS
EPW = 5120
EPAD = EPW * NW
CH = 128
NCHUNK = EPW // CH
BM = 400


def _leaky(x):
    return jnp.where(x >= 0, x, 0.2 * x)


def _dense1_body(x_ref, w_ref, asm_ref, adm_ref, h_ref, as_ref, ad_ref, mx_ref):
    i = pl.program_id(0)
    h = jnp.dot(x_ref[...], w_ref[...], preferred_element_type=jnp.float32)
    a_s = jnp.dot(h, asm_ref[...], preferred_element_type=jnp.float32)
    a_d = jnp.dot(h, adm_ref[...], preferred_element_type=jnp.float32)
    h_ref[...] = h
    as_ref[...] = a_s
    ad_ref[...] = a_d

    @pl.when(i == 0)
    def _():
        mx_ref[...] = jnp.full((2, 16), -3.0e38, jnp.float32)

    upd = jnp.concatenate(
        [jnp.max(a_s, axis=0, keepdims=True), jnp.max(a_d, axis=0, keepdims=True)],
        axis=0,
    )
    mx_ref[...] = jnp.maximum(mx_ref[...], upd)


def _dense1(x, w1, asm, adm):
    return pl.pallas_call(
        _dense1_body,
        grid=(N // BM,),
        in_specs=[
            pl.BlockSpec((BM, F_IN), lambda i: (i, 0)),
            pl.BlockSpec((F_IN, HC), lambda i: (0, 0)),
            pl.BlockSpec((HC, 16), lambda i: (0, 0)),
            pl.BlockSpec((HC, 16), lambda i: (0, 0)),
        ],
        out_specs=[
            pl.BlockSpec((BM, HC), lambda i: (i, 0)),
            pl.BlockSpec((BM, 16), lambda i: (i, 0)),
            pl.BlockSpec((BM, 16), lambda i: (i, 0)),
            pl.BlockSpec((2, 16), lambda i: (0, 0)),
        ],
        out_shape=[
            jax.ShapeDtypeStruct((N, HC), jnp.float32),
            jax.ShapeDtypeStruct((N, 16), jnp.float32),
            jax.ShapeDtypeStruct((N, 16), jnp.float32),
            jax.ShapeDtypeStruct((2, 16), jnp.float32),
        ],
    )(x, w1, asm, adm)


def _make_edge_kernel(nheads):
    mesh = plsc.VectorSubcoreMesh(core_axis_name="c", subcore_axis_name="s",
                                  num_cores=NC, num_subcores=NS)

    def body(h_hbm, as_hbm, ad_hbm, src_hbm, dst_hbm, kv_hbm, z64_hbm, z16_hbm,
             m_out, e_out, sidx, didx, sdix, hrows, arows, drows, orows,
             erows, kv_v, acc_m, acc_e, semg, sems):
        c = lax.axis_index("c")
        s = lax.axis_index("s")
        wid = s * NC + c
        pltpu.sync_copy(z64_hbm.at[pl.ds(s * STRIPE, STRIPE)],
                        acc_m.at[pl.ds(s * STRIPE, STRIPE)])
        pltpu.sync_copy(z16_hbm.at[pl.ds(s * STRIPE, STRIPE)],
                        acc_e.at[pl.ds(s * STRIPE, STRIPE)])
        pltpu.sync_copy(kv_hbm, kv_v)
        plsc.subcore_barrier()

        kv = kv_v[...]
        iota = lax.iota(jnp.int32, 16)
        half = lax.shift_right_logical(iota, 3)

        def issue_gathers(k, b):
            base = wid * EPW + k * CH
            pltpu.sync_copy(src_hbm.at[pl.ds(base, CH)], sidx.at[b])
            pltpu.sync_copy(dst_hbm.at[pl.ds(base, CH)], didx.at[b])
            pltpu.async_copy(h_hbm.at[sidx.at[b]], hrows.at[b], semg.at[b])
            pltpu.async_copy(as_hbm.at[sidx.at[b]], arows.at[b], semg.at[b])
            pltpu.async_copy(ad_hbm.at[didx.at[b]], drows.at[b], semg.at[b])

        def wait_gathers(b):
            pltpu.make_async_copy(h_hbm.at[sidx.at[b]], hrows.at[b],
                                  semg.at[b]).wait()
            pltpu.make_async_copy(as_hbm.at[sidx.at[b]], arows.at[b],
                                  semg.at[b]).wait()
            pltpu.make_async_copy(ad_hbm.at[didx.at[b]], drows.at[b],
                                  semg.at[b]).wait()

        def compute(b):
            hr, ar, dr = hrows.at[b], arows.at[b], drows.at[b]
            orr, er = orows.at[b], erows.at[b]

            @plsc.parallel_loop(0, CH, unroll=8)
            def edge_body(i):
                a = ar[i, :] + dr[i, :]
                e = jnp.exp(_leaky(a) - kv)
                er[i, :] = e
                if nheads == 8:
                    fi = jnp.full((16,), i, jnp.int32)
                    for j in range(4):
                        eb = plsc.load_gather(er, [fi, half + (2 * j)])
                        orr[i, pl.ds(16 * j, 16)] = (
                            hr[i, pl.ds(16 * j, 16)] * eb)
                else:
                    for j in range(4):
                        orr[i, pl.ds(16 * j, 16)] = (
                            hr[i, pl.ds(16 * j, 16)] * e)

        def issue_scatters(b):
            pltpu.async_copy(orows.at[b], acc_m.at[sdix.at[b]], sems.at[b],
                             add=True)
            pltpu.async_copy(erows.at[b], acc_e.at[sdix.at[b]], sems.at[b],
                             add=True)

        def wait_scatters(b):
            pltpu.make_async_copy(orows.at[b], acc_m.at[sdix.at[b]],
                                  sems.at[b]).wait()
            pltpu.make_async_copy(erows.at[b], acc_e.at[sdix.at[b]],
                                  sems.at[b]).wait()

        issue_gathers(0, 0)

        def pair_body(k2, carry):
            k = 2 * k2
            issue_gathers(k + 1, 1)
            wait_gathers(0)

            @pl.when(k2 > 0)
            def _():
                wait_scatters(0)

            pltpu.sync_copy(dst_hbm.at[pl.ds(wid * EPW + k * CH, CH)],
                            sdix.at[0])
            compute(0)
            issue_scatters(0)

            @pl.when(k2 < NCHUNK // 2 - 1)
            def _():
                issue_gathers(k + 2, 0)

            wait_gathers(1)

            @pl.when(k2 > 0)
            def _():
                wait_scatters(1)

            pltpu.sync_copy(dst_hbm.at[pl.ds(wid * EPW + (k + 1) * CH, CH)],
                            sdix.at[1])
            compute(1)
            issue_scatters(1)
            return carry

        lax.fori_loop(0, NCHUNK // 2, pair_body, 0)
        wait_scatters(0)
        wait_scatters(1)
        plsc.subcore_barrier()
        pltpu.sync_copy(acc_m.at[pl.ds(s * STRIPE, STRIPE)],
                        m_out.at[c, pl.ds(s * STRIPE, STRIPE)])
        pltpu.sync_copy(acc_e.at[pl.ds(s * STRIPE, STRIPE)],
                        e_out.at[c, pl.ds(s * STRIPE, STRIPE)])

    return pl.kernel(
        body,
        out_type=[
            jax.ShapeDtypeStruct((NC, NPAD, HC), jnp.float32),
            jax.ShapeDtypeStruct((NC, NPAD, 16), jnp.float32),
        ],
        mesh=mesh,
        compiler_params=pltpu.CompilerParams(needs_layout_passes=False,
                                             use_tc_tiling_on_sc=False),
        scratch_types=[
            pltpu.VMEM((2, CH), jnp.int32),
            pltpu.VMEM((2, CH), jnp.int32),
            pltpu.VMEM((2, CH), jnp.int32),
            pltpu.VMEM((2, CH, HC), jnp.float32),
            pltpu.VMEM((2, CH, 16), jnp.float32),
            pltpu.VMEM((2, CH, 16), jnp.float32),
            pltpu.VMEM((2, CH, HC), jnp.float32),
            pltpu.VMEM((2, CH, 16), jnp.float32),
            pltpu.VMEM((16,), jnp.float32),
            pltpu.VMEM_SHARED((NPAD, HC), jnp.float32),
            pltpu.VMEM_SHARED((NPAD, 16), jnp.float32),
            pltpu.SemaphoreType.DMA((2,)),
            pltpu.SemaphoreType.DMA((2,)),
        ],
    )


import functools


@functools.lru_cache(maxsize=2)
def _get_edge_kernel(nheads):
    return _make_edge_kernel(nheads)


def _epi1_body(m_ref, e_ref, h_ref, as_ref, ad_ref, kv_ref, b_ref, r_ref,
               w2_ref, asm_ref, adm_ref, h2_ref, as2_ref, ad2_ref, mx_ref):
    i = pl.program_id(0)
    m = m_ref[...][0] + m_ref[...][1]
    e2 = e_ref[...][0] + e_ref[...][1]
    a = as_ref[...] + ad_ref[...]
    es = jnp.exp(_leaky(a) - kv_ref[...])
    den = jnp.dot(e2 + es, r_ref[...], preferred_element_type=jnp.float32)
    esb = jnp.dot(es, r_ref[...], preferred_element_type=jnp.float32)
    num = m + h_ref[...] * esb
    h1 = num / (den + 1e-16) + b_ref[...]
    h1e = jnp.where(h1 > 0, h1, jnp.exp(h1) - 1.0)
    h2 = jnp.dot(h1e, w2_ref[...], preferred_element_type=jnp.float32)
    a_s2 = jnp.dot(h2, asm_ref[...], preferred_element_type=jnp.float32)
    a_d2 = jnp.dot(h2, adm_ref[...], preferred_element_type=jnp.float32)
    h2_ref[...] = h2
    as2_ref[...] = a_s2
    ad2_ref[...] = a_d2

    @pl.when(i == 0)
    def _():
        mx_ref[...] = jnp.full((2, 16), -3.0e38, jnp.float32)

    upd = jnp.concatenate(
        [jnp.max(a_s2, axis=0, keepdims=True), jnp.max(a_d2, axis=0, keepdims=True)],
        axis=0,
    )
    mx_ref[...] = jnp.maximum(mx_ref[...], upd)


def _epi1(m1, e1, h1, as1, ad1, kv1, b1, r16, w2, asm2, adm2):
    return pl.pallas_call(
        _epi1_body,
        grid=(N // BM,),
        in_specs=[
            pl.BlockSpec((2, BM, HC), lambda i: (0, i, 0)),
            pl.BlockSpec((2, BM, 16), lambda i: (0, i, 0)),
            pl.BlockSpec((BM, HC), lambda i: (i, 0)),
            pl.BlockSpec((BM, 16), lambda i: (i, 0)),
            pl.BlockSpec((BM, 16), lambda i: (i, 0)),
            pl.BlockSpec((1, 16), lambda i: (0, 0)),
            pl.BlockSpec((1, HC), lambda i: (0, 0)),
            pl.BlockSpec((16, HC), lambda i: (0, 0)),
            pl.BlockSpec((HC, HC), lambda i: (0, 0)),
            pl.BlockSpec((HC, 16), lambda i: (0, 0)),
            pl.BlockSpec((HC, 16), lambda i: (0, 0)),
        ],
        out_specs=[
            pl.BlockSpec((BM, HC), lambda i: (i, 0)),
            pl.BlockSpec((BM, 16), lambda i: (i, 0)),
            pl.BlockSpec((BM, 16), lambda i: (i, 0)),
            pl.BlockSpec((2, 16), lambda i: (0, 0)),
        ],
        out_shape=[
            jax.ShapeDtypeStruct((N, HC), jnp.float32),
            jax.ShapeDtypeStruct((N, 16), jnp.float32),
            jax.ShapeDtypeStruct((N, 16), jnp.float32),
            jax.ShapeDtypeStruct((2, 16), jnp.float32),
        ],
    )(m1, e1, h1, as1, ad1, kv1, b1, r16, w2, asm2, adm2)


def _epi2_body(m_ref, e_ref, h_ref, as_ref, ad_ref, kv_ref, b_ref, r_ref,
               out_ref):
    m = m_ref[...][0] + m_ref[...][1]
    e2 = e_ref[...][0] + e_ref[...][1]
    a = as_ref[...] + ad_ref[...]
    es = jnp.exp(_leaky(a) - kv_ref[...])
    den = jnp.dot(e2 + es, r_ref[...], preferred_element_type=jnp.float32)
    esb = jnp.dot(es, r_ref[...], preferred_element_type=jnp.float32)
    num = m + h_ref[...] * esb
    o = num / (den + 1e-16) + b_ref[...]
    mx = jnp.max(o, axis=1, keepdims=True)
    z = o - mx
    lse = jnp.log(jnp.sum(jnp.exp(z), axis=1, keepdims=True))
    out_ref[...] = z - lse


def _epi2(m2, e2, h2, as2, ad2, kv2, b2, r16):
    return pl.pallas_call(
        _epi2_body,
        grid=(N // BM,),
        in_specs=[
            pl.BlockSpec((2, BM, HC), lambda i: (0, i, 0)),
            pl.BlockSpec((2, BM, 16), lambda i: (0, i, 0)),
            pl.BlockSpec((BM, HC), lambda i: (i, 0)),
            pl.BlockSpec((BM, 16), lambda i: (i, 0)),
            pl.BlockSpec((BM, 16), lambda i: (i, 0)),
            pl.BlockSpec((1, 16), lambda i: (0, 0)),
            pl.BlockSpec((1, HC), lambda i: (0, 0)),
            pl.BlockSpec((16, HC), lambda i: (0, 0)),
        ],
        out_specs=pl.BlockSpec((BM, HC), lambda i: (i, 0)),
        out_shape=jax.ShapeDtypeStruct((N, HC), jnp.float32),
    )(m2, e2, h2, as2, ad2, kv2, b2, r16)


def _pack_mats(att_src, att_dst, ch):
    fs = att_src.reshape(HC)
    fd = att_dst.reshape(HC)
    rows = jnp.arange(HC)
    cols = jnp.arange(16)
    if ch == HC:
        sel = jnp.ones((HC, 16), jnp.float32)
    else:
        sel = (cols[None, :] == (rows[:, None] // ch)).astype(jnp.float32)
    return fs[:, None] * sel, fd[:, None] * sel


def _bcast_mat(ch):
    return ((jnp.arange(HC)[None, :] // ch) == jnp.arange(16)[:, None]).astype(
        jnp.float32)


def kernel(x, edge_index, W1, att_src1, att_dst1, b1, W2, att_src2, att_dst2,
           b2):
    asm1, adm1 = _pack_mats(att_src1, att_dst1, 8)
    asm2, adm2 = _pack_mats(att_src2, att_dst2, HC)
    r16_1 = _bcast_mat(8)
    r16_2 = _bcast_mat(HC)
    npad_e = EPAD - E
    srcp = jnp.concatenate([edge_index[0], jnp.zeros((npad_e,), jnp.int32)])
    dstp = jnp.concatenate([edge_index[1], jnp.full((npad_e,), N, jnp.int32)])
    z64 = jnp.zeros((NPAD, HC), jnp.float32)
    z16 = jnp.zeros((NPAD, 16), jnp.float32)
    b1r = b1.reshape(1, HC)
    b2r = b2.reshape(1, HC)

    h1, as1, ad1, mx1 = _dense1(x, W1, asm1, adm1)
    kv1 = _leaky(mx1[0] + mx1[1]).reshape(1, 16)
    m1, e1 = _get_edge_kernel(8)(h1, as1, ad1, srcp, dstp, kv1.reshape(16),
                                 z64, z16)

    h2, as2, ad2, mx2 = _epi1(m1, e1, h1, as1, ad1, kv1, b1r, r16_1, W2, asm2,
                              adm2)
    kv2 = _leaky(mx2[0] + mx2[1]).reshape(1, 16)
    m2, e2 = _get_edge_kernel(1)(h2, as2, ad2, srcp, dstp, kv2.reshape(16),
                                 z64, z16)

    return _epi2(m2, e2, h2, as2, ad2, kv2, b2r, r16_2)

# --- scband reference (transcript-rebuilt; emitter-appended) ---
"""Pipeline reference for scband-gat-6846177869902 (READ-ONLY COPY).

The authoritative reference and input builder live on the scoring server;
editing this copy changes nothing except your own understanding.
"""

import jax, jax.numpy as jnp
import numpy as np

N = 10000
E = 160000
F_IN = 256
H1 = 8
C1 = 8
C2 = 64


def setup_inputs(seed: int = 0) -> dict:
    key = jax.random.key(seed)
    ks = jax.random.split(key, 12)
    x = jax.random.normal(ks[0], (N, F_IN), dtype=jnp.float32)
    edge_index = jax.random.randint(ks[1], (2, E), 0, N, dtype=jnp.int32)
    W1 = jax.random.normal(ks[2], (F_IN, H1 * C1), dtype=jnp.float32) * (1.0 / np.sqrt(F_IN))
    att_src1 = jax.random.normal(ks[3], (1, H1, C1), dtype=jnp.float32) * 0.1
    att_dst1 = jax.random.normal(ks[4], (1, H1, C1), dtype=jnp.float32) * 0.1
    b1 = jnp.zeros((H1 * C1,), dtype=jnp.float32)
    W2 = jax.random.normal(ks[5], (H1 * C1, 1 * C2), dtype=jnp.float32) * (1.0 / np.sqrt(H1 * C1))
    att_src2 = jax.random.normal(ks[6], (1, 1, C2), dtype=jnp.float32) * 0.1
    att_dst2 = jax.random.normal(ks[7], (1, 1, C2), dtype=jnp.float32) * 0.1
    b2 = jnp.zeros((C2,), dtype=jnp.float32)
    return {"x": x, "edge_index": edge_index, "W1": W1, "att_src1": att_src1,
            "att_dst1": att_dst1, "b1": b1, "W2": W2, "att_src2": att_src2,
            "att_dst2": att_dst2, "b2": b2}


def _gat_conv(x, src, dst, W, a_src, a_dst, b, heads, out_ch):
    n = x.shape[0]
    h = (x @ W).reshape(n, heads, out_ch)
    alpha_src = (h * a_src).sum(-1)  # [n, H]
    alpha_dst = (h * a_dst).sum(-1)  # [n, H]
    alpha = alpha_src[src] + alpha_dst[dst]  # [Etot, H]
    alpha = jax.nn.leaky_relu(alpha, 0.2)
    amax = jax.ops.segment_max(alpha, dst, num_segments=n)
    amax = jax.lax.stop_gradient(amax)
    ealpha = jnp.exp(alpha - amax[dst])
    denom = jax.ops.segment_sum(ealpha, dst, num_segments=n)
    alpha = ealpha / (denom[dst] + 1e-16)
    # dropout on alpha is identity in eval mode
    msg = h[src] * alpha[:, :, None]  # [Etot, H, C]
    out = jax.ops.segment_sum(msg, dst, num_segments=n)
    out = out.reshape(n, heads * out_ch)
    return out + b


def reference(x, edge_index, W1, att_src1, att_dst1, b1, W2, att_src2, att_dst2, b2):
    n = x.shape[0]
    loops = jnp.arange(n, dtype=edge_index.dtype)
    ei = jnp.concatenate([edge_index, jnp.stack([loops, loops], axis=0)], axis=1)
    src, dst = ei[0], ei[1]
    # F.dropout(x) is identity in eval mode
    h = _gat_conv(x, src, dst, W1, att_src1, att_dst1, b1, H1, C1)
    h = jax.nn.elu(h)
    h = _gat_conv(h, src, dst, W2, att_src2, att_dst2, b2, 1, C2)
    return jax.nn.log_softmax(h, axis=1)

if __name__ == "__main__":
    import jax
    _d = setup_inputs()
    print(jax.jit(kernel)(*tuple(_d.values())))

</pallas_src>

<mosaic_0001>
#map = affine_map<(d0, d1) -> (0, 0)>
#map1 = affine_map<(d0, d1) -> (0)>
#map2 = affine_map<(d0, d1) -> (0, 0, 0)>
module attributes {stable_mosaic.version = 14 : i64} {
  func.func @body(%arg0: i32, %arg1: i32, %arg2: memref<10000x64xf32, #tpu.memory_space<hbm>>, %arg3: memref<10000x16xf32, #tpu.memory_space<hbm>>, %arg4: memref<10000x16xf32, #tpu.memory_space<hbm>>, %arg5: memref<163840xi32, #tpu.memory_space<hbm>>, %arg6: memref<163840xi32, #tpu.memory_space<hbm>>, %arg7: memref<16xf32, #tpu.memory_space<hbm>>, %arg8: memref<10112x64xf32, #tpu.memory_space<hbm>>, %arg9: memref<10112x16xf32, #tpu.memory_space<hbm>>, %arg10: memref<2x10112x64xf32, #tpu.memory_space<hbm>>, %arg11: memref<2x10112x16xf32, #tpu.memory_space<hbm>>, %arg12: memref<2x128xi32, #tpu.memory_space<vmem>>, %arg13: memref<2x128xi32, #tpu.memory_space<vmem>>, %arg14: memref<2x128xi32, #tpu.memory_space<vmem>>, %arg15: memref<2x128x64xf32, #tpu.memory_space<vmem>>, %arg16: memref<2x128x16xf32, #tpu.memory_space<vmem>>, %arg17: memref<2x128x16xf32, #tpu.memory_space<vmem>>, %arg18: memref<2x128x64xf32, #tpu.memory_space<vmem>>, %arg19: memref<2x128x16xf32, #tpu.memory_space<vmem>>, %arg20: memref<16xf32, #tpu.memory_space<vmem>>, %arg21: memref<10112x64xf32, #tpu.memory_space<vmem_shared>>, %arg22: memref<10112x16xf32, #tpu.memory_space<vmem_shared>>, %arg23: memref<2x!tpu.dma_semaphore, #tpu.memory_space<semaphore_mem>>, %arg24: memref<2x!tpu.dma_semaphore, #tpu.memory_space<semaphore_mem>>) attributes {dimension_semantics = [#tpu.dimension_semantics<core_parallel>, #tpu.dimension_semantics<subcore_parallel>], iteration_bounds = array<i64: 2, 16>, scalar_prefetch = 0 : i64, scratch_operands = 13 : i64, tpu.core_type = #tpu.core_type<sc_vector_subcore>, window_params = [{transform_indices = #map}, {transform_indices = #map}, {transform_indices = #map}, {transform_indices = #map1}, {transform_indices = #map1}, {transform_indices = #map1}, {transform_indices = #map}, {transform_indices = #map}, {transform_indices = #map2}, {transform_indices = #map2}]} {
    %mul3A = arith.constant 2 : i32
    %mul3A_0 = arith.muli %arg1, %mul3A : i32
    %add3A = arith.addi %mul3A_0, %arg0 : i32
    %mul3A_1 = arith.constant 632 : i32
    %mul3A_2 = arith.muli %arg1, %mul3A_1 : i32
    %mul3A_3 = arith.constant 632 : i32
    %mul3A_4 = arith.muli %arg1, %mul3A_3 : i32
    "tpu.region"() ({
      %run_scoped3A_134 = tpu.sem_alloc : memref<!tpu.dma_semaphore, #tpu.memory_space<semaphore_mem>>
      %dma_start3A_135 = arith.constant 0 : i32
      %dma_start3A_136 = tpu.memref_slice %arg21[%mul3A_4, %dma_start3A_135] : memref<10112x64xf32, #tpu.memory_space<vmem_shared>> -> memref<632x64xf32, #tpu.memory_space<vmem_shared>>
      %dma_start3A_137 = arith.constant 0 : i32
      %dma_start3A_138 = tpu.memref_slice %arg8[%mul3A_2, %dma_start3A_137] : memref<10112x64xf32, #tpu.memory_space<hbm>> -> memref<632x64xf32, #tpu.memory_space<hbm>>
      tpu.enqueue_dma source(%dma_start3A_138 : memref<632x64xf32, #tpu.memory_space<hbm>>) target(%dma_start3A_136 : memref<632x64xf32, #tpu.memory_space<vmem_shared>>) target_semaphore(%run_scoped3A_134 : memref<!tpu.dma_semaphore, #tpu.memory_space<semaphore_mem>>)
      %dma_wait3A_139 = arith.constant 0 : i32
      %dma_wait3A_140 = tpu.memref_slice %arg21[%mul3A_4, %dma_wait3A_139] : memref<10112x64xf32, #tpu.memory_space<vmem_shared>> -> memref<632x64xf32, #tpu.memory_space<vmem_shared>>
      %dma_wait3A_141 = arith.constant 0 : i32
      %dma_wait3A_142 = tpu.memref_slice %arg8[%mul3A_2, %dma_wait3A_141] : memref<10112x64xf32, #tpu.memory_space<hbm>> -> memref<632x64xf32, #tpu.memory_space<hbm>>
      tpu.wait_dma2 semaphore(%run_scoped3A_134 : memref<!tpu.dma_semaphore, #tpu.memory_space<semaphore_mem>>) src(%dma_wait3A_142 : memref<632x64xf32, #tpu.memory_space<hbm>>) dst(%dma_wait3A_140 : memref<632x64xf32, #tpu.memory_space<vmem_shared>>)
      tpu.yield
    }) : () -> ()
    %mul3A_5 = arith.constant 632 : i32
    %mul3A_6 = arith.muli %arg1, %mul3A_5 : i32
    %mul3A_7 = arith.constant 632 : i32
    %mul3A_8 = arith.muli %arg1, %mul3A_7 : i32
    "tpu.region"() ({
      %run_scoped3A_134 = tpu.sem_alloc : memref<!tpu.dma_semaphore, #tpu.memory_space<semaphore_mem>>
      %dma_start3A_135 = arith.constant 0 : i32
      %dma_start3A_136 = tpu.memref_slice %arg22[%mul3A_8, %dma_start3A_135] : memref<10112x16xf32, #tpu.memory_space<vmem_shared>> -> memref<632x16xf32, #tpu.memory_space<vmem_shared>>
      %dma_start3A_137 = arith.constant 0 : i32
      %dma_start3A_138 = tpu.memref_slice %arg9[%mul3A_6, %dma_start3A_137] : memref<10112x16xf32, #tpu.memory_space<hbm>> -> memref<632x16xf32, #tpu.memory_space<hbm>>
      tpu.enqueue_dma source(%dma_start3A_138 : memref<632x16xf32, #tpu.memory_space<hbm>>) target(%dma_start3A_136 : memref<632x16xf32, #tpu.memory_space<vmem_shared>>) target_semaphore(%run_scoped3A_134 : memref<!tpu.dma_semaphore, #tpu.memory_space<semaphore_mem>>)
      %dma_wait3A_139 = arith.constant 0 : i32
      %dma_wait3A_140 = tpu.memref_slice %arg22[%mul3A_8, %dma_wait3A_139] : memref<10112x16xf32, #tpu.memory_space<vmem_shared>> -> memref<632x16xf32, #tpu.memory_space<vmem_shared>>
      %dma_wait3A_141 = arith.constant 0 : i32
      %dma_wait3A_142 = tpu.memref_slice %arg9[%mul3A_6, %dma_wait3A_141] : memref<10112x16xf32, #tpu.memory_space<hbm>> -> memref<632x16xf32, #tpu.memory_space<hbm>>
      tpu.wait_dma2 semaphore(%run_scoped3A_134 : memref<!tpu.dma_semaphore, #tpu.memory_space<semaphore_mem>>) src(%dma_wait3A_142 : memref<632x16xf32, #tpu.memory_space<hbm>>) dst(%dma_wait3A_140 : memref<632x16xf32, #tpu.memory_space<vmem_shared>>)
      tpu.yield
    }) : () -> ()
    "tpu.region"() ({
      %run_scoped3A_134 = tpu.sem_alloc : memref<!tpu.dma_semaphore, #tpu.memory_space<semaphore_mem>>
      tpu.enqueue_dma source(%arg7 : memref<16xf32, #tpu.memory_space<hbm>>) target(%arg20 : memref<16xf32, #tpu.memory_space<vmem>>) target_semaphore(%run_scoped3A_134 : memref<!tpu.dma_semaphore, #tpu.memory_space<semaphore_mem>>)
      tpu.wait_dma2 semaphore(%run_scoped3A_134 : memref<!tpu.dma_semaphore, #tpu.memory_space<semaphore_mem>>) src(%arg7 : memref<16xf32, #tpu.memory_space<hbm>>) dst(%arg20 : memref<16xf32, #tpu.memory_space<vmem>>)
      tpu.yield
    }) : () -> ()
    %barrier3A = arith.constant 0 : index
    tpu.barrier barrier_id(%barrier3A)
    %get3A = arith.constant 0 : index
    %get3A_9 = tpu.vector_load %arg20[%get3A] {strides = array<i32>} : memref<16xf32, #tpu.memory_space<vmem>>, vector<16xf32>,
    %iota3A = tpu.iota {dimensions = array<i32: 0>} : vector<16xi32>
    %shift_right_logical3A = arith.constant 3 : i32
    %shift_right_logical3A_10 = vector.broadcast %shift_right_logical3A : i32 to vector<16xi32>
    %shift_right_logical3A_11 = arith.shrui %iota3A, %shift_right_logical3A_10 : vector<16xi32>
    %mul3A_12 = arith.constant 5120 : i32
    %mul3A_13 = arith.muli %add3A, %mul3A_12 : i32
    %add3A_14 = arith.constant 0 : i32
    %add3A_15 = arith.addi %mul3A_13, %add3A_14 : i32
    %run_scoped3A = arith.constant 0 : i32
    "tpu.region"() ({
      %run_scoped3A_134 = tpu.sem_alloc : memref<!tpu.dma_semaphore, #tpu.memory_space<semaphore_mem>>
      %dma_start3A_135 = arith.constant 0 : i32
      %dma_start3A_136 = tpu.memref_slice %arg12[%run_scoped3A, %dma_start3A_135] : memref<2x128xi32, #tpu.memory_space<vmem>> -> memref<1x128xi32, #tpu.memory_space<vmem>>
      %dma_start3A_137 = tpu.memref_squeeze %dma_start3A_136 : memref<1x128xi32, #tpu.memory_space<vmem>> -> memref<128xi32, #tpu.memory_space<vmem>>
      %dma_start3A_138 = tpu.memref_slice %arg5[%add3A_15] : memref<163840xi32, #tpu.memory_space<hbm>> -> memref<128xi32, #tpu.memory_space<hbm>>
      %dma_start3A_139 = arith.constant 0 : i32
      %dma_start3A_140 = tpu.memref_slice %arg12[%run_scoped3A, %dma_start3A_139] : memref<2x128xi32, #tpu.memory_space<vmem>> -> memref<1x128xi32, #tpu.memory_space<vmem>>
      %dma_start3A_141 = tpu.memref_squeeze %dma_start3A_140 : memref<1x128xi32, #tpu.memory_space<vmem>> -> memref<128xi32, #tpu.memory_space<vmem>>
      %dma_start3A_142 = tpu.memref_slice %arg5[%add3A_15] : memref<163840xi32, #tpu.memory_space<hbm>> -> memref<128xi32, #tpu.memory_space<hbm>>
      tpu.enqueue_dma source(%dma_start3A_142 : memref<128xi32, #tpu.memory_space<hbm>>) target(%dma_start3A_141 : memref<128xi32, #tpu.memory_space<vmem>>) target_semaphore(%run_scoped3A_134 : memref<!tpu.dma_semaphore, #tpu.memory_space<semaphore_mem>>)
      %dma_wait3A_143 = arith.constant 0 : i32
      %dma_wait3A_144 = tpu.memref_slice %arg12[%run_scoped3A, %dma_wait3A_143] : memref<2x128xi32, #tpu.memory_space<vmem>> -> memref<1x128xi32, #tpu.memory_space<vmem>>
      %dma_wait3A_145 = tpu.memref_squeeze %dma_wait3A_144 : memref<1x128xi32, #tpu.memory_space<vmem>> -> memref<128xi32, #tpu.memory_space<vmem>>
      %dma_wait3A_146 = tpu.memref_slice %arg5[%add3A_15] : memref<163840xi32, #tpu.memory_space<hbm>> -> memref<128xi32, #tpu.memory_space<hbm>>
      %dma_wait3A_147 = arith.constant 0 : i32
      %dma_wait3A_148 = tpu.memref_slice %arg12[%run_scoped3A, %dma_wait3A_147] : memref<2x128xi32, #tpu.memory_space<vmem>> -> memref<1x128xi32, #tpu.memory_space<vmem>>
      %dma_wait3A_149 = tpu.memref_squeeze %dma_wait3A_148 : memref<1x128xi32, #tpu.memory_space<vmem>> -> memref<128xi32, #tpu.memory_space<vmem>>
      %dma_wait3A_150 = tpu.memref_slice %arg5[%add3A_15] : memref<163840xi32, #tpu.memory_space<hbm>> -> memref<128xi32, #tpu.memory_space<hbm>>
      tpu.wait_dma2 semaphore(%run_scoped3A_134 : memref<!tpu.dma_semaphore, #tpu.memory_space<semaphore_mem>>) src(%dma_wait3A_150 : memref<128xi32, #tpu.memory_space<hbm>>) dst(%dma_wait3A_149 : memref<128xi32, #tpu.memory_space<vmem>>)
      tpu.yield
    }) : () -> ()
    %run_scoped3A_16 = arith.constant 0 : i32
    "tpu.region"() ({
      %run_scoped3A_134 = tpu.sem_alloc : memref<!tpu.dma_semaphore, #tpu.memory_space<semaphore_mem>>
      %dma_start3A_135 = arith.constant 0 : i32
      %dma_start3A_136 = tpu.memref_slice %arg13[%run_scoped3A_16, %dma_start3A_135] : memref<2x128xi32, #tpu.memory_space<vmem>> -> memref<1x128xi32, #tpu.memory_space<vmem>>
      %dma_start3A_137 = tpu.memref_squeeze %dma_start3A_136 : memref<1x128xi32, #tpu.memory_space<vmem>> -> memref<128xi32, #tpu.memory_space<vmem>>
      %dma_start3A_138 = tpu.memref_slice %arg6[%add3A_15] : memref<163840xi32, #tpu.memory_space<hbm>> -> memref<128xi32, #tpu.memory_space<hbm>>
      %dma_start3A_139 = arith.constant 0 : i32
      %dma_start3A_140 = tpu.memref_slice %arg13[%run_scoped3A_16, %dma_start3A_139] : memref<2x128xi32, #tpu.memory_space<vmem>> -> memref<1x128xi32, #tpu.memory_space<vmem>>
      %dma_start3A_141 = tpu.memref_squeeze %dma_start3A_140 : memref<1x128xi32, #tpu.memory_space<vmem>> -> memref<128xi32, #tpu.memory_space<vmem>>
      %dma_start3A_142 = tpu.memref_slice %arg6[%add3A_15] : memref<163840xi32, #tpu.memory_space<hbm>> -> memref<128xi32, #tpu.memory_space<hbm>>
      tpu.enqueue_dma source(%dma_start3A_142 : memref<128xi32, #tpu.memory_space<hbm>>) target(%dma_start3A_141 : memref<128xi32, #tpu.memory_space<vmem>>) target_semaphore(%run_scoped3A_134 : memref<!tpu.dma_semaphore, #tpu.memory_space<semaphore_mem>>)
      %dma_wait3A_143 = arith.constant 0 : i32
      %dma_wait3A_144 = tpu.memref_slice %arg13[%run_scoped3A_16, %dma_wait3A_143] : memref<2x128xi32, #tpu.memory_space<vmem>> -> memref<1x128xi32, #tpu.memory_space<vmem>>
      %dma_wait3A_145 = tpu.memref_squeeze %dma_wait3A_144 : memref<1x128xi32, #tpu.memory_space<vmem>> -> memref<128xi32, #tpu.memory_space<vmem>>
      %dma_wait3A_146 = tpu.memref_slice %arg6[%add3A_15] : memref<163840xi32, #tpu.memory_space<hbm>> -> memref<128xi32, #tpu.memory_space<hbm>>
      %dma_wait3A_147 = arith.constant 0 : i32
      %dma_wait3A_148 = tpu.memref_slice %arg13[%run_scoped3A_16, %dma_wait3A_147] : memref<2x128xi32, #tpu.memory_space<vmem>> -> memref<1x128xi32, #tpu.memory_space<vmem>>
      %dma_wait3A_149 = tpu.memref_squeeze %dma_wait3A_148 : memref<1x128xi32, #tpu.memory_space<vmem>> -> memref<128xi32, #tpu.memory_space<vmem>>
      %dma_wait3A_150 = tpu.memref_slice %arg6[%add3A_15] : memref<163840xi32, #tpu.memory_space<hbm>> -> memref<128xi32, #tpu.memory_space<hbm>>
      tpu.wait_dma2 semaphore(%run_scoped3A_134 : memref<!tpu.dma_semaphore, #tpu.memory_space<semaphore_mem>>) src(%dma_wait3A_150 : memref<128xi32, #tpu.memory_space<hbm>>) dst(%dma_wait3A_149 : memref<128xi32, #tpu.memory_space<vmem>>)
      tpu.yield
    }) : () -> ()
    %dma_start3A = arith.constant 0 : i32
    %dma_start3A_17 = arith.constant 0 : i32
    %dma_start3A_18 = arith.constant 0 : i32
    %dma_start3A_19 = arith.constant 0 : i32
    %dma_start3A_20 = arith.constant 0 : i32
    %dma_start3A_21 = tpu.memref_slice %arg15[%dma_start3A_17, %dma_start3A_19, %dma_start3A_20] : memref<2x128x64xf32, #tpu.memory_space<vmem>> -> memref<1x128x64xf32, #tpu.memory_space<vmem>>
    %dma_start3A_22 = tpu.memref_squeeze %dma_start3A_21 : memref<1x128x64xf32, #tpu.memory_space<vmem>> -> memref<128x64xf32, #tpu.memory_space<vmem>>
    %dma_start3A_23 = arith.constant 0 : i32
    %dma_start3A_24 = tpu.memref_slice %arg12[%dma_start3A, %dma_start3A_23] : memref<2x128xi32, #tpu.memory_space<vmem>> -> memref<1x128xi32, #tpu.memory_space<vmem>>
    %dma_start3A_25 = tpu.memref_squeeze %dma_start3A_24 : memref<1x128xi32, #tpu.memory_space<vmem>> -> memref<128xi32, #tpu.memory_space<vmem>>
    %dma_start3A_26 = arith.constant 0 : i32
    %dma_start3A_27 = arith.constant 0 : i32
    %dma_start3A_28 = tpu.memref_slice %arg2[%dma_start3A_26, %dma_start3A_27] : memref<10000x64xf32, #tpu.memory_space<hbm>> -> memref<10000x64xf32, #tpu.memory_space<hbm>>
    %dma_start3A_29 = tpu.memref_slice %arg23[%dma_start3A_18] : memref<2x!tpu.dma_semaphore, #tpu.memory_space<semaphore_mem>> -> memref<1x!tpu.dma_semaphore, #tpu.memory_space<semaphore_mem>>
    %dma_start3A_30 = tpu.memref_squeeze %dma_start3A_29 : memref<1x!tpu.dma_semaphore, #tpu.memory_space<semaphore_mem>> -> memref<!tpu.dma_semaphore, #tpu.memory_space<semaphore_mem>>
    tpu.enqueue_indirect_dma source(%dma_start3A_28 : memref<10000x64xf32, #tpu.memory_space<hbm>>) target(%dma_start3A_22 : memref<128x64xf32, #tpu.memory_space<vmem>>) offsets(%dma_start3A_25 : memref<128xi32, #tpu.memory_space<vmem>>) semaphore(%dma_start3A_30 : memref<!tpu.dma_semaphore, #tpu.memory_space<semaphore_mem>>)
    %dma_start3A_31 = arith.constant 0 : i32
    %dma_start3A_32 = arith.constant 0 : i32
    %dma_start3A_33 = arith.constant 0 : i32
    %dma_start3A_34 = arith.constant 0 : i32
    %dma_start3A_35 = arith.constant 0 : i32
    %dma_start3A_36 = tpu.memref_slice %arg16[%dma_start3A_32, %dma_start3A_34, %dma_start3A_35] : memref<2x128x16xf32, #tpu.memory_space<vmem>> -> memref<1x128x16xf32, #tpu.memory_space<vmem>>
    %dma_start3A_37 = tpu.memref_squeeze %dma_start3A_36 : memref<1x128x16xf32, #tpu.memory_space<vmem>> -> memref<128x16xf32, #tpu.memory_space<vmem>>
    %dma_start3A_38 = arith.constant 0 : i32
    %dma_start3A_39 = tpu.memref_slice %arg12[%dma_start3A_31, %dma_start3A_38] : memref<2x128xi32, #tpu.memory_space<vmem>> -> memref<1x128xi32, #tpu.memory_space<vmem>>
    %dma_start3A_40 = tpu.memref_squeeze %dma_start3A_39 : memref<1x128xi32, #tpu.memory_space<vmem>> -> memref<128xi32, #tpu.memory_space<vmem>>
    %dma_start3A_41 = arith.constant 0 : i32
    %dma_start3A_42 = arith.constant 0 : i32
    %dma_start3A_43 = tpu.memref_slice %arg3[%dma_start3A_41, %dma_start3A_42] : memref<10000x16xf32, #tpu.memory_space<hbm>> -> memref<10000x16xf32, #tpu.memory_space<hbm>>
    %dma_start3A_44 = tpu.memref_slice %arg23[%dma_start3A_33] : memref<2x!tpu.dma_semaphore, #tpu.memory_space<semaphore_mem>> -> memref<1x!tpu.dma_semaphore, #tpu.memory_space<semaphore_mem>>
    %dma_start3A_45 = tpu.memref_squeeze %dma_start3A_44 : memref<1x!tpu.dma_semaphore, #tpu.memory_space<semaphore_mem>> -> memref<!tpu.dma_semaphore, #tpu.memory_space<semaphore_mem>>
    tpu.enqueue_indirect_dma source(%dma_start3A_43 : memref<10000x16xf32, #tpu.memory_space<hbm>>) target(%dma_start3A_37 : memref<128x16xf32, #tpu.memory_space<vmem>>) offsets(%dma_start3A_40 : memref<128xi32, #tpu.memory_space<vmem>>) semaphore(%dma_start3A_45 : memref<!tpu.dma_semaphore, #tpu.memory_space<semaphore_mem>>)
    %dma_start3A_46 = arith.constant 0 : i32
    %dma_start3A_47 = arith.constant 0 : i32
    %dma_start3A_48 = arith.constant 0 : i32
    %dma_start3A_49 = arith.constant 0 : i32
    %dma_start3A_50 = arith.constant 0 : i32
    %dma_start3A_51 = tpu.memref_slice %arg17[%dma_start3A_47, %dma_start3A_49, %dma_start3A_50] : memref<2x128x16xf32, #tpu.memory_space<vmem>> -> memref<1x128x16xf32, #tpu.memory_space<vmem>>
    %dma_start3A_52 = tpu.memref_squeeze %dma_start3A_51 : memref<1x128x16xf32, #tpu.memory_space<vmem>> -> memref<128x16xf32, #tpu.memory_space<vmem>>
    %dma_start3A_53 = arith.constant 0 : i32
    %dma_start3A_54 = tpu.memref_slice %arg13[%dma_start3A_46, %dma_start3A_53] : memref<2x128xi32, #tpu.memory_space<vmem>> -> memref<1x128xi32, #tpu.memory_space<vmem>>
    %dma_start3A_55 = tpu.memref_squeeze %dma_start3A_54 : memref<1x128xi32, #tpu.memory_space<vmem>> -> memref<128xi32, #tpu.memory_space<vmem>>
    %dma_start3A_56 = arith.constant 0 : i32
    %dma_start3A_57 = arith.constant 0 : i32
    %dma_start3A_58 = tpu.memref_slice %arg4[%dma_start3A_56, %dma_start3A_57] : memref<10000x16xf32, #tpu.memory_space<hbm>> -> memref<10000x16xf32, #tpu.memory_space<hbm>>
    %dma_start3A_59 = tpu.memref_slice %arg23[%dma_start3A_48] : memref<2x!tpu.dma_semaphore, #tpu.memory_space<semaphore_mem>> -> memref<1x!tpu.dma_semaphore, #tpu.memory_space<semaphore_mem>>
    %dma_start3A_60 = tpu.memref_squeeze %dma_start3A_59 : memref<1x!tpu.dma_semaphore, #tpu.memory_space<semaphore_mem>> -> memref<!tpu.dma_semaphore, #tpu.memory_space<semaphore_mem>>
    tpu.enqueue_indirect_dma source(%dma_start3A_58 : memref<10000x16xf32, #tpu.memory_space<hbm>>) target(%dma_start3A_52 : memref<128x16xf32, #tpu.memory_space<vmem>>) offsets(%dma_start3A_55 : memref<128xi32, #tpu.memory_space<vmem>>) semaphore(%dma_start3A_60 : memref<!tpu.dma_semaphore, #tpu.memory_space<semaphore_mem>>)
    %scan3A = arith.constant 0 : i32
    %scan3A_61 = arith.constant 0 : i32
    %scan3A_62 = arith.constant 20 : i32
    %scan3A_63 = arith.addi %scan3A_61, %scan3A_62 : i32
    %scan3A_64 = arith.constant 1 : i32
    scf.for %scan3A_134 = %scan3A_61 to %scan3A_63 step %scan3A_64  : i32 {
      %mul3A_135 = arith.constant 2 : i32
      %mul3A_136 = arith.muli %mul3A_135, %scan3A_134 : i32
      %add3A_137 = arith.constant 1 : i32
      %add3A_138 = arith.addi %mul3A_136, %add3A_137 : i32
      %mul3A_139 = arith.constant 5120 : i32
      %mul3A_140 = arith.muli %add3A, %mul3A_139 : i32
      %mul3A_141 = arith.constant 128 : i32
      %mul3A_142 = arith.muli %add3A_138, %mul3A_141 : i32
      %add3A_143 = arith.addi %mul3A_140, %mul3A_142 : i32
      %run_scoped3A_144 = arith.constant 1 : i32
      "tpu.region"() ({
        %run_scoped3A_381 = tpu.sem_alloc : memref<!tpu.dma_semaphore, #tpu.memory_space<semaphore_mem>>
        %dma_start3A_382 = arith.constant 0 : i32
        %dma_start3A_383 = tpu.memref_slice %arg12[%run_scoped3A_144, %dma_start3A_382] : memref<2x128xi32, #tpu.memory_space<vmem>> -> memref<1x128xi32, #tpu.memory_space<vmem>>
        %dma_start3A_384 = tpu.memref_squeeze %dma_start3A_383 : memref<1x128xi32, #tpu.memory_space<vmem>> -> memref<128xi32, #tpu.memory_space<vmem>>
        %dma_start3A_385 = tpu.memref_slice %arg5[%add3A_143] : memref<163840xi32, #tpu.memory_space<hbm>> -> memref<128xi32, #tpu.memory_space<hbm>>
        %dma_start3A_386 = arith.constant 0 : i32
        %dma_start3A_387 = tpu.memref_slice %arg12[%run_scoped3A_144, %dma_start3A_386] : memref<2x128xi32, #tpu.memory_space<vmem>> -> memref<1x128xi32, #tpu.memory_space<vmem>>
        %dma_start3A_388 = tpu.memref_squeeze %dma_start3A_387 : memref<1x128xi32, #tpu.memory_space<vmem>> -> memref<128xi32, #tpu.memory_space<vmem>>
        %dma_start3A_389 = tpu.memref_slice %arg5[%add3A_143] : memref<163840xi32, #tpu.memory_space<hbm>> -> memref<128xi32, #tpu.memory_space<hbm>>
        tpu.enqueue_dma source(%dma_start3A_389 : memref<128xi32, #tpu.memory_space<hbm>>) target(%dma_start3A_388 : memref<128xi32, #tpu.memory_space<vmem>>) target_semaphore(%run_scoped3A_381 : memref<!tpu.dma_semaphore, #tpu.memory_space<semaphore_mem>>)
        %dma_wait3A_390 = arith.constant 0 : i32
        %dma_wait3A_391 = tpu.memref_slice %arg12[%run_scoped3A_144, %dma_wait3A_390] : memref<2x128xi32, #tpu.memory_space<vmem>> -> memref<1x128xi32, #tpu.memory_space<vmem>>
        %dma_wait3A_392 = tpu.memref_squeeze %dma_wait3A_391 : memref<1x128xi32, #tpu.memory_space<vmem>> -> memref<128xi32, #tpu.memory_space<vmem>>
        %dma_wait3A_393 = tpu.memref_slice %arg5[%add3A_143] : memref<163840xi32, #tpu.memory_space<hbm>> -> memref<128xi32, #tpu.memory_space<hbm>>
        %dma_wait3A_394 = arith.constant 0 : i32
        %dma_wait3A_395 = tpu.memref_slice %arg12[%run_scoped3A_144, %dma_wait3A_394] : memref<2x128xi32, #tpu.memory_space<vmem>> -> memref<1x128xi32, #tpu.memory_space<vmem>>
        %dma_wait3A_396 = tpu.memref_squeeze %dma_wait3A_395 : memref<1x128xi32, #tpu.memory_space<vmem>> -> memref<128xi32, #tpu.memory_space<vmem>>
        %dma_wait3A_397 = tpu.memref_slice %arg5[%add3A_143] : memref<163840xi32, #tpu.memory_space<hbm>> -> memref<128xi32, #tpu.memory_space<hbm>>
        tpu.wait_dma2 semaphore(%run_scoped3A_381 : memref<!tpu.dma_semaphore, #tpu.memory_space<semaphore_mem>>) src(%dma_wait3A_397 : memref<128xi32, #tpu.memory_space<hbm>>) dst(%dma_wait3A_396 : memref<128xi32, #tpu.memory_space<vmem>>)
        tpu.yield
      }) : () -> ()
      %run_scoped3A_145 = arith.constant 1 : i32
      "tpu.region"() ({
        %run_scoped3A_381 = tpu.sem_alloc : memref<!tpu.dma_semaphore, #tpu.memory_space<semaphore_mem>>
        %dma_start3A_382 = arith.constant 0 : i32
        %dma_start3A_383 = tpu.memref_slice %arg13[%run_scoped3A_145, %dma_start3A_382] : memref<2x128xi32, #tpu.memory_space<vmem>> -> memref<1x128xi32, #tpu.memory_space<vmem>>
        %dma_start3A_384 = tpu.memref_squeeze %dma_start3A_383 : memref<1x128xi32, #tpu.memory_space<vmem>> -> memref<128xi32, #tpu.memory_space<vmem>>
        %dma_start3A_385 = tpu.memref_slice %arg6[%add3A_143] : memref<163840xi32, #tpu.memory_space<hbm>> -> memref<128xi32, #tpu.memory_space<hbm>>
        %dma_start3A_386 = arith.constant 0 : i32
        %dma_start3A_387 = tpu.memref_slice %arg13[%run_scoped3A_145, %dma_start3A_386] : memref<2x128xi32, #tpu.memory_space<vmem>> -> memref<1x128xi32, #tpu.memory_space<vmem>>
        %dma_start3A_388 = tpu.memref_squeeze %dma_start3A_387 : memref<1x128xi32, #tpu.memory_space<vmem>> -> memref<128xi32, #tpu.memory_space<vmem>>
        %dma_start3A_389 = tpu.memref_slice %arg6[%add3A_143] : memref<163840xi32, #tpu.memory_space<hbm>> -> memref<128xi32, #tpu.memory_space<hbm>>
        tpu.enqueue_dma source(%dma_start3A_389 : memref<128xi32, #tpu.memory_space<hbm>>) target(%dma_start3A_388 : memref<128xi32, #tpu.memory_space<vmem>>) target_semaphore(%run_scoped3A_381 : memref<!tpu.dma_semaphore, #tpu.memory_space<semaphore_mem>>)
        %dma_wait3A_390 = arith.constant 0 : i32
        %dma_wait3A_391 = tpu.memref_slice %arg13[%run_scoped3A_145, %dma_wait3A_390] : memref<2x128xi32, #tpu.memory_space<vmem>> -> memref<1x128xi32, #tpu.memory_space<vmem>>
        %dma_wait3A_392 = tpu.memref_squeeze %dma_wait3A_391 : memref<1x128xi32, #tpu.memory_space<vmem>> -> memref<128xi32, #tpu.memory_space<vmem>>
        %dma_wait3A_393 = tpu.memref_slice %arg6[%add3A_143] : memref<163840xi32, #tpu.memory_space<hbm>> -> memref<128xi32, #tpu.memory_space<hbm>>
        %dma_wait3A_394 = arith.constant 0 : i32
        %dma_wait3A_395 = tpu.memref_slice %arg13[%run_scoped3A_145, %dma_wait3A_394] : memref<2x128xi32, #tpu.memory_space<vmem>> -> memref<1x128xi32, #tpu.memory_space<vmem>>
        %dma_wait3A_396 = tpu.memref_squeeze %dma_wait3A_395 : memref<1x128xi32, #tpu.memory_space<vmem>> -> memref<128xi32, #tpu.memory_space<vmem>>
        %dma_wait3A_397 = tpu.memref_slice %arg6[%add3A_143] : memref<163840xi32, #tpu.memory_space<hbm>> -> memref<128xi32, #tpu.memory_space<hbm>>
        tpu.wait_dma2 semaphore(%run_scoped3A_381 : memref<!tpu.dma_semaphore, #tpu.memory_space<semaphore_mem>>) src(%dma_wait3A_397 : memref<128xi32, #tpu.memory_space<hbm>>) dst(%dma_wait3A_396 : memref<128xi32, #tpu.memory_space<vmem>>)
        tpu.yield
      }) : () -> ()
      %dma_start3A_146 = arith.constant 1 : i32
      %dma_start3A_147 = arith.constant 1 : i32
      %dma_start3A_148 = arith.constant 1 : i32
      %dma_start3A_149 = arith.constant 0 : i32
      %dma_start3A_150 = arith.constant 0 : i32
      %dma_start3A_151 = tpu.memref_slice %arg15[%dma_start3A_147, %dma_start3A_149, %dma_start3A_150] : memref<2x128x64xf32, #tpu.memory_space<vmem>> -> memref<1x128x64xf32, #tpu.memory_space<vmem>>
      %dma_start3A_152 = tpu.memref_squeeze %dma_start3A_151 : memref<1x128x64xf32, #tpu.memory_space<vmem>> -> memref<128x64xf32, #tpu.memory_space<vmem>>
      %dma_start3A_153 = arith.constant 0 : i32
      %dma_start3A_154 = tpu.memref_slice %arg12[%dma_start3A_146, %dma_start3A_153] : memref<2x128xi32, #tpu.memory_space<vmem>> -> memref<1x128xi32, #tpu.memory_space<vmem>>
      %dma_start3A_155 = tpu.memref_squeeze %dma_start3A_154 : memref<1x128xi32, #tpu.memory_space<vmem>> -> memref<128xi32, #tpu.memory_space<vmem>>
      %dma_start3A_156 = arith.constant 0 : i32
      %dma_start3A_157 = arith.constant 0 : i32
      %dma_start3A_158 = tpu.memref_slice %arg2[%dma_start3A_156, %dma_start3A_157] : memref<10000x64xf32, #tpu.memory_space<hbm>> -> memref<10000x64xf32, #tpu.memory_space<hbm>>
      %dma_start3A_159 = tpu.memref_slice %arg23[%dma_start3A_148] : memref<2x!tpu.dma_semaphore, #tpu.memory_space<semaphore_mem>> -> memref<1x!tpu.dma_semaphore, #tpu.memory_space<semaphore_mem>>
      %dma_start3A_160 = tpu.memref_squeeze %dma_start3A_159 : memref<1x!tpu.dma_semaphore, #tpu.memory_space<semaphore_mem>> -> memref<!tpu.dma_semaphore, #tpu.memory_space<semaphore_mem>>
      tpu.enqueue_indirect_dma source(%dma_start3A_158 : memref<10000x64xf32, #tpu.memory_space<hbm>>) target(%dma_start3A_152 : memref<128x64xf32, #tpu.memory_space<vmem>>) offsets(%dma_start3A_155 : memref<128xi32, #tpu.memory_space<vmem>>) semaphore(%dma_start3A_160 : memref<!tpu.dma_semaphore, #tpu.memory_space<semaphore_mem>>)
      %dma_start3A_161 = arith.constant 1 : i32
      %dma_start3A_162 = arith.constant 1 : i32
      %dma_start3A_163 = arith.constant 1 : i32
      %dma_start3A_164 = arith.constant 0 : i32
      %dma_start3A_165 = arith.constant 0 : i32
      %dma_start3A_166 = tpu.memref_slice %arg16[%dma_start3A_162, %dma_start3A_164, %dma_start3A_165] : memref<2x128x16xf32, #tpu.memory_space<vmem>> -> memref<1x128x16xf32, #tpu.memory_space<vmem>>
      %dma_start3A_167 = tpu.memref_squeeze %dma_start3A_166 : memref<1x128x16xf32, #tpu.memory_space<vmem>> -> memref<128x16xf32, #tpu.memory_space<vmem>>
      %dma_start3A_168 = arith.constant 0 : i32
      %dma_start3A_169 = tpu.memref_slice %arg12[%dma_start3A_161, %dma_start3A_168] : memref<2x128xi32, #tpu.memory_space<vmem>> -> memref<1x128xi32, #tpu.memory_space<vmem>>
      %dma_start3A_170 = tpu.memref_squeeze %dma_start3A_169 : memref<1x128xi32, #tpu.memory_space<vmem>> -> memref<128xi32, #tpu.memory_space<vmem>>
      %dma_start3A_171 = arith.constant 0 : i32
      %dma_start3A_172 = arith.constant 0 : i32
      %dma_start3A_173 = tpu.memref_slice %arg3[%dma_start3A_171, %dma_start3A_172] : memref<10000x16xf32, #tpu.memory_space<hbm>> -> memref<10000x16xf32, #tpu.memory_space<hbm>>
      %dma_start3A_174 = tpu.memref_slice %arg23[%dma_start3A_163] : memref<2x!tpu.dma_semaphore, #tpu.memory_space<semaphore_mem>> -> memref<1x!tpu.dma_semaphore, #tpu.memory_space<semaphore_mem>>
      %dma_start3A_175 = tpu.memref_squeeze %dma_start3A_174 : memref<1x!tpu.dma_semaphore, #tpu.memory_space<semaphore_mem>> -> memref<!tpu.dma_semaphore, #tpu.memory_space<semaphore_mem>>
      tpu.enqueue_indirect_dma source(%dma_start3A_173 : memref<10000x16xf32, #tpu.memory_space<hbm>>) target(%dma_start3A_167 : memref<128x16xf32, #tpu.memory_space<vmem>>) offsets(%dma_start3A_170 : memref<128xi32, #tpu.memory_space<vmem>>) semaphore(%dma_start3A_175 : memref<!tpu.dma_semaphore, #tpu.memory_space<semaphore_mem>>)
      %dma_start3A_176 = arith.constant 1 : i32
      %dma_start3A_177 = arith.constant 1 : i32
      %dma_start3A_178 = arith.constant 1 : i32
      %dma_start3A_179 = arith.constant 0 : i32
      %dma_start3A_180 = arith.constant 0 : i32
      %dma_start3A_181 = tpu.memref_slice %arg17[%dma_start3A_177, %dma_start3A_179, %dma_start3A_180] : memref<2x128x16xf32, #tpu.memory_space<vmem>> -> memref<1x128x16xf32, #tpu.memory_space<vmem>>
      %dma_start3A_182 = tpu.memref_squeeze %dma_start3A_181 : memref<1x128x16xf32, #tpu.memory_space<vmem>> -> memref<128x16xf32, #tpu.memory_space<vmem>>
      %dma_start3A_183 = arith.constant 0 : i32
      %dma_start3A_184 = tpu.memref_slice %arg13[%dma_start3A_176, %dma_start3A_183] : memref<2x128xi32, #tpu.memory_space<vmem>> -> memref<1x128xi32, #tpu.memory_space<vmem>>
      %dma_start3A_185 = tpu.memref_squeeze %dma_start3A_184 : memref<1x128xi32, #tpu.memory_space<vmem>> -> memref<128xi32, #tpu.memory_space<vmem>>
      %dma_start3A_186 = arith.constant 0 : i32
      %dma_start3A_187 = arith.constant 0 : i32
      %dma_start3A_188 = tpu.memref_slice %arg4[%dma_start3A_186, %dma_start3A_187] : memref<10000x16xf32, #tpu.memory_space<hbm>> -> memref<10000x16xf32, #tpu.memory_space<hbm>>
      %dma_start3A_189 = tpu.memref_slice %arg23[%dma_start3A_178] : memref<2x!tpu.dma_semaphore, #tpu.memory_space<semaphore_mem>> -> memref<1x!tpu.dma_semaphore, #tpu.memory_space<semaphore_mem>>
      %dma_start3A_190 = tpu.memref_squeeze %dma_start3A_189 : memref<1x!tpu.dma_semaphore, #tpu.memory_space<semaphore_mem>> -> memref<!tpu.dma_semaphore, #tpu.memory_space<semaphore_mem>>
      tpu.enqueue_indirect_dma source(%dma_start3A_188 : memref<10000x16xf32, #tpu.memory_space<hbm>>) target(%dma_start3A_182 : memref<128x16xf32, #tpu.memory_space<vmem>>) offsets(%dma_start3A_185 : memref<128xi32, #tpu.memory_space<vmem>>) semaphore(%dma_start3A_190 : memref<!tpu.dma_semaphore, #tpu.memory_space<semaphore_mem>>)
      %dma_wait3A_191 = arith.constant 0 : i32
      %dma_wait3A_192 = arith.constant 0 : i32
      %dma_wait3A_193 = arith.constant 0 : i32
      %dma_wait3A_194 = arith.constant 0 : i32
      %dma_wait3A_195 = arith.constant 0 : i32
      %dma_wait3A_196 = tpu.memref_slice %arg15[%dma_wait3A_192, %dma_wait3A_194, %dma_wait3A_195] : memref<2x128x64xf32, #tpu.memory_space<vmem>> -> memref<1x128x64xf32, #tpu.memory_space<vmem>>
      %dma_wait3A_197 = tpu.memref_squeeze %dma_wait3A_196 : memref<1x128x64xf32, #tpu.memory_space<vmem>> -> memref<128x64xf32, #tpu.memory_space<vmem>>
      %dma_wait3A_198 = arith.constant 0 : i32
      %dma_wait3A_199 = tpu.memref_slice %arg12[%dma_wait3A_191, %dma_wait3A_198] : memref<2x128xi32, #tpu.memory_space<vmem>> -> memref<1x128xi32, #tpu.memory_space<vmem>>
      %dma_wait3A_200 = tpu.memref_squeeze %dma_wait3A_199 : memref<1x128xi32, #tpu.memory_space<vmem>> -> memref<128xi32, #tpu.memory_space<vmem>>
      %dma_wait3A_201 = arith.constant 0 : i32
      %dma_wait3A_202 = arith.constant 0 : i32
      %dma_wait3A_203 = tpu.memref_slice %arg2[%dma_wait3A_201, %dma_wait3A_202] : memref<10000x64xf32, #tpu.memory_space<hbm>> -> memref<10000x64xf32, #tpu.memory_space<hbm>>
      %dma_wait3A_204 = tpu.memref_slice %arg23[%dma_wait3A_193] : memref<2x!tpu.dma_semaphore, #tpu.memory_space<semaphore_mem>> -> memref<1x!tpu.dma_semaphore, #tpu.memory_space<semaphore_mem>>
      %dma_wait3A_205 = tpu.memref_squeeze %dma_wait3A_204 : memref<1x!tpu.dma_semaphore, #tpu.memory_space<semaphore_mem>> -> memref<!tpu.dma_semaphore, #tpu.memory_space<semaphore_mem>>
      tpu.wait_indirect_dma semaphore(%dma_wait3A_205 : memref<!tpu.dma_semaphore, #tpu.memory_space<semaphore_mem>>) src(%dma_wait3A_203 : memref<10000x64xf32, #tpu.memory_space<hbm>>) dst(%dma_wait3A_197 : memref<128x64xf32, #tpu.memory_space<vmem>>)
      %dma_wait3A_206 = arith.constant 0 : i32
      %dma_wait3A_207 = arith.constant 0 : i32
      %dma_wait3A_208 = arith.constant 0 : i32
      %dma_wait3A_209 = arith.constant 0 : i32
      %dma_wait3A_210 = arith.constant 0 : i32
      %dma_wait3A_211 = tpu.memref_slice %arg16[%dma_wait3A_207, %dma_wait3A_209, %dma_wait3A_210] : memref<2x128x16xf32, #tpu.memory_space<vmem>> -> memref<1x128x16xf32, #tpu.memory_space<vmem>>
      %dma_wait3A_212 = tpu.memref_squeeze %dma_wait3A_211 : memref<1x128x16xf32, #tpu.memory_space<vmem>> -> memref<128x16xf32, #tpu.memory_space<vmem>>
      %dma_wait3A_213 = arith.constant 0 : i32
      %dma_wait3A_214 = tpu.memref_slice %arg12[%dma_wait3A_206, %dma_wait3A_213] : memref<2x128xi32, #tpu.memory_space<vmem>> -> memref<1x128xi32, #tpu.memory_space<vmem>>
      %dma_wait3A_215 = tpu.memref_squeeze %dma_wait3A_214 : memref<1x128xi32, #tpu.memory_space<vmem>> -> memref<128xi32, #tpu.memory_space<vmem>>
      %dma_wait3A_216 = arith.constant 0 : i32
      %dma_wait3A_217 = arith.constant 0 : i32
      %dma_wait3A_218 = tpu.memref_slice %arg3[%dma_wait3A_216, %dma_wait3A_217] : memref<10000x16xf32, #tpu.memory_space<hbm>> -> memref<10000x16xf32, #tpu.memory_space<hbm>>
      %dma_wait3A_219 = tpu.memref_slice %arg23[%dma_wait3A_208] : memref<2x!tpu.dma_semaphore, #tpu.memory_space<semaphore_mem>> -> memref<1x!tpu.dma_semaphore, #tpu.memory_space<semaphore_mem>>
      %dma_wait3A_220 = tpu.memref_squeeze %dma_wait3A_219 : memref<1x!tpu.dma_semaphore, #tpu.memory_space<semaphore_mem>> -> memref<!tpu.dma_semaphore, #tpu.memory_space<semaphore_mem>>
      tpu.wait_indirect_dma semaphore(%dma_wait3A_220 : memref<!tpu.dma_semaphore, #tpu.memory_space<semaphore_mem>>) src(%dma_wait3A_218 : memref<10000x16xf32, #tpu.memory_space<hbm>>) dst(%dma_wait3A_212 : memref<128x16xf32, #tpu.memory_space<vmem>>)
      %dma_wait3A_221 = arith.constant 0 : i32
      %dma_wait3A_222 = arith.constant 0 : i32
      %dma_wait3A_223 = arith.constant 0 : i32
      %dma_wait3A_224 = arith.constant 0 : i32
      %dma_wait3A_225 = arith.constant 0 : i32
      %dma_wait3A_226 = tpu.memref_slice %arg17[%dma_wait3A_222, %dma_wait3A_224, %dma_wait3A_225] : memref<2x128x16xf32, #tpu.memory_space<vmem>> -> memref<1x128x16xf32, #tpu.memory_space<vmem>>
      %dma_wait3A_227 = tpu.memref_squeeze %dma_wait3A_226 : memref<1x128x16xf32, #tpu.memory_space<vmem>> -> memref<128x16xf32, #tpu.memory_space<vmem>>
      %dma_wait3A_228 = arith.constant 0 : i32
      %dma_wait3A_229 = tpu.memref_slice %arg13[%dma_wait3A_221, %dma_wait3A_228] : memref<2x128xi32, #tpu.memory_space<vmem>> -> memref<1x128xi32, #tpu.memory_space<vmem>>
      %dma_wait3A_230 = tpu.memref_squeeze %dma_wait3A_229 : memref<1x128xi32, #tpu.memory_space<vmem>> -> memref<128xi32, #tpu.memory_space<vmem>>
      %dma_wait3A_231 = arith.constant 0 : i32
      %dma_wait3A_232 = arith.constant 0 : i32
      %dma_wait3A_233 = tpu.memref_slice %arg4[%dma_wait3A_231, %dma_wait3A_232] : memref<10000x16xf32, #tpu.memory_space<hbm>> -> memref<10000x16xf32, #tpu.memory_space<hbm>>
      %dma_wait3A_234 = tpu.memref_slice %arg23[%dma_wait3A_223] : memref<2x!tpu.dma_semaphore, #tpu.memory_space<semaphore_mem>> -> memref<1x!tpu.dma_semaphore, #tpu.memory_space<semaphore_mem>>
      %dma_wait3A_235 = tpu.memref_squeeze %dma_wait3A_234 : memref<1x!tpu.dma_semaphore, #tpu.memory_space<semaphore_mem>> -> memref<!tpu.dma_semaphore, #tpu.memory_space<semaphore_mem>>
      tpu.wait_indirect_dma semaphore(%dma_wait3A_235 : memref<!tpu.dma_semaphore, #tpu.memory_space<semaphore_mem>>) src(%dma_wait3A_233 : memref<10000x16xf32, #tpu.memory_space<hbm>>) dst(%dma_wait3A_227 : memref<128x16xf32, #tpu.memory_space<vmem>>)
      %gt3A = arith.constant 0 : i32
      %gt3A_236 = arith.cmpi sgt, %scan3A_134, %gt3A : i32
      %convert_element_type3A = arith.extui %gt3A_236 : i1 to i32
      %cond3A = arith.constant 0 : i32
      %cond3A_237 = arith.cmpi ne, %convert_element_type3A, %cond3A : i32
      scf.if %cond3A_237 {
        %dma_wait3A_381 = arith.constant 0 : i32
        %dma_wait3A_382 = arith.constant 0 : i32
        %dma_wait3A_383 = arith.constant 0 : i32
        %dma_wait3A_384 = arith.constant 0 : i32
        %dma_wait3A_385 = arith.constant 0 : i32
        %dma_wait3A_386 = tpu.memref_slice %arg18[%dma_wait3A_381, %dma_wait3A_384, %dma_wait3A_385] : memref<2x128x64xf32, #tpu.memory_space<vmem>> -> memref<1x128x64xf32, #tpu.memory_space<vmem>>
        %dma_wait3A_387 = tpu.memref_squeeze %dma_wait3A_386 : memref<1x128x64xf32, #tpu.memory_space<vmem>> -> memref<128x64xf32, #tpu.memory_space<vmem>>
        %dma_wait3A_388 = arith.constant 0 : i32
        %dma_wait3A_389 = tpu.memref_slice %arg14[%dma_wait3A_382, %dma_wait3A_388] : memref<2x128xi32, #tpu.memory_space<vmem>> -> memref<1x128xi32, #tpu.memory_space<vmem>>
        %dma_wait3A_390 = tpu.memref_squeeze %dma_wait3A_389 : memref<1x128xi32, #tpu.memory_space<vmem>> -> memref<128xi32, #tpu.memory_space<vmem>>
        %dma_wait3A_391 = arith.constant 0 : i32
        %dma_wait3A_392 = arith.constant 0 : i32
        %dma_wait3A_393 = tpu.memref_slice %arg21[%dma_wait3A_391, %dma_wait3A_392] : memref<10112x64xf32, #tpu.memory_space<vmem_shared>> -> memref<10112x64xf32, #tpu.memory_space<vmem_shared>>
        %dma_wait3A_394 = tpu.memref_slice %arg24[%dma_wait3A_383] : memref<2x!tpu.dma_semaphore, #tpu.memory_space<semaphore_mem>> -> memref<1x!tpu.dma_semaphore, #tpu.memory_space<semaphore_mem>>
        %dma_wait3A_395 = tpu.memref_squeeze %dma_wait3A_394 : memref<1x!tpu.dma_semaphore, #tpu.memory_space<semaphore_mem>> -> memref<!tpu.dma_semaphore, #tpu.memory_space<semaphore_mem>>
        tpu.wait_indirect_dma semaphore(%dma_wait3A_395 : memref<!tpu.dma_semaphore, #tpu.memory_space<semaphore_mem>>) src(%dma_wait3A_387 : memref<128x64xf32, #tpu.memory_space<vmem>>) dst(%dma_wait3A_393 : memref<10112x64xf32, #tpu.memory_space<vmem_shared>>)
        %dma_wait3A_396 = arith.constant 0 : i32
        %dma_wait3A_397 = arith.constant 0 : i32
        %dma_wait3A_398 = arith.constant 0 : i32
        %dma_wait3A_399 = arith.constant 0 : i32
        %dma_wait3A_400 = arith.constant 0 : i32
        %dma_wait3A_401 = tpu.memref_slice %arg19[%dma_wait3A_396, %dma_wait3A_399, %dma_wait3A_400] : memref<2x128x16xf32, #tpu.memory_space<vmem>> -> memref<1x128x16xf32, #tpu.memory_space<vmem>>
        %dma_wait3A_402 = tpu.memref_squeeze %dma_wait3A_401 : memref<1x128x16xf32, #tpu.memory_space<vmem>> -> memref<128x16xf32, #tpu.memory_space<vmem>>
        %dma_wait3A_403 = arith.constant 0 : i32
        %dma_wait3A_404 = tpu.memref_slice %arg14[%dma_wait3A_397, %dma_wait3A_403] : memref<2x128xi32, #tpu.memory_space<vmem>> -> memref<1x128xi32, #tpu.memory_space<vmem>>
        %dma_wait3A_405 = tpu.memref_squeeze %dma_wait3A_404 : memref<1x128xi32, #tpu.memory_space<vmem>> -> memref<128xi32, #tpu.memory_space<vmem>>
        %dma_wait3A_406 = arith.constant 0 : i32
        %dma_wait3A_407 = arith.constant 0 : i32
        %dma_wait3A_408 = tpu.memref_slice %arg22[%dma_wait3A_406, %dma_wait3A_407] : memref<10112x16xf32, #tpu.memory_space<vmem_shared>> -> memref<10112x16xf32, #tpu.memory_space<vmem_shared>>
        %dma_wait3A_409 = tpu.memref_slice %arg24[%dma_wait3A_398] : memref<2x!tpu.dma_semaphore, #tpu.memory_space<semaphore_mem>> -> memref<1x!tpu.dma_semaphore, #tpu.memory_space<semaphore_mem>>
        %dma_wait3A_410 = tpu.memref_squeeze %dma_wait3A_409 : memref<1x!tpu.dma_semaphore, #tpu.memory_space<semaphore_mem>> -> memref<!tpu.dma_semaphore, #tpu.memory_space<semaphore_mem>>
        tpu.wait_indirect_dma semaphore(%dma_wait3A_410 : memref<!tpu.dma_semaphore, #tpu.memory_space<semaphore_mem>>) src(%dma_wait3A_402 : memref<128x16xf32, #tpu.memory_space<vmem>>) dst(%dma_wait3A_408 : memref<10112x16xf32, #tpu.memory_space<vmem_shared>>)
      } else {
      }
      %mul3A_238 = arith.constant 5120 : i32
      %mul3A_239 = arith.muli %add3A, %mul3A_238 : i32
      %mul3A_240 = arith.constant 128 : i32
      %mul3A_241 = arith.muli %mul3A_136, %mul3A_240 : i32
      %add3A_242 = arith.addi %mul3A_239, %mul3A_241 : i32
      %run_scoped3A_243 = arith.constant 0 : i32
      "tpu.region"() ({
        %run_scoped3A_381 = tpu.sem_alloc : memref<!tpu.dma_semaphore, #tpu.memory_space<semaphore_mem>>
        %dma_start3A_382 = arith.constant 0 : i32
        %dma_start3A_383 = tpu.memref_slice %arg14[%run_scoped3A_243, %dma_start3A_382] : memref<2x128xi32, #tpu.memory_space<vmem>> -> memref<1x128xi32, #tpu.memory_space<vmem>>
        %dma_start3A_384 = tpu.memref_squeeze %dma_start3A_383 : memref<1x128xi32, #tpu.memory_space<vmem>> -> memref<128xi32, #tpu.memory_space<vmem>>
        %dma_start3A_385 = tpu.memref_slice %arg6[%add3A_242] : memref<163840xi32, #tpu.memory_space<hbm>> -> memref<128xi32, #tpu.memory_space<hbm>>
        %dma_start3A_386 = arith.constant 0 : i32
        %dma_start3A_387 = tpu.memref_slice %arg14[%run_scoped3A_243, %dma_start3A_386] : memref<2x128xi32, #tpu.memory_space<vmem>> -> memref<1x128xi32, #tpu.memory_space<vmem>>
        %dma_start3A_388 = tpu.memref_squeeze %dma_start3A_387 : memref<1x128xi32, #tpu.memory_space<vmem>> -> memref<128xi32, #tpu.memory_space<vmem>>
        %dma_start3A_389 = tpu.memref_slice %arg6[%add3A_242] : memref<163840xi32, #tpu.memory_space<hbm>> -> memref<128xi32, #tpu.memory_space<hbm>>
        tpu.enqueue_dma source(%dma_start3A_389 : memref<128xi32, #tpu.memory_space<hbm>>) target(%dma_start3A_388 : memref<128xi32, #tpu.memory_space<vmem>>) target_semaphore(%run_scoped3A_381 : memref<!tpu.dma_semaphore, #tpu.memory_space<semaphore_mem>>)
        %dma_wait3A_390 = arith.constant 0 : i32
        %dma_wait3A_391 = tpu.memref_slice %arg14[%run_scoped3A_243, %dma_wait3A_390] : memref<2x128xi32, #tpu.memory_space<vmem>> -> memref<1x128xi32, #tpu.memory_space<vmem>>
        %dma_wait3A_392 = tpu.memref_squeeze %dma_wait3A_391 : memref<1x128xi32, #tpu.memory_space<vmem>> -> memref<128xi32, #tpu.memory_space<vmem>>
        %dma_wait3A_393 = tpu.memref_slice %arg6[%add3A_242] : memref<163840xi32, #tpu.memory_space<hbm>> -> memref<128xi32, #tpu.memory_space<hbm>>
        %dma_wait3A_394 = arith.constant 0 : i32
        %dma_wait3A_395 = tpu.memref_slice %arg14[%run_scoped3A_243, %dma_wait3A_394] : memref<2x128xi32, #tpu.memory_space<vmem>> -> memref<1x128xi32, #tpu.memory_space<vmem>>
        %dma_wait3A_396 = tpu.memref_squeeze %dma_wait3A_395 : memref<1x128xi32, #tpu.memory_space<vmem>> -> memref<128xi32, #tpu.memory_space<vmem>>
        %dma_wait3A_397 = tpu.memref_slice %arg6[%add3A_242] : memref<163840xi32, #tpu.memory_space<hbm>> -> memref<128xi32, #tpu.memory_space<hbm>>
        tpu.wait_dma2 semaphore(%run_scoped3A_381 : memref<!tpu.dma_semaphore, #tpu.memory_space<semaphore_mem>>) src(%dma_wait3A_397 : memref<128xi32, #tpu.memory_space<hbm>>) dst(%dma_wait3A_396 : memref<128xi32, #tpu.memory_space<vmem>>)
        tpu.yield
      }) : () -> ()
      %parallel_loop3A = arith.constant 0 : i32
      %parallel_loop3A_244 = arith.constant 128 : i32
      %parallel_loop3A_245 = arith.constant 1 : i32
      %parallel_loop3A_246 = arith.constant 0 : i32
      %parallel_loop3A_247 = arith.constant 0 : i32
      %parallel_loop3A_248 = arith.constant 0 : i32
      %parallel_loop3A_249 = arith.constant 0 : i32
      %parallel_loop3A_250 = arith.constant 0 : i32
      scf.for %parallel_loop3A_381 = %parallel_loop3A to %parallel_loop3A_244 step %parallel_loop3A_245  : i32 {
        %parallel_loop3A_382 = arith.constant 0 : i32
        %parallel_loop3A_383 = arith.constant 0 : i32
        %parallel_loop3A_384 = tpu.memref_slice %arg16[%parallel_loop3A_246, %parallel_loop3A_382, %parallel_loop3A_383] : memref<2x128x16xf32, #tpu.memory_space<vmem>> -> memref<1x128x16xf32, #tpu.memory_space<vmem>>
        %parallel_loop3A_385 = tpu.memref_squeeze %parallel_loop3A_384 : memref<1x128x16xf32, #tpu.memory_space<vmem>> -> memref<128x16xf32, #tpu.memory_space<vmem>>
        %parallel_loop3A_386 = arith.index_cast %parallel_loop3A_381 : i32 to index
        %parallel_loop3A_387 = arith.constant 0 : index
        %parallel_loop3A_388 = tpu.vector_load %parallel_loop3A_385[%parallel_loop3A_386, %parallel_loop3A_387] {strides = array<i32>} : memref<128x16xf32, #tpu.memory_space<vmem>>, vector<16xf32>,
        %parallel_loop3A_389 = arith.constant 0 : i32
        %parallel_loop3A_390 = arith.constant 0 : i32
        %parallel_loop3A_391 = tpu.memref_slice %arg17[%parallel_loop3A_247, %parallel_loop3A_389, %parallel_loop3A_390] : memref<2x128x16xf32, #tpu.memory_space<vmem>> -> memref<1x128x16xf32, #tpu.memory_space<vmem>>
        %parallel_loop3A_392 = tpu.memref_squeeze %parallel_loop3A_391 : memref<1x128x16xf32, #tpu.memory_space<vmem>> -> memref<128x16xf32, #tpu.memory_space<vmem>>
        %parallel_loop3A_393 = arith.index_cast %parallel_loop3A_381 : i32 to index
        %parallel_loop3A_394 = arith.constant 0 : index
        %parallel_loop3A_395 = tpu.vector_load %parallel_loop3A_392[%parallel_loop3A_393, %parallel_loop3A_394] {strides = array<i32>} : memref<128x16xf32, #tpu.memory_space<vmem>>, vector<16xf32>,
        %parallel_loop3A_396 = arith.addf %parallel_loop3A_388, %parallel_loop3A_395 : vector<16xf32>
        %parallel_loop3A_397 = arith.constant 0.000000e+00 : f32
        %parallel_loop3A_398 = vector.broadcast %parallel_loop3A_397 : f32 to vector<16xf32>
        %parallel_loop3A_399 = arith.cmpf oge, %parallel_loop3A_396, %parallel_loop3A_398 : vector<16xf32>
        %parallel_loop3A_400 = arith.constant 2.000000e-01 : f32
        %parallel_loop3A_401 = vector.broadcast %parallel_loop3A_400 : f32 to vector<16xf32>
        %parallel_loop3A_402 = arith.mulf %parallel_loop3A_401, %parallel_loop3A_396 : vector<16xf32>
        %parallel_loop3A_403 = arith.select %parallel_loop3A_399, %parallel_loop3A_396, %parallel_loop3A_402 : vector<16xi1>, vector<16xf32>
        %parallel_loop3A_404 = arith.subf %parallel_loop3A_403, %get3A_9 : vector<16xf32>
        %parallel_loop3A_405 = math.exp %parallel_loop3A_404 : vector<16xf32>
        %parallel_loop3A_406 = arith.constant 0 : i32
        %parallel_loop3A_407 = arith.constant 0 : i32
        %parallel_loop3A_408 = tpu.memref_slice %arg19[%parallel_loop3A_248, %parallel_loop3A_406, %parallel_loop3A_407] : memref<2x128x16xf32, #tpu.memory_space<vmem>> -> memref<1x128x16xf32, #tpu.memory_space<vmem>>
        %parallel_loop3A_409 = tpu.memref_squeeze %parallel_loop3A_408 : memref<1x128x16xf32, #tpu.memory_space<vmem>> -> memref<128x16xf32, #tpu.memory_space<vmem>>
        %parallel_loop3A_410 = arith.index_cast %parallel_loop3A_381 : i32 to index
        %parallel_loop3A_411 = arith.constant 0 : index
        %parallel_loop3A_412 = tpu.vector_load %parallel_loop3A_409[%parallel_loop3A_410, %parallel_loop3A_411] {strides = array<i32>} : memref<128x16xf32, #tpu.memory_space<vmem>>, vector<16xf32>,
        tpu.vector_store %parallel_loop3A_409[%parallel_loop3A_410, %parallel_loop3A_411], %parallel_loop3A_405 {strides = array<i32>} : memref<128x16xf32, #tpu.memory_space<vmem>>, vector<16xf32>,
        %parallel_loop3A_413 = arith.constant 0 : i32
        %parallel_loop3A_414 = arith.constant 0 : i32
        %parallel_loop3A_415 = tpu.memref_slice %arg15[%parallel_loop3A_249, %parallel_loop3A_413, %parallel_loop3A_414] : memref<2x128x64xf32, #tpu.memory_space<vmem>> -> memref<1x128x64xf32, #tpu.memory_space<vmem>>
        %parallel_loop3A_416 = tpu.memref_squeeze %parallel_loop3A_415 : memref<1x128x64xf32, #tpu.memory_space<vmem>> -> memref<128x64xf32, #tpu.memory_space<vmem>>
        %parallel_loop3A_417 = arith.index_cast %parallel_loop3A_381 : i32 to index
        %parallel_loop3A_418 = arith.constant 0 : index
        %parallel_loop3A_419 = tpu.vector_load %parallel_loop3A_416[%parallel_loop3A_417, %parallel_loop3A_418] {strides = array<i32>} : memref<128x64xf32, #tpu.memory_space<vmem>>, vector<16xf32>,
        %parallel_loop3A_420 = arith.mulf %parallel_loop3A_419, %parallel_loop3A_405 : vector<16xf32>
        %parallel_loop3A_421 = arith.constant 0 : i32
        %parallel_loop3A_422 = arith.constant 0 : i32
        %parallel_loop3A_423 = tpu.memref_slice %arg18[%parallel_loop3A_250, %parallel_loop3A_421, %parallel_loop3A_422] : memref<2x128x64xf32, #tpu.memory_space<vmem>> -> memref<1x128x64xf32, #tpu.memory_space<vmem>>
        %parallel_loop3A_424 = tpu.memref_squeeze %parallel_loop3A_423 : memref<1x128x64xf32, #tpu.memory_space<vmem>> -> memref<128x64xf32, #tpu.memory_space<vmem>>
        %parallel_loop3A_425 = arith.index_cast %parallel_loop3A_381 : i32 to index
        %parallel_loop3A_426 = arith.constant 0 : index
        %parallel_loop3A_427 = tpu.vector_load %parallel_loop3A_424[%parallel_loop3A_425, %parallel_loop3A_426] {strides = array<i32>} : memref<128x64xf32, #tpu.memory_space<vmem>>, vector<16xf32>,
        tpu.vector_store %parallel_loop3A_424[%parallel_loop3A_425, %parallel_loop3A_426], %parallel_loop3A_420 {strides = array<i32>} : memref<128x64xf32, #tpu.memory_space<vmem>>, vector<16xf32>,
        %parallel_loop3A_428 = arith.constant 0 : i32
        %parallel_loop3A_429 = arith.constant 0 : i32
        %parallel_loop3A_430 = tpu.memref_slice %arg15[%parallel_loop3A_249, %parallel_loop3A_428, %parallel_loop3A_429] : memref<2x128x64xf32, #tpu.memory_space<vmem>> -> memref<1x128x64xf32, #tpu.memory_space<vmem>>
        %parallel_loop3A_431 = tpu.memref_squeeze %parallel_loop3A_430 : memref<1x128x64xf32, #tpu.memory_space<vmem>> -> memref<128x64xf32, #tpu.memory_space<vmem>>
        %parallel_loop3A_432 = arith.index_cast %parallel_loop3A_381 : i32 to index
        %parallel_loop3A_433 = arith.constant 16 : index
        %parallel_loop3A_434 = tpu.vector_load %parallel_loop3A_431[%parallel_loop3A_432, %parallel_loop3A_433] {strides = array<i32>} : memref<128x64xf32, #tpu.memory_space<vmem>>, vector<16xf32>,
        %parallel_loop3A_435 = arith.mulf %parallel_loop3A_434, %parallel_loop3A_405 : vector<16xf32>
        %parallel_loop3A_436 = arith.constant 0 : i32
        %parallel_loop3A_437 = arith.constant 0 : i32
        %parallel_loop3A_438 = tpu.memref_slice %arg18[%parallel_loop3A_250, %parallel_loop3A_436, %parallel_loop3A_437] : memref<2x128x64xf32, #tpu.memory_space<vmem>> -> memref<1x128x64xf32, #tpu.memory_space<vmem>>
        %parallel_loop3A_439 = tpu.memref_squeeze %parallel_loop3A_438 : memref<1x128x64xf32, #tpu.memory_space<vmem>> -> memref<128x64xf32, #tpu.memory_space<vmem>>
        %parallel_loop3A_440 = arith.index_cast %parallel_loop3A_381 : i32 to index
        %parallel_loop3A_441 = arith.constant 16 : index
        %parallel_loop3A_442 = tpu.vector_load %parallel_loop3A_439[%parallel_loop3A_440, %parallel_loop3A_441] {strides = array<i32>} : memref<128x64xf32, #tpu.memory_space<vmem>>, vector<16xf32>,
        tpu.vector_store %parallel_loop3A_439[%parallel_loop3A_440, %parallel_loop3A_441], %parallel_loop3A_435 {strides = array<i32>} : memref<128x64xf32, #tpu.memory_space<vmem>>, vector<16xf32>,
        %parallel_loop3A_443 = arith.constant 0 : i32
        %parallel_loop3A_444 = arith.constant 0 : i32
        %parallel_loop3A_445 = tpu.memref_slice %arg15[%parallel_loop3A_249, %parallel_loop3A_443, %parallel_loop3A_444] : memref<2x128x64xf32, #tpu.memory_space<vmem>> -> memref<1x128x64xf32, #tpu.memory_space<vmem>>
        %parallel_loop3A_446 = tpu.memref_squeeze %parallel_loop3A_445 : memref<1x128x64xf32, #tpu.memory_space<vmem>> -> memref<128x64xf32, #tpu.memory_space<vmem>>
        %parallel_loop3A_447 = arith.index_cast %parallel_loop3A_381 : i32 to index
        %parallel_loop3A_448 = arith.constant 32 : index
        %parallel_loop3A_449 = tpu.vector_load %parallel_loop3A_446[%parallel_loop3A_447, %parallel_loop3A_448] {strides = array<i32>} : memref<128x64xf32, #tpu.memory_space<vmem>>, vector<16xf32>,
        %parallel_loop3A_450 = arith.mulf %parallel_loop3A_449, %parallel_loop3A_405 : vector<16xf32>
        %parallel_loop3A_451 = arith.constant 0 : i32
        %parallel_loop3A_452 = arith.constant 0 : i32
        %parallel_loop3A_453 = tpu.memref_slice %arg18[%parallel_loop3A_250, %parallel_loop3A_451, %parallel_loop3A_452] : memref<2x128x64xf32, #tpu.memory_space<vmem>> -> memref<1x128x64xf32, #tpu.memory_space<vmem>>
        %parallel_loop3A_454 = tpu.memref_squeeze %parallel_loop3A_453 : memref<1x128x64xf32, #tpu.memory_space<vmem>> -> memref<128x64xf32, #tpu.memory_space<vmem>>
        %parallel_loop3A_455 = arith.index_cast %parallel_loop3A_381 : i32 to index
        %parallel_loop3A_456 = arith.constant 32 : index
        %parallel_loop3A_457 = tpu.vector_load %parallel_loop3A_454[%parallel_loop3A_455, %parallel_loop3A_456] {strides = array<i32>} : memref<128x64xf32, #tpu.memory_space<vmem>>, vector<16xf32>,
        tpu.vector_store %parallel_loop3A_454[%parallel_loop3A_455, %parallel_loop3A_456], %parallel_loop3A_450 {strides = array<i32>} : memref<128x64xf32, #tpu.memory_space<vmem>>, vector<16xf32>,
        %parallel_loop3A_458 = arith.constant 0 : i32
        %parallel_loop3A_459 = arith.constant 0 : i32
        %parallel_loop3A_460 = tpu.memref_slice %arg15[%parallel_loop3A_249, %parallel_loop3A_458, %parallel_loop3A_459] : memref<2x128x64xf32, #tpu.memory_space<vmem>> -> memref<1x128x64xf32, #tpu.memory_space<vmem>>
        %parallel_loop3A_461 = tpu.memref_squeeze %parallel_loop3A_460 : memref<1x128x64xf32, #tpu.memory_space<vmem>> -> memref<128x64xf32, #tpu.memory_space<vmem>>
        %parallel_loop3A_462 = arith.index_cast %parallel_loop3A_381 : i32 to index
        %parallel_loop3A_463 = arith.constant 48 : index
        %parallel_loop3A_464 = tpu.vector_load %parallel_loop3A_461[%parallel_loop3A_462, %parallel_loop3A_463] {strides = array<i32>} : memref<128x64xf32, #tpu.memory_space<vmem>>, vector<16xf32>,
        %parallel_loop3A_465 = arith.mulf %parallel_loop3A_464, %parallel_loop3A_405 : vector<16xf32>
        %parallel_loop3A_466 = arith.constant 0 : i32
        %parallel_loop3A_467 = arith.constant 0 : i32
        %parallel_loop3A_468 = tpu.memref_slice %arg18[%parallel_loop3A_250, %parallel_loop3A_466, %parallel_loop3A_467] : memref<2x128x64xf32, #tpu.memory_space<vmem>> -> memref<1x128x64xf32, #tpu.memory_space<vmem>>
        %parallel_loop3A_469 = tpu.memref_squeeze %parallel_loop3A_468 : memref<1x128x64xf32, #tpu.memory_space<vmem>> -> memref<128x64xf32, #tpu.memory_space<vmem>>
        %parallel_loop3A_470 = arith.index_cast %parallel_loop3A_381 : i32 to index
        %parallel_loop3A_471 = arith.constant 48 : index
        %parallel_loop3A_472 = tpu.vector_load %parallel_loop3A_469[%parallel_loop3A_470, %parallel_loop3A_471] {strides = array<i32>} : memref<128x64xf32, #tpu.memory_space<vmem>>, vector<16xf32>,
        tpu.vector_store %parallel_loop3A_469[%parallel_loop3A_470, %parallel_loop3A_471], %parallel_loop3A_465 {strides = array<i32>} : memref<128x64xf32, #tpu.memory_space<vmem>>, vector<16xf32>,
      } {sc.loop_unroll_factor = 8 : i64, sc.parallel_access}
      %dma_start3A_251 = arith.constant 0 : i32
      %dma_start3A_252 = arith.constant 0 : i32
      %dma_start3A_253 = arith.constant 0 : i32
      %dma_start3A_254 = arith.constant 0 : i32
      %dma_start3A_255 = arith.constant 0 : i32
      %dma_start3A_256 = tpu.memref_slice %arg18[%dma_start3A_251, %dma_start3A_254, %dma_start3A_255] : memref<2x128x64xf32, #tpu.memory_space<vmem>> -> memref<1x128x64xf32, #tpu.memory_space<vmem>>
      %dma_start3A_257 = tpu.memref_squeeze %dma_start3A_256 : memref<1x128x64xf32, #tpu.memory_space<vmem>> -> memref<128x64xf32, #tpu.memory_space<vmem>>
      %dma_start3A_258 = arith.constant 0 : i32
      %dma_start3A_259 = tpu.memref_slice %arg14[%dma_start3A_252, %dma_start3A_258] : memref<2x128xi32, #tpu.memory_space<vmem>> -> memref<1x128xi32, #tpu.memory_space<vmem>>
      %dma_start3A_260 = tpu.memref_squeeze %dma_start3A_259 : memref<1x128xi32, #tpu.memory_space<vmem>> -> memref<128xi32, #tpu.memory_space<vmem>>
      %dma_start3A_261 = arith.constant 0 : i32
      %dma_start3A_262 = arith.constant 0 : i32
      %dma_start3A_263 = tpu.memref_slice %arg21[%dma_start3A_261, %dma_start3A_262] : memref<10112x64xf32, #tpu.memory_space<vmem_shared>> -> memref<10112x64xf32, #tpu.memory_space<vmem_shared>>
      %dma_start3A_264 = tpu.memref_slice %arg24[%dma_start3A_253] : memref<2x!tpu.dma_semaphore, #tpu.memory_space<semaphore_mem>> -> memref<1x!tpu.dma_semaphore, #tpu.memory_space<semaphore_mem>>
      %dma_start3A_265 = tpu.memref_squeeze %dma_start3A_264 : memref<1x!tpu.dma_semaphore, #tpu.memory_space<semaphore_mem>> -> memref<!tpu.dma_semaphore, #tpu.memory_space<semaphore_mem>>
      tpu.enqueue_indirect_dma source(%dma_start3A_257 : memref<128x64xf32, #tpu.memory_space<vmem>>) target(%dma_start3A_263 : memref<10112x64xf32, #tpu.memory_space<vmem_shared>>) offsets(%dma_start3A_260 : memref<128xi32, #tpu.memory_space<vmem>>) semaphore(%dma_start3A_265 : memref<!tpu.dma_semaphore, #tpu.memory_space<semaphore_mem>>) {add = true}
      %dma_start3A_266 = arith.constant 0 : i32
      %dma_start3A_267 = arith.constant 0 : i32
      %dma_start3A_268 = arith.constant 0 : i32
      %dma_start3A_269 = arith.constant 0 : i32
      %dma_start3A_270 = arith.constant 0 : i32
      %dma_start3A_271 = tpu.memref_slice %arg19[%dma_start3A_266, %dma_start3A_269, %dma_start3A_270] : memref<2x128x16xf32, #tpu.memory_space<vmem>> -> memref<1x128x16xf32, #tpu.memory_space<vmem>>
      %dma_start3A_272 = tpu.memref_squeeze %dma_start3A_271 : memref<1x128x16xf32, #tpu.memory_space<vmem>> -> memref<128x16xf32, #tpu.memory_space<vmem>>
      %dma_start3A_273 = arith.constant 0 : i32
      %dma_start3A_274 = tpu.memref_slice %arg14[%dma_start3A_267, %dma_start3A_273] : memref<2x128xi32, #tpu.memory_space<vmem>> -> memref<1x128xi32, #tpu.memory_space<vmem>>
      %dma_start3A_275 = tpu.memref_squeeze %dma_start3A_274 : memref<1x128xi32, #tpu.memory_space<vmem>> -> memref<128xi32, #tpu.memory_space<vmem>>
      %dma_start3A_276 = arith.constant 0 : i32
      %dma_start3A_277 = arith.constant 0 : i32
      %dma_start3A_278 = tpu.memref_slice %arg22[%dma_start3A_276, %dma_start3A_277] : memref<10112x16xf32, #tpu.memory_space<vmem_shared>> -> memref<10112x16xf32, #tpu.memory_space<vmem_shared>>
      %dma_start3A_279 = tpu.memref_slice %arg24[%dma_start3A_268] : memref<2x!tpu.dma_semaphore, #tpu.memory_space<semaphore_mem>> -> memref<1x!tpu.dma_semaphore, #tpu.memory_space<semaphore_mem>>
      %dma_start3A_280 = tpu.memref_squeeze %dma_start3A_279 : memref<1x!tpu.dma_semaphore, #tpu.memory_space<semaphore_mem>> -> memref<!tpu.dma_semaphore, #tpu.memory_space<semaphore_mem>>
      tpu.enqueue_indirect_dma source(%dma_start3A_272 : memref<128x16xf32, #tpu.memory_space<vmem>>) target(%dma_start3A_278 : memref<10112x16xf32, #tpu.memory_space<vmem_shared>>) offsets(%dma_start3A_275 : memref<128xi32, #tpu.memory_space<vmem>>) semaphore(%dma_start3A_280 : memref<!tpu.dma_semaphore, #tpu.memory_space<semaphore_mem>>) {add = true}
      %lt3A = arith.constant 19 : i32
      %lt3A_281 = arith.cmpi slt, %scan3A_134, %lt3A : i32
      %convert_element_type3A_282 = arith.extui %lt3A_281 : i1 to i32
      %cond3A_283 = arith.constant 0 : i32
      %cond3A_284 = arith.cmpi ne, %convert_element_type3A_282, %cond3A_283 : i32
      scf.if %cond3A_284 {
        %add3A_381 = arith.constant 2 : i32
        %add3A_382 = arith.addi %mul3A_136, %add3A_381 : i32
        %mul3A_383 = arith.constant 5120 : i32
        %mul3A_384 = arith.muli %add3A, %mul3A_383 : i32
        %mul3A_385 = arith.constant 128 : i32
        %mul3A_386 = arith.muli %add3A_382, %mul3A_385 : i32
        %add3A_387 = arith.addi %mul3A_384, %mul3A_386 : i32
        %run_scoped3A_388 = arith.constant 0 : i32
        "tpu.region"() ({
          %run_scoped3A_435 = tpu.sem_alloc : memref<!tpu.dma_semaphore, #tpu.memory_space<semaphore_mem>>
          %dma_start3A_436 = arith.constant 0 : i32
          %dma_start3A_437 = tpu.memref_slice %arg12[%run_scoped3A_388, %dma_start3A_436] : memref<2x128xi32, #tpu.memory_space<vmem>> -> memref<1x128xi32, #tpu.memory_space<vmem>>
          %dma_start3A_438 = tpu.memref_squeeze %dma_start3A_437 : memref<1x128xi32, #tpu.memory_space<vmem>> -> memref<128xi32, #tpu.memory_space<vmem>>
          %dma_start3A_439 = tpu.memref_slice %arg5[%add3A_387] : memref<163840xi32, #tpu.memory_space<hbm>> -> memref<128xi32, #tpu.memory_space<hbm>>
          %dma_start3A_440 = arith.constant 0 : i32
          %dma_start3A_441 = tpu.memref_slice %arg12[%run_scoped3A_388, %dma_start3A_440] : memref<2x128xi32, #tpu.memory_space<vmem>> -> memref<1x128xi32, #tpu.memory_space<vmem>>
          %dma_start3A_442 = tpu.memref_squeeze %dma_start3A_441 : memref<1x128xi32, #tpu.memory_space<vmem>> -> memref<128xi32, #tpu.memory_space<vmem>>
          %dma_start3A_443 = tpu.memref_slice %arg5[%add3A_387] : memref<163840xi32, #tpu.memory_space<hbm>> -> memref<128xi32, #tpu.memory_space<hbm>>
          tpu.enqueue_dma source(%dma_start3A_443 : memref<128xi32, #tpu.memory_space<hbm>>) target(%dma_start3A_442 : memref<128xi32, #tpu.memory_space<vmem>>) target_semaphore(%run_scoped3A_435 : memref<!tpu.dma_semaphore, #tpu.memory_space<semaphore_mem>>)
          %dma_wait3A_444 = arith.constant 0 : i32
          %dma_wait3A_445 = tpu.memref_slice %arg12[%run_scoped3A_388, %dma_wait3A_444] : memref<2x128xi32, #tpu.memory_space<vmem>> -> memref<1x128xi32, #tpu.memory_space<vmem>>
          %dma_wait3A_446 = tpu.memref_squeeze %dma_wait3A_445 : memref<1x128xi32, #tpu.memory_space<vmem>> -> memref<128xi32, #tpu.memory_space<vmem>>
          %dma_wait3A_447 = tpu.memref_slice %arg5[%add3A_387] : memref<163840xi32, #tpu.memory_space<hbm>> -> memref<128xi32, #tpu.memory_space<hbm>>
          %dma_wait3A_448 = arith.constant 0 : i32
          %dma_wait3A_449 = tpu.memref_slice %arg12[%run_scoped3A_388, %dma_wait3A_448] : memref<2x128xi32, #tpu.memory_space<vmem>> -> memref<1x128xi32, #tpu.memory_space<vmem>>
          %dma_wait3A_450 = tpu.memref_squeeze %dma_wait3A_449 : memref<1x128xi32, #tpu.memory_space<vmem>> -> memref<128xi32, #tpu.memory_space<vmem>>
          %dma_wait3A_451 = tpu.memref_slice %arg5[%add3A_387] : memref<163840xi32, #tpu.memory_space<hbm>> -> memref<128xi32, #tpu.memory_space<hbm>>
          tpu.wait_dma2 semaphore(%run_scoped3A_435 : memref<!tpu.dma_semaphore, #tpu.memory_space<semaphore_mem>>) src(%dma_wait3A_451 : memref<128xi32, #tpu.memory_space<hbm>>) dst(%dma_wait3A_450 : memref<128xi32, #tpu.memory_space<vmem>>)
          tpu.yield
        }) : () -> ()
        %run_scoped3A_389 = arith.constant 0 : i32
        "tpu.region"() ({
          %run_scoped3A_435 = tpu.sem_alloc : memref<!tpu.dma_semaphore, #tpu.memory_space<semaphore_mem>>
          %dma_start3A_436 = arith.constant 0 : i32
          %dma_start3A_437 = tpu.memref_slice %arg13[%run_scoped3A_389, %dma_start3A_436] : memref<2x128xi32, #tpu.memory_space<vmem>> -> memref<1x128xi32, #tpu.memory_space<vmem>>
          %dma_start3A_438 = tpu.memref_squeeze %dma_start3A_437 : memref<1x128xi32, #tpu.memory_space<vmem>> -> memref<128xi32, #tpu.memory_space<vmem>>
          %dma_start3A_439 = tpu.memref_slice %arg6[%add3A_387] : memref<163840xi32, #tpu.memory_space<hbm>> -> memref<128xi32, #tpu.memory_space<hbm>>
          %dma_start3A_440 = arith.constant 0 : i32
          %dma_start3A_441 = tpu.memref_slice %arg13[%run_scoped3A_389, %dma_start3A_440] : memref<2x128xi32, #tpu.memory_space<vmem>> -> memref<1x128xi32, #tpu.memory_space<vmem>>
          %dma_start3A_442 = tpu.memref_squeeze %dma_start3A_441 : memref<1x128xi32, #tpu.memory_space<vmem>> -> memref<128xi32, #tpu.memory_space<vmem>>
          %dma_start3A_443 = tpu.memref_slice %arg6[%add3A_387] : memref<163840xi32, #tpu.memory_space<hbm>> -> memref<128xi32, #tpu.memory_space<hbm>>
          tpu.enqueue_dma source(%dma_start3A_443 : memref<128xi32, #tpu.memory_space<hbm>>) target(%dma_start3A_442 : memref<128xi32, #tpu.memory_space<vmem>>) target_semaphore(%run_scoped3A_435 : memref<!tpu.dma_semaphore, #tpu.memory_space<semaphore_mem>>)
          %dma_wait3A_444 = arith.constant 0 : i32
          %dma_wait3A_445 = tpu.memref_slice %arg13[%run_scoped3A_389, %dma_wait3A_444] : memref<2x128xi32, #tpu.memory_space<vmem>> -> memref<1x128xi32, #tpu.memory_space<vmem>>
          %dma_wait3A_446 = tpu.memref_squeeze %dma_wait3A_445 : memref<1x128xi32, #tpu.memory_space<vmem>> -> memref<128xi32, #tpu.memory_space<vmem>>
          %dma_wait3A_447 = tpu.memref_slice %arg6[%add3A_387] : memref<163840xi32, #tpu.memory_space<hbm>> -> memref<128xi32, #tpu.memory_space<hbm>>
          %dma_wait3A_448 = arith.constant 0 : i32
          %dma_wait3A_449 = tpu.memref_slice %arg13[%run_scoped3A_389, %dma_wait3A_448] : memref<2x128xi32, #tpu.memory_space<vmem>> -> memref<1x128xi32, #tpu.memory_space<vmem>>
          %dma_wait3A_450 = tpu.memref_squeeze %dma_wait3A_449 : memref<1x128xi32, #tpu.memory_space<vmem>> -> memref<128xi32, #tpu.memory_space<vmem>>
          %dma_wait3A_451 = tpu.memref_slice %arg6[%add3A_387] : memref<163840xi32, #tpu.memory_space<hbm>> -> memref<128xi32, #tpu.memory_space<hbm>>
          tpu.wait_dma2 semaphore(%run_scoped3A_435 : memref<!tpu.dma_semaphore, #tpu.memory_space<semaphore_mem>>) src(%dma_wait3A_451 : memref<128xi32, #tpu.memory_space<hbm>>) dst(%dma_wait3A_450 : memref<128xi32, #tpu.memory_space<vmem>>)
          tpu.yield
        }) : () -> ()
        %dma_start3A_390 = arith.constant 0 : i32
        %dma_start3A_391 = arith.constant 0 : i32
        %dma_start3A_392 = arith.constant 0 : i32
        %dma_start3A_393 = arith.constant 0 : i32
        %dma_start3A_394 = arith.constant 0 : i32
        %dma_start3A_395 = tpu.memref_slice %arg15[%dma_start3A_391, %dma_start3A_393, %dma_start3A_394] : memref<2x128x64xf32, #tpu.memory_space<vmem>> -> memref<1x128x64xf32, #tpu.memory_space<vmem>>
        %dma_start3A_396 = tpu.memref_squeeze %dma_start3A_395 : memref<1x128x64xf32, #tpu.memory_space<vmem>> -> memref<128x64xf32, #tpu.memory_space<vmem>>
        %dma_start3A_397 = arith.constant 0 : i32
        %dma_start3A_398 = tpu.memref_slice %arg12[%dma_start3A_390, %dma_start3A_397] : memref<2x128xi32, #tpu.memory_space<vmem>> -> memref<1x128xi32, #tpu.memory_space<vmem>>
        %dma_start3A_399 = tpu.memref_squeeze %dma_start3A_398 : memref<1x128xi32, #tpu.memory_space<vmem>> -> memref<128xi32, #tpu.memory_space<vmem>>
        %dma_start3A_400 = arith.constant 0 : i32
        %dma_start3A_401 = arith.constant 0 : i32
        %dma_start3A_402 = tpu.memref_slice %arg2[%dma_start3A_400, %dma_start3A_401] : memref<10000x64xf32, #tpu.memory_space<hbm>> -> memref<10000x64xf32, #tpu.memory_space<hbm>>
        %dma_start3A_403 = tpu.memref_slice %arg23[%dma_start3A_392] : memref<2x!tpu.dma_semaphore, #tpu.memory_space<semaphore_mem>> -> memref<1x!tpu.dma_semaphore, #tpu.memory_space<semaphore_mem>>
        %dma_start3A_404 = tpu.memref_squeeze %dma_start3A_403 : memref<1x!tpu.dma_semaphore, #tpu.memory_space<semaphore_mem>> -> memref<!tpu.dma_semaphore, #tpu.memory_space<semaphore_mem>>
        tpu.enqueue_indirect_dma source(%dma_start3A_402 : memref<10000x64xf32, #tpu.memory_space<hbm>>) target(%dma_start3A_396 : memref<128x64xf32, #tpu.memory_space<vmem>>) offsets(%dma_start3A_399 : memref<128xi32, #tpu.memory_space<vmem>>) semaphore(%dma_start3A_404 : memref<!tpu.dma_semaphore, #tpu.memory_space<semaphore_mem>>)
        %dma_start3A_405 = arith.constant 0 : i32
        %dma_start3A_406 = arith.constant 0 : i32
        %dma_start3A_407 = arith.constant 0 : i32
        %dma_start3A_408 = arith.constant 0 : i32
        %dma_start3A_409 = arith.constant 0 : i32
        %dma_start3A_410 = tpu.memref_slice %arg16[%dma_start3A_406, %dma_start3A_408, %dma_start3A_409] : memref<2x128x16xf32, #tpu.memory_space<vmem>> -> memref<1x128x16xf32, #tpu.memory_space<vmem>>
        %dma_start3A_411 = tpu.memref_squeeze %dma_start3A_410 : memref<1x128x16xf32, #tpu.memory_space<vmem>> -> memref<128x16xf32, #tpu.memory_space<vmem>>
        %dma_start3A_412 = arith.constant 0 : i32
        %dma_start3A_413 = tpu.memref_slice %arg12[%dma_start3A_405, %dma_start3A_412] : memref<2x128xi32, #tpu.memory_space<vmem>> -> memref<1x128xi32, #tpu.memory_space<vmem>>
        %dma_start3A_414 = tpu.memref_squeeze %dma_start3A_413 : memref<1x128xi32, #tpu.memory_space<vmem>> -> memref<128xi32, #tpu.memory_space<vmem>>
        %dma_start3A_415 = arith.constant 0 : i32
        %dma_start3A_416 = arith.constant 0 : i32
        %dma_start3A_417 = tpu.memref_slice %arg3[%dma_start3A_415, %dma_start3A_416] : memref<10000x16xf32, #tpu.memory_space<hbm>> -> memref<10000x16xf32, #tpu.memory_space<hbm>>
        %dma_start3A_418 = tpu.memref_slice %arg23[%dma_start3A_407] : memref<2x!tpu.dma_semaphore, #tpu.memory_space<semaphore_mem>> -> memref<1x!tpu.dma_semaphore, #tpu.memory_space<semaphore_mem>>
        %dma_start3A_419 = tpu.memref_squeeze %dma_start3A_418 : memref<1x!tpu.dma_semaphore, #tpu.memory_space<semaphore_mem>> -> memref<!tpu.dma_semaphore, #tpu.memory_space<semaphore_mem>>
        tpu.enqueue_indirect_dma source(%dma_start3A_417 : memref<10000x16xf32, #tpu.memory_space<hbm>>) target(%dma_start3A_411 : memref<128x16xf32, #tpu.memory_space<vmem>>) offsets(%dma_start3A_414 : memref<128xi32, #tpu.memory_space<vmem>>) semaphore(%dma_start3A_419 : memref<!tpu.dma_semaphore, #tpu.memory_space<semaphore_mem>>)
        %dma_start3A_420 = arith.constant 0 : i32
        %dma_start3A_421 = arith.constant 0 : i32
        %dma_start3A_422 = arith.constant 0 : i32
        %dma_start3A_423 = arith.constant 0 : i32
        %dma_start3A_424 = arith.constant 0 : i32
        %dma_start3A_425 = tpu.memref_slice %arg17[%dma_start3A_421, %dma_start3A_423, %dma_start3A_424] : memref<2x128x16xf32, #tpu.memory_space<vmem>> -> memref<1x128x16xf32, #tpu.memory_space<vmem>>
        %dma_start3A_426 = tpu.memref_squeeze %dma_start3A_425 : memref<1x128x16xf32, #tpu.memory_space<vmem>> -> memref<128x16xf32, #tpu.memory_space<vmem>>
        %dma_start3A_427 = arith.constant 0 : i32
        %dma_start3A_428 = tpu.memref_slice %arg13[%dma_start3A_420, %dma_start3A_427] : memref<2x128xi32, #tpu.memory_space<vmem>> -> memref<1x128xi32, #tpu.memory_space<vmem>>
        %dma_start3A_429 = tpu.memref_squeeze %dma_start3A_428 : memref<1x128xi32, #tpu.memory_space<vmem>> -> memref<128xi32, #tpu.memory_space<vmem>>
        %dma_start3A_430 = arith.constant 0 : i32
        %dma_start3A_431 = arith.constant 0 : i32
        %dma_start3A_432 = tpu.memref_slice %arg4[%dma_start3A_430, %dma_start3A_431] : memref<10000x16xf32, #tpu.memory_space<hbm>> -> memref<10000x16xf32, #tpu.memory_space<hbm>>
        %dma_start3A_433 = tpu.memref_slice %arg23[%dma_start3A_422] : memref<2x!tpu.dma_semaphore, #tpu.memory_space<semaphore_mem>> -> memref<1x!tpu.dma_semaphore, #tpu.memory_space<semaphore_mem>>
        %dma_start3A_434 = tpu.memref_squeeze %dma_start3A_433 : memref<1x!tpu.dma_semaphore, #tpu.memory_space<semaphore_mem>> -> memref<!tpu.dma_semaphore, #tpu.memory_space<semaphore_mem>>
        tpu.enqueue_indirect_dma source(%dma_start3A_432 : memref<10000x16xf32, #tpu.memory_space<hbm>>) target(%dma_start3A_426 : memref<128x16xf32, #tpu.memory_space<vmem>>) offsets(%dma_start3A_429 : memref<128xi32, #tpu.memory_space<vmem>>) semaphore(%dma_start3A_434 : memref<!tpu.dma_semaphore, #tpu.memory_space<semaphore_mem>>)
      } else {
      }
      %dma_wait3A_285 = arith.constant 1 : i32
      %dma_wait3A_286 = arith.constant 1 : i32
      %dma_wait3A_287 = arith.constant 1 : i32
      %dma_wait3A_288 = arith.constant 0 : i32
      %dma_wait3A_289 = arith.constant 0 : i32
      %dma_wait3A_290 = tpu.memref_slice %arg15[%dma_wait3A_286, %dma_wait3A_288, %dma_wait3A_289] : memref<2x128x64xf32, #tpu.memory_space<vmem>> -> memref<1x128x64xf32, #tpu.memory_space<vmem>>
      %dma_wait3A_291 = tpu.memref_squeeze %dma_wait3A_290 : memref<1x128x64xf32, #tpu.memory_space<vmem>> -> memref<128x64xf32, #tpu.memory_space<vmem>>
      %dma_wait3A_292 = arith.constant 0 : i32
      %dma_wait3A_293 = tpu.memref_slice %arg12[%dma_wait3A_285, %dma_wait3A_292] : memref<2x128xi32, #tpu.memory_space<vmem>> -> memref<1x128xi32, #tpu.memory_space<vmem>>
      %dma_wait3A_294 = tpu.memref_squeeze %dma_wait3A_293 : memref<1x128xi32, #tpu.memory_space<vmem>> -> memref<128xi32, #tpu.memory_space<vmem>>
      %dma_wait3A_295 = arith.constant 0 : i32
      %dma_wait3A_296 = arith.constant 0 : i32
      %dma_wait3A_297 = tpu.memref_slice %arg2[%dma_wait3A_295, %dma_wait3A_296] : memref<10000x64xf32, #tpu.memory_space<hbm>> -> memref<10000x64xf32, #tpu.memory_space<hbm>>
      %dma_wait3A_298 = tpu.memref_slice %arg23[%dma_wait3A_287] : memref<2x!tpu.dma_semaphore, #tpu.memory_space<semaphore_mem>> -> memref<1x!tpu.dma_semaphore, #tpu.memory_space<semaphore_mem>>
      %dma_wait3A_299 = tpu.memref_squeeze %dma_wait3A_298 : memref<1x!tpu.dma_semaphore, #tpu.memory_space<semaphore_mem>> -> memref<!tpu.dma_semaphore, #tpu.memory_space<semaphore_mem>>
      tpu.wait_indirect_dma semaphore(%dma_wait3A_299 : memref<!tpu.dma_semaphore, #tpu.memory_space<semaphore_mem>>) src(%dma_wait3A_297 : memref<10000x64xf32, #tpu.memory_space<hbm>>) dst(%dma_wait3A_291 : memref<128x64xf32, #tpu.memory_space<vmem>>)
      %dma_wait3A_300 = arith.constant 1 : i32
      %dma_wait3A_301 = arith.constant 1 : i32
      %dma_wait3A_302 = arith.constant 1 : i32
      %dma_wait3A_303 = arith.constant 0 : i32
      %dma_wait3A_304 = arith.constant 0 : i32
      %dma_wait3A_305 = tpu.memref_slice %arg16[%dma_wait3A_301, %dma_wait3A_303, %dma_wait3A_304] : memref<2x128x16xf32, #tpu.memory_space<vmem>> -> memref<1x128x16xf32, #tpu.memory_space<vmem>>
      %dma_wait3A_306 = tpu.memref_squeeze %dma_wait3A_305 : memref<1x128x16xf32, #tpu.memory_space<vmem>> -> memref<128x16xf32, #tpu.memory_space<vmem>>
      %dma_wait3A_307 = arith.constant 0 : i32
      %dma_wait3A_308 = tpu.memref_slice %arg12[%dma_wait3A_300, %dma_wait3A_307] : memref<2x128xi32, #tpu.memory_space<vmem>> -> memref<1x128xi32, #tpu.memory_space<vmem>>
      %dma_wait3A_309 = tpu.memref_squeeze %dma_wait3A_308 : memref<1x128xi32, #tpu.memory_space<vmem>> -> memref<128xi32, #tpu.memory_space<vmem>>
      %dma_wait3A_310 = arith.constant 0 : i32
      %dma_wait3A_311 = arith.constant 0 : i32
      %dma_wait3A_312 = tpu.memref_slice %arg3[%dma_wait3A_310, %dma_wait3A_311] : memref<10000x16xf32, #tpu.memory_space<hbm>> -> memref<10000x16xf32, #tpu.memory_space<hbm>>
      %dma_wait3A_313 = tpu.memref_slice %arg23[%dma_wait3A_302] : memref<2x!tpu.dma_semaphore, #tpu.memory_space<semaphore_mem>> -> memref<1x!tpu.dma_semaphore, #tpu.memory_space<semaphore_mem>>
      %dma_wait3A_314 = tpu.memref_squeeze %dma_wait3A_313 : memref<1x!tpu.dma_semaphore, #tpu.memory_space<semaphore_mem>> -> memref<!tpu.dma_semaphore, #tpu.memory_space<semaphore_mem>>
      tpu.wait_indirect_dma semaphore(%dma_wait3A_314 : memref<!tpu.dma_semaphore, #tpu.memory_space<semaphore_mem>>) src(%dma_wait3A_312 : memref<10000x16xf32, #tpu.memory_space<hbm>>) dst(%dma_wait3A_306 : memref<128x16xf32, #tpu.memory_space<vmem>>)
      %dma_wait3A_315 = arith.constant 1 : i32
      %dma_wait3A_316 = arith.constant 1 : i32
      %dma_wait3A_317 = arith.constant 1 : i32
      %dma_wait3A_318 = arith.constant 0 : i32
      %dma_wait3A_319 = arith.constant 0 : i32
      %dma_wait3A_320 = tpu.memref_slice %arg17[%dma_wait3A_316, %dma_wait3A_318, %dma_wait3A_319] : memref<2x128x16xf32, #tpu.memory_space<vmem>> -> memref<1x128x16xf32, #tpu.memory_space<vmem>>
      %dma_wait3A_321 = tpu.memref_squeeze %dma_wait3A_320 : memref<1x128x16xf32, #tpu.memory_space<vmem>> -> memref<128x16xf32, #tpu.memory_space<vmem>>
      %dma_wait3A_322 = arith.constant 0 : i32
      %dma_wait3A_323 = tpu.memref_slice %arg13[%dma_wait3A_315, %dma_wait3A_322] : memref<2x128xi32, #tpu.memory_space<vmem>> -> memref<1x128xi32, #tpu.memory_space<vmem>>
      %dma_wait3A_324 = tpu.memref_squeeze %dma_wait3A_323 : memref<1x128xi32, #tpu.memory_space<vmem>> -> memref<128xi32, #tpu.memory_space<vmem>>
      %dma_wait3A_325 = arith.constant 0 : i32
      %dma_wait3A_326 = arith.constant 0 : i32
      %dma_wait3A_327 = tpu.memref_slice %arg4[%dma_wait3A_325, %dma_wait3A_326] : memref<10000x16xf32, #tpu.memory_space<hbm>> -> memref<10000x16xf32, #tpu.memory_space<hbm>>
      %dma_wait3A_328 = tpu.memref_slice %arg23[%dma_wait3A_317] : memref<2x!tpu.dma_semaphore, #tpu.memory_space<semaphore_mem>> -> memref<1x!tpu.dma_semaphore, #tpu.memory_space<semaphore_mem>>
      %dma_wait3A_329 = tpu.memref_squeeze %dma_wait3A_328 : memref<1x!tpu.dma_semaphore, #tpu.memory_space<semaphore_mem>> -> memref<!tpu.dma_semaphore, #tpu.memory_space<semaphore_mem>>
      tpu.wait_indirect_dma semaphore(%dma_wait3A_329 : memref<!tpu.dma_semaphore, #tpu.memory_space<semaphore_mem>>) src(%dma_wait3A_327 : memref<10000x16xf32, #tpu.memory_space<hbm>>) dst(%dma_wait3A_321 : memref<128x16xf32, #tpu.memory_space<vmem>>)
      %gt3A_330 = arith.constant 0 : i32
      %gt3A_331 = arith.cmpi sgt, %scan3A_134, %gt3A_330 : i32
      %convert_element_type3A_332 = arith.extui %gt3A_331 : i1 to i32
      %cond3A_333 = arith.constant 0 : i32
      %cond3A_334 = arith.cmpi ne, %convert_element_type3A_332, %cond3A_333 : i32
      scf.if %cond3A_334 {
        %dma_wait3A_381 = arith.constant 1 : i32
        %dma_wait3A_382 = arith.constant 1 : i32
        %dma_wait3A_383 = arith.constant 1 : i32
        %dma_wait3A_384 = arith.constant 0 : i32
        %dma_wait3A_385 = arith.constant 0 : i32
        %dma_wait3A_386 = tpu.memref_slice %arg18[%dma_wait3A_381, %dma_wait3A_384, %dma_wait3A_385] : memref<2x128x64xf32, #tpu.memory_space<vmem>> -> memref<1x128x64xf32, #tpu.memory_space<vmem>>
        %dma_wait3A_387 = tpu.memref_squeeze %dma_wait3A_386 : memref<1x128x64xf32, #tpu.memory_space<vmem>> -> memref<128x64xf32, #tpu.memory_space<vmem>>
        %dma_wait3A_388 = arith.constant 0 : i32
        %dma_wait3A_389 = tpu.memref_slice %arg14[%dma_wait3A_382, %dma_wait3A_388] : memref<2x128xi32, #tpu.memory_space<vmem>> -> memref<1x128xi32, #tpu.memory_space<vmem>>
        %dma_wait3A_390 = tpu.memref_squeeze %dma_wait3A_389 : memref<1x128xi32, #tpu.memory_space<vmem>> -> memref<128xi32, #tpu.memory_space<vmem>>
        %dma_wait3A_391 = arith.constant 0 : i32
        %dma_wait3A_392 = arith.constant 0 : i32
        %dma_wait3A_393 = tpu.memref_slice %arg21[%dma_wait3A_391, %dma_wait3A_392] : memref<10112x64xf32, #tpu.memory_space<vmem_shared>> -> memref<10112x64xf32, #tpu.memory_space<vmem_shared>>
        %dma_wait3A_394 = tpu.memref_slice %arg24[%dma_wait3A_383] : memref<2x!tpu.dma_semaphore, #tpu.memory_space<semaphore_mem>> -> memref<1x!tpu.dma_semaphore, #tpu.memory_space<semaphore_mem>>
        %dma_wait3A_395 = tpu.memref_squeeze %dma_wait3A_394 : memref<1x!tpu.dma_semaphore, #tpu.memory_space<semaphore_mem>> -> memref<!tpu.dma_semaphore, #tpu.memory_space<semaphore_mem>>
        tpu.wait_indirect_dma semaphore(%dma_wait3A_395 : memref<!tpu.dma_semaphore, #tpu.memory_space<semaphore_mem>>) src(%dma_wait3A_387 : memref<128x64xf32, #tpu.memory_space<vmem>>) dst(%dma_wait3A_393 : memref<10112x64xf32, #tpu.memory_space<vmem_shared>>)
        %dma_wait3A_396 = arith.constant 1 : i32
        %dma_wait3A_397 = arith.constant 1 : i32
        %dma_wait3A_398 = arith.constant 1 : i32
        %dma_wait3A_399 = arith.constant 0 : i32
        %dma_wait3A_400 = arith.constant 0 : i32
        %dma_wait3A_401 = tpu.memref_slice %arg19[%dma_wait3A_396, %dma_wait3A_399, %dma_wait3A_400] : memref<2x128x16xf32, #tpu.memory_space<vmem>> -> memref<1x128x16xf32, #tpu.memory_space<vmem>>
        %dma_wait3A_402 = tpu.memref_squeeze %dma_wait3A_401 : memref<1x128x16xf32, #tpu.memory_space<vmem>> -> memref<128x16xf32, #tpu.memory_space<vmem>>
        %dma_wait3A_403 = arith.constant 0 : i32
        %dma_wait3A_404 = tpu.memref_slice %arg14[%dma_wait3A_397, %dma_wait3A_403] : memref<2x128xi32, #tpu.memory_space<vmem>> -> memref<1x128xi32, #tpu.memory_space<vmem>>
        %dma_wait3A_405 = tpu.memref_squeeze %dma_wait3A_404 : memref<1x128xi32, #tpu.memory_space<vmem>> -> memref<128xi32, #tpu.memory_space<vmem>>
        %dma_wait3A_406 = arith.constant 0 : i32
        %dma_wait3A_407 = arith.constant 0 : i32
        %dma_wait3A_408 = tpu.memref_slice %arg22[%dma_wait3A_406, %dma_wait3A_407] : memref<10112x16xf32, #tpu.memory_space<vmem_shared>> -> memref<10112x16xf32, #tpu.memory_space<vmem_shared>>
        %dma_wait3A_409 = tpu.memref_slice %arg24[%dma_wait3A_398] : memref<2x!tpu.dma_semaphore, #tpu.memory_space<semaphore_mem>> -> memref<1x!tpu.dma_semaphore, #tpu.memory_space<semaphore_mem>>
        %dma_wait3A_410 = tpu.memref_squeeze %dma_wait3A_409 : memref<1x!tpu.dma_semaphore, #tpu.memory_space<semaphore_mem>> -> memref<!tpu.dma_semaphore, #tpu.memory_space<semaphore_mem>>
        tpu.wait_indirect_dma semaphore(%dma_wait3A_410 : memref<!tpu.dma_semaphore, #tpu.memory_space<semaphore_mem>>) src(%dma_wait3A_402 : memref<128x16xf32, #tpu.memory_space<vmem>>) dst(%dma_wait3A_408 : memref<10112x16xf32, #tpu.memory_space<vmem_shared>>)
      } else {
      }
      %mul3A_335 = arith.constant 5120 : i32
      %mul3A_336 = arith.muli %add3A, %mul3A_335 : i32
      %add3A_337 = arith.constant 1 : i32
      %add3A_338 = arith.addi %mul3A_136, %add3A_337 : i32
      %mul3A_339 = arith.constant 128 : i32
      %mul3A_340 = arith.muli %add3A_338, %mul3A_339 : i32
      %add3A_341 = arith.addi %mul3A_336, %mul3A_340 : i32
      %run_scoped3A_342 = arith.constant 1 : i32
      "tpu.region"() ({
        %run_scoped3A_381 = tpu.sem_alloc : memref<!tpu.dma_semaphore, #tpu.memory_space<semaphore_mem>>
        %dma_start3A_382 = arith.constant 0 : i32
        %dma_start3A_383 = tpu.memref_slice %arg14[%run_scoped3A_342, %dma_start3A_382] : memref<2x128xi32, #tpu.memory_space<vmem>> -> memref<1x128xi32, #tpu.memory_space<vmem>>
        %dma_start3A_384 = tpu.memref_squeeze %dma_start3A_383 : memref<1x128xi32, #tpu.memory_space<vmem>> -> memref<128xi32, #tpu.memory_space<vmem>>
        %dma_start3A_385 = tpu.memref_slice %arg6[%add3A_341] : memref<163840xi32, #tpu.memory_space<hbm>> -> memref<128xi32, #tpu.memory_space<hbm>>
        %dma_start3A_386 = arith.constant 0 : i32
        %dma_start3A_387 = tpu.memref_slice %arg14[%run_scoped3A_342, %dma_start3A_386] : memref<2x128xi32, #tpu.memory_space<vmem>> -> memref<1x128xi32, #tpu.memory_space<vmem>>
        %dma_start3A_388 = tpu.memref_squeeze %dma_start3A_387 : memref<1x128xi32, #tpu.memory_space<vmem>> -> memref<128xi32, #tpu.memory_space<vmem>>
        %dma_start3A_389 = tpu.memref_slice %arg6[%add3A_341] : memref<163840xi32, #tpu.memory_space<hbm>> -> memref<128xi32, #tpu.memory_space<hbm>>
        tpu.enqueue_dma source(%dma_start3A_389 : memref<128xi32, #tpu.memory_space<hbm>>) target(%dma_start3A_388 : memref<128xi32, #tpu.memory_space<vmem>>) target_semaphore(%run_scoped3A_381 : memref<!tpu.dma_semaphore, #tpu.memory_space<semaphore_mem>>)
        %dma_wait3A_390 = arith.constant 0 : i32
        %dma_wait3A_391 = tpu.memref_slice %arg14[%run_scoped3A_342, %dma_wait3A_390] : memref<2x128xi32, #tpu.memory_space<vmem>> -> memref<1x128xi32, #tpu.memory_space<vmem>>
        %dma_wait3A_392 = tpu.memref_squeeze %dma_wait3A_391 : memref<1x128xi32, #tpu.memory_space<vmem>> -> memref<128xi32, #tpu.memory_space<vmem>>
        %dma_wait3A_393 = tpu.memref_slice %arg6[%add3A_341] : memref<163840xi32, #tpu.memory_space<hbm>> -> memref<128xi32, #tpu.memory_space<hbm>>
        %dma_wait3A_394 = arith.constant 0 : i32
        %dma_wait3A_395 = tpu.memref_slice %arg14[%run_scoped3A_342, %dma_wait3A_394] : memref<2x128xi32, #tpu.memory_space<vmem>> -> memref<1x128xi32, #tpu.memory_space<vmem>>
        %dma_wait3A_396 = tpu.memref_squeeze %dma_wait3A_395 : memref<1x128xi32, #tpu.memory_space<vmem>> -> memref<128xi32, #tpu.memory_space<vmem>>
        %dma_wait3A_397 = tpu.memref_slice %arg6[%add3A_341] : memref<163840xi32, #tpu.memory_space<hbm>> -> memref<128xi32, #tpu.memory_space<hbm>>
        tpu.wait_dma2 semaphore(%run_scoped3A_381 : memref<!tpu.dma_semaphore, #tpu.memory_space<semaphore_mem>>) src(%dma_wait3A_397 : memref<128xi32, #tpu.memory_space<hbm>>) dst(%dma_wait3A_396 : memref<128xi32, #tpu.memory_space<vmem>>)
        tpu.yield
      }) : () -> ()
      %parallel_loop3A_343 = arith.constant 0 : i32
      %parallel_loop3A_344 = arith.constant 128 : i32
      %parallel_loop3A_345 = arith.constant 1 : i32
      %parallel_loop3A_346 = arith.constant 1 : i32
      %parallel_loop3A_347 = arith.constant 1 : i32
      %parallel_loop3A_348 = arith.constant 1 : i32
      %parallel_loop3A_349 = arith.constant 1 : i32
      %parallel_loop3A_350 = arith.constant 1 : i32
      scf.for %parallel_loop3A_381 = %parallel_loop3A_343 to %parallel_loop3A_344 step %parallel_loop3A_345  : i32 {
        %parallel_loop3A_382 = arith.constant 0 : i32
        %parallel_loop3A_383 = arith.constant 0 : i32
        %parallel_loop3A_384 = tpu.memref_slice %arg16[%parallel_loop3A_346, %parallel_loop3A_382, %parallel_loop3A_383] : memref<2x128x16xf32, #tpu.memory_space<vmem>> -> memref<1x128x16xf32, #tpu.memory_space<vmem>>
        %parallel_loop3A_385 = tpu.memref_squeeze %parallel_loop3A_384 : memref<1x128x16xf32, #tpu.memory_space<vmem>> -> memref<128x16xf32, #tpu.memory_space<vmem>>
        %parallel_loop3A_386 = arith.index_cast %parallel_loop3A_381 : i32 to index
        %parallel_loop3A_387 = arith.constant 0 : index
        %parallel_loop3A_388 = tpu.vector_load %parallel_loop3A_385[%parallel_loop3A_386, %parallel_loop3A_387] {strides = array<i32>} : memref<128x16xf32, #tpu.memory_space<vmem>>, vector<16xf32>,
        %parallel_loop3A_389 = arith.constant 0 : i32
        %parallel_loop3A_390 = arith.constant 0 : i32
        %parallel_loop3A_391 = tpu.memref_slice %arg17[%parallel_loop3A_347, %parallel_loop3A_389, %parallel_loop3A_390] : memref<2x128x16xf32, #tpu.memory_space<vmem>> -> memref<1x128x16xf32, #tpu.memory_space<vmem>>
        %parallel_loop3A_392 = tpu.memref_squeeze %parallel_loop3A_391 : memref<1x128x16xf32, #tpu.memory_space<vmem>> -> memref<128x16xf32, #tpu.memory_space<vmem>>
        %parallel_loop3A_393 = arith.index_cast %parallel_loop3A_381 : i32 to index
        %parallel_loop3A_394 = arith.constant 0 : index
        %parallel_loop3A_395 = tpu.vector_load %parallel_loop3A_392[%parallel_loop3A_393, %parallel_loop3A_394] {strides = array<i32>} : memref<128x16xf32, #tpu.memory_space<vmem>>, vector<16xf32>,
        %parallel_loop3A_396 = arith.addf %parallel_loop3A_388, %parallel_loop3A_395 : vector<16xf32>
        %parallel_loop3A_397 = arith.constant 0.000000e+00 : f32
        %parallel_loop3A_398 = vector.broadcast %parallel_loop3A_397 : f32 to vector<16xf32>
        %parallel_loop3A_399 = arith.cmpf oge, %parallel_loop3A_396, %parallel_loop3A_398 : vector<16xf32>
        %parallel_loop3A_400 = arith.constant 2.000000e-01 : f32
        %parallel_loop3A_401 = vector.broadcast %parallel_loop3A_400 : f32 to vector<16xf32>
        %parallel_loop3A_402 = arith.mulf %parallel_loop3A_401, %parallel_loop3A_396 : vector<16xf32>
        %parallel_loop3A_403 = arith.select %parallel_loop3A_399, %parallel_loop3A_396, %parallel_loop3A_402 : vector<16xi1>, vector<16xf32>
        %parallel_loop3A_404 = arith.subf %parallel_loop3A_403, %get3A_9 : vector<16xf32>
        %parallel_loop3A_405 = math.exp %parallel_loop3A_404 : vector<16xf32>
        %parallel_loop3A_406 = arith.constant 0 : i32
        %parallel_loop3A_407 = arith.constant 0 : i32
        %parallel_loop3A_408 = tpu.memref_slice %arg19[%parallel_loop3A_348, %parallel_loop3A_406, %parallel_loop3A_407] : memref<2x128x16xf32, #tpu.memory_space<vmem>> -> memref<1x128x16xf32, #tpu.memory_space<vmem>>
        %parallel_loop3A_409 = tpu.memref_squeeze %parallel_loop3A_408 : memref<1x128x16xf32, #tpu.memory_space<vmem>> -> memref<128x16xf32, #tpu.memory_space<vmem>>
        %parallel_loop3A_410 = arith.index_cast %parallel_loop3A_381 : i32 to index
        %parallel_loop3A_411 = arith.constant 0 : index
        %parallel_loop3A_412 = tpu.vector_load %parallel_loop3A_409[%parallel_loop3A_410, %parallel_loop3A_411] {strides = array<i32>} : memref<128x16xf32, #tpu.memory_space<vmem>>, vector<16xf32>,
        tpu.vector_store %parallel_loop3A_409[%parallel_loop3A_410, %parallel_loop3A_411], %parallel_loop3A_405 {strides = array<i32>} : memref<128x16xf32, #tpu.memory_space<vmem>>, vector<16xf32>,
        %parallel_loop3A_413 = arith.constant 0 : i32
        %parallel_loop3A_414 = arith.constant 0 : i32
        %parallel_loop3A_415 = tpu.memref_slice %arg15[%parallel_loop3A_349, %parallel_loop3A_413, %parallel_loop3A_414] : memref<2x128x64xf32, #tpu.memory_space<vmem>> -> memref<1x128x64xf32, #tpu.memory_space<vmem>>
        %parallel_loop3A_416 = tpu.memref_squeeze %parallel_loop3A_415 : memref<1x128x64xf32, #tpu.memory_space<vmem>> -> memref<128x64xf32, #tpu.memory_space<vmem>>
        %parallel_loop3A_417 = arith.index_cast %parallel_loop3A_381 : i32 to index
        %parallel_loop3A_418 = arith.constant 0 : index
        %parallel_loop3A_419 = tpu.vector_load %parallel_loop3A_416[%parallel_loop3A_417, %parallel_loop3A_418] {strides = array<i32>} : memref<128x64xf32, #tpu.memory_space<vmem>>, vector<16xf32>,
        %parallel_loop3A_420 = arith.mulf %parallel_loop3A_419, %parallel_loop3A_405 : vector<16xf32>
        %parallel_loop3A_421 = arith.constant 0 : i32
        %parallel_loop3A_422 = arith.constant 0 : i32
        %parallel_loop3A_423 = tpu.memref_slice %arg18[%parallel_loop3A_350, %parallel_loop3A_421, %parallel_loop3A_422] : memref<2x128x64xf32, #tpu.memory_space<vmem>> -> memref<1x128x64xf32, #tpu.memory_space<vmem>>
        %parallel_loop3A_424 = tpu.memref_squeeze %parallel_loop3A_423 : memref<1x128x64xf32, #tpu.memory_space<vmem>> -> memref<128x64xf32, #tpu.memory_space<vmem>>
        %parallel_loop3A_425 = arith.index_cast %parallel_loop3A_381 : i32 to index
        %parallel_loop3A_426 = arith.constant 0 : index
        %parallel_loop3A_427 = tpu.vector_load %parallel_loop3A_424[%parallel_loop3A_425, %parallel_loop3A_426] {strides = array<i32>} : memref<128x64xf32, #tpu.memory_space<vmem>>, vector<16xf32>,
        tpu.vector_store %parallel_loop3A_424[%parallel_loop3A_425, %parallel_loop3A_426], %parallel_loop3A_420 {strides = array<i32>} : memref<128x64xf32, #tpu.memory_space<vmem>>, vector<16xf32>,
        %parallel_loop3A_428 = arith.constant 0 : i32
        %parallel_loop3A_429 = arith.constant 0 : i32
        %parallel_loop3A_430 = tpu.memref_slice %arg15[%parallel_loop3A_349, %parallel_loop3A_428, %parallel_loop3A_429] : memref<2x128x64xf32, #tpu.memory_space<vmem>> -> memref<1x128x64xf32, #tpu.memory_space<vmem>>
        %parallel_loop3A_431 = tpu.memref_squeeze %parallel_loop3A_430 : memref<1x128x64xf32, #tpu.memory_space<vmem>> -> memref<128x64xf32, #tpu.memory_space<vmem>>
        %parallel_loop3A_432 = arith.index_cast %parallel_loop3A_381 : i32 to index
        %parallel_loop3A_433 = arith.constant 16 : index
        %parallel_loop3A_434 = tpu.vector_load %parallel_loop3A_431[%parallel_loop3A_432, %parallel_loop3A_433] {strides = array<i32>} : memref<128x64xf32, #tpu.memory_space<vmem>>, vector<16xf32>,
        %parallel_loop3A_435 = arith.mulf %parallel_loop3A_434, %parallel_loop3A_405 : vector<16xf32>
        %parallel_loop3A_436 = arith.constant 0 : i32
        %parallel_loop3A_437 = arith.constant 0 : i32
        %parallel_loop3A_438 = tpu.memref_slice %arg18[%parallel_loop3A_350, %parallel_loop3A_436, %parallel_loop3A_437] : memref<2x128x64xf32, #tpu.memory_space<vmem>> -> memref<1x128x64xf32, #tpu.memory_space<vmem>>
        %parallel_loop3A_439 = tpu.memref_squeeze %parallel_loop3A_438 : memref<1x128x64xf32, #tpu.memory_space<vmem>> -> memref<128x64xf32, #tpu.memory_space<vmem>>
        %parallel_loop3A_440 = arith.index_cast %parallel_loop3A_381 : i32 to index
        %parallel_loop3A_441 = arith.constant 16 : index
        %parallel_loop3A_442 = tpu.vector_load %parallel_loop3A_439[%parallel_loop3A_440, %parallel_loop3A_441] {strides = array<i32>} : memref<128x64xf32, #tpu.memory_space<vmem>>, vector<16xf32>,
        tpu.vector_store %parallel_loop3A_439[%parallel_loop3A_440, %parallel_loop3A_441], %parallel_loop3A_435 {strides = array<i32>} : memref<128x64xf32, #tpu.memory_space<vmem>>, vector<16xf32>,
        %parallel_loop3A_443 = arith.constant 0 : i32
        %parallel_loop3A_444 = arith.constant 0 : i32
        %parallel_loop3A_445 = tpu.memref_slice %arg15[%parallel_loop3A_349, %parallel_loop3A_443, %parallel_loop3A_444] : memref<2x128x64xf32, #tpu.memory_space<vmem>> -> memref<1x128x64xf32, #tpu.memory_space<vmem>>
        %parallel_loop3A_446 = tpu.memref_squeeze %parallel_loop3A_445 : memref<1x128x64xf32, #tpu.memory_space<vmem>> -> memref<128x64xf32, #tpu.memory_space<vmem>>
        %parallel_loop3A_447 = arith.index_cast %parallel_loop3A_381 : i32 to index
        %parallel_loop3A_448 = arith.constant 32 : index
        %parallel_loop3A_449 = tpu.vector_load %parallel_loop3A_446[%parallel_loop3A_447, %parallel_loop3A_448] {strides = array<i32>} : memref<128x64xf32, #tpu.memory_space<vmem>>, vector<16xf32>,
        %parallel_loop3A_450 = arith.mulf %parallel_loop3A_449, %parallel_loop3A_405 : vector<16xf32>
        %parallel_loop3A_451 = arith.constant 0 : i32
        %parallel_loop3A_452 = arith.constant 0 : i32
        %parallel_loop3A_453 = tpu.memref_slice %arg18[%parallel_loop3A_350, %parallel_loop3A_451, %parallel_loop3A_452] : memref<2x128x64xf32, #tpu.memory_space<vmem>> -> memref<1x128x64xf32, #tpu.memory_space<vmem>>
        %parallel_loop3A_454 = tpu.memref_squeeze %parallel_loop3A_453 : memref<1x128x64xf32, #tpu.memory_space<vmem>> -> memref<128x64xf32, #tpu.memory_space<vmem>>
        %parallel_loop3A_455 = arith.index_cast %parallel_loop3A_381 : i32 to index
        %parallel_loop3A_456 = arith.constant 32 : index
        %parallel_loop3A_457 = tpu.vector_load %parallel_loop3A_454[%parallel_loop3A_455, %parallel_loop3A_456] {strides = array<i32>} : memref<128x64xf32, #tpu.memory_space<vmem>>, vector<16xf32>,
        tpu.vector_store %parallel_loop3A_454[%parallel_loop3A_455, %parallel_loop3A_456], %parallel_loop3A_450 {strides = array<i32>} : memref<128x64xf32, #tpu.memory_space<vmem>>, vector<16xf32>,
        %parallel_loop3A_458 = arith.constant 0 : i32
        %parallel_loop3A_459 = arith.constant 0 : i32
        %parallel_loop3A_460 = tpu.memref_slice %arg15[%parallel_loop3A_349, %parallel_loop3A_458, %parallel_loop3A_459] : memref<2x128x64xf32, #tpu.memory_space<vmem>> -> memref<1x128x64xf32, #tpu.memory_space<vmem>>
        %parallel_loop3A_461 = tpu.memref_squeeze %parallel_loop3A_460 : memref<1x128x64xf32, #tpu.memory_space<vmem>> -> memref<128x64xf32, #tpu.memory_space<vmem>>
        %parallel_loop3A_462 = arith.index_cast %parallel_loop3A_381 : i32 to index
        %parallel_loop3A_463 = arith.constant 48 : index
        %parallel_loop3A_464 = tpu.vector_load %parallel_loop3A_461[%parallel_loop3A_462, %parallel_loop3A_463] {strides = array<i32>} : memref<128x64xf32, #tpu.memory_space<vmem>>, vector<16xf32>,
        %parallel_loop3A_465 = arith.mulf %parallel_loop3A_464, %parallel_loop3A_405 : vector<16xf32>
        %parallel_loop3A_466 = arith.constant 0 : i32
        %parallel_loop3A_467 = arith.constant 0 : i32
        %parallel_loop3A_468 = tpu.memref_slice %arg18[%parallel_loop3A_350, %parallel_loop3A_466, %parallel_loop3A_467] : memref<2x128x64xf32, #tpu.memory_space<vmem>> -> memref<1x128x64xf32, #tpu.memory_space<vmem>>
        %parallel_loop3A_469 = tpu.memref_squeeze %parallel_loop3A_468 : memref<1x128x64xf32, #tpu.memory_space<vmem>> -> memref<128x64xf32, #tpu.memory_space<vmem>>
        %parallel_loop3A_470 = arith.index_cast %parallel_loop3A_381 : i32 to index
        %parallel_loop3A_471 = arith.constant 48 : index
        %parallel_loop3A_472 = tpu.vector_load %parallel_loop3A_469[%parallel_loop3A_470, %parallel_loop3A_471] {strides = array<i32>} : memref<128x64xf32, #tpu.memory_space<vmem>>, vector<16xf32>,
        tpu.vector_store %parallel_loop3A_469[%parallel_loop3A_470, %parallel_loop3A_471], %parallel_loop3A_465 {strides = array<i32>} : memref<128x64xf32, #tpu.memory_space<vmem>>, vector<16xf32>,
      } {sc.loop_unroll_factor = 8 : i64, sc.parallel_access}
      %dma_start3A_351 = arith.constant 1 : i32
      %dma_start3A_352 = arith.constant 1 : i32
      %dma_start3A_353 = arith.constant 1 : i32
      %dma_start3A_354 = arith.constant 0 : i32
      %dma_start3A_355 = arith.constant 0 : i32
      %dma_start3A_356 = tpu.memref_slice %arg18[%dma_start3A_351, %dma_start3A_354, %dma_start3A_355] : memref<2x128x64xf32, #tpu.memory_space<vmem>> -> memref<1x128x64xf32, #tpu.memory_space<vmem>>
      %dma_start3A_357 = tpu.memref_squeeze %dma_start3A_356 : memref<1x128x64xf32, #tpu.memory_space<vmem>> -> memref<128x64xf32, #tpu.memory_space<vmem>>
      %dma_start3A_358 = arith.constant 0 : i32
      %dma_start3A_359 = tpu.memref_slice %arg14[%dma_start3A_352, %dma_start3A_358] : memref<2x128xi32, #tpu.memory_space<vmem>> -> memref<1x128xi32, #tpu.memory_space<vmem>>
      %dma_start3A_360 = tpu.memref_squeeze %dma_start3A_359 : memref<1x128xi32, #tpu.memory_space<vmem>> -> memref<128xi32, #tpu.memory_space<vmem>>
      %dma_start3A_361 = arith.constant 0 : i32
      %dma_start3A_362 = arith.constant 0 : i32
      %dma_start3A_363 = tpu.memref_slice %arg21[%dma_start3A_361, %dma_start3A_362] : memref<10112x64xf32, #tpu.memory_space<vmem_shared>> -> memref<10112x64xf32, #tpu.memory_space<vmem_shared>>
      %dma_start3A_364 = tpu.memref_slice %arg24[%dma_start3A_353] : memref<2x!tpu.dma_semaphore, #tpu.memory_space<semaphore_mem>> -> memref<1x!tpu.dma_semaphore, #tpu.memory_space<semaphore_mem>>
      %dma_start3A_365 = tpu.memref_squeeze %dma_start3A_364 : memref<1x!tpu.dma_semaphore, #tpu.memory_space<semaphore_mem>> -> memref<!tpu.dma_semaphore, #tpu.memory_space<semaphore_mem>>
      tpu.enqueue_indirect_dma source(%dma_start3A_357 : memref<128x64xf32, #tpu.memory_space<vmem>>) target(%dma_start3A_363 : memref<10112x64xf32, #tpu.memory_space<vmem_shared>>) offsets(%dma_start3A_360 : memref<128xi32, #tpu.memory_space<vmem>>) semaphore(%dma_start3A_365 : memref<!tpu.dma_semaphore, #tpu.memory_space<semaphore_mem>>) {add = true}
      %dma_start3A_366 = arith.constant 1 : i32
      %dma_start3A_367 = arith.constant 1 : i32
      %dma_start3A_368 = arith.constant 1 : i32
      %dma_start3A_369 = arith.constant 0 : i32
      %dma_start3A_370 = arith.constant 0 : i32
      %dma_start3A_371 = tpu.memref_slice %arg19[%dma_start3A_366, %dma_start3A_369, %dma_start3A_370] : memref<2x128x16xf32, #tpu.memory_space<vmem>> -> memref<1x128x16xf32, #tpu.memory_space<vmem>>
      %dma_start3A_372 = tpu.memref_squeeze %dma_start3A_371 : memref<1x128x16xf32, #tpu.memory_space<vmem>> -> memref<128x16xf32, #tpu.memory_space<vmem>>
      %dma_start3A_373 = arith.constant 0 : i32
      %dma_start3A_374 = tpu.memref_slice %arg14[%dma_start3A_367, %dma_start3A_373] : memref<2x128xi32, #tpu.memory_space<vmem>> -> memref<1x128xi32, #tpu.memory_space<vmem>>
      %dma_start3A_375 = tpu.memref_squeeze %dma_start3A_374 : memref<1x128xi32, #tpu.memory_space<vmem>> -> memref<128xi32, #tpu.memory_space<vmem>>
      %dma_start3A_376 = arith.constant 0 : i32
      %dma_start3A_377 = arith.constant 0 : i32
      %dma_start3A_378 = tpu.memref_slice %arg22[%dma_start3A_376, %dma_start3A_377] : memref<10112x16xf32, #tpu.memory_space<vmem_shared>> -> memref<10112x16xf32, #tpu.memory_space<vmem_shared>>
      %dma_start3A_379 = tpu.memref_slice %arg24[%dma_start3A_368] : memref<2x!tpu.dma_semaphore, #tpu.memory_space<semaphore_mem>> -> memref<1x!tpu.dma_semaphore, #tpu.memory_space<semaphore_mem>>
      %dma_start3A_380 = tpu.memref_squeeze %dma_start3A_379 : memref<1x!tpu.dma_semaphore, #tpu.memory_space<semaphore_mem>> -> memref<!tpu.dma_semaphore, #tpu.memory_space<semaphore_mem>>
      tpu.enqueue_indirect_dma source(%dma_start3A_372 : memref<128x16xf32, #tpu.memory_space<vmem>>) target(%dma_start3A_378 : memref<10112x16xf32, #tpu.memory_space<vmem_shared>>) offsets(%dma_start3A_375 : memref<128xi32, #tpu.memory_space<vmem>>) semaphore(%dma_start3A_380 : memref<!tpu.dma_semaphore, #tpu.memory_space<semaphore_mem>>) {add = true}
    }
    %scan3A_65 = arith.constant 20 : i32
    %dma_wait3A = arith.constant 0 : i32
    %dma_wait3A_66 = arith.constant 0 : i32
    %dma_wait3A_67 = arith.constant 0 : i32
    %dma_wait3A_68 = arith.constant 0 : i32
    %dma_wait3A_69 = arith.constant 0 : i32
    %dma_wait3A_70 = tpu.memref_slice %arg18[%dma_wait3A, %dma_wait3A_68, %dma_wait3A_69] : memref<2x128x64xf32, #tpu.memory_space<vmem>> -> memref<1x128x64xf32, #tpu.memory_space<vmem>>
    %dma_wait3A_71 = tpu.memref_squeeze %dma_wait3A_70 : memref<1x128x64xf32, #tpu.memory_space<vmem>> -> memref<128x64xf32, #tpu.memory_space<vmem>>
    %dma_wait3A_72 = arith.constant 0 : i32
    %dma_wait3A_73 = tpu.memref_slice %arg14[%dma_wait3A_66, %dma_wait3A_72] : memref<2x128xi32, #tpu.memory_space<vmem>> -> memref<1x128xi32, #tpu.memory_space<vmem>>
    %dma_wait3A_74 = tpu.memref_squeeze %dma_wait3A_73 : memref<1x128xi32, #tpu.memory_space<vmem>> -> memref<128xi32, #tpu.memory_space<vmem>>
    %dma_wait3A_75 = arith.constant 0 : i32
    %dma_wait3A_76 = arith.constant 0 : i32
    %dma_wait3A_77 = tpu.memref_slice %arg21[%dma_wait3A_75, %dma_wait3A_76] : memref<10112x64xf32, #tpu.memory_space<vmem_shared>> -> memref<10112x64xf32, #tpu.memory_space<vmem_shared>>
    %dma_wait3A_78 = tpu.memref_slice %arg24[%dma_wait3A_67] : memref<2x!tpu.dma_semaphore, #tpu.memory_space<semaphore_mem>> -> memref<1x!tpu.dma_semaphore, #tpu.memory_space<semaphore_mem>>
    %dma_wait3A_79 = tpu.memref_squeeze %dma_wait3A_78 : memref<1x!tpu.dma_semaphore, #tpu.memory_space<semaphore_mem>> -> memref<!tpu.dma_semaphore, #tpu.memory_space<semaphore_mem>>
    tpu.wait_indirect_dma semaphore(%dma_wait3A_79 : memref<!tpu.dma_semaphore, #tpu.memory_space<semaphore_mem>>) src(%dma_wait3A_71 : memref<128x64xf32, #tpu.memory_space<vmem>>) dst(%dma_wait3A_77 : memref<10112x64xf32, #tpu.memory_space<vmem_shared>>)
    %dma_wait3A_80 = arith.constant 0 : i32
    %dma_wait3A_81 = arith.constant 0 : i32
    %dma_wait3A_82 = arith.constant 0 : i32
    %dma_wait3A_83 = arith.constant 0 : i32
    %dma_wait3A_84 = arith.constant 0 : i32
    %dma_wait3A_85 = tpu.memref_slice %arg19[%dma_wait3A_80, %dma_wait3A_83, %dma_wait3A_84] : memref<2x128x16xf32, #tpu.memory_space<vmem>> -> memref<1x128x16xf32, #tpu.memory_space<vmem>>
    %dma_wait3A_86 = tpu.memref_squeeze %dma_wait3A_85 : memref<1x128x16xf32, #tpu.memory_space<vmem>> -> memref<128x16xf32, #tpu.memory_space<vmem>>
    %dma_wait3A_87 = arith.constant 0 : i32
    %dma_wait3A_88 = tpu.memref_slice %arg14[%dma_wait3A_81, %dma_wait3A_87] : memref<2x128xi32, #tpu.memory_space<vmem>> -> memref<1x128xi32, #tpu.memory_space<vmem>>
    %dma_wait3A_89 = tpu.memref_squeeze %dma_wait3A_88 : memref<1x128xi32, #tpu.memory_space<vmem>> -> memref<128xi32, #tpu.memory_space<vmem>>
    %dma_wait3A_90 = arith.constant 0 : i32
    %dma_wait3A_91 = arith.constant 0 : i32
    %dma_wait3A_92 = tpu.memref_slice %arg22[%dma_wait3A_90, %dma_wait3A_91] : memref<10112x16xf32, #tpu.memory_space<vmem_shared>> -> memref<10112x16xf32, #tpu.memory_space<vmem_shared>>
    %dma_wait3A_93 = tpu.memref_slice %arg24[%dma_wait3A_82] : memref<2x!tpu.dma_semaphore, #tpu.memory_space<semaphore_mem>> -> memref<1x!tpu.dma_semaphore, #tpu.memory_space<semaphore_mem>>
    %dma_wait3A_94 = tpu.memref_squeeze %dma_wait3A_93 : memref<1x!tpu.dma_semaphore, #tpu.memory_space<semaphore_mem>> -> memref<!tpu.dma_semaphore, #tpu.memory_space<semaphore_mem>>
    tpu.wait_indirect_dma semaphore(%dma_wait3A_94 : memref<!tpu.dma_semaphore, #tpu.memory_space<semaphore_mem>>) src(%dma_wait3A_86 : memref<128x16xf32, #tpu.memory_space<vmem>>) dst(%dma_wait3A_92 : memref<10112x16xf32, #tpu.memory_space<vmem_shared>>)
    %dma_wait3A_95 = arith.constant 1 : i32
    %dma_wait3A_96 = arith.constant 1 : i32
    %dma_wait3A_97 = arith.constant 1 : i32
    %dma_wait3A_98 = arith.constant 0 : i32
    %dma_wait3A_99 = arith.constant 0 : i32
    %dma_wait3A_100 = tpu.memref_slice %arg18[%dma_wait3A_95, %dma_wait3A_98, %dma_wait3A_99] : memref<2x128x64xf32, #tpu.memory_space<vmem>> -> memref<1x128x64xf32, #tpu.memory_space<vmem>>
    %dma_wait3A_101 = tpu.memref_squeeze %dma_wait3A_100 : memref<1x128x64xf32, #tpu.memory_space<vmem>> -> memref<128x64xf32, #tpu.memory_space<vmem>>
    %dma_wait3A_102 = arith.constant 0 : i32
    %dma_wait3A_103 = tpu.memref_slice %arg14[%dma_wait3A_96, %dma_wait3A_102] : memref<2x128xi32, #tpu.memory_space<vmem>> -> memref<1x128xi32, #tpu.memory_space<vmem>>
    %dma_wait3A_104 = tpu.memref_squeeze %dma_wait3A_103 : memref<1x128xi32, #tpu.memory_space<vmem>> -> memref<128xi32, #tpu.memory_space<vmem>>
    %dma_wait3A_105 = arith.constant 0 : i32
    %dma_wait3A_106 = arith.constant 0 : i32
    %dma_wait3A_107 = tpu.memref_slice %arg21[%dma_wait3A_105, %dma_wait3A_106] : memref<10112x64xf32, #tpu.memory_space<vmem_shared>> -> memref<10112x64xf32, #tpu.memory_space<vmem_shared>>
    %dma_wait3A_108 = tpu.memref_slice %arg24[%dma_wait3A_97] : memref<2x!tpu.dma_semaphore, #tpu.memory_space<semaphore_mem>> -> memref<1x!tpu.dma_semaphore, #tpu.memory_space<semaphore_mem>>
    %dma_wait3A_109 = tpu.memref_squeeze %dma_wait3A_108 : memref<1x!tpu.dma_semaphore, #tpu.memory_space<semaphore_mem>> -> memref<!tpu.dma_semaphore, #tpu.memory_space<semaphore_mem>>
    tpu.wait_indirect_dma semaphore(%dma_wait3A_109 : memref<!tpu.dma_semaphore, #tpu.memory_space<semaphore_mem>>) src(%dma_wait3A_101 : memref<128x64xf32, #tpu.memory_space<vmem>>) dst(%dma_wait3A_107 : memref<10112x64xf32, #tpu.memory_space<vmem_shared>>)
    %dma_wait3A_110 = arith.constant 1 : i32
    %dma_wait3A_111 = arith.constant 1 : i32
    %dma_wait3A_112 = arith.constant 1 : i32
    %dma_wait3A_113 = arith.constant 0 : i32
    %dma_wait3A_114 = arith.constant 0 : i32
    %dma_wait3A_115 = tpu.memref_slice %arg19[%dma_wait3A_110, %dma_wait3A_113, %dma_wait3A_114] : memref<2x128x16xf32, #tpu.memory_space<vmem>> -> memref<1x128x16xf32, #tpu.memory_space<vmem>>
    %dma_wait3A_116 = tpu.memref_squeeze %dma_wait3A_115 : memref<1x128x16xf32, #tpu.memory_space<vmem>> -> memref<128x16xf32, #tpu.memory_space<vmem>>
    %dma_wait3A_117 = arith.constant 0 : i32
    %dma_wait3A_118 = tpu.memref_slice %arg14[%dma_wait3A_111, %dma_wait3A_117] : memref<2x128xi32, #tpu.memory_space<vmem>> -> memref<1x128xi32, #tpu.memory_space<vmem>>
    %dma_wait3A_119 = tpu.memref_squeeze %dma_wait3A_118 : memref<1x128xi32, #tpu.memory_space<vmem>> -> memref<128xi32, #tpu.memory_space<vmem>>
    %dma_wait3A_120 = arith.constant 0 : i32
    %dma_wait3A_121 = arith.constant 0 : i32
    %dma_wait3A_122 = tpu.memref_slice %arg22[%dma_wait3A_120, %dma_wait3A_121] : memref<10112x16xf32, #tpu.memory_space<vmem_shared>> -> memref<10112x16xf32, #tpu.memory_space<vmem_shared>>
    %dma_wait3A_123 = tpu.memref_slice %arg24[%dma_wait3A_112] : memref<2x!tpu.dma_semaphore, #tpu.memory_space<semaphore_mem>> -> memref<1x!tpu.dma_semaphore, #tpu.memory_space<semaphore_mem>>
    %dma_wait3A_124 = tpu.memref_squeeze %dma_wait3A_123 : memref<1x!tpu.dma_semaphore, #tpu.memory_space<semaphore_mem>> -> memref<!tpu.dma_semaphore, #tpu.memory_space<semaphore_mem>>
    tpu.wait_indirect_dma semaphore(%dma_wait3A_124 : memref<!tpu.dma_semaphore, #tpu.memory_space<semaphore_mem>>) src(%dma_wait3A_116 : memref<128x16xf32, #tpu.memory_space<vmem>>) dst(%dma_wait3A_122 : memref<10112x16xf32, #tpu.memory_space<vmem_shared>>)
    %barrier3A_125 = arith.constant 0 : index
    tpu.barrier barrier_id(%barrier3A_125)
    %mul3A_126 = arith.constant 632 : i32
    %mul3A_127 = arith.muli %arg1, %mul3A_126 : i32
    %mul3A_128 = arith.constant 632 : i32
    %mul3A_129 = arith.muli %arg1, %mul3A_128 : i32
    "tpu.region"() ({
      %run_scoped3A_134 = tpu.sem_alloc : memref<!tpu.dma_semaphore, #tpu.memory_space<semaphore_mem>>
      %dma_start3A_135 = arith.constant 0 : i32
      %dma_start3A_136 = tpu.memref_slice %arg10[%arg0, %mul3A_129, %dma_start3A_135] : memref<2x10112x64xf32, #tpu.memory_space<hbm>> -> memref<1x632x64xf32, #tpu.memory_space<hbm>>
      %dma_start3A_137 = tpu.memref_squeeze %dma_start3A_136 : memref<1x632x64xf32, #tpu.memory_space<hbm>> -> memref<632x64xf32, #tpu.memory_space<hbm>>
      %dma_start3A_138 = arith.constant 0 : i32
      %dma_start3A_139 = tpu.memref_slice %arg21[%mul3A_127, %dma_start3A_138] : memref<10112x64xf32, #tpu.memory_space<vmem_shared>> -> memref<632x64xf32, #tpu.memory_space<vmem_shared>>
      tpu.enqueue_dma source(%dma_start3A_139 : memref<632x64xf32, #tpu.memory_space<vmem_shared>>) target(%dma_start3A_137 : memref<632x64xf32, #tpu.memory_space<hbm>>) target_semaphore(%run_scoped3A_134 : memref<!tpu.dma_semaphore, #tpu.memory_space<semaphore_mem>>)
      %dma_wait3A_140 = arith.constant 0 : i32
      %dma_wait3A_141 = tpu.memref_slice %arg10[%arg0, %mul3A_129, %dma_wait3A_140] : memref<2x10112x64xf32, #tpu.memory_space<hbm>> -> memref<1x632x64xf32, #tpu.memory_space<hbm>>
      %dma_wait3A_142 = tpu.memref_squeeze %dma_wait3A_141 : memref<1x632x64xf32, #tpu.memory_space<hbm>> -> memref<632x64xf32, #tpu.memory_space<hbm>>
      %dma_wait3A_143 = arith.constant 0 : i32
      %dma_wait3A_144 = tpu.memref_slice %arg21[%mul3A_127, %dma_wait3A_143] : memref<10112x64xf32, #tpu.memory_space<vmem_shared>> -> memref<632x64xf32, #tpu.memory_space<vmem_shared>>
      tpu.wait_dma2 semaphore(%run_scoped3A_134 : memref<!tpu.dma_semaphore, #tpu.memory_space<semaphore_mem>>) src(%dma_wait3A_144 : memref<632x64xf32, #tpu.memory_space<vmem_shared>>) dst(%dma_wait3A_142 : memref<632x64xf32, #tpu.memory_space<hbm>>)
      tpu.yield
    }) : () -> ()
    %mul3A_130 = arith.constant 632 : i32
    %mul3A_131 = arith.muli %arg1, %mul3A_130 : i32
    %mul3A_132 = arith.constant 632 : i32
    %mul3A_133 = arith.muli %arg1, %mul3A_132 : i32
    "tpu.region"() ({
      %run_scoped3A_134 = tpu.sem_alloc : memref<!tpu.dma_semaphore, #tpu.memory_space<semaphore_mem>>
      %dma_start3A_135 = arith.constant 0 : i32
      %dma_start3A_136 = tpu.memref_slice %arg11[%arg0, %mul3A_133, %dma_start3A_135] : memref<2x10112x16xf32, #tpu.memory_space<hbm>> -> memref<1x632x16xf32, #tpu.memory_space<hbm>>
      %dma_start3A_137 = tpu.memref_squeeze %dma_start3A_136 : memref<1x632x16xf32, #tpu.memory_space<hbm>> -> memref<632x16xf32, #tpu.memory_space<hbm>>
      %dma_start3A_138 = arith.constant 0 : i32
      %dma_start3A_139 = tpu.memref_slice %arg22[%mul3A_131, %dma_start3A_138] : memref<10112x16xf32, #tpu.memory_space<vmem_shared>> -> memref<632x16xf32, #tpu.memory_space<vmem_shared>>
      tpu.enqueue_dma source(%dma_start3A_139 : memref<632x16xf32, #tpu.memory_space<vmem_shared>>) target(%dma_start3A_137 : memref<632x16xf32, #tpu.memory_space<hbm>>) target_semaphore(%run_scoped3A_134 : memref<!tpu.dma_semaphore, #tpu.memory_space<semaphore_mem>>)
      %dma_wait3A_140 = arith.constant 0 : i32
      %dma_wait3A_141 = tpu.memref_slice %arg11[%arg0, %mul3A_133, %dma_wait3A_140] : memref<2x10112x16xf32, #tpu.memory_space<hbm>> -> memref<1x632x16xf32, #tpu.memory_space<hbm>>
      %dma_wait3A_142 = tpu.memref_squeeze %dma_wait3A_141 : memref<1x632x16xf32, #tpu.memory_space<hbm>> -> memref<632x16xf32, #tpu.memory_space<hbm>>
      %dma_wait3A_143 = arith.constant 0 : i32
      %dma_wait3A_144 = tpu.memref_slice %arg22[%mul3A_131, %dma_wait3A_143] : memref<10112x16xf32, #tpu.memory_space<vmem_shared>> -> memref<632x16xf32, #tpu.memory_space<vmem_shared>>
      tpu.wait_dma2 semaphore(%run_scoped3A_134 : memref<!tpu.dma_semaphore, #tpu.memory_space<semaphore_mem>>) src(%dma_wait3A_144 : memref<632x16xf32, #tpu.memory_space<vmem_shared>>) dst(%dma_wait3A_142 : memref<632x16xf32, #tpu.memory_space<hbm>>)
      tpu.yield
    }) : () -> ()
    return
  }
}

#map = affine_map<(d0, d1) -> (0, 0)>
#map1 = affine_map<(d0, d1) -> (0)>
#map2 = affine_map<(d0, d1) -> (0, 0, 0)>
module attributes {stable_mosaic.version = 14 : i64} {
  func.func @body(%arg0: i32, %arg1: i32, %arg2: memref<10000x64xf32, #tpu.memory_space<hbm>>, %arg3: memref<10000x16xf32, #tpu.memory_space<hbm>>, %arg4: memref<10000x16xf32, #tpu.memory_space<hbm>>, %arg5: memref<163840xi32, #tpu.memory_space<hbm>>, %arg6: memref<163840xi32, #tpu.memory_space<hbm>>, %arg7: memref<16xf32, #tpu.memory_space<hbm>>, %arg8: memref<10112x64xf32, #tpu.memory_space<hbm>>, %arg9: memref<10112x16xf32, #tpu.memory_space<hbm>>, %arg10: memref<2x10112x64xf32, #tpu.memory_space<hbm>>, %arg11: memref<2x10112x16xf32, #tpu.memory_space<hbm>>, %arg12: memref<2x128xi32, #tpu.memory_space<vmem>>, %arg13: memref<2x128xi32, #tpu.memory_space<vmem>>, %arg14: memref<2x128xi32, #tpu.memory_space<vmem>>, %arg15: memref<2x128x64xf32, #tpu.memory_space<vmem>>, %arg16: memref<2x128x16xf32, #tpu.memory_space<vmem>>, %arg17: memref<2x128x16xf32, #tpu.memory_space<vmem>>, %arg18: memref<2x128x64xf32, #tpu.memory_space<vmem>>, %arg19: memref<2x128x16xf32, #tpu.memory_space<vmem>>, %arg20: memref<16xf32, #tpu.memory_space<vmem>>, %arg21: memref<10112x64xf32, #tpu.memory_space<vmem_shared>>, %arg22: memref<10112x16xf32, #tpu.memory_space<vmem_shared>>, %arg23: memref<2x!tpu.dma_semaphore, #tpu.memory_space<semaphore_mem>>, %arg24: memref<2x!tpu.dma_semaphore, #tpu.memory_space<semaphore_mem>>) attributes {dimension_semantics = [#tpu.dimension_semantics<core_parallel>, #tpu.dimension_semantics<subcore_parallel>], iteration_bounds = array<i64: 2, 16>, scalar_prefetch = 0 : i64, scratch_operands = 13 : i64, tpu.core_type = #tpu.core_type<sc_vector_subcore>, window_params = [{transform_indices = #map}, {transform_indices = #map}, {transform_indices = #map}, {transform_indices = #map1}, {transform_indices = #map1}, {transform_indices = #map1}, {transform_indices = #map}, {transform_indices = #map}, {transform_indices = #map2}, {transform_indices = #map2}]} {
    %mul3A = arith.constant 2 : i32
    %mul3A_0 = arith.muli %arg1, %mul3A : i32
    %add3A = arith.addi %mul3A_0, %arg0 : i32
    %mul3A_1 = arith.constant 632 : i32
    %mul3A_2 = arith.muli %arg1, %mul3A_1 : i32
    %mul3A_3 = arith.constant 632 : i32
    %mul3A_4 = arith.muli %arg1, %mul3A_3 : i32
    "tpu.region"() ({
      %run_scoped3A_134 = tpu.sem_alloc : memref<!tpu.dma_semaphore, #tpu.memory_space<semaphore_mem>>
      %dma_start3A_135 = arith.constant 0 : i32
      %dma_start3A_136 = tpu.memref_slice %arg21[%mul3A_4, %dma_start3A_135] : memref<10112x64xf32, #tpu.memory_space<vmem_shared>> -> memref<632x64xf32, #tpu.memory_space<vmem_shared>>
      %dma_start3A_137 = arith.constant 0 : i32
      %dma_start3A_138 = tpu.memref_slice %arg8[%mul3A_2, %dma_start3A_137] : memref<10112x64xf32, #tpu.memory_space<hbm>> -> memref<632x64xf32, #tpu.memory_space<hbm>>
      tpu.enqueue_dma source(%dma_start3A_138 : memref<632x64xf32, #tpu.memory_space<hbm>>) target(%dma_start3A_136 : memref<632x64xf32, #tpu.memory_space<vmem_shared>>) target_semaphore(%run_scoped3A_134 : memref<!tpu.dma_semaphore, #tpu.memory_space<semaphore_mem>>)
      %dma_wait3A_139 = arith.constant 0 : i32
      %dma_wait3A_140 = tpu.memref_slice %arg21[%mul3A_4, %dma_wait3A_139] : memref<10112x64xf32, #tpu.memory_space<vmem_shared>> -> memref<632x64xf32, #tpu.memory_space<vmem_shared>>
      %dma_wait3A_141 = arith.constant 0 : i32
      %dma_wait3A_142 = tpu.memref_slice %arg8[%mul3A_2, %dma_wait3A_141] : memref<10112x64xf32, #tpu.memory_space<hbm>> -> memref<632x64xf32, #tpu.memory_space<hbm>>
      tpu.wait_dma2 semaphore(%run_scoped3A_134 : memref<!tpu.dma_semaphore, #tpu.memory_space<semaphore_mem>>) src(%dma_wait3A_142 : memref<632x64xf32, #tpu.memory_space<hbm>>) dst(%dma_wait3A_140 : memref<632x64xf32, #tpu.memory_space<vmem_shared>>)
      tpu.yield
    }) : () -> ()
    %mul3A_5 = arith.constant 632 : i32
    %mul3A_6 = arith.muli %arg1, %mul3A_5 : i32
    %mul3A_7 = arith.constant 632 : i32
    %mul3A_8 = arith.muli %arg1, %mul3A_7 : i32
    "tpu.region"() ({
      %run_scoped3A_134 = tpu.sem_alloc : memref<!tpu.dma_semaphore, #tpu.memory_space<semaphore_mem>>
      %dma_start3A_135 = arith.constant 0 : i32
      %dma_start3A_136 = tpu.memref_slice %arg22[%mul3A_8, %dma_start3A_135] : memref<10112x16xf32, #tpu.memory_space<vmem_shared>> -> memref<632x16xf32, #tpu.memory_space<vmem_shared>>
      %dma_start3A_137 = arith.constant 0 : i32
      %dma_start3A_138 = tpu.memref_slice %arg9[%mul3A_6, %dma_start3A_137] : memref<10112x16xf32, #tpu.memory_space<hbm>> -> memref<632x16xf32, #tpu.memory_space<hbm>>
      tpu.enqueue_dma source(%dma_start3A_138 : memref<632x16xf32, #tpu.memory_space<hbm>>) target(%dma_start3A_136 : memref<632x16xf32, #tpu.memory_space<vmem_shared>>) target_semaphore(%run_scoped3A_134 : memref<!tpu.dma_semaphore, #tpu.memory_space<semaphore_mem>>)
      %dma_wait3A_139 = arith.constant 0 : i32
      %dma_wait3A_140 = tpu.memref_slice %arg22[%mul3A_8, %dma_wait3A_139] : memref<10112x16xf32, #tpu.memory_space<vmem_shared>> -> memref<632x16xf32, #tpu.memory_space<vmem_shared>>
      %dma_wait3A_141 = arith.constant 0 : i32
      %dma_wait3A_142 = tpu.memref_slice %arg9[%mul3A_6, %dma_wait3A_141] : memref<10112x16xf32, #tpu.memory_space<hbm>> -> memref<632x16xf32, #tpu.memory_space<hbm>>
      tpu.wait_dma2 semaphore(%run_scoped3A_134 : memref<!tpu.dma_semaphore, #tpu.memory_space<semaphore_mem>>) src(%dma_wait3A_142 : memref<632x16xf32, #tpu.memory_space<hbm>>) dst(%dma_wait3A_140 : memref<632x16xf32, #tpu.memory_space<vmem_shared>>)
      tpu.yield
    }) : () -> ()
    "tpu.region"() ({
      %run_scoped3A_134 = tpu.sem_alloc : memref<!tpu.dma_semaphore, #tpu.memory_space<semaphore_mem>>
      tpu.enqueue_dma source(%arg7 : memref<16xf32, #tpu.memory_space<hbm>>) target(%arg20 : memref<16xf32, #tpu.memory_space<vmem>>) target_semaphore(%run_scoped3A_134 : memref<!tpu.dma_semaphore, #tpu.memory_space<semaphore_mem>>)
      tpu.wait_dma2 semaphore(%run_scoped3A_134 : memref<!tpu.dma_semaphore, #tpu.memory_space<semaphore_mem>>) src(%arg7 : memref<16xf32, #tpu.memory_space<hbm>>) dst(%arg20 : memref<16xf32, #tpu.memory_space<vmem>>)
      tpu.yield
    }) : () -> ()
    %barrier3A = arith.constant 0 : index
    tpu.barrier barrier_id(%barrier3A)
    %get3A = arith.constant 0 : index
    %get3A_9 = tpu.vector_load %arg20[%get3A] {strides = array<i32>} : memref<16xf32, #tpu.memory_space<vmem>>, vector<16xf32>,
    %iota3A = tpu.iota {dimensions = array<i32: 0>} : vector<16xi32>
    %shift_right_logical3A = arith.constant 3 : i32
    %shift_right_logical3A_10 = vector.broadcast %shift_right_logical3A : i32 to vector<16xi32>
    %shift_right_logical3A_11 = arith.shrui %iota3A, %shift_right_logical3A_10 : vector<16xi32>
    %mul3A_12 = arith.constant 5120 : i32
    %mul3A_13 = arith.muli %add3A, %mul3A_12 : i32
    %add3A_14 = arith.constant 0 : i32
    %add3A_15 = arith.addi %mul3A_13, %add3A_14 : i32
    %run_scoped3A = arith.constant 0 : i32
    "tpu.region"() ({
      %run_scoped3A_134 = tpu.sem_alloc : memref<!tpu.dma_semaphore, #tpu.memory_space<semaphore_mem>>
      %dma_start3A_135 = arith.constant 0 : i32
      %dma_start3A_136 = tpu.memref_slice %arg12[%run_scoped3A, %dma_start3A_135] : memref<2x128xi32, #tpu.memory_space<vmem>> -> memref<1x128xi32, #tpu.memory_space<vmem>>
      %dma_start3A_137 = tpu.memref_squeeze %dma_start3A_136 : memref<1x128xi32, #tpu.memory_space<vmem>> -> memref<128xi32, #tpu.memory_space<vmem>>
      %dma_start3A_138 = tpu.memref_slice %arg5[%add3A_15] : memref<163840xi32, #tpu.memory_space<hbm>> -> memref<128xi32, #tpu.memory_space<hbm>>
      %dma_start3A_139 = arith.constant 0 : i32
      %dma_start3A_140 = tpu.memref_slice %arg12[%run_scoped3A, %dma_start3A_139] : memref<2x128xi32, #tpu.memory_space<vmem>> -> memref<1x128xi32, #tpu.memory_space<vmem>>
      %dma_start3A_141 = tpu.memref_squeeze %dma_start3A_140 : memref<1x128xi32, #tpu.memory_space<vmem>> -> memref<128xi32, #tpu.memory_space<vmem>>
      %dma_start3A_142 = tpu.memref_slice %arg5[%add3A_15] : memref<163840xi32, #tpu.memory_space<hbm>> -> memref<128xi32, #tpu.memory_space<hbm>>
      tpu.enqueue_dma source(%dma_start3A_142 : memref<128xi32, #tpu.memory_space<hbm>>) target(%dma_start3A_141 : memref<128xi32, #tpu.memory_space<vmem>>) target_semaphore(%run_scoped3A_134 : memref<!tpu.dma_semaphore, #tpu.memory_space<semaphore_mem>>)
      %dma_wait3A_143 = arith.constant 0 : i32
      %dma_wait3A_144 = tpu.memref_slice %arg12[%run_scoped3A, %dma_wait3A_143] : memref<2x128xi32, #tpu.memory_space<vmem>> -> memref<1x128xi32, #tpu.memory_space<vmem>>
      %dma_wait3A_145 = tpu.memref_squeeze %dma_wait3A_144 : memref<1x128xi32, #tpu.memory_space<vmem>> -> memref<128xi32, #tpu.memory_space<vmem>>
      %dma_wait3A_146 = tpu.memref_slice %arg5[%add3A_15] : memref<163840xi32, #tpu.memory_space<hbm>> -> memref<128xi32, #tpu.memory_space<hbm>>
      %dma_wait3A_147 = arith.constant 0 : i32
      %dma_wait3A_148 = tpu.memref_slice %arg12[%run_scoped3A, %dma_wait3A_147] : memref<2x128xi32, #tpu.memory_space<vmem>> -> memref<1x128xi32, #tpu.memory_space<vmem>>
      %dma_wait3A_149 = tpu.memref_squeeze %dma_wait3A_148 : memref<1x128xi32, #tpu.memory_space<vmem>> -> memref<128xi32, #tpu.memory_space<vmem>>
      %dma_wait3A_150 = tpu.memref_slice %arg5[%add3A_15] : memref<163840xi32, #tpu.memory_space<hbm>> -> memref<128xi32, #tpu.memory_space<hbm>>
      tpu.wait_dma2 semaphore(%run_scoped3A_134 : memref<!tpu.dma_semaphore, #tpu.memory_space<semaphore_mem>>) src(%dma_wait3A_150 : memref<128xi32, #tpu.memory_space<hbm>>) dst(%dma_wait3A_149 : memref<128xi32, #tpu.memory_space<vmem>>)
      tpu.yield
    }) : () -> ()
    %run_scoped3A_16 = arith.constant 0 : i32
    "tpu.region"() ({
      %run_scoped3A_134 = tpu.sem_alloc : memref<!tpu.dma_semaphore, #tpu.memory_space<semaphore_mem>>
      %dma_start3A_135 = arith.constant 0 : i32
      %dma_start3A_136 = tpu.memref_slice %arg13[%run_scoped3A_16, %dma_start3A_135] : memref<2x128xi32, #tpu.memory_space<vmem>> -> memref<1x128xi32, #tpu.memory_space<vmem>>
      %dma_start3A_137 = tpu.memref_squeeze %dma_start3A_136 : memref<1x128xi32, #tpu.memory_space<vmem>> -> memref<128xi32, #tpu.memory_space<vmem>>
      %dma_start3A_138 = tpu.memref_slice %arg6[%add3A_15] : memref<163840xi32, #tpu.memory_space<hbm>> -> memref<128xi32, #tpu.memory_space<hbm>>
      %dma_start3A_139 = arith.constant 0 : i32
      %dma_start3A_140 = tpu.memref_slice %arg13[%run_scoped3A_16, %dma_start3A_139] : memref<2x128xi32, #tpu.memory_space<vmem>> -> memref<1x128xi32, #tpu.memory_space<vmem>>
      %dma_start3A_141 = tpu.memref_squeeze %dma_start3A_140 : memref<1x128xi32, #tpu.memory_space<vmem>> -> memref<128xi32, #tpu.memory_space<vmem>>
      %dma_start3A_142 = tpu.memref_slice %arg6[%add3A_15] : memref<163840xi32, #tpu.memory_space<hbm>> -> memref<128xi32, #tpu.memory_space<hbm>>
      tpu.enqueue_dma source(%dma_start3A_142 : memref<128xi32, #tpu.memory_space<hbm>>) target(%dma_start3A_141 : memref<128xi32, #tpu.memory_space<vmem>>) target_semaphore(%run_scoped3A_134 : memref<!tpu.dma_semaphore, #tpu.memory_space<semaphore_mem>>)
      %dma_wait3A_143 = arith.constant 0 : i32
      %dma_wait3A_144 = tpu.memref_slice %arg13[%run_scoped3A_16, %dma_wait3A_143] : memref<2x128xi32, #tpu.memory_space<vmem>> -> memref<1x128xi32, #tpu.memory_space<vmem>>
      %dma_wait3A_145 = tpu.memref_squeeze %dma_wait3A_144 : memref<1x128xi32, #tpu.memory_space<vmem>> -> memref<128xi32, #tpu.memory_space<vmem>>
      %dma_wait3A_146 = tpu.memref_slice %arg6[%add3A_15] : memref<163840xi32, #tpu.memory_space<hbm>> -> memref<128xi32, #tpu.memory_space<hbm>>
      %dma_wait3A_147 = arith.constant 0 : i32
      %dma_wait3A_148 = tpu.memref_slice %arg13[%run_scoped3A_16, %dma_wait3A_147] : memref<2x128xi32, #tpu.memory_space<vmem>> -> memref<1x128xi32, #tpu.memory_space<vmem>>
      %dma_wait3A_149 = tpu.memref_squeeze %dma_wait3A_148 : memref<1x128xi32, #tpu.memory_space<vmem>> -> memref<128xi32, #tpu.memory_space<vmem>>
      %dma_wait3A_150 = tpu.memref_slice %arg6[%add3A_15] : memref<163840xi32, #tpu.memory_space<hbm>> -> memref<128xi32, #tpu.memory_space<hbm>>
      tpu.wait_dma2 semaphore(%run_scoped3A_134 : memref<!tpu.dma_semaphore, #tpu.memory_space<semaphore_mem>>) src(%dma_wait3A_150 : memref<128xi32, #tpu.memory_space<hbm>>) dst(%dma_wait3A_149 : memref<128xi32, #tpu.memory_space<vmem>>)
      tpu.yield
    }) : () -> ()
    %dma_start3A = arith.constant 0 : i32
    %dma_start3A_17 = arith.constant 0 : i32
    %dma_start3A_18 = arith.constant 0 : i32
    %dma_start3A_19 = arith.constant 0 : i32
    %dma_start3A_20 = arith.constant 0 : i32
    %dma_start3A_21 = tpu.memref_slice %arg15[%dma_start3A_17, %dma_start3A_19, %dma_start3A_20] : memref<2x128x64xf32, #tpu.memory_space<vmem>> -> memref<1x128x64xf32, #tpu.memory_space<vmem>>
    %dma_start3A_22 = tpu.memref_squeeze %dma_start3A_21 : memref<1x128x64xf32, #tpu.memory_space<vmem>> -> memref<128x64xf32, #tpu.memory_space<vmem>>
    %dma_start3A_23 = arith.constant 0 : i32
    %dma_start3A_24 = tpu.memref_slice %arg12[%dma_start3A, %dma_start3A_23] : memref<2x128xi32, #tpu.memory_space<vmem>> -> memref<1x128xi32, #tpu.memory_space<vmem>>
    %dma_start3A_25 = tpu.memref_squeeze %dma_start3A_24 : memref<1x128xi32, #tpu.memory_space<vmem>> -> memref<128xi32, #tpu.memory_space<vmem>>
    %dma_start3A_26 = arith.constant 0 : i32
    %dma_start3A_27 = arith.constant 0 : i32
    %dma_start3A_28 = tpu.memref_slice %arg2[%dma_start3A_26, %dma_start3A_27] : memref<10000x64xf32, #tpu.memory_space<hbm>> -> memref<10000x64xf32, #tpu.memory_space<hbm>>
    %dma_start3A_29 = tpu.memref_slice %arg23[%dma_start3A_18] : memref<2x!tpu.dma_semaphore, #tpu.memory_space<semaphore_mem>> -> memref<1x!tpu.dma_semaphore, #tpu.memory_space<semaphore_mem>>
    %dma_start3A_30 = tpu.memref_squeeze %dma_start3A_29 : memref<1x!tpu.dma_semaphore, #tpu.memory_space<semaphore_mem>> -> memref<!tpu.dma_semaphore, #tpu.memory_space<semaphore_mem>>
    tpu.enqueue_indirect_dma source(%dma_start3A_28 : memref<10000x64xf32, #tpu.memory_space<hbm>>) target(%dma_start3A_22 : memref<128x64xf32, #tpu.memory_space<vmem>>) offsets(%dma_start3A_25 : memref<128xi32, #tpu.memory_space<vmem>>) semaphore(%dma_start3A_30 : memref<!tpu.dma_semaphore, #tpu.memory_space<semaphore_mem>>)
    %dma_start3A_31 = arith.constant 0 : i32
    %dma_start3A_32 = arith.constant 0 : i32
    %dma_start3A_33 = arith.constant 0 : i32
    %dma_start3A_34 = arith.constant 0 : i32
    %dma_start3A_35 = arith.constant 0 : i32
    %dma_start3A_36 = tpu.memref_slice %arg16[%dma_start3A_32, %dma_start3A_34, %dma_start3A_35] : memref<2x128x16xf32, #tpu.memory_space<vmem>> -> memref<1x128x16xf32, #tpu.memory_space<vmem>>
    %dma_start3A_37 = tpu.memref_squeeze %dma_start3A_36 : memref<1x128x16xf32, #tpu.memory_space<vmem>> -> memref<128x16xf32, #tpu.memory_space<vmem>>
    %dma_start3A_38 = arith.constant 0 : i32
    %dma_start3A_39 = tpu.memref_slice %arg12[%dma_start3A_31, %dma_start3A_38] : memref<2x128xi32, #tpu.memory_space<vmem>> -> memref<1x128xi32, #tpu.memory_space<vmem>>
    %dma_start3A_40 = tpu.memref_squeeze %dma_start3A_39 : memref<1x128xi32, #tpu.memory_space<vmem>> -> memref<128xi32, #tpu.memory_space<vmem>>
    %dma_start3A_41 = arith.constant 0 : i32
    %dma_start3A_42 = arith.constant 0 : i32
    %dma_start3A_43 = tpu.memref_slice %arg3[%dma_start3A_41, %dma_start3A_42] : memref<10000x16xf32, #tpu.memory_space<hbm>> -> memref<10000x16xf32, #tpu.memory_space<hbm>>
    %dma_start3A_44 = tpu.memref_slice %arg23[%dma_start3A_33] : memref<2x!tpu.dma_semaphore, #tpu.memory_space<semaphore_mem>> -> memref<1x!tpu.dma_semaphore, #tpu.memory_space<semaphore_mem>>
    %dma_start3A_45 = tpu.memref_squeeze %dma_start3A_44 : memref<1x!tpu.dma_semaphore, #tpu.memory_space<semaphore_mem>> -> memref<!tpu.dma_semaphore, #tpu.memory_space<semaphore_mem>>
    tpu.enqueue_indirect_dma source(%dma_start3A_43 : memref<10000x16xf32, #tpu.memory_space<hbm>>) target(%dma_start3A_37 : memref<128x16xf32, #tpu.memory_space<vmem>>) offsets(%dma_start3A_40 : memref<128xi32, #tpu.memory_space<vmem>>) semaphore(%dma_start3A_45 : memref<!tpu.dma_semaphore, #tpu.memory_space<semaphore_mem>>)
    %dma_start3A_46 = arith.constant 0 : i32
    %dma_start3A_47 = arith.constant 0 : i32
    %dma_start3A_48 = arith.constant 0 : i32
    %dma_start3A_49 = arith.constant 0 : i32
    %dma_start3A_50 = arith.constant 0 : i32
    %dma_start3A_51 = tpu.memref_slice %arg17[%dma_start3A_47, %dma_start3A_49, %dma_start3A_50] : memref<2x128x16xf32, #tpu.memory_space<vmem>> -> memref<1x128x16xf32, #tpu.memory_space<vmem>>
    %dma_start3A_52 = tpu.memref_squeeze %dma_start3A_51 : memref<1x128x16xf32, #tpu.memory_space<vmem>> -> memref<128x16xf32, #tpu.memory_space<vmem>>
    %dma_start3A_53 = arith.constant 0 : i32
    %dma_start3A_54 = tpu.memref_slice %arg13[%dma_start3A_46, %dma_start3A_53] : memref<2x128xi32, #tpu.memory_space<vmem>> -> memref<1x128xi32, #tpu.memory_space<vmem>>
    %dma_start3A_55 = tpu.memref_squeeze %dma_start3A_54 : memref<1x128xi32, #tpu.memory_space<vmem>> -> memref<128xi32, #tpu.memory_space<vmem>>
    %dma_start3A_56 = arith.constant 0 : i32
    %dma_start3A_57 = arith.constant 0 : i32
    %dma_start3A_58 = tpu.memref_slice %arg4[%dma_start3A_56, %dma_start3A_57] : memref<10000x16xf32, #tpu.memory_space<hbm>> -> memref<10000x16xf32, #tpu.memory_space<hbm>>
    %dma_start3A_59 = tpu.memref_slice %arg23[%dma_start3A_48] : memref<2x!tpu.dma_semaphore, #tpu.memory_space<semaphore_mem>> -> memref<1x!tpu.dma_semaphore, #tpu.memory_space<semaphore_mem>>
    %dma_start3A_60 = tpu.memref_squeeze %dma_start3A_59 : memref<1x!tpu.dma_semaphore, #tpu.memory_space<semaphore_mem>> -> memref<!tpu.dma_semaphore, #tpu.memory_space<semaphore_mem>>
    tpu.enqueue_indirect_dma source(%dma_start3A_58 : memref<10000x16xf32, #tpu.memory_space<hbm>>) target(%dma_start3A_52 : memref<128x16xf32, #tpu.memory_space<vmem>>) offsets(%dma_start3A_55 : memref<128xi32, #tpu.memory_space<vmem>>) semaphore(%dma_start3A_60 : memref<!tpu.dma_semaphore, #tpu.memory_space<semaphore_mem>>)
    %scan3A = arith.constant 0 : i32
    %scan3A_61 = arith.constant 0 : i32
    %scan3A_62 = arith.constant 20 : i32
    %scan3A_63 = arith.addi %scan3A_61, %scan3A_62 : i32
    %scan3A_64 = arith.constant 1 : i32
    scf.for %scan3A_134 = %scan3A_61 to %scan3A_63 step %scan3A_64  : i32 {
      %mul3A_135 = arith.constant 2 : i32
      %mul3A_136 = arith.muli %mul3A_135, %scan3A_134 : i32
      %add3A_137 = arith.constant 1 : i32
      %add3A_138 = arith.addi %mul3A_136, %add3A_137 : i32
      %mul3A_139 = arith.constant 5120 : i32
      %mul3A_140 = arith.muli %add3A, %mul3A_139 : i32
      %mul3A_141 = arith.constant 128 : i32
      %mul3A_142 = arith.muli %add3A_138, %mul3A_141 : i32
      %add3A_143 = arith.addi %mul3A_140, %mul3A_142 : i32
      %run_scoped3A_144 = arith.constant 1 : i32
      "tpu.region"() ({
        %run_scoped3A_381 = tpu.sem_alloc : memref<!tpu.dma_semaphore, #tpu.memory_space<semaphore_mem>>
        %dma_start3A_382 = arith.constant 0 : i32
        %dma_start3A_383 = tpu.memref_slice %arg12[%run_scoped3A_144, %dma_start3A_382] : memref<2x128xi32, #tpu.memory_space<vmem>> -> memref<1x128xi32, #tpu.memory_space<vmem>>
        %dma_start3A_384 = tpu.memref_squeeze %dma_start3A_383 : memref<1x128xi32, #tpu.memory_space<vmem>> -> memref<128xi32, #tpu.memory_space<vmem>>
        %dma_start3A_385 = tpu.memref_slice %arg5[%add3A_143] : memref<163840xi32, #tpu.memory_space<hbm>> -> memref<128xi32, #tpu.memory_space<hbm>>
        %dma_start3A_386 = arith.constant 0 : i32
        %dma_start3A_387 = tpu.memref_slice %arg12[%run_scoped3A_144, %dma_start3A_386] : memref<2x128xi32, #tpu.memory_space<vmem>> -> memref<1x128xi32, #tpu.memory_space<vmem>>
        %dma_start3A_388 = tpu.memref_squeeze %dma_start3A_387 : memref<1x128xi32, #tpu.memory_space<vmem>> -> memref<128xi32, #tpu.memory_space<vmem>>
        %dma_start3A_389 = tpu.memref_slice %arg5[%add3A_143] : memref<163840xi32, #tpu.memory_space<hbm>> -> memref<128xi32, #tpu.memory_space<hbm>>
        tpu.enqueue_dma source(%dma_start3A_389 : memref<128xi32, #tpu.memory_space<hbm>>) target(%dma_start3A_388 : memref<128xi32, #tpu.memory_space<vmem>>) target_semaphore(%run_scoped3A_381 : memref<!tpu.dma_semaphore, #tpu.memory_space<semaphore_mem>>)
        %dma_wait3A_390 = arith.constant 0 : i32
        %dma_wait3A_391 = tpu.memref_slice %arg12[%run_scoped3A_144, %dma_wait3A_390] : memref<2x128xi32, #tpu.memory_space<vmem>> -> memref<1x128xi32, #tpu.memory_space<vmem>>
        %dma_wait3A_392 = tpu.memref_squeeze %dma_wait3A_391 : memref<1x128xi32, #tpu.memory_space<vmem>> -> memref<128xi32, #tpu.memory_space<vmem>>
        %dma_wait3A_393 = tpu.memref_slice %arg5[%add3A_143] : memref<163840xi32, #tpu.memory_space<hbm>> -> memref<128xi32, #tpu.memory_space<hbm>>
        %dma_wait3A_394 = arith.constant 0 : i32
        %dma_wait3A_395 = tpu.memref_slice %arg12[%run_scoped3A_144, %dma_wait3A_394] : memref<2x128xi32, #tpu.memory_space<vmem>> -> memref<1x128xi32, #tpu.memory_space<vmem>>
        %dma_wait3A_396 = tpu.memref_squeeze %dma_wait3A_395 : memref<1x128xi32, #tpu.memory_space<vmem>> -> memref<128xi32, #tpu.memory_space<vmem>>
        %dma_wait3A_397 = tpu.memref_slice %arg5[%add3A_143] : memref<163840xi32, #tpu.memory_space<hbm>> -> memref<128xi32, #tpu.memory_space<hbm>>
        tpu.wait_dma2 semaphore(%run_scoped3A_381 : memref<!tpu.dma_semaphore, #tpu.memory_space<semaphore_mem>>) src(%dma_wait3A_397 : memref<128xi32, #tpu.memory_space<hbm>>) dst(%dma_wait3A_396 : memref<128xi32, #tpu.memory_space<vmem>>)
        tpu.yield
      }) : () -> ()
      %run_scoped3A_145 = arith.constant 1 : i32
      "tpu.region"() ({
        %run_scoped3A_381 = tpu.sem_alloc : memref<!tpu.dma_semaphore, #tpu.memory_space<semaphore_mem>>
        %dma_start3A_382 = arith.constant 0 : i32
        %dma_start3A_383 = tpu.memref_slice %arg13[%run_scoped3A_145, %dma_start3A_382] : memref<2x128xi32, #tpu.memory_space<vmem>> -> memref<1x128xi32, #tpu.memory_space<vmem>>
        %dma_start3A_384 = tpu.memref_squeeze %dma_start3A_383 : memref<1x128xi32, #tpu.memory_space<vmem>> -> memref<128xi32, #tpu.memory_space<vmem>>
        %dma_start3A_385 = tpu.memref_slice %arg6[%add3A_143] : memref<163840xi32, #tpu.memory_space<hbm>> -> memref<128xi32, #tpu.memory_space<hbm>>
        %dma_start3A_386 = arith.constant 0 : i32
        %dma_start3A_387 = tpu.memref_slice %arg13[%run_scoped3A_145, %dma_start3A_386] : memref<2x128xi32, #tpu.memory_space<vmem>> -> memref<1x128xi32, #tpu.memory_space<vmem>>
        %dma_start3A_388 = tpu.memref_squeeze %dma_start3A_387 : memref<1x128xi32, #tpu.memory_space<vmem>> -> memref<128xi32, #tpu.memory_space<vmem>>
        %dma_start3A_389 = tpu.memref_slice %arg6[%add3A_143] : memref<163840xi32, #tpu.memory_space<hbm>> -> memref<128xi32, #tpu.memory_space<hbm>>
        tpu.enqueue_dma source(%dma_start3A_389 : memref<128xi32, #tpu.memory_space<hbm>>) target(%dma_start3A_388 : memref<128xi32, #tpu.memory_space<vmem>>) target_semaphore(%run_scoped3A_381 : memref<!tpu.dma_semaphore, #tpu.memory_space<semaphore_mem>>)
        %dma_wait3A_390 = arith.constant 0 : i32
        %dma_wait3A_391 = tpu.memref_slice %arg13[%run_scoped3A_145, %dma_wait3A_390] : memref<2x128xi32, #tpu.memory_space<vmem>> -> memref<1x128xi32, #tpu.memory_space<vmem>>
        %dma_wait3A_392 = tpu.memref_squeeze %dma_wait3A_391 : memref<1x128xi32, #tpu.memory_space<vmem>> -> memref<128xi32, #tpu.memory_space<vmem>>
        %dma_wait3A_393 = tpu.memref_slice %arg6[%add3A_143] : memref<163840xi32, #tpu.memory_space<hbm>> -> memref<128xi32, #tpu.memory_space<hbm>>
        %dma_wait3A_394 = arith.constant 0 : i32
        %dma_wait3A_395 = tpu.memref_slice %arg13[%run_scoped3A_145, %dma_wait3A_394] : memref<2x128xi32, #tpu.memory_space<vmem>> -> memref<1x128xi32, #tpu.memory_space<vmem>>
        %dma_wait3A_396 = tpu.memref_squeeze %dma_wait3A_395 : memref<1x128xi32, #tpu.memory_space<vmem>> -> memref<128xi32, #tpu.memory_space<vmem>>
        %dma_wait3A_397 = tpu.memref_slice %arg6[%add3A_143] : memref<163840xi32, #tpu.memory_space<hbm>> -> memref<128xi32, #tpu.memory_space<hbm>>
        tpu.wait_dma2 semaphore(%run_scoped3A_381 : memref<!tpu.dma_semaphore, #tpu.memory_space<semaphore_mem>>) src(%dma_wait3A_397 : memref<128xi32, #tpu.memory_space<hbm>>) dst(%dma_wait3A_396 : memref<128xi32, #tpu.memory_space<vmem>>)
        tpu.yield
      }) : () -> ()
      %dma_start3A_146 = arith.constant 1 : i32
      %dma_start3A_147 = arith.constant 1 : i32
      %dma_start3A_148 = arith.constant 1 : i32
      %dma_start3A_149 = arith.constant 0 : i32
      %dma_start3A_150 = arith.constant 0 : i32
      %dma_start3A_151 = tpu.memref_slice %arg15[%dma_start3A_147, %dma_start3A_149, %dma_start3A_150] : memref<2x128x64xf32, #tpu.memory_space<vmem>> -> memref<1x128x64xf32, #tpu.memory_space<vmem>>
      %dma_start3A_152 = tpu.memref_squeeze %dma_start3A_151 : memref<1x128x64xf32, #tpu.memory_space<vmem>> -> memref<128x64xf32, #tpu.memory_space<vmem>>
      %dma_start3A_153 = arith.constant 0 : i32
      %dma_start3A_154 = tpu.memref_slice %arg12[%dma_start3A_146, %dma_start3A_153] : memref<2x128xi32, #tpu.memory_space<vmem>> -> memref<1x128xi32, #tpu.memory_space<vmem>>
      %dma_start3A_155 = tpu.memref_squeeze %dma_start3A_154 : memref<1x128xi32, #tpu.memory_space<vmem>> -> memref<128xi32, #tpu.memory_space<vmem>>
      %dma_start3A_156 = arith.constant 0 : i32
      %dma_start3A_157 = arith.constant 0 : i32
      %dma_start3A_158 = tpu.memref_slice %arg2[%dma_start3A_156, %dma_start3A_157] : memref<10000x64xf32, #tpu.memory_space<hbm>> -> memref<10000x64xf32, #tpu.memory_space<hbm>>
      %dma_start3A_159 = tpu.memref_slice %arg23[%dma_start3A_148] : memref<2x!tpu.dma_semaphore, #tpu.memory_space<semaphore_mem>> -> memref<1x!tpu.dma_semaphore, #tpu.memory_space<semaphore_mem>>
      %dma_start3A_160 = tpu.memref_squeeze %dma_start3A_159 : memref<1x!tpu.dma_semaphore, #tpu.memory_space<semaphore_mem>> -> memref<!tpu.dma_semaphore, #tpu.memory_space<semaphore_mem>>
      tpu.enqueue_indirect_dma source(%dma_start3A_158 : memref<10000x64xf32, #tpu.memory_space<hbm>>) target(%dma_start3A_152 : memref<128x64xf32, #tpu.memory_space<vmem>>) offsets(%dma_start3A_155 : memref<128xi32, #tpu.memory_space<vmem>>) semaphore(%dma_start3A_160 : memref<!tpu.dma_semaphore, #tpu.memory_space<semaphore_mem>>)
      %dma_start3A_161 = arith.constant 1 : i32
      %dma_start3A_162 = arith.constant 1 : i32
      %dma_start3A_163 = arith.constant 1 : i32
      %dma_start3A_164 = arith.constant 0 : i32
      %dma_start3A_165 = arith.constant 0 : i32
      %dma_start3A_166 = tpu.memref_slice %arg16[%dma_start3A_162, %dma_start3A_164, %dma_start3A_165] : memref<2x128x16xf32, #tpu.memory_space<vmem>> -> memref<1x128x16xf32, #tpu.memory_space<vmem>>
      %dma_start3A_167 = tpu.memref_squeeze %dma_start3A_166 : memref<1x128x16xf32, #tpu.memory_space<vmem>> -> memref<128x16xf32, #tpu.memory_space<vmem>>
      %dma_start3A_168 = arith.constant 0 : i32
      %dma_start3A_169 = tpu.memref_slice %arg12[%dma_start3A_161, %dma_start3A_168] : memref<2x128xi32, #tpu.memory_space<vmem>> -> memref<1x128xi32, #tpu.memory_space<vmem>>
      %dma_start3A_170 = tpu.memref_squeeze %dma_start3A_169 : memref<1x128xi32, #tpu.memory_space<vmem>> -> memref<128xi32, #tpu.memory_space<vmem>>
      %dma_start3A_171 = arith.constant 0 : i32
      %dma_start3A_172 = arith.constant 0 : i32
      %dma_start3A_173 = tpu.memref_slice %arg3[%dma_start3A_171, %dma_start3A_172] : memref<10000x16xf32, #tpu.memory_space<hbm>> -> memref<10000x16xf32, #tpu.memory_space<hbm>>
      %dma_start3A_174 = tpu.memref_slice %arg23[%dma_start3A_163] : memref<2x!tpu.dma_semaphore, #tpu.memory_space<semaphore_mem>> -> memref<1x!tpu.dma_semaphore, #tpu.memory_space<semaphore_mem>>
      %dma_start3A_175 = tpu.memref_squeeze %dma_start3A_174 : memref<1x!tpu.dma_semaphore, #tpu.memory_space<semaphore_mem>> -> memref<!tpu.dma_semaphore, #tpu.memory_space<semaphore_mem>>
      tpu.enqueue_indirect_dma source(%dma_start3A_173 : memref<10000x16xf32, #tpu.memory_space<hbm>>) target(%dma_start3A_167 : memref<128x16xf32, #tpu.memory_space<vmem>>) offsets(%dma_start3A_170 : memref<128xi32, #tpu.memory_space<vmem>>) semaphore(%dma_start3A_175 : memref<!tpu.dma_semaphore, #tpu.memory_space<semaphore_mem>>)
      %dma_start3A_176 = arith.constant 1 : i32
      %dma_start3A_177 = arith.constant 1 : i32
      %dma_start3A_178 = arith.constant 1 : i32
      %dma_start3A_179 = arith.constant 0 : i32
      %dma_start3A_180 = arith.constant 0 : i32
      %dma_start3A_181 = tpu.memref_slice %arg17[%dma_start3A_177, %dma_start3A_179, %dma_start3A_180] : memref<2x128x16xf32, #tpu.memory_space<vmem>> -> memref<1x128x16xf32, #tpu.memory_space<vmem>>
      %dma_start3A_182 = tpu.memref_squeeze %dma_start3A_181 : memref<1x128x16xf32, #tpu.memory_space<vmem>> -> memref<128x16xf32, #tpu.memory_space<vmem>>
      %dma_start3A_183 = arith.constant 0 : i32
      %dma_start3A_184 = tpu.memref_slice %arg13[%dma_start3A_176, %dma_start3A_183] : memref<2x128xi32, #tpu.memory_space<vmem>> -> memref<1x128xi32, #tpu.memory_space<vmem>>
      %dma_start3A_185 = tpu.memref_squeeze %dma_start3A_184 : memref<1x128xi32, #tpu.memory_space<vmem>> -> memref<128xi32, #tpu.memory_space<vmem>>
      %dma_start3A_186 = arith.constant 0 : i32
      %dma_start3A_187 = arith.constant 0 : i32
      %dma_start3A_188 = tpu.memref_slice %arg4[%dma_start3A_186, %dma_start3A_187] : memref<10000x16xf32, #tpu.memory_space<hbm>> -> memref<10000x16xf32, #tpu.memory_space<hbm>>
      %dma_start3A_189 = tpu.memref_slice %arg23[%dma_start3A_178] : memref<2x!tpu.dma_semaphore, #tpu.memory_space<semaphore_mem>> -> memref<1x!tpu.dma_semaphore, #tpu.memory_space<semaphore_mem>>
      %dma_start3A_190 = tpu.memref_squeeze %dma_start3A_189 : memref<1x!tpu.dma_semaphore, #tpu.memory_space<semaphore_mem>> -> memref<!tpu.dma_semaphore, #tpu.memory_space<semaphore_mem>>
      tpu.enqueue_indirect_dma source(%dma_start3A_188 : memref<10000x16xf32, #tpu.memory_space<hbm>>) target(%dma_start3A_182 : memref<128x16xf32, #tpu.memory_space<vmem>>) offsets(%dma_start3A_185 : memref<128xi32, #tpu.memory_space<vmem>>) semaphore(%dma_start3A_190 : memref<!tpu.dma_semaphore, #tpu.memory_space<semaphore_mem>>)
      %dma_wait3A_191 = arith.constant 0 : i32
      %dma_wait3A_192 = arith.constant 0 : i32
      %dma_wait3A_193 = arith.constant 0 : i32
      %dma_wait3A_194 = arith.constant 0 : i32
      %dma_wait3A_195 = arith.constant 0 : i32
      %dma_wait3A_196 = tpu.memref_slice %arg15[%dma_wait3A_192, %dma_wait3A_194, %dma_wait3A_195] : memref<2x128x64xf32, #tpu.memory_space<vmem>> -> memref<1x128x64xf32, #tpu.memory_space<vmem>>
      %dma_wait3A_197 = tpu.memref_squeeze %dma_wait3A_196 : memref<1x128x64xf32, #tpu.memory_space<vmem>> -> memref<128x64xf32, #tpu.memory_space<vmem>>
      %dma_wait3A_198 = arith.constant 0 : i32
      %dma_wait3A_199 = tpu.memref_slice %arg12[%dma_wait3A_191, %dma_wait3A_198] : memref<2x128xi32, #tpu.memory_space<vmem>> -> memref<1x128xi32, #tpu.memory_space<vmem>>
      %dma_wait3A_200 = tpu.memref_squeeze %dma_wait3A_199 : memref<1x128xi32, #tpu.memory_space<vmem>> -> memref<128xi32, #tpu.memory_space<vmem>>
      %dma_wait3A_201 = arith.constant 0 : i32
      %dma_wait3A_202 = arith.constant 0 : i32
      %dma_wait3A_203 = tpu.memref_slice %arg2[%dma_wait3A_201, %dma_wait3A_202] : memref<10000x64xf32, #tpu.memory_space<hbm>> -> memref<10000x64xf32, #tpu.memory_space<hbm>>
      %dma_wait3A_204 = tpu.memref_slice %arg23[%dma_wait3A_193] : memref<2x!tpu.dma_semaphore, #tpu.memory_space<semaphore_mem>> -> memref<1x!tpu.dma_semaphore, #tpu.memory_space<semaphore_mem>>
      %dma_wait3A_205 = tpu.memref_squeeze %dma_wait3A_204 : memref<1x!tpu.dma_semaphore, #tpu.memory_space<semaphore_mem>> -> memref<!tpu.dma_semaphore, #tpu.memory_space<semaphore_mem>>
      tpu.wait_indirect_dma semaphore(%dma_wait3A_205 : memref<!tpu.dma_semaphore, #tpu.memory_space<semaphore_mem>>) src(%dma_wait3A_203 : memref<10000x64xf32, #tpu.memory_space<hbm>>) dst(%dma_wait3A_197 : memref<128x64xf32, #tpu.memory_space<vmem>>)
      %dma_wait3A_206 = arith.constant 0 : i32
      %dma_wait3A_207 = arith.constant 0 : i32
      %dma_wait3A_208 = arith.constant 0 : i32
      %dma_wait3A_209 = arith.constant 0 : i32
      %dma_wait3A_210 = arith.constant 0 : i32
      %dma_wait3A_211 = tpu.memref_slice %arg16[%dma_wait3A_207, %dma_wait3A_209, %dma_wait3A_210] : memref<2x128x16xf32, #tpu.memory_space<vmem>> -> memref<1x128x16xf32, #tpu.memory_space<vmem>>
      %dma_wait3A_212 = tpu.memref_squeeze %dma_wait3A_211 : memref<1x128x16xf32, #tpu.memory_space<vmem>> -> memref<128x16xf32, #tpu.memory_space<vmem>>
      %dma_wait3A_213 = arith.constant 0 : i32
      %dma_wait3A_214 = tpu.memref_slice %arg12[%dma_wait3A_206, %dma_wait3A_213] : memref<2x128xi32, #tpu.memory_space<vmem>> -> memref<1x128xi32, #tpu.memory_space<vmem>>
      %dma_wait3A_215 = tpu.memref_squeeze %dma_wait3A_214 : memref<1x128xi32, #tpu.memory_space<vmem>> -> memref<128xi32, #tpu.memory_space<vmem>>
      %dma_wait3A_216 = arith.constant 0 : i32
      %dma_wait3A_217 = arith.constant 0 : i32
      %dma_wait3A_218 = tpu.memref_slice %arg3[%dma_wait3A_216, %dma_wait3A_217] : memref<10000x16xf32, #tpu.memory_space<hbm>> -> memref<10000x16xf32, #tpu.memory_space<hbm>>
      %dma_wait3A_219 = tpu.memref_slice %arg23[%dma_wait3A_208] : memref<2x!tpu.dma_semaphore, #tpu.memory_space<semaphore_mem>> -> memref<1x!tpu.dma_semaphore, #tpu.memory_space<semaphore_mem>>
      %dma_wait3A_220 = tpu.memref_squeeze %dma_wait3A_219 : memref<1x!tpu.dma_semaphore, #tpu.memory_space<semaphore_mem>> -> memref<!tpu.dma_semaphore, #tpu.memory_space<semaphore_mem>>
      tpu.wait_indirect_dma semaphore(%dma_wait3A_220 : memref<!tpu.dma_semaphore, #tpu.memory_space<semaphore_mem>>) src(%dma_wait3A_218 : memref<10000x16xf32, #tpu.memory_space<hbm>>) dst(%dma_wait3A_212 : memref<128x16xf32, #tpu.memory_space<vmem>>)
      %dma_wait3A_221 = arith.constant 0 : i32
      %dma_wait3A_222 = arith.constant 0 : i32
      %dma_wait3A_223 = arith.constant 0 : i32
      %dma_wait3A_224 = arith.constant 0 : i32
      %dma_wait3A_225 = arith.constant 0 : i32
      %dma_wait3A_226 = tpu.memref_slice %arg17[%dma_wait3A_222, %dma_wait3A_224, %dma_wait3A_225] : memref<2x128x16xf32, #tpu.memory_space<vmem>> -> memref<1x128x16xf32, #tpu.memory_space<vmem>>
      %dma_wait3A_227 = tpu.memref_squeeze %dma_wait3A_226 : memref<1x128x16xf32, #tpu.memory_space<vmem>> -> memref<128x16xf32, #tpu.memory_space<vmem>>
      %dma_wait3A_228 = arith.constant 0 : i32
      %dma_wait3A_229 = tpu.memref_slice %arg13[%dma_wait3A_221, %dma_wait3A_228] : memref<2x128xi32, #tpu.memory_space<vmem>> -> memref<1x128xi32, #tpu.memory_space<vmem>>
      %dma_wait3A_230 = tpu.memref_squeeze %dma_wait3A_229 : memref<1x128xi32, #tpu.memory_space<vmem>> -> memref<128xi32, #tpu.memory_space<vmem>>
      %dma_wait3A_231 = arith.constant 0 : i32
      %dma_wait3A_232 = arith.constant 0 : i32
      %dma_wait3A_233 = tpu.memref_slice %arg4[%dma_wait3A_231, %dma_wait3A_232] : memref<10000x16xf32, #tpu.memory_space<hbm>> -> memref<10000x16xf32, #tpu.memory_space<hbm>>
      %dma_wait3A_234 = tpu.memref_slice %arg23[%dma_wait3A_223] : memref<2x!tpu.dma_semaphore, #tpu.memory_space<semaphore_mem>> -> memref<1x!tpu.dma_semaphore, #tpu.memory_space<semaphore_mem>>
      %dma_wait3A_235 = tpu.memref_squeeze %dma_wait3A_234 : memref<1x!tpu.dma_semaphore, #tpu.memory_space<semaphore_mem>> -> memref<!tpu.dma_semaphore, #tpu.memory_space<semaphore_mem>>
      tpu.wait_indirect_dma semaphore(%dma_wait3A_235 : memref<!tpu.dma_semaphore, #tpu.memory_space<semaphore_mem>>) src(%dma_wait3A_233 : memref<10000x16xf32, #tpu.memory_space<hbm>>) dst(%dma_wait3A_227 : memref<128x16xf32, #tpu.memory_space<vmem>>)
      %gt3A = arith.constant 0 : i32
      %gt3A_236 = arith.cmpi sgt, %scan3A_134, %gt3A : i32
      %convert_element_type3A = arith.extui %gt3A_236 : i1 to i32
      %cond3A = arith.constant 0 : i32
      %cond3A_237 = arith.cmpi ne, %convert_element_type3A, %cond3A : i32
      scf.if %cond3A_237 {
        %dma_wait3A_381 = arith.constant 0 : i32
        %dma_wait3A_382 = arith.constant 0 : i32
        %dma_wait3A_383 = arith.constant 0 : i32
        %dma_wait3A_384 = arith.constant 0 : i32
        %dma_wait3A_385 = arith.constant 0 : i32
        %dma_wait3A_386 = tpu.memref_slice %arg18[%dma_wait3A_381, %dma_wait3A_384, %dma_wait3A_385] : memref<2x128x64xf32, #tpu.memory_space<vmem>> -> memref<1x128x64xf32, #tpu.memory_space<vmem>>
        %dma_wait3A_387 = tpu.memref_squeeze %dma_wait3A_386 : memref<1x128x64xf32, #tpu.memory_space<vmem>> -> memref<128x64xf32, #tpu.memory_space<vmem>>
        %dma_wait3A_388 = arith.constant 0 : i32
        %dma_wait3A_389 = tpu.memref_slice %arg14[%dma_wait3A_382, %dma_wait3A_388] : memref<2x128xi32, #tpu.memory_space<vmem>> -> memref<1x128xi32, #tpu.memory_space<vmem>>
        %dma_wait3A_390 = tpu.memref_squeeze %dma_wait3A_389 : memref<1x128xi32, #tpu.memory_space<vmem>> -> memref<128xi32, #tpu.memory_space<vmem>>
        %dma_wait3A_391 = arith.constant 0 : i32
        %dma_wait3A_392 = arith.constant 0 : i32
        %dma_wait3A_393 = tpu.memref_slice %arg21[%dma_wait3A_391, %dma_wait3A_392] : memref<10112x64xf32, #tpu.memory_space<vmem_shared>> -> memref<10112x64xf32, #tpu.memory_space<vmem_shared>>
        %dma_wait3A_394 = tpu.memref_slice %arg24[%dma_wait3A_383] : memref<2x!tpu.dma_semaphore, #tpu.memory_space<semaphore_mem>> -> memref<1x!tpu.dma_semaphore, #tpu.memory_space<semaphore_mem>>
        %dma_wait3A_395 = tpu.memref_squeeze %dma_wait3A_394 : memref<1x!tpu.dma_semaphore, #tpu.memory_space<semaphore_mem>> -> memref<!tpu.dma_semaphore, #tpu.memory_space<semaphore_mem>>
        tpu.wait_indirect_dma semaphore(%dma_wait3A_395 : memref<!tpu.dma_semaphore, #tpu.memory_space<semaphore_mem>>) src(%dma_wait3A_387 : memref<128x64xf32, #tpu.memory_space<vmem>>) dst(%dma_wait3A_393 : memref<10112x64xf32, #tpu.memory_space<vmem_shared>>)
        %dma_wait3A_396 = arith.constant 0 : i32
        %dma_wait3A_397 = arith.constant 0 : i32
        %dma_wait3A_398 = arith.constant 0 : i32
        %dma_wait3A_399 = arith.constant 0 : i32
        %dma_wait3A_400 = arith.constant 0 : i32
        %dma_wait3A_401 = tpu.memref_slice %arg19[%dma_wait3A_396, %dma_wait3A_399, %dma_wait3A_400] : memref<2x128x16xf32, #tpu.memory_space<vmem>> -> memref<1x128x16xf32, #tpu.memory_space<vmem>>
        %dma_wait3A_402 = tpu.memref_squeeze %dma_wait3A_401 : memref<1x128x16xf32, #tpu.memory_space<vmem>> -> memref<128x16xf32, #tpu.memory_space<vmem>>
        %dma_wait3A_403 = arith.constant 0 : i32
        %dma_wait3A_404 = tpu.memref_slice %arg14[%dma_wait3A_397, %dma_wait3A_403] : memref<2x128xi32, #tpu.memory_space<vmem>> -> memref<1x128xi32, #tpu.memory_space<vmem>>
        %dma_wait3A_405 = tpu.memref_squeeze %dma_wait3A_404 : memref<1x128xi32, #tpu.memory_space<vmem>> -> memref<128xi32, #tpu.memory_space<vmem>>
        %dma_wait3A_406 = arith.constant 0 : i32
        %dma_wait3A_407 = arith.constant 0 : i32
        %dma_wait3A_408 = tpu.memref_slice %arg22[%dma_wait3A_406, %dma_wait3A_407] : memref<10112x16xf32, #tpu.memory_space<vmem_shared>> -> memref<10112x16xf32, #tpu.memory_space<vmem_shared>>
        %dma_wait3A_409 = tpu.memref_slice %arg24[%dma_wait3A_398] : memref<2x!tpu.dma_semaphore, #tpu.memory_space<semaphore_mem>> -> memref<1x!tpu.dma_semaphore, #tpu.memory_space<semaphore_mem>>
        %dma_wait3A_410 = tpu.memref_squeeze %dma_wait3A_409 : memref<1x!tpu.dma_semaphore, #tpu.memory_space<semaphore_mem>> -> memref<!tpu.dma_semaphore, #tpu.memory_space<semaphore_mem>>
        tpu.wait_indirect_dma semaphore(%dma_wait3A_410 : memref<!tpu.dma_semaphore, #tpu.memory_space<semaphore_mem>>) src(%dma_wait3A_402 : memref<128x16xf32, #tpu.memory_space<vmem>>) dst(%dma_wait3A_408 : memref<10112x16xf32, #tpu.memory_space<vmem_shared>>)
      } else {
      }
      %mul3A_238 = arith.constant 5120 : i32
      %mul3A_239 = arith.muli %add3A, %mul3A_238 : i32
      %mul3A_240 = arith.constant 128 : i32
      %mul3A_241 = arith.muli %mul3A_136, %mul3A_240 : i32
      %add3A_242 = arith.addi %mul3A_239, %mul3A_241 : i32
      %run_scoped3A_243 = arith.constant 0 : i32
      "tpu.region"() ({
        %run_scoped3A_381 = tpu.sem_alloc : memref<!tpu.dma_semaphore, #tpu.memory_space<semaphore_mem>>
        %dma_start3A_382 = arith.constant 0 : i32
        %dma_start3A_383 = tpu.memref_slice %arg14[%run_scoped3A_243, %dma_start3A_382] : memref<2x128xi32, #tpu.memory_space<vmem>> -> memref<1x128xi32, #tpu.memory_space<vmem>>
        %dma_start3A_384 = tpu.memref_squeeze %dma_start3A_383 : memref<1x128xi32, #tpu.memory_space<vmem>> -> memref<128xi32, #tpu.memory_space<vmem>>
        %dma_start3A_385 = tpu.memref_slice %arg6[%add3A_242] : memref<163840xi32, #tpu.memory_space<hbm>> -> memref<128xi32, #tpu.memory_space<hbm>>
        %dma_start3A_386 = arith.constant 0 : i32
        %dma_start3A_387 = tpu.memref_slice %arg14[%run_scoped3A_243, %dma_start3A_386] : memref<2x128xi32, #tpu.memory_space<vmem>> -> memref<1x128xi32, #tpu.memory_space<vmem>>
        %dma_start3A_388 = tpu.memref_squeeze %dma_start3A_387 : memref<1x128xi32, #tpu.memory_space<vmem>> -> memref<128xi32, #tpu.memory_space<vmem>>
        %dma_start3A_389 = tpu.memref_slice %arg6[%add3A_242] : memref<163840xi32, #tpu.memory_space<hbm>> -> memref<128xi32, #tpu.memory_space<hbm>>
        tpu.enqueue_dma source(%dma_start3A_389 : memref<128xi32, #tpu.memory_space<hbm>>) target(%dma_start3A_388 : memref<128xi32, #tpu.memory_space<vmem>>) target_semaphore(%run_scoped3A_381 : memref<!tpu.dma_semaphore, #tpu.memory_space<semaphore_mem>>)
        %dma_wait3A_390 = arith.constant 0 : i32
        %dma_wait3A_391 = tpu.memref_slice %arg14[%run_scoped3A_243, %dma_wait3A_390] : memref<2x128xi32, #tpu.memory_space<vmem>> -> memref<1x128xi32, #tpu.memory_space<vmem>>
        %dma_wait3A_392 = tpu.memref_squeeze %dma_wait3A_391 : memref<1x128xi32, #tpu.memory_space<vmem>> -> memref<128xi32, #tpu.memory_space<vmem>>
        %dma_wait3A_393 = tpu.memref_slice %arg6[%add3A_242] : memref<163840xi32, #tpu.memory_space<hbm>> -> memref<128xi32, #tpu.memory_space<hbm>>
        %dma_wait3A_394 = arith.constant 0 : i32
        %dma_wait3A_395 = tpu.memref_slice %arg14[%run_scoped3A_243, %dma_wait3A_394] : memref<2x128xi32, #tpu.memory_space<vmem>> -> memref<1x128xi32, #tpu.memory_space<vmem>>
        %dma_wait3A_396 = tpu.memref_squeeze %dma_wait3A_395 : memref<1x128xi32, #tpu.memory_space<vmem>> -> memref<128xi32, #tpu.memory_space<vmem>>
        %dma_wait3A_397 = tpu.memref_slice %arg6[%add3A_242] : memref<163840xi32, #tpu.memory_space<hbm>> -> memref<128xi32, #tpu.memory_space<hbm>>
        tpu.wait_dma2 semaphore(%run_scoped3A_381 : memref<!tpu.dma_semaphore, #tpu.memory_space<semaphore_mem>>) src(%dma_wait3A_397 : memref<128xi32, #tpu.memory_space<hbm>>) dst(%dma_wait3A_396 : memref<128xi32, #tpu.memory_space<vmem>>)
        tpu.yield
      }) : () -> ()
      %parallel_loop3A = arith.constant 0 : i32
      %parallel_loop3A_244 = arith.constant 128 : i32
      %parallel_loop3A_245 = arith.constant 1 : i32
      %parallel_loop3A_246 = arith.constant 0 : i32
      %parallel_loop3A_247 = arith.constant 0 : i32
      %parallel_loop3A_248 = arith.constant 0 : i32
      %parallel_loop3A_249 = arith.constant 0 : i32
      %parallel_loop3A_250 = arith.constant 0 : i32
      scf.for %parallel_loop3A_381 = %parallel_loop3A to %parallel_loop3A_244 step %parallel_loop3A_245  : i32 {
        %parallel_loop3A_382 = arith.constant 0 : i32
        %parallel_loop3A_383 = arith.constant 0 : i32
        %parallel_loop3A_384 = tpu.memref_slice %arg16[%parallel_loop3A_246, %parallel_loop3A_382, %parallel_loop3A_383] : memref<2x128x16xf32, #tpu.memory_space<vmem>> -> memref<1x128x16xf32, #tpu.memory_space<vmem>>
        %parallel_loop3A_385 = tpu.memref_squeeze %parallel_loop3A_384 : memref<1x128x16xf32, #tpu.memory_space<vmem>> -> memref<128x16xf32, #tpu.memory_space<vmem>>
        %parallel_loop3A_386 = arith.index_cast %parallel_loop3A_381 : i32 to index
        %parallel_loop3A_387 = arith.constant 0 : index
        %parallel_loop3A_388 = tpu.vector_load %parallel_loop3A_385[%parallel_loop3A_386, %parallel_loop3A_387] {strides = array<i32>} : memref<128x16xf32, #tpu.memory_space<vmem>>, vector<16xf32>,
        %parallel_loop3A_389 = arith.constant 0 : i32
        %parallel_loop3A_390 = arith.constant 0 : i32
        %parallel_loop3A_391 = tpu.memref_slice %arg17[%parallel_loop3A_247, %parallel_loop3A_389, %parallel_loop3A_390] : memref<2x128x16xf32, #tpu.memory_space<vmem>> -> memref<1x128x16xf32, #tpu.memory_space<vmem>>
        %parallel_loop3A_392 = tpu.memref_squeeze %parallel_loop3A_391 : memref<1x128x16xf32, #tpu.memory_space<vmem>> -> memref<128x16xf32, #tpu.memory_space<vmem>>
        %parallel_loop3A_393 = arith.index_cast %parallel_loop3A_381 : i32 to index
        %parallel_loop3A_394 = arith.constant 0 : index
        %parallel_loop3A_395 = tpu.vector_load %parallel_loop3A_392[%parallel_loop3A_393, %parallel_loop3A_394] {strides = array<i32>} : memref<128x16xf32, #tpu.memory_space<vmem>>, vector<16xf32>,
        %parallel_loop3A_396 = arith.addf %parallel_loop3A_388, %parallel_loop3A_395 : vector<16xf32>
        %parallel_loop3A_397 = arith.constant 0.000000e+00 : f32
        %parallel_loop3A_398 = vector.broadcast %parallel_loop3A_397 : f32 to vector<16xf32>
        %parallel_loop3A_399 = arith.cmpf oge, %parallel_loop3A_396, %parallel_loop3A_398 : vector<16xf32>
        %parallel_loop3A_400 = arith.constant 2.000000e-01 : f32
        %parallel_loop3A_401 = vector.broadcast %parallel_loop3A_400 : f32 to vector<16xf32>
        %parallel_loop3A_402 = arith.mulf %parallel_loop3A_401, %parallel_loop3A_396 : vector<16xf32>
        %parallel_loop3A_403 = arith.select %parallel_loop3A_399, %parallel_loop3A_396, %parallel_loop3A_402 : vector<16xi1>, vector<16xf32>
        %parallel_loop3A_404 = arith.subf %parallel_loop3A_403, %get3A_9 : vector<16xf32>
        %parallel_loop3A_405 = math.exp %parallel_loop3A_404 : vector<16xf32>
        %parallel_loop3A_406 = arith.constant 0 : i32
        %parallel_loop3A_407 = arith.constant 0 : i32
        %parallel_loop3A_408 = tpu.memref_slice %arg19[%parallel_loop3A_248, %parallel_loop3A_406, %parallel_loop3A_407] : memref<2x128x16xf32, #tpu.memory_space<vmem>> -> memref<1x128x16xf32, #tpu.memory_space<vmem>>
        %parallel_loop3A_409 = tpu.memref_squeeze %parallel_loop3A_408 : memref<1x128x16xf32, #tpu.memory_space<vmem>> -> memref<128x16xf32, #tpu.memory_space<vmem>>
        %parallel_loop3A_410 = arith.index_cast %parallel_loop3A_381 : i32 to index
        %parallel_loop3A_411 = arith.constant 0 : index
        %parallel_loop3A_412 = tpu.vector_load %parallel_loop3A_409[%parallel_loop3A_410, %parallel_loop3A_411] {strides = array<i32>} : memref<128x16xf32, #tpu.memory_space<vmem>>, vector<16xf32>,
        tpu.vector_store %parallel_loop3A_409[%parallel_loop3A_410, %parallel_loop3A_411], %parallel_loop3A_405 {strides = array<i32>} : memref<128x16xf32, #tpu.memory_space<vmem>>, vector<16xf32>,
        %parallel_loop3A_413 = vector.broadcast %parallel_loop3A_381 : i32 to vector<16xi32>
        %parallel_loop3A_414 = arith.constant 0 : i32
        %parallel_loop3A_415 = vector.broadcast %parallel_loop3A_414 : i32 to vector<16xi32>
        %parallel_loop3A_416 = arith.addi %shift_right_logical3A_11, %parallel_loop3A_415 : vector<16xi32>
        %parallel_loop3A_417 = arith.constant 0 : i32
        %parallel_loop3A_418 = arith.constant 0 : i32
        %parallel_loop3A_419 = tpu.memref_slice %arg19[%parallel_loop3A_248, %parallel_loop3A_417, %parallel_loop3A_418] : memref<2x128x16xf32, #tpu.memory_space<vmem>> -> memref<1x128x16xf32, #tpu.memory_space<vmem>>
        %parallel_loop3A_420 = tpu.memref_squeeze %parallel_loop3A_419 : memref<1x128x16xf32, #tpu.memory_space<vmem>> -> memref<128x16xf32, #tpu.memory_space<vmem>>
        %parallel_loop3A_421 = tpu.vector_load_idx %parallel_loop3A_420[%parallel_loop3A_413, %parallel_loop3A_416] : memref<128x16xf32, #tpu.memory_space<vmem>>[vector<16xi32>, vector<16xi32>], vector<16xf32>,
        %parallel_loop3A_422 = arith.constant 0 : i32
        %parallel_loop3A_423 = arith.constant 0 : i32
        %parallel_loop3A_424 = tpu.memref_slice %arg15[%parallel_loop3A_249, %parallel_loop3A_422, %parallel_loop3A_423] : memref<2x128x64xf32, #tpu.memory_space<vmem>> -> memref<1x128x64xf32, #tpu.memory_space<vmem>>
        %parallel_loop3A_425 = tpu.memref_squeeze %parallel_loop3A_424 : memref<1x128x64xf32, #tpu.memory_space<vmem>> -> memref<128x64xf32, #tpu.memory_space<vmem>>
        %parallel_loop3A_426 = arith.index_cast %parallel_loop3A_381 : i32 to index
        %parallel_loop3A_427 = arith.constant 0 : index
        %parallel_loop3A_428 = tpu.vector_load %parallel_loop3A_425[%parallel_loop3A_426, %parallel_loop3A_427] {strides = array<i32>} : memref<128x64xf32, #tpu.memory_space<vmem>>, vector<16xf32>,
        %parallel_loop3A_429 = arith.mulf %parallel_loop3A_428, %parallel_loop3A_421 : vector<16xf32>
        %parallel_loop3A_430 = arith.constant 0 : i32
        %parallel_loop3A_431 = arith.constant 0 : i32
        %parallel_loop3A_432 = tpu.memref_slice %arg18[%parallel_loop3A_250, %parallel_loop3A_430, %parallel_loop3A_431] : memref<2x128x64xf32, #tpu.memory_space<vmem>> -> memref<1x128x64xf32, #tpu.memory_space<vmem>>
        %parallel_loop3A_433 = tpu.memref_squeeze %parallel_loop3A_432 : memref<1x128x64xf32, #tpu.memory_space<vmem>> -> memref<128x64xf32, #tpu.memory_space<vmem>>
        %parallel_loop3A_434 = arith.index_cast %parallel_loop3A_381 : i32 to index
        %parallel_loop3A_435 = arith.constant 0 : index
        %parallel_loop3A_436 = tpu.vector_load %parallel_loop3A_433[%parallel_loop3A_434, %parallel_loop3A_435] {strides = array<i32>} : memref<128x64xf32, #tpu.memory_space<vmem>>, vector<16xf32>,
        tpu.vector_store %parallel_loop3A_433[%parallel_loop3A_434, %parallel_loop3A_435], %parallel_loop3A_429 {strides = array<i32>} : memref<128x64xf32, #tpu.memory_space<vmem>>, vector<16xf32>,
        %parallel_loop3A_437 = arith.constant 2 : i32
        %parallel_loop3A_438 = vector.broadcast %parallel_loop3A_437 : i32 to vector<16xi32>
        %parallel_loop3A_439 = arith.addi %shift_right_logical3A_11, %parallel_loop3A_438 : vector<16xi32>
        %parallel_loop3A_440 = arith.constant 0 : i32
        %parallel_loop3A_441 = arith.constant 0 : i32
        %parallel_loop3A_442 = tpu.memref_slice %arg19[%parallel_loop3A_248, %parallel_loop3A_440, %parallel_loop3A_441] : memref<2x128x16xf32, #tpu.memory_space<vmem>> -> memref<1x128x16xf32, #tpu.memory_space<vmem>>
        %parallel_loop3A_443 = tpu.memref_squeeze %parallel_loop3A_442 : memref<1x128x16xf32, #tpu.memory_space<vmem>> -> memref<128x16xf32, #tpu.memory_space<vmem>>
        %parallel_loop3A_444 = tpu.vector_load_idx %parallel_loop3A_443[%parallel_loop3A_413, %parallel_loop3A_439] : memref<128x16xf32, #tpu.memory_space<vmem>>[vector<16xi32>, vector<16xi32>], vector<16xf32>,
        %parallel_loop3A_445 = arith.constant 0 : i32
        %parallel_loop3A_446 = arith.constant 0 : i32
        %parallel_loop3A_447 = tpu.memref_slice %arg15[%parallel_loop3A_249, %parallel_loop3A_445, %parallel_loop3A_446] : memref<2x128x64xf32, #tpu.memory_space<vmem>> -> memref<1x128x64xf32, #tpu.memory_space<vmem>>
        %parallel_loop3A_448 = tpu.memref_squeeze %parallel_loop3A_447 : memref<1x128x64xf32, #tpu.memory_space<vmem>> -> memref<128x64xf32, #tpu.memory_space<vmem>>
        %parallel_loop3A_449 = arith.index_cast %parallel_loop3A_381 : i32 to index
        %parallel_loop3A_450 = arith.constant 16 : index
        %parallel_loop3A_451 = tpu.vector_load %parallel_loop3A_448[%parallel_loop3A_449, %parallel_loop3A_450] {strides = array<i32>} : memref<128x64xf32, #tpu.memory_space<vmem>>, vector<16xf32>,
        %parallel_loop3A_452 = arith.mulf %parallel_loop3A_451, %parallel_loop3A_444 : vector<16xf32>
        %parallel_loop3A_453 = arith.constant 0 : i32
        %parallel_loop3A_454 = arith.constant 0 : i32
        %parallel_loop3A_455 = tpu.memref_slice %arg18[%parallel_loop3A_250, %parallel_loop3A_453, %parallel_loop3A_454] : memref<2x128x64xf32, #tpu.memory_space<vmem>> -> memref<1x128x64xf32, #tpu.memory_space<vmem>>
        %parallel_loop3A_456 = tpu.memref_squeeze %parallel_loop3A_455 : memref<1x128x64xf32, #tpu.memory_space<vmem>> -> memref<128x64xf32, #tpu.memory_space<vmem>>
        %parallel_loop3A_457 = arith.index_cast %parallel_loop3A_381 : i32 to index
        %parallel_loop3A_458 = arith.constant 16 : index
        %parallel_loop3A_459 = tpu.vector_load %parallel_loop3A_456[%parallel_loop3A_457, %parallel_loop3A_458] {strides = array<i32>} : memref<128x64xf32, #tpu.memory_space<vmem>>, vector<16xf32>,
        tpu.vector_store %parallel_loop3A_456[%parallel_loop3A_457, %parallel_loop3A_458], %parallel_loop3A_452 {strides = array<i32>} : memref<128x64xf32, #tpu.memory_space<vmem>>, vector<16xf32>,
        %parallel_loop3A_460 = arith.constant 4 : i32
        %parallel_loop3A_461 = vector.broadcast %parallel_loop3A_460 : i32 to vector<16xi32>
        %parallel_loop3A_462 = arith.addi %shift_right_logical3A_11, %parallel_loop3A_461 : vector<16xi32>
        %parallel_loop3A_463 = arith.constant 0 : i32
        %parallel_loop3A_464 = arith.constant 0 : i32
        %parallel_loop3A_465 = tpu.memref_slice %arg19[%parallel_loop3A_248, %parallel_loop3A_463, %parallel_loop3A_464] : memref<2x128x16xf32, #tpu.memory_space<vmem>> -> memref<1x128x16xf32, #tpu.memory_space<vmem>>
        %parallel_loop3A_466 = tpu.memref_squeeze %parallel_loop3A_465 : memref<1x128x16xf32, #tpu.memory_space<vmem>> -> memref<128x16xf32, #tpu.memory_space<vmem>>
        %parallel_loop3A_467 = tpu.vector_load_idx %parallel_loop3A_466[%parallel_loop3A_413, %parallel_loop3A_462] : memref<128x16xf32, #tpu.memory_space<vmem>>[vector<16xi32>, vector<16xi32>], vector<16xf32>,
        %parallel_loop3A_468 = arith.constant 0 : i32
        %parallel_loop3A_469 = arith.constant 0 : i32
        %parallel_loop3A_470 = tpu.memref_slice %arg15[%parallel_loop3A_249, %parallel_loop3A_468, %parallel_loop3A_469] : memref<2x128x64xf32, #tpu.memory_space<vmem>> -> memref<1x128x64xf32, #tpu.memory_space<vmem>>
        %parallel_loop3A_471 = tpu.memref_squeeze %parallel_loop3A_470 : memref<1x128x64xf32, #tpu.memory_space<vmem>> -> memref<128x64xf32, #tpu.memory_space<vmem>>
        %parallel_loop3A_472 = arith.index_cast %parallel_loop3A_381 : i32 to index
        %parallel_loop3A_473 = arith.constant 32 : index
        %parallel_loop3A_474 = tpu.vector_load %parallel_loop3A_471[%parallel_loop3A_472, %parallel_loop3A_473] {strides = array<i32>} : memref<128x64xf32, #tpu.memory_space<vmem>>, vector<16xf32>,
        %parallel_loop3A_475 = arith.mulf %parallel_loop3A_474, %parallel_loop3A_467 : vector<16xf32>
        %parallel_loop3A_476 = arith.constant 0 : i32
        %parallel_loop3A_477 = arith.constant 0 : i32
        %parallel_loop3A_478 = tpu.memref_slice %arg18[%parallel_loop3A_250, %parallel_loop3A_476, %parallel_loop3A_477] : memref<2x128x64xf32, #tpu.memory_space<vmem>> -> memref<1x128x64xf32, #tpu.memory_space<vmem>>
        %parallel_loop3A_479 = tpu.memref_squeeze %parallel_loop3A_478 : memref<1x128x64xf32, #tpu.memory_space<vmem>> -> memref<128x64xf32, #tpu.memory_space<vmem>>
        %parallel_loop3A_480 = arith.index_cast %parallel_loop3A_381 : i32 to index
        %parallel_loop3A_481 = arith.constant 32 : index
        %parallel_loop3A_482 = tpu.vector_load %parallel_loop3A_479[%parallel_loop3A_480, %parallel_loop3A_481] {strides = array<i32>} : memref<128x64xf32, #tpu.memory_space<vmem>>, vector<16xf32>,
        tpu.vector_store %parallel_loop3A_479[%parallel_loop3A_480, %parallel_loop3A_481], %parallel_loop3A_475 {strides = array<i32>} : memref<128x64xf32, #tpu.memory_space<vmem>>, vector<16xf32>,
        %parallel_loop3A_483 = arith.constant 6 : i32
        %parallel_loop3A_484 = vector.broadcast %parallel_loop3A_483 : i32 to vector<16xi32>
        %parallel_loop3A_485 = arith.addi %shift_right_logical3A_11, %parallel_loop3A_484 : vector<16xi32>
        %parallel_loop3A_486 = arith.constant 0 : i32
        %parallel_loop3A_487 = arith.constant 0 : i32
        %parallel_loop3A_488 = tpu.memref_slice %arg19[%parallel_loop3A_248, %parallel_loop3A_486, %parallel_loop3A_487] : memref<2x128x16xf32, #tpu.memory_space<vmem>> -> memref<1x128x16xf32, #tpu.memory_space<vmem>>
        %parallel_loop3A_489 = tpu.memref_squeeze %parallel_loop3A_488 : memref<1x128x16xf32, #tpu.memory_space<vmem>> -> memref<128x16xf32, #tpu.memory_space<vmem>>
        %parallel_loop3A_490 = tpu.vector_load_idx %parallel_loop3A_489[%parallel_loop3A_413, %parallel_loop3A_485] : memref<128x16xf32, #tpu.memory_space<vmem>>[vector<16xi32>, vector<16xi32>], vector<16xf32>,
        %parallel_loop3A_491 = arith.constant 0 : i32
        %parallel_loop3A_492 = arith.constant 0 : i32
        %parallel_loop3A_493 = tpu.memref_slice %arg15[%parallel_loop3A_249, %parallel_loop3A_491, %parallel_loop3A_492] : memref<2x128x64xf32, #tpu.memory_space<vmem>> -> memref<1x128x64xf32, #tpu.memory_space<vmem>>
        %parallel_loop3A_494 = tpu.memref_squeeze %parallel_loop3A_493 : memref<1x128x64xf32, #tpu.memory_space<vmem>> -> memref<128x64xf32, #tpu.memory_space<vmem>>
        %parallel_loop3A_495 = arith.index_cast %parallel_loop3A_381 : i32 to index
        %parallel_loop3A_496 = arith.constant 48 : index
        %parallel_loop3A_497 = tpu.vector_load %parallel_loop3A_494[%parallel_loop3A_495, %parallel_loop3A_496] {strides = array<i32>} : memref<128x64xf32, #tpu.memory_space<vmem>>, vector<16xf32>,
        %parallel_loop3A_498 = arith.mulf %parallel_loop3A_497, %parallel_loop3A_490 : vector<16xf32>
        %parallel_loop3A_499 = arith.constant 0 : i32
        %parallel_loop3A_500 = arith.constant 0 : i32
        %parallel_loop3A_501 = tpu.memref_slice %arg18[%parallel_loop3A_250, %parallel_loop3A_499, %parallel_loop3A_500] : memref<2x128x64xf32, #tpu.memory_space<vmem>> -> memref<1x128x64xf32, #tpu.memory_space<vmem>>
        %parallel_loop3A_502 = tpu.memref_squeeze %parallel_loop3A_501 : memref<1x128x64xf32, #tpu.memory_space<vmem>> -> memref<128x64xf32, #tpu.memory_space<vmem>>
        %parallel_loop3A_503 = arith.index_cast %parallel_loop3A_381 : i32 to index
        %parallel_loop3A_504 = arith.constant 48 : index
        %parallel_loop3A_505 = tpu.vector_load %parallel_loop3A_502[%parallel_loop3A_503, %parallel_loop3A_504] {strides = array<i32>} : memref<128x64xf32, #tpu.memory_space<vmem>>, vector<16xf32>,
        tpu.vector_store %parallel_loop3A_502[%parallel_loop3A_503, %parallel_loop3A_504], %parallel_loop3A_498 {strides = array<i32>} : memref<128x64xf32, #tpu.memory_space<vmem>>, vector<16xf32>,
      } {sc.loop_unroll_factor = 8 : i64, sc.parallel_access}
      %dma_start3A_251 = arith.constant 0 : i32
      %dma_start3A_252 = arith.constant 0 : i32
      %dma_start3A_253 = arith.constant 0 : i32
      %dma_start3A_254 = arith.constant 0 : i32
      %dma_start3A_255 = arith.constant 0 : i32
      %dma_start3A_256 = tpu.memref_slice %arg18[%dma_start3A_251, %dma_start3A_254, %dma_start3A_255] : memref<2x128x64xf32, #tpu.memory_space<vmem>> -> memref<1x128x64xf32, #tpu.memory_space<vmem>>
      %dma_start3A_257 = tpu.memref_squeeze %dma_start3A_256 : memref<1x128x64xf32, #tpu.memory_space<vmem>> -> memref<128x64xf32, #tpu.memory_space<vmem>>
      %dma_start3A_258 = arith.constant 0 : i32
      %dma_start3A_259 = tpu.memref_slice %arg14[%dma_start3A_252, %dma_start3A_258] : memref<2x128xi32, #tpu.memory_space<vmem>> -> memref<1x128xi32, #tpu.memory_space<vmem>>
      %dma_start3A_260 = tpu.memref_squeeze %dma_start3A_259 : memref<1x128xi32, #tpu.memory_space<vmem>> -> memref<128xi32, #tpu.memory_space<vmem>>
      %dma_start3A_261 = arith.constant 0 : i32
      %dma_start3A_262 = arith.constant 0 : i32
      %dma_start3A_263 = tpu.memref_slice %arg21[%dma_start3A_261, %dma_start3A_262] : memref<10112x64xf32, #tpu.memory_space<vmem_shared>> -> memref<10112x64xf32, #tpu.memory_space<vmem_shared>>
      %dma_start3A_264 = tpu.memref_slice %arg24[%dma_start3A_253] : memref<2x!tpu.dma_semaphore, #tpu.memory_space<semaphore_mem>> -> memref<1x!tpu.dma_semaphore, #tpu.memory_space<semaphore_mem>>
      %dma_start3A_265 = tpu.memref_squeeze %dma_start3A_264 : memref<1x!tpu.dma_semaphore, #tpu.memory_space<semaphore_mem>> -> memref<!tpu.dma_semaphore, #tpu.memory_space<semaphore_mem>>
      tpu.enqueue_indirect_dma source(%dma_start3A_257 : memref<128x64xf32, #tpu.memory_space<vmem>>) target(%dma_start3A_263 : memref<10112x64xf32, #tpu.memory_space<vmem_shared>>) offsets(%dma_start3A_260 : memref<128xi32, #tpu.memory_space<vmem>>) semaphore(%dma_start3A_265 : memref<!tpu.dma_semaphore, #tpu.memory_space<semaphore_mem>>) {add = true}
      %dma_start3A_266 = arith.constant 0 : i32
      %dma_start3A_267 = arith.constant 0 : i32
      %dma_start3A_268 = arith.constant 0 : i32
      %dma_start3A_269 = arith.constant 0 : i32
      %dma_start3A_270 = arith.constant 0 : i32
      %dma_start3A_271 = tpu.memref_slice %arg19[%dma_start3A_266, %dma_start3A_269, %dma_start3A_270] : memref<2x128x16xf32, #tpu.memory_space<vmem>> -> memref<1x128x16xf32, #tpu.memory_space<vmem>>
      %dma_start3A_272 = tpu.memref_squeeze %dma_start3A_271 : memref<1x128x16xf32, #tpu.memory_space<vmem>> -> memref<128x16xf32, #tpu.memory_space<vmem>>
      %dma_start3A_273 = arith.constant 0 : i32
      %dma_start3A_274 = tpu.memref_slice %arg14[%dma_start3A_267, %dma_start3A_273] : memref<2x128xi32, #tpu.memory_space<vmem>> -> memref<1x128xi32, #tpu.memory_space<vmem>>
      %dma_start3A_275 = tpu.memref_squeeze %dma_start3A_274 : memref<1x128xi32, #tpu.memory_space<vmem>> -> memref<128xi32, #tpu.memory_space<vmem>>
      %dma_start3A_276 = arith.constant 0 : i32
      %dma_start3A_277 = arith.constant 0 : i32
      %dma_start3A_278 = tpu.memref_slice %arg22[%dma_start3A_276, %dma_start3A_277] : memref<10112x16xf32, #tpu.memory_space<vmem_shared>> -> memref<10112x16xf32, #tpu.memory_space<vmem_shared>>
      %dma_start3A_279 = tpu.memref_slice %arg24[%dma_start3A_268] : memref<2x!tpu.dma_semaphore, #tpu.memory_space<semaphore_mem>> -> memref<1x!tpu.dma_semaphore, #tpu.memory_space<semaphore_mem>>
      %dma_start3A_280 = tpu.memref_squeeze %dma_start3A_279 : memref<1x!tpu.dma_semaphore, #tpu.memory_space<semaphore_mem>> -> memref<!tpu.dma_semaphore, #tpu.memory_space<semaphore_mem>>
      tpu.enqueue_indirect_dma source(%dma_start3A_272 : memref<128x16xf32, #tpu.memory_space<vmem>>) target(%dma_start3A_278 : memref<10112x16xf32, #tpu.memory_space<vmem_shared>>) offsets(%dma_start3A_275 : memref<128xi32, #tpu.memory_space<vmem>>) semaphore(%dma_start3A_280 : memref<!tpu.dma_semaphore, #tpu.memory_space<semaphore_mem>>) {add = true}
      %lt3A = arith.constant 19 : i32
      %lt3A_281 = arith.cmpi slt, %scan3A_134, %lt3A : i32
      %convert_element_type3A_282 = arith.extui %lt3A_281 : i1 to i32
      %cond3A_283 = arith.constant 0 : i32
      %cond3A_284 = arith.cmpi ne, %convert_element_type3A_282, %cond3A_283 : i32
      scf.if %cond3A_284 {
        %add3A_381 = arith.constant 2 : i32
        %add3A_382 = arith.addi %mul3A_136, %add3A_381 : i32
        %mul3A_383 = arith.constant 5120 : i32
        %mul3A_384 = arith.muli %add3A, %mul3A_383 : i32
        %mul3A_385 = arith.constant 128 : i32
        %mul3A_386 = arith.muli %add3A_382, %mul3A_385 : i32
        %add3A_387 = arith.addi %mul3A_384, %mul3A_386 : i32
        %run_scoped3A_388 = arith.constant 0 : i32
        "tpu.region"() ({
          %run_scoped3A_435 = tpu.sem_alloc : memref<!tpu.dma_semaphore, #tpu.memory_space<semaphore_mem>>
          %dma_start3A_436 = arith.constant 0 : i32
          %dma_start3A_437 = tpu.memref_slice %arg12[%run_scoped3A_388, %dma_start3A_436] : memref<2x128xi32, #tpu.memory_space<vmem>> -> memref<1x128xi32, #tpu.memory_space<vmem>>
          %dma_start3A_438 = tpu.memref_squeeze %dma_start3A_437 : memref<1x128xi32, #tpu.memory_space<vmem>> -> memref<128xi32, #tpu.memory_space<vmem>>
          %dma_start3A_439 = tpu.memref_slice %arg5[%add3A_387] : memref<163840xi32, #tpu.memory_space<hbm>> -> memref<128xi32, #tpu.memory_space<hbm>>
          %dma_start3A_440 = arith.constant 0 : i32
          %dma_start3A_441 = tpu.memref_slice %arg12[%run_scoped3A_388, %dma_start3A_440] : memref<2x128xi32, #tpu.memory_space<vmem>> -> memref<1x128xi32, #tpu.memory_space<vmem>>
          %dma_start3A_442 = tpu.memref_squeeze %dma_start3A_441 : memref<1x128xi32, #tpu.memory_space<vmem>> -> memref<128xi32, #tpu.memory_space<vmem>>
          %dma_start3A_443 = tpu.memref_slice %arg5[%add3A_387] : memref<163840xi32, #tpu.memory_space<hbm>> -> memref<128xi32, #tpu.memory_space<hbm>>
          tpu.enqueue_dma source(%dma_start3A_443 : memref<128xi32, #tpu.memory_space<hbm>>) target(%dma_start3A_442 : memref<128xi32, #tpu.memory_space<vmem>>) target_semaphore(%run_scoped3A_435 : memref<!tpu.dma_semaphore, #tpu.memory_space<semaphore_mem>>)
          %dma_wait3A_444 = arith.constant 0 : i32
          %dma_wait3A_445 = tpu.memref_slice %arg12[%run_scoped3A_388, %dma_wait3A_444] : memref<2x128xi32, #tpu.memory_space<vmem>> -> memref<1x128xi32, #tpu.memory_space<vmem>>
          %dma_wait3A_446 = tpu.memref_squeeze %dma_wait3A_445 : memref<1x128xi32, #tpu.memory_space<vmem>> -> memref<128xi32, #tpu.memory_space<vmem>>
          %dma_wait3A_447 = tpu.memref_slice %arg5[%add3A_387] : memref<163840xi32, #tpu.memory_space<hbm>> -> memref<128xi32, #tpu.memory_space<hbm>>
          %dma_wait3A_448 = arith.constant 0 : i32
          %dma_wait3A_449 = tpu.memref_slice %arg12[%run_scoped3A_388, %dma_wait3A_448] : memref<2x128xi32, #tpu.memory_space<vmem>> -> memref<1x128xi32, #tpu.memory_space<vmem>>
          %dma_wait3A_450 = tpu.memref_squeeze %dma_wait3A_449 : memref<1x128xi32, #tpu.memory_space<vmem>> -> memref<128xi32, #tpu.memory_space<vmem>>
          %dma_wait3A_451 = tpu.memref_slice %arg5[%add3A_387] : memref<163840xi32, #tpu.memory_space<hbm>> -> memref<128xi32, #tpu.memory_space<hbm>>
          tpu.wait_dma2 semaphore(%run_scoped3A_435 : memref<!tpu.dma_semaphore, #tpu.memory_space<semaphore_mem>>) src(%dma_wait3A_451 : memref<128xi32, #tpu.memory_space<hbm>>) dst(%dma_wait3A_450 : memref<128xi32, #tpu.memory_space<vmem>>)
          tpu.yield
        }) : () -> ()
        %run_scoped3A_389 = arith.constant 0 : i32
        "tpu.region"() ({
          %run_scoped3A_435 = tpu.sem_alloc : memref<!tpu.dma_semaphore, #tpu.memory_space<semaphore_mem>>
          %dma_start3A_436 = arith.constant 0 : i32
          %dma_start3A_437 = tpu.memref_slice %arg13[%run_scoped3A_389, %dma_start3A_436] : memref<2x128xi32, #tpu.memory_space<vmem>> -> memref<1x128xi32, #tpu.memory_space<vmem>>
          %dma_start3A_438 = tpu.memref_squeeze %dma_start3A_437 : memref<1x128xi32, #tpu.memory_space<vmem>> -> memref<128xi32, #tpu.memory_space<vmem>>
          %dma_start3A_439 = tpu.memref_slice %arg6[%add3A_387] : memref<163840xi32, #tpu.memory_space<hbm>> -> memref<128xi32, #tpu.memory_space<hbm>>
          %dma_start3A_440 = arith.constant 0 : i32
          %dma_start3A_441 = tpu.memref_slice %arg13[%run_scoped3A_389, %dma_start3A_440] : memref<2x128xi32, #tpu.memory_space<vmem>> -> memref<1x128xi32, #tpu.memory_space<vmem>>
          %dma_start3A_442 = tpu.memref_squeeze %dma_start3A_441 : memref<1x128xi32, #tpu.memory_space<vmem>> -> memref<128xi32, #tpu.memory_space<vmem>>
          %dma_start3A_443 = tpu.memref_slice %arg6[%add3A_387] : memref<163840xi32, #tpu.memory_space<hbm>> -> memref<128xi32, #tpu.memory_space<hbm>>
          tpu.enqueue_dma source(%dma_start3A_443 : memref<128xi32, #tpu.memory_space<hbm>>) target(%dma_start3A_442 : memref<128xi32, #tpu.memory_space<vmem>>) target_semaphore(%run_scoped3A_435 : memref<!tpu.dma_semaphore, #tpu.memory_space<semaphore_mem>>)
          %dma_wait3A_444 = arith.constant 0 : i32
          %dma_wait3A_445 = tpu.memref_slice %arg13[%run_scoped3A_389, %dma_wait3A_444] : memref<2x128xi32, #tpu.memory_space<vmem>> -> memref<1x128xi32, #tpu.memory_space<vmem>>
          %dma_wait3A_446 = tpu.memref_squeeze %dma_wait3A_445 : memref<1x128xi32, #tpu.memory_space<vmem>> -> memref<128xi32, #tpu.memory_space<vmem>>
          %dma_wait3A_447 = tpu.memref_slice %arg6[%add3A_387] : memref<163840xi32, #tpu.memory_space<hbm>> -> memref<128xi32, #tpu.memory_space<hbm>>
          %dma_wait3A_448 = arith.constant 0 : i32
          %dma_wait3A_449 = tpu.memref_slice %arg13[%run_scoped3A_389, %dma_wait3A_448] : memref<2x128xi32, #tpu.memory_space<vmem>> -> memref<1x128xi32, #tpu.memory_space<vmem>>
          %dma_wait3A_450 = tpu.memref_squeeze %dma_wait3A_449 : memref<1x128xi32, #tpu.memory_space<vmem>> -> memref<128xi32, #tpu.memory_space<vmem>>
          %dma_wait3A_451 = tpu.memref_slice %arg6[%add3A_387] : memref<163840xi32, #tpu.memory_space<hbm>> -> memref<128xi32, #tpu.memory_space<hbm>>
          tpu.wait_dma2 semaphore(%run_scoped3A_435 : memref<!tpu.dma_semaphore, #tpu.memory_space<semaphore_mem>>) src(%dma_wait3A_451 : memref<128xi32, #tpu.memory_space<hbm>>) dst(%dma_wait3A_450 : memref<128xi32, #tpu.memory_space<vmem>>)
          tpu.yield
        }) : () -> ()
        %dma_start3A_390 = arith.constant 0 : i32
        %dma_start3A_391 = arith.constant 0 : i32
        %dma_start3A_392 = arith.constant 0 : i32
        %dma_start3A_393 = arith.constant 0 : i32
        %dma_start3A_394 = arith.constant 0 : i32
        %dma_start3A_395 = tpu.memref_slice %arg15[%dma_start3A_391, %dma_start3A_393, %dma_start3A_394] : memref<2x128x64xf32, #tpu.memory_space<vmem>> -> memref<1x128x64xf32, #tpu.memory_space<vmem>>
        %dma_start3A_396 = tpu.memref_squeeze %dma_start3A_395 : memref<1x128x64xf32, #tpu.memory_space<vmem>> -> memref<128x64xf32, #tpu.memory_space<vmem>>
        %dma_start3A_397 = arith.constant 0 : i32
        %dma_start3A_398 = tpu.memref_slice %arg12[%dma_start3A_390, %dma_start3A_397] : memref<2x128xi32, #tpu.memory_space<vmem>> -> memref<1x128xi32, #tpu.memory_space<vmem>>
        %dma_start3A_399 = tpu.memref_squeeze %dma_start3A_398 : memref<1x128xi32, #tpu.memory_space<vmem>> -> memref<128xi32, #tpu.memory_space<vmem>>
        %dma_start3A_400 = arith.constant 0 : i32
        %dma_start3A_401 = arith.constant 0 : i32
        %dma_start3A_402 = tpu.memref_slice %arg2[%dma_start3A_400, %dma_start3A_401] : memref<10000x64xf32, #tpu.memory_space<hbm>> -> memref<10000x64xf32, #tpu.memory_space<hbm>>
        %dma_start3A_403 = tpu.memref_slice %arg23[%dma_start3A_392] : memref<2x!tpu.dma_semaphore, #tpu.memory_space<semaphore_mem>> -> memref<1x!tpu.dma_semaphore, #tpu.memory_space<semaphore_mem>>
        %dma_start3A_404 = tpu.memref_squeeze %dma_start3A_403 : memref<1x!tpu.dma_semaphore, #tpu.memory_space<semaphore_mem>> -> memref<!tpu.dma_semaphore, #tpu.memory_space<semaphore_mem>>
        tpu.enqueue_indirect_dma source(%dma_start3A_402 : memref<10000x64xf32, #tpu.memory_space<hbm>>) target(%dma_start3A_396 : memref<128x64xf32, #tpu.memory_space<vmem>>) offsets(%dma_start3A_399 : memref<128xi32, #tpu.memory_space<vmem>>) semaphore(%dma_start3A_404 : memref<!tpu.dma_semaphore, #tpu.memory_space<semaphore_mem>>)
        %dma_start3A_405 = arith.constant 0 : i32
        %dma_start3A_406 = arith.constant 0 : i32
        %dma_start3A_407 = arith.constant 0 : i32
        %dma_start3A_408 = arith.constant 0 : i32
        %dma_start3A_409 = arith.constant 0 : i32
        %dma_start3A_410 = tpu.memref_slice %arg16[%dma_start3A_406, %dma_start3A_408, %dma_start3A_409] : memref<2x128x16xf32, #tpu.memory_space<vmem>> -> memref<1x128x16xf32, #tpu.memory_space<vmem>>
        %dma_start3A_411 = tpu.memref_squeeze %dma_start3A_410 : memref<1x128x16xf32, #tpu.memory_space<vmem>> -> memref<128x16xf32, #tpu.memory_space<vmem>>
        %dma_start3A_412 = arith.constant 0 : i32
        %dma_start3A_413 = tpu.memref_slice %arg12[%dma_start3A_405, %dma_start3A_412] : memref<2x128xi32, #tpu.memory_space<vmem>> -> memref<1x128xi32, #tpu.memory_space<vmem>>
        %dma_start3A_414 = tpu.memref_squeeze %dma_start3A_413 : memref<1x128xi32, #tpu.memory_space<vmem>> -> memref<128xi32, #tpu.memory_space<vmem>>
        %dma_start3A_415 = arith.constant 0 : i32
        %dma_start3A_416 = arith.constant 0 : i32
        %dma_start3A_417 = tpu.memref_slice %arg3[%dma_start3A_415, %dma_start3A_416] : memref<10000x16xf32, #tpu.memory_space<hbm>> -> memref<10000x16xf32, #tpu.memory_space<hbm>>
        %dma_start3A_418 = tpu.memref_slice %arg23[%dma_start3A_407] : memref<2x!tpu.dma_semaphore, #tpu.memory_space<semaphore_mem>> -> memref<1x!tpu.dma_semaphore, #tpu.memory_space<semaphore_mem>>
        %dma_start3A_419 = tpu.memref_squeeze %dma_start3A_418 : memref<1x!tpu.dma_semaphore, #tpu.memory_space<semaphore_mem>> -> memref<!tpu.dma_semaphore, #tpu.memory_space<semaphore_mem>>
        tpu.enqueue_indirect_dma source(%dma_start3A_417 : memref<10000x16xf32, #tpu.memory_space<hbm>>) target(%dma_start3A_411 : memref<128x16xf32, #tpu.memory_space<vmem>>) offsets(%dma_start3A_414 : memref<128xi32, #tpu.memory_space<vmem>>) semaphore(%dma_start3A_419 : memref<!tpu.dma_semaphore, #tpu.memory_space<semaphore_mem>>)
        %dma_start3A_420 = arith.constant 0 : i32
        %dma_start3A_421 = arith.constant 0 : i32
        %dma_start3A_422 = arith.constant 0 : i32
        %dma_start3A_423 = arith.constant 0 : i32
        %dma_start3A_424 = arith.constant 0 : i32
        %dma_start3A_425 = tpu.memref_slice %arg17[%dma_start3A_421, %dma_start3A_423, %dma_start3A_424] : memref<2x128x16xf32, #tpu.memory_space<vmem>> -> memref<1x128x16xf32, #tpu.memory_space<vmem>>
        %dma_start3A_426 = tpu.memref_squeeze %dma_start3A_425 : memref<1x128x16xf32, #tpu.memory_space<vmem>> -> memref<128x16xf32, #tpu.memory_space<vmem>>
        %dma_start3A_427 = arith.constant 0 : i32
        %dma_start3A_428 = tpu.memref_slice %arg13[%dma_start3A_420, %dma_start3A_427] : memref<2x128xi32, #tpu.memory_space<vmem>> -> memref<1x128xi32, #tpu.memory_space<vmem>>
        %dma_start3A_429 = tpu.memref_squeeze %dma_start3A_428 : memref<1x128xi32, #tpu.memory_space<vmem>> -> memref<128xi32, #tpu.memory_space<vmem>>
        %dma_start3A_430 = arith.constant 0 : i32
        %dma_start3A_431 = arith.constant 0 : i32
        %dma_start3A_432 = tpu.memref_slice %arg4[%dma_start3A_430, %dma_start3A_431] : memref<10000x16xf32, #tpu.memory_space<hbm>> -> memref<10000x16xf32, #tpu.memory_space<hbm>>
        %dma_start3A_433 = tpu.memref_slice %arg23[%dma_start3A_422] : memref<2x!tpu.dma_semaphore, #tpu.memory_space<semaphore_mem>> -> memref<1x!tpu.dma_semaphore, #tpu.memory_space<semaphore_mem>>
        %dma_start3A_434 = tpu.memref_squeeze %dma_start3A_433 : memref<1x!tpu.dma_semaphore, #tpu.memory_space<semaphore_mem>> -> memref<!tpu.dma_semaphore, #tpu.memory_space<semaphore_mem>>
        tpu.enqueue_indirect_dma source(%dma_start3A_432 : memref<10000x16xf32, #tpu.memory_space<hbm>>) target(%dma_start3A_426 : memref<128x16xf32, #tpu.memory_space<vmem>>) offsets(%dma_start3A_429 : memref<128xi32, #tpu.memory_space<vmem>>) semaphore(%dma_start3A_434 : memref<!tpu.dma_semaphore, #tpu.memory_space<semaphore_mem>>)
      } else {
      }
      %dma_wait3A_285 = arith.constant 1 : i32
      %dma_wait3A_286 = arith.constant 1 : i32
      %dma_wait3A_287 = arith.constant 1 : i32
      %dma_wait3A_288 = arith.constant 0 : i32
      %dma_wait3A_289 = arith.constant 0 : i32
      %dma_wait3A_290 = tpu.memref_slice %arg15[%dma_wait3A_286, %dma_wait3A_288, %dma_wait3A_289] : memref<2x128x64xf32, #tpu.memory_space<vmem>> -> memref<1x128x64xf32, #tpu.memory_space<vmem>>
      %dma_wait3A_291 = tpu.memref_squeeze %dma_wait3A_290 : memref<1x128x64xf32, #tpu.memory_space<vmem>> -> memref<128x64xf32, #tpu.memory_space<vmem>>
      %dma_wait3A_292 = arith.constant 0 : i32
      %dma_wait3A_293 = tpu.memref_slice %arg12[%dma_wait3A_285, %dma_wait3A_292] : memref<2x128xi32, #tpu.memory_space<vmem>> -> memref<1x128xi32, #tpu.memory_space<vmem>>
      %dma_wait3A_294 = tpu.memref_squeeze %dma_wait3A_293 : memref<1x128xi32, #tpu.memory_space<vmem>> -> memref<128xi32, #tpu.memory_space<vmem>>
      %dma_wait3A_295 = arith.constant 0 : i32
      %dma_wait3A_296 = arith.constant 0 : i32
      %dma_wait3A_297 = tpu.memref_slice %arg2[%dma_wait3A_295, %dma_wait3A_296] : memref<10000x64xf32, #tpu.memory_space<hbm>> -> memref<10000x64xf32, #tpu.memory_space<hbm>>
      %dma_wait3A_298 = tpu.memref_slice %arg23[%dma_wait3A_287] : memref<2x!tpu.dma_semaphore, #tpu.memory_space<semaphore_mem>> -> memref<1x!tpu.dma_semaphore, #tpu.memory_space<semaphore_mem>>
      %dma_wait3A_299 = tpu.memref_squeeze %dma_wait3A_298 : memref<1x!tpu.dma_semaphore, #tpu.memory_space<semaphore_mem>> -> memref<!tpu.dma_semaphore, #tpu.memory_space<semaphore_mem>>
      tpu.wait_indirect_dma semaphore(%dma_wait3A_299 : memref<!tpu.dma_semaphore, #tpu.memory_space<semaphore_mem>>) src(%dma_wait3A_297 : memref<10000x64xf32, #tpu.memory_space<hbm>>) dst(%dma_wait3A_291 : memref<128x64xf32, #tpu.memory_space<vmem>>)
      %dma_wait3A_300 = arith.constant 1 : i32
      %dma_wait3A_301 = arith.constant 1 : i32
      %dma_wait3A_302 = arith.constant 1 : i32
      %dma_wait3A_303 = arith.constant 0 : i32
      %dma_wait3A_304 = arith.constant 0 : i32
      %dma_wait3A_305 = tpu.memref_slice %arg16[%dma_wait3A_301, %dma_wait3A_303, %dma_wait3A_304] : memref<2x128x16xf32, #tpu.memory_space<vmem>> -> memref<1x128x16xf32, #tpu.memory_space<vmem>>
      %dma_wait3A_306 = tpu.memref_squeeze %dma_wait3A_305 : memref<1x128x16xf32, #tpu.memory_space<vmem>> -> memref<128x16xf32, #tpu.memory_space<vmem>>
      %dma_wait3A_307 = arith.constant 0 : i32
      %dma_wait3A_308 = tpu.memref_slice %arg12[%dma_wait3A_300, %dma_wait3A_307] : memref<2x128xi32, #tpu.memory_space<vmem>> -> memref<1x128xi32, #tpu.memory_space<vmem>>
      %dma_wait3A_309 = tpu.memref_squeeze %dma_wait3A_308 : memref<1x128xi32, #tpu.memory_space<vmem>> -> memref<128xi32, #tpu.memory_space<vmem>>
      %dma_wait3A_310 = arith.constant 0 : i32
      %dma_wait3A_311 = arith.constant 0 : i32
      %dma_wait3A_312 = tpu.memref_slice %arg3[%dma_wait3A_310, %dma_wait3A_311] : memref<10000x16xf32, #tpu.memory_space<hbm>> -> memref<10000x16xf32, #tpu.memory_space<hbm>>
      %dma_wait3A_313 = tpu.memref_slice %arg23[%dma_wait3A_302] : memref<2x!tpu.dma_semaphore, #tpu.memory_space<semaphore_mem>> -> memref<1x!tpu.dma_semaphore, #tpu.memory_space<semaphore_mem>>
      %dma_wait3A_314 = tpu.memref_squeeze %dma_wait3A_313 : memref<1x!tpu.dma_semaphore, #tpu.memory_space<semaphore_mem>> -> memref<!tpu.dma_semaphore, #tpu.memory_space<semaphore_mem>>
      tpu.wait_indirect_dma semaphore(%dma_wait3A_314 : memref<!tpu.dma_semaphore, #tpu.memory_space<semaphore_mem>>) src(%dma_wait3A_312 : memref<10000x16xf32, #tpu.memory_space<hbm>>) dst(%dma_wait3A_306 : memref<128x16xf32, #tpu.memory_space<vmem>>)
      %dma_wait3A_315 = arith.constant 1 : i32
      %dma_wait3A_316 = arith.constant 1 : i32
      %dma_wait3A_317 = arith.constant 1 : i32
      %dma_wait3A_318 = arith.constant 0 : i32
      %dma_wait3A_319 = arith.constant 0 : i32
      %dma_wait3A_320 = tpu.memref_slice %arg17[%dma_wait3A_316, %dma_wait3A_318, %dma_wait3A_319] : memref<2x128x16xf32, #tpu.memory_space<vmem>> -> memref<1x128x16xf32, #tpu.memory_space<vmem>>
      %dma_wait3A_321 = tpu.memref_squeeze %dma_wait3A_320 : memref<1x128x16xf32, #tpu.memory_space<vmem>> -> memref<128x16xf32, #tpu.memory_space<vmem>>
      %dma_wait3A_322 = arith.constant 0 : i32
      %dma_wait3A_323 = tpu.memref_slice %arg13[%dma_wait3A_315, %dma_wait3A_322] : memref<2x128xi32, #tpu.memory_space<vmem>> -> memref<1x128xi32, #tpu.memory_space<vmem>>
      %dma_wait3A_324 = tpu.memref_squeeze %dma_wait3A_323 : memref<1x128xi32, #tpu.memory_space<vmem>> -> memref<128xi32, #tpu.memory_space<vmem>>
      %dma_wait3A_325 = arith.constant 0 : i32
      %dma_wait3A_326 = arith.constant 0 : i32
      %dma_wait3A_327 = tpu.memref_slice %arg4[%dma_wait3A_325, %dma_wait3A_326] : memref<10000x16xf32, #tpu.memory_space<hbm>> -> memref<10000x16xf32, #tpu.memory_space<hbm>>
      %dma_wait3A_328 = tpu.memref_slice %arg23[%dma_wait3A_317] : memref<2x!tpu.dma_semaphore, #tpu.memory_space<semaphore_mem>> -> memref<1x!tpu.dma_semaphore, #tpu.memory_space<semaphore_mem>>
      %dma_wait3A_329 = tpu.memref_squeeze %dma_wait3A_328 : memref<1x!tpu.dma_semaphore, #tpu.memory_space<semaphore_mem>> -> memref<!tpu.dma_semaphore, #tpu.memory_space<semaphore_mem>>
      tpu.wait_indirect_dma semaphore(%dma_wait3A_329 : memref<!tpu.dma_semaphore, #tpu.memory_space<semaphore_mem>>) src(%dma_wait3A_327 : memref<10000x16xf32, #tpu.memory_space<hbm>>) dst(%dma_wait3A_321 : memref<128x16xf32, #tpu.memory_space<vmem>>)
      %gt3A_330 = arith.constant 0 : i32
      %gt3A_331 = arith.cmpi sgt, %scan3A_134, %gt3A_330 : i32
      %convert_element_type3A_332 = arith.extui %gt3A_331 : i1 to i32
      %cond3A_333 = arith.constant 0 : i32
      %cond3A_334 = arith.cmpi ne, %convert_element_type3A_332, %cond3A_333 : i32
      scf.if %cond3A_334 {
        %dma_wait3A_381 = arith.constant 1 : i32
        %dma_wait3A_382 = arith.constant 1 : i32
        %dma_wait3A_383 = arith.constant 1 : i32
        %dma_wait3A_384 = arith.constant 0 : i32
        %dma_wait3A_385 = arith.constant 0 : i32
        %dma_wait3A_386 = tpu.memref_slice %arg18[%dma_wait3A_381, %dma_wait3A_384, %dma_wait3A_385] : memref<2x128x64xf32, #tpu.memory_space<vmem>> -> memref<1x128x64xf32, #tpu.memory_space<vmem>>
        %dma_wait3A_387 = tpu.memref_squeeze %dma_wait3A_386 : memref<1x128x64xf32, #tpu.memory_space<vmem>> -> memref<128x64xf32, #tpu.memory_space<vmem>>
        %dma_wait3A_388 = arith.constant 0 : i32
        %dma_wait3A_389 = tpu.memref_slice %arg14[%dma_wait3A_382, %dma_wait3A_388] : memref<2x128xi32, #tpu.memory_space<vmem>> -> memref<1x128xi32, #tpu.memory_space<vmem>>
        %dma_wait3A_390 = tpu.memref_squeeze %dma_wait3A_389 : memref<1x128xi32, #tpu.memory_space<vmem>> -> memref<128xi32, #tpu.memory_space<vmem>>
        %dma_wait3A_391 = arith.constant 0 : i32
        %dma_wait3A_392 = arith.constant 0 : i32
        %dma_wait3A_393 = tpu.memref_slice %arg21[%dma_wait3A_391, %dma_wait3A_392] : memref<10112x64xf32, #tpu.memory_space<vmem_shared>> -> memref<10112x64xf32, #tpu.memory_space<vmem_shared>>
        %dma_wait3A_394 = tpu.memref_slice %arg24[%dma_wait3A_383] : memref<2x!tpu.dma_semaphore, #tpu.memory_space<semaphore_mem>> -> memref<1x!tpu.dma_semaphore, #tpu.memory_space<semaphore_mem>>
        %dma_wait3A_395 = tpu.memref_squeeze %dma_wait3A_394 : memref<1x!tpu.dma_semaphore, #tpu.memory_space<semaphore_mem>> -> memref<!tpu.dma_semaphore, #tpu.memory_space<semaphore_mem>>
        tpu.wait_indirect_dma semaphore(%dma_wait3A_395 : memref<!tpu.dma_semaphore, #tpu.memory_space<semaphore_mem>>) src(%dma_wait3A_387 : memref<128x64xf32, #tpu.memory_space<vmem>>) dst(%dma_wait3A_393 : memref<10112x64xf32, #tpu.memory_space<vmem_shared>>)
        %dma_wait3A_396 = arith.constant 1 : i32
        %dma_wait3A_397 = arith.constant 1 : i32
        %dma_wait3A_398 = arith.constant 1 : i32
        %dma_wait3A_399 = arith.constant 0 : i32
        %dma_wait3A_400 = arith.constant 0 : i32
        %dma_wait3A_401 = tpu.memref_slice %arg19[%dma_wait3A_396, %dma_wait3A_399, %dma_wait3A_400] : memref<2x128x16xf32, #tpu.memory_space<vmem>> -> memref<1x128x16xf32, #tpu.memory_space<vmem>>
        %dma_wait3A_402 = tpu.memref_squeeze %dma_wait3A_401 : memref<1x128x16xf32, #tpu.memory_space<vmem>> -> memref<128x16xf32, #tpu.memory_space<vmem>>
        %dma_wait3A_403 = arith.constant 0 : i32
        %dma_wait3A_404 = tpu.memref_slice %arg14[%dma_wait3A_397, %dma_wait3A_403] : memref<2x128xi32, #tpu.memory_space<vmem>> -> memref<1x128xi32, #tpu.memory_space<vmem>>
        %dma_wait3A_405 = tpu.memref_squeeze %dma_wait3A_404 : memref<1x128xi32, #tpu.memory_space<vmem>> -> memref<128xi32, #tpu.memory_space<vmem>>
        %dma_wait3A_406 = arith.constant 0 : i32
        %dma_wait3A_407 = arith.constant 0 : i32
        %dma_wait3A_408 = tpu.memref_slice %arg22[%dma_wait3A_406, %dma_wait3A_407] : memref<10112x16xf32, #tpu.memory_space<vmem_shared>> -> memref<10112x16xf32, #tpu.memory_space<vmem_shared>>
        %dma_wait3A_409 = tpu.memref_slice %arg24[%dma_wait3A_398] : memref<2x!tpu.dma_semaphore, #tpu.memory_space<semaphore_mem>> -> memref<1x!tpu.dma_semaphore, #tpu.memory_space<semaphore_mem>>
        %dma_wait3A_410 = tpu.memref_squeeze %dma_wait3A_409 : memref<1x!tpu.dma_semaphore, #tpu.memory_space<semaphore_mem>> -> memref<!tpu.dma_semaphore, #tpu.memory_space<semaphore_mem>>
        tpu.wait_indirect_dma semaphore(%dma_wait3A_410 : memref<!tpu.dma_semaphore, #tpu.memory_space<semaphore_mem>>) src(%dma_wait3A_402 : memref<128x16xf32, #tpu.memory_space<vmem>>) dst(%dma_wait3A_408 : memref<10112x16xf32, #tpu.memory_space<vmem_shared>>)
      } else {
      }
      %mul3A_335 = arith.constant 5120 : i32
      %mul3A_336 = arith.muli %add3A, %mul3A_335 : i32
      %add3A_337 = arith.constant 1 : i32
      %add3A_338 = arith.addi %mul3A_136, %add3A_337 : i32
      %mul3A_339 = arith.constant 128 : i32
      %mul3A_340 = arith.muli %add3A_338, %mul3A_339 : i32
      %add3A_341 = arith.addi %mul3A_336, %mul3A_340 : i32
      %run_scoped3A_342 = arith.constant 1 : i32
      "tpu.region"() ({
        %run_scoped3A_381 = tpu.sem_alloc : memref<!tpu.dma_semaphore, #tpu.memory_space<semaphore_mem>>
        %dma_start3A_382 = arith.constant 0 : i32
        %dma_start3A_383 = tpu.memref_slice %arg14[%run_scoped3A_342, %dma_start3A_382] : memref<2x128xi32, #tpu.memory_space<vmem>> -> memref<1x128xi32, #tpu.memory_space<vmem>>
        %dma_start3A_384 = tpu.memref_squeeze %dma_start3A_383 : memref<1x128xi32, #tpu.memory_space<vmem>> -> memref<128xi32, #tpu.memory_space<vmem>>
        %dma_start3A_385 = tpu.memref_slice %arg6[%add3A_341] : memref<163840xi32, #tpu.memory_space<hbm>> -> memref<128xi32, #tpu.memory_space<hbm>>
        %dma_start3A_386 = arith.constant 0 : i32
        %dma_start3A_387 = tpu.memref_slice %arg14[%run_scoped3A_342, %dma_start3A_386] : memref<2x128xi32, #tpu.memory_space<vmem>> -> memref<1x128xi32, #tpu.memory_space<vmem>>
        %dma_start3A_388 = tpu.memref_squeeze %dma_start3A_387 : memref<1x128xi32, #tpu.memory_space<vmem>> -> memref<128xi32, #tpu.memory_space<vmem>>
        %dma_start3A_389 = tpu.memref_slice %arg6[%add3A_341] : memref<163840xi32, #tpu.memory_space<hbm>> -> memref<128xi32, #tpu.memory_space<hbm>>
        tpu.enqueue_dma source(%dma_start3A_389 : memref<128xi32, #tpu.memory_space<hbm>>) target(%dma_start3A_388 : memref<128xi32, #tpu.memory_space<vmem>>) target_semaphore(%run_scoped3A_381 : memref<!tpu.dma_semaphore, #tpu.memory_space<semaphore_mem>>)
        %dma_wait3A_390 = arith.constant 0 : i32
        %dma_wait3A_391 = tpu.memref_slice %arg14[%run_scoped3A_342, %dma_wait3A_390] : memref<2x128xi32, #tpu.memory_space<vmem>> -> memref<1x128xi32, #tpu.memory_space<vmem>>
        %dma_wait3A_392 = tpu.memref_squeeze %dma_wait3A_391 : memref<1x128xi32, #tpu.memory_space<vmem>> -> memref<128xi32, #tpu.memory_space<vmem>>
        %dma_wait3A_393 = tpu.memref_slice %arg6[%add3A_341] : memref<163840xi32, #tpu.memory_space<hbm>> -> memref<128xi32, #tpu.memory_space<hbm>>
        %dma_wait3A_394 = arith.constant 0 : i32
        %dma_wait3A_395 = tpu.memref_slice %arg14[%run_scoped3A_342, %dma_wait3A_394] : memref<2x128xi32, #tpu.memory_space<vmem>> -> memref<1x128xi32, #tpu.memory_space<vmem>>
        %dma_wait3A_396 = tpu.memref_squeeze %dma_wait3A_395 : memref<1x128xi32, #tpu.memory_space<vmem>> -> memref<128xi32, #tpu.memory_space<vmem>>
        %dma_wait3A_397 = tpu.memref_slice %arg6[%add3A_341] : memref<163840xi32, #tpu.memory_space<hbm>> -> memref<128xi32, #tpu.memory_space<hbm>>
        tpu.wait_dma2 semaphore(%run_scoped3A_381 : memref<!tpu.dma_semaphore, #tpu.memory_space<semaphore_mem>>) src(%dma_wait3A_397 : memref<128xi32, #tpu.memory_space<hbm>>) dst(%dma_wait3A_396 : memref<128xi32, #tpu.memory_space<vmem>>)
        tpu.yield
      }) : () -> ()
      %parallel_loop3A_343 = arith.constant 0 : i32
      %parallel_loop3A_344 = arith.constant 128 : i32
      %parallel_loop3A_345 = arith.constant 1 : i32
      %parallel_loop3A_346 = arith.constant 1 : i32
      %parallel_loop3A_347 = arith.constant 1 : i32
      %parallel_loop3A_348 = arith.constant 1 : i32
      %parallel_loop3A_349 = arith.constant 1 : i32
      %parallel_loop3A_350 = arith.constant 1 : i32
      scf.for %parallel_loop3A_381 = %parallel_loop3A_343 to %parallel_loop3A_344 step %parallel_loop3A_345  : i32 {
        %parallel_loop3A_382 = arith.constant 0 : i32
        %parallel_loop3A_383 = arith.constant 0 : i32
        %parallel_loop3A_384 = tpu.memref_slice %arg16[%parallel_loop3A_346, %parallel_loop3A_382, %parallel_loop3A_383] : memref<2x128x16xf32, #tpu.memory_space<vmem>> -> memref<1x128x16xf32, #tpu.memory_space<vmem>>
        %parallel_loop3A_385 = tpu.memref_squeeze %parallel_loop3A_384 : memref<1x128x16xf32, #tpu.memory_space<vmem>> -> memref<128x16xf32, #tpu.memory_space<vmem>>
        %parallel_loop3A_386 = arith.index_cast %parallel_loop3A_381 : i32 to index
        %parallel_loop3A_387 = arith.constant 0 : index
        %parallel_loop3A_388 = tpu.vector_load %parallel_loop3A_385[%parallel_loop3A_386, %parallel_loop3A_387] {strides = array<i32>} : memref<128x16xf32, #tpu.memory_space<vmem>>, vector<16xf32>,
        %parallel_loop3A_389 = arith.constant 0 : i32
        %parallel_loop3A_390 = arith.constant 0 : i32
        %parallel_loop3A_391 = tpu.memref_slice %arg17[%parallel_loop3A_347, %parallel_loop3A_389, %parallel_loop3A_390] : memref<2x128x16xf32, #tpu.memory_space<vmem>> -> memref<1x128x16xf32, #tpu.memory_space<vmem>>
        %parallel_loop3A_392 = tpu.memref_squeeze %parallel_loop3A_391 : memref<1x128x16xf32, #tpu.memory_space<vmem>> -> memref<128x16xf32, #tpu.memory_space<vmem>>
        %parallel_loop3A_393 = arith.index_cast %parallel_loop3A_381 : i32 to index
        %parallel_loop3A_394 = arith.constant 0 : index
        %parallel_loop3A_395 = tpu.vector_load %parallel_loop3A_392[%parallel_loop3A_393, %parallel_loop3A_394] {strides = array<i32>} : memref<128x16xf32, #tpu.memory_space<vmem>>, vector<16xf32>,
        %parallel_loop3A_396 = arith.addf %parallel_loop3A_388, %parallel_loop3A_395 : vector<16xf32>
        %parallel_loop3A_397 = arith.constant 0.000000e+00 : f32
        %parallel_loop3A_398 = vector.broadcast %parallel_loop3A_397 : f32 to vector<16xf32>
        %parallel_loop3A_399 = arith.cmpf oge, %parallel_loop3A_396, %parallel_loop3A_398 : vector<16xf32>
        %parallel_loop3A_400 = arith.constant 2.000000e-01 : f32
        %parallel_loop3A_401 = vector.broadcast %parallel_loop3A_400 : f32 to vector<16xf32>
        %parallel_loop3A_402 = arith.mulf %parallel_loop3A_401, %parallel_loop3A_396 : vector<16xf32>
        %parallel_loop3A_403 = arith.select %parallel_loop3A_399, %parallel_loop3A_396, %parallel_loop3A_402 : vector<16xi1>, vector<16xf32>
        %parallel_loop3A_404 = arith.subf %parallel_loop3A_403, %get3A_9 : vector<16xf32>
        %parallel_loop3A_405 = math.exp %parallel_loop3A_404 : vector<16xf32>
        %parallel_loop3A_406 = arith.constant 0 : i32
        %parallel_loop3A_407 = arith.constant 0 : i32
        %parallel_loop3A_408 = tpu.memref_slice %arg19[%parallel_loop3A_348, %parallel_loop3A_406, %parallel_loop3A_407] : memref<2x128x16xf32, #tpu.memory_space<vmem>> -> memref<1x128x16xf32, #tpu.memory_space<vmem>>
        %parallel_loop3A_409 = tpu.memref_squeeze %parallel_loop3A_408 : memref<1x128x16xf32, #tpu.memory_space<vmem>> -> memref<128x16xf32, #tpu.memory_space<vmem>>
        %parallel_loop3A_410 = arith.index_cast %parallel_loop3A_381 : i32 to index
        %parallel_loop3A_411 = arith.constant 0 : index
        %parallel_loop3A_412 = tpu.vector_load %parallel_loop3A_409[%parallel_loop3A_410, %parallel_loop3A_411] {strides = array<i32>} : memref<128x16xf32, #tpu.memory_space<vmem>>, vector<16xf32>,
        tpu.vector_store %parallel_loop3A_409[%parallel_loop3A_410, %parallel_loop3A_411], %parallel_loop3A_405 {strides = array<i32>} : memref<128x16xf32, #tpu.memory_space<vmem>>, vector<16xf32>,
        %parallel_loop3A_413 = vector.broadcast %parallel_loop3A_381 : i32 to vector<16xi32>
        %parallel_loop3A_414 = arith.constant 0 : i32
        %parallel_loop3A_415 = vector.broadcast %parallel_loop3A_414 : i32 to vector<16xi32>
        %parallel_loop3A_416 = arith.addi %shift_right_logical3A_11, %parallel_loop3A_415 : vector<16xi32>
        %parallel_loop3A_417 = arith.constant 0 : i32
        %parallel_loop3A_418 = arith.constant 0 : i32
        %parallel_loop3A_419 = tpu.memref_slice %arg19[%parallel_loop3A_348, %parallel_loop3A_417, %parallel_loop3A_418] : memref<2x128x16xf32, #tpu.memory_space<vmem>> -> memref<1x128x16xf32, #tpu.memory_space<vmem>>
        %parallel_loop3A_420 = tpu.memref_squeeze %parallel_loop3A_419 : memref<1x128x16xf32, #tpu.memory_space<vmem>> -> memref<128x16xf32, #tpu.memory_space<vmem>>
        %parallel_loop3A_421 = tpu.vector_load_idx %parallel_loop3A_420[%parallel_loop3A_413, %parallel_loop3A_416] : memref<128x16xf32, #tpu.memory_space<vmem>>[vector<16xi32>, vector<16xi32>], vector<16xf32>,
        %parallel_loop3A_422 = arith.constant 0 : i32
        %parallel_loop3A_423 = arith.constant 0 : i32
        %parallel_loop3A_424 = tpu.memref_slice %arg15[%parallel_loop3A_349, %parallel_loop3A_422, %parallel_loop3A_423] : memref<2x128x64xf32, #tpu.memory_space<vmem>> -> memref<1x128x64xf32, #tpu.memory_space<vmem>>
        %parallel_loop3A_425 = tpu.memref_squeeze %parallel_loop3A_424 : memref<1x128x64xf32, #tpu.memory_space<vmem>> -> memref<128x64xf32, #tpu.memory_space<vmem>>
        %parallel_loop3A_426 = arith.index_cast %parallel_loop3A_381 : i32 to index
        %parallel_loop3A_427 = arith.constant 0 : index
        %parallel_loop3A_428 = tpu.vector_load %parallel_loop3A_425[%parallel_loop3A_426, %parallel_loop3A_427] {strides = array<i32>} : memref<128x64xf32, #tpu.memory_space<vmem>>, vector<16xf32>,
        %parallel_loop3A_429 = arith.mulf %parallel_loop3A_428, %parallel_loop3A_421 : vector<16xf32>
        %parallel_loop3A_430 = arith.constant 0 : i32
        %parallel_loop3A_431 = arith.constant 0 : i32
        %parallel_loop3A_432 = tpu.memref_slice %arg18[%parallel_loop3A_350, %parallel_loop3A_430, %parallel_loop3A_431] : memref<2x128x64xf32, #tpu.memory_space<vmem>> -> memref<1x128x64xf32, #tpu.memory_space<vmem>>
        %parallel_loop3A_433 = tpu.memref_squeeze %parallel_loop3A_432 : memref<1x128x64xf32, #tpu.memory_space<vmem>> -> memref<128x64xf32, #tpu.memory_space<vmem>>
        %parallel_loop3A_434 = arith.index_cast %parallel_loop3A_381 : i32 to index
        %parallel_loop3A_435 = arith.constant 0 : index
        %parallel_loop3A_436 = tpu.vector_load %parallel_loop3A_433[%parallel_loop3A_434, %parallel_loop3A_435] {strides = array<i32>} : memref<128x64xf32, #tpu.memory_space<vmem>>, vector<16xf32>,
        tpu.vector_store %parallel_loop3A_433[%parallel_loop3A_434, %parallel_loop3A_435], %parallel_loop3A_429 {strides = array<i32>} : memref<128x64xf32, #tpu.memory_space<vmem>>, vector<16xf32>,
        %parallel_loop3A_437 = arith.constant 2 : i32
        %parallel_loop3A_438 = vector.broadcast %parallel_loop3A_437 : i32 to vector<16xi32>
        %parallel_loop3A_439 = arith.addi %shift_right_logical3A_11, %parallel_loop3A_438 : vector<16xi32>
        %parallel_loop3A_440 = arith.constant 0 : i32
        %parallel_loop3A_441 = arith.constant 0 : i32
        %parallel_loop3A_442 = tpu.memref_slice %arg19[%parallel_loop3A_348, %parallel_loop3A_440, %parallel_loop3A_441] : memref<2x128x16xf32, #tpu.memory_space<vmem>> -> memref<1x128x16xf32, #tpu.memory_space<vmem>>
        %parallel_loop3A_443 = tpu.memref_squeeze %parallel_loop3A_442 : memref<1x128x16xf32, #tpu.memory_space<vmem>> -> memref<128x16xf32, #tpu.memory_space<vmem>>
        %parallel_loop3A_444 = tpu.vector_load_idx %parallel_loop3A_443[%parallel_loop3A_413, %parallel_loop3A_439] : memref<128x16xf32, #tpu.memory_space<vmem>>[vector<16xi32>, vector<16xi32>], vector<16xf32>,
        %parallel_loop3A_445 = arith.constant 0 : i32
        %parallel_loop3A_446 = arith.constant 0 : i32
        %parallel_loop3A_447 = tpu.memref_slice %arg15[%parallel_loop3A_349, %parallel_loop3A_445, %parallel_loop3A_446] : memref<2x128x64xf32, #tpu.memory_space<vmem>> -> memref<1x128x64xf32, #tpu.memory_space<vmem>>
        %parallel_loop3A_448 = tpu.memref_squeeze %parallel_loop3A_447 : memref<1x128x64xf32, #tpu.memory_space<vmem>> -> memref<128x64xf32, #tpu.memory_space<vmem>>
        %parallel_loop3A_449 = arith.index_cast %parallel_loop3A_381 : i32 to index
        %parallel_loop3A_450 = arith.constant 16 : index
        %parallel_loop3A_451 = tpu.vector_load %parallel_loop3A_448[%parallel_loop3A_449, %parallel_loop3A_450] {strides = array<i32>} : memref<128x64xf32, #tpu.memory_space<vmem>>, vector<16xf32>,
        %parallel_loop3A_452 = arith.mulf %parallel_loop3A_451, %parallel_loop3A_444 : vector<16xf32>
        %parallel_loop3A_453 = arith.constant 0 : i32
        %parallel_loop3A_454 = arith.constant 0 : i32
        %parallel_loop3A_455 = tpu.memref_slice %arg18[%parallel_loop3A_350, %parallel_loop3A_453, %parallel_loop3A_454] : memref<2x128x64xf32, #tpu.memory_space<vmem>> -> memref<1x128x64xf32, #tpu.memory_space<vmem>>
        %parallel_loop3A_456 = tpu.memref_squeeze %parallel_loop3A_455 : memref<1x128x64xf32, #tpu.memory_space<vmem>> -> memref<128x64xf32, #tpu.memory_space<vmem>>
        %parallel_loop3A_457 = arith.index_cast %parallel_loop3A_381 : i32 to index
        %parallel_loop3A_458 = arith.constant 16 : index
        %parallel_loop3A_459 = tpu.vector_load %parallel_loop3A_456[%parallel_loop3A_457, %parallel_loop3A_458] {strides = array<i32>} : memref<128x64xf32, #tpu.memory_space<vmem>>, vector<16xf32>,
        tpu.vector_store %parallel_loop3A_456[%parallel_loop3A_457, %parallel_loop3A_458], %parallel_loop3A_452 {strides = array<i32>} : memref<128x64xf32, #tpu.memory_space<vmem>>, vector<16xf32>,
        %parallel_loop3A_460 = arith.constant 4 : i32
        %parallel_loop3A_461 = vector.broadcast %parallel_loop3A_460 : i32 to vector<16xi32>
        %parallel_loop3A_462 = arith.addi %shift_right_logical3A_11, %parallel_loop3A_461 : vector<16xi32>
        %parallel_loop3A_463 = arith.constant 0 : i32
        %parallel_loop3A_464 = arith.constant 0 : i32
        %parallel_loop3A_465 = tpu.memref_slice %arg19[%parallel_loop3A_348, %parallel_loop3A_463, %parallel_loop3A_464] : memref<2x128x16xf32, #tpu.memory_space<vmem>> -> memref<1x128x16xf32, #tpu.memory_space<vmem>>
        %parallel_loop3A_466 = tpu.memref_squeeze %parallel_loop3A_465 : memref<1x128x16xf32, #tpu.memory_space<vmem>> -> memref<128x16xf32, #tpu.memory_space<vmem>>
        %parallel_loop3A_467 = tpu.vector_load_idx %parallel_loop3A_466[%parallel_loop3A_413, %parallel_loop3A_462] : memref<128x16xf32, #tpu.memory_space<vmem>>[vector<16xi32>, vector<16xi32>], vector<16xf32>,
        %parallel_loop3A_468 = arith.constant 0 : i32
        %parallel_loop3A_469 = arith.constant 0 : i32
        %parallel_loop3A_470 = tpu.memref_slice %arg15[%parallel_loop3A_349, %parallel_loop3A_468, %parallel_loop3A_469] : memref<2x128x64xf32, #tpu.memory_space<vmem>> -> memref<1x128x64xf32, #tpu.memory_space<vmem>>
        %parallel_loop3A_471 = tpu.memref_squeeze %parallel_loop3A_470 : memref<1x128x64xf32, #tpu.memory_space<vmem>> -> memref<128x64xf32, #tpu.memory_space<vmem>>
        %parallel_loop3A_472 = arith.index_cast %parallel_loop3A_381 : i32 to index
        %parallel_loop3A_473 = arith.constant 32 : index
        %parallel_loop3A_474 = tpu.vector_load %parallel_loop3A_471[%parallel_loop3A_472, %parallel_loop3A_473] {strides = array<i32>} : memref<128x64xf32, #tpu.memory_space<vmem>>, vector<16xf32>,
        %parallel_loop3A_475 = arith.mulf %parallel_loop3A_474, %parallel_loop3A_467 : vector<16xf32>
        %parallel_loop3A_476 = arith.constant 0 : i32
        %parallel_loop3A_477 = arith.constant 0 : i32
        %parallel_loop3A_478 = tpu.memref_slice %arg18[%parallel_loop3A_350, %parallel_loop3A_476, %parallel_loop3A_477] : memref<2x128x64xf32, #tpu.memory_space<vmem>> -> memref<1x128x64xf32, #tpu.memory_space<vmem>>
        %parallel_loop3A_479 = tpu.memref_squeeze %parallel_loop3A_478 : memref<1x128x64xf32, #tpu.memory_space<vmem>> -> memref<128x64xf32, #tpu.memory_space<vmem>>
        %parallel_loop3A_480 = arith.index_cast %parallel_loop3A_381 : i32 to index
        %parallel_loop3A_481 = arith.constant 32 : index
        %parallel_loop3A_482 = tpu.vector_load %parallel_loop3A_479[%parallel_loop3A_480, %parallel_loop3A_481] {strides = array<i32>} : memref<128x64xf32, #tpu.memory_space<vmem>>, vector<16xf32>,
        tpu.vector_store %parallel_loop3A_479[%parallel_loop3A_480, %parallel_loop3A_481], %parallel_loop3A_475 {strides = array<i32>} : memref<128x64xf32, #tpu.memory_space<vmem>>, vector<16xf32>,
        %parallel_loop3A_483 = arith.constant 6 : i32
        %parallel_loop3A_484 = vector.broadcast %parallel_loop3A_483 : i32 to vector<16xi32>
        %parallel_loop3A_485 = arith.addi %shift_right_logical3A_11, %parallel_loop3A_484 : vector<16xi32>
        %parallel_loop3A_486 = arith.constant 0 : i32
        %parallel_loop3A_487 = arith.constant 0 : i32
        %parallel_loop3A_488 = tpu.memref_slice %arg19[%parallel_loop3A_348, %parallel_loop3A_486, %parallel_loop3A_487] : memref<2x128x16xf32, #tpu.memory_space<vmem>> -> memref<1x128x16xf32, #tpu.memory_space<vmem>>
        %parallel_loop3A_489 = tpu.memref_squeeze %parallel_loop3A_488 : memref<1x128x16xf32, #tpu.memory_space<vmem>> -> memref<128x16xf32, #tpu.memory_space<vmem>>
        %parallel_loop3A_490 = tpu.vector_load_idx %parallel_loop3A_489[%parallel_loop3A_413, %parallel_loop3A_485] : memref<128x16xf32, #tpu.memory_space<vmem>>[vector<16xi32>, vector<16xi32>], vector<16xf32>,
        %parallel_loop3A_491 = arith.constant 0 : i32
        %parallel_loop3A_492 = arith.constant 0 : i32
        %parallel_loop3A_493 = tpu.memref_slice %arg15[%parallel_loop3A_349, %parallel_loop3A_491, %parallel_loop3A_492] : memref<2x128x64xf32, #tpu.memory_space<vmem>> -> memref<1x128x64xf32, #tpu.memory_space<vmem>>
        %parallel_loop3A_494 = tpu.memref_squeeze %parallel_loop3A_493 : memref<1x128x64xf32, #tpu.memory_space<vmem>> -> memref<128x64xf32, #tpu.memory_space<vmem>>
        %parallel_loop3A_495 = arith.index_cast %parallel_loop3A_381 : i32 to index
        %parallel_loop3A_496 = arith.constant 48 : index
        %parallel_loop3A_497 = tpu.vector_load %parallel_loop3A_494[%parallel_loop3A_495, %parallel_loop3A_496] {strides = array<i32>} : memref<128x64xf32, #tpu.memory_space<vmem>>, vector<16xf32>,
        %parallel_loop3A_498 = arith.mulf %parallel_loop3A_497, %parallel_loop3A_490 : vector<16xf32>
        %parallel_loop3A_499 = arith.constant 0 : i32
        %parallel_loop3A_500 = arith.constant 0 : i32
        %parallel_loop3A_501 = tpu.memref_slice %arg18[%parallel_loop3A_350, %parallel_loop3A_499, %parallel_loop3A_500] : memref<2x128x64xf32, #tpu.memory_space<vmem>> -> memref<1x128x64xf32, #tpu.memory_space<vmem>>
        %parallel_loop3A_502 = tpu.memref_squeeze %parallel_loop3A_501 : memref<1x128x64xf32, #tpu.memory_space<vmem>> -> memref<128x64xf32, #tpu.memory_space<vmem>>
        %parallel_loop3A_503 = arith.index_cast %parallel_loop3A_381 : i32 to index
        %parallel_loop3A_504 = arith.constant 48 : index
        %parallel_loop3A_505 = tpu.vector_load %parallel_loop3A_502[%parallel_loop3A_503, %parallel_loop3A_504] {strides = array<i32>} : memref<128x64xf32, #tpu.memory_space<vmem>>, vector<16xf32>,
        tpu.vector_store %parallel_loop3A_502[%parallel_loop3A_503, %parallel_loop3A_504], %parallel_loop3A_498 {strides = array<i32>} : memref<128x64xf32, #tpu.memory_space<vmem>>, vector<16xf32>,
      } {sc.loop_unroll_factor = 8 : i64, sc.parallel_access}
      %dma_start3A_351 = arith.constant 1 : i32
      %dma_start3A_352 = arith.constant 1 : i32
      %dma_start3A_353 = arith.constant 1 : i32
      %dma_start3A_354 = arith.constant 0 : i32
      %dma_start3A_355 = arith.constant 0 : i32
      %dma_start3A_356 = tpu.memref_slice %arg18[%dma_start3A_351, %dma_start3A_354, %dma_start3A_355] : memref<2x128x64xf32, #tpu.memory_space<vmem>> -> memref<1x128x64xf32, #tpu.memory_space<vmem>>
      %dma_start3A_357 = tpu.memref_squeeze %dma_start3A_356 : memref<1x128x64xf32, #tpu.memory_space<vmem>> -> memref<128x64xf32, #tpu.memory_space<vmem>>
      %dma_start3A_358 = arith.constant 0 : i32
      %dma_start3A_359 = tpu.memref_slice %arg14[%dma_start3A_352, %dma_start3A_358] : memref<2x128xi32, #tpu.memory_space<vmem>> -> memref<1x128xi32, #tpu.memory_space<vmem>>
      %dma_start3A_360 = tpu.memref_squeeze %dma_start3A_359 : memref<1x128xi32, #tpu.memory_space<vmem>> -> memref<128xi32, #tpu.memory_space<vmem>>
      %dma_start3A_361 = arith.constant 0 : i32
      %dma_start3A_362 = arith.constant 0 : i32
      %dma_start3A_363 = tpu.memref_slice %arg21[%dma_start3A_361, %dma_start3A_362] : memref<10112x64xf32, #tpu.memory_space<vmem_shared>> -> memref<10112x64xf32, #tpu.memory_space<vmem_shared>>
      %dma_start3A_364 = tpu.memref_slice %arg24[%dma_start3A_353] : memref<2x!tpu.dma_semaphore, #tpu.memory_space<semaphore_mem>> -> memref<1x!tpu.dma_semaphore, #tpu.memory_space<semaphore_mem>>
      %dma_start3A_365 = tpu.memref_squeeze %dma_start3A_364 : memref<1x!tpu.dma_semaphore, #tpu.memory_space<semaphore_mem>> -> memref<!tpu.dma_semaphore, #tpu.memory_space<semaphore_mem>>
      tpu.enqueue_indirect_dma source(%dma_start3A_357 : memref<128x64xf32, #tpu.memory_space<vmem>>) target(%dma_start3A_363 : memref<10112x64xf32, #tpu.memory_space<vmem_shared>>) offsets(%dma_start3A_360 : memref<128xi32, #tpu.memory_space<vmem>>) semaphore(%dma_start3A_365 : memref<!tpu.dma_semaphore, #tpu.memory_space<semaphore_mem>>) {add = true}
      %dma_start3A_366 = arith.constant 1 : i32
      %dma_start3A_367 = arith.constant 1 : i32
      %dma_start3A_368 = arith.constant 1 : i32
      %dma_start3A_369 = arith.constant 0 : i32
      %dma_start3A_370 = arith.constant 0 : i32
      %dma_start3A_371 = tpu.memref_slice %arg19[%dma_start3A_366, %dma_start3A_369, %dma_start3A_370] : memref<2x128x16xf32, #tpu.memory_space<vmem>> -> memref<1x128x16xf32, #tpu.memory_space<vmem>>
      %dma_start3A_372 = tpu.memref_squeeze %dma_start3A_371 : memref<1x128x16xf32, #tpu.memory_space<vmem>> -> memref<128x16xf32, #tpu.memory_space<vmem>>
      %dma_start3A_373 = arith.constant 0 : i32
      %dma_start3A_374 = tpu.memref_slice %arg14[%dma_start3A_367, %dma_start3A_373] : memref<2x128xi32, #tpu.memory_space<vmem>> -> memref<1x128xi32, #tpu.memory_space<vmem>>
      %dma_start3A_375 = tpu.memref_squeeze %dma_start3A_374 : memref<1x128xi32, #tpu.memory_space<vmem>> -> memref<128xi32, #tpu.memory_space<vmem>>
      %dma_start3A_376 = arith.constant 0 : i32
      %dma_start3A_377 = arith.constant 0 : i32
      %dma_start3A_378 = tpu.memref_slice %arg22[%dma_start3A_376, %dma_start3A_377] : memref<10112x16xf32, #tpu.memory_space<vmem_shared>> -> memref<10112x16xf32, #tpu.memory_space<vmem_shared>>
      %dma_start3A_379 = tpu.memref_slice %arg24[%dma_start3A_368] : memref<2x!tpu.dma_semaphore, #tpu.memory_space<semaphore_mem>> -> memref<1x!tpu.dma_semaphore, #tpu.memory_space<semaphore_mem>>
      %dma_start3A_380 = tpu.memref_squeeze %dma_start3A_379 : memref<1x!tpu.dma_semaphore, #tpu.memory_space<semaphore_mem>> -> memref<!tpu.dma_semaphore, #tpu.memory_space<semaphore_mem>>
      tpu.enqueue_indirect_dma source(%dma_start3A_372 : memref<128x16xf32, #tpu.memory_space<vmem>>) target(%dma_start3A_378 : memref<10112x16xf32, #tpu.memory_space<vmem_shared>>) offsets(%dma_start3A_375 : memref<128xi32, #tpu.memory_space<vmem>>) semaphore(%dma_start3A_380 : memref<!tpu.dma_semaphore, #tpu.memory_space<semaphore_mem>>) {add = true}
    }
    %scan3A_65 = arith.constant 20 : i32
    %dma_wait3A = arith.constant 0 : i32
    %dma_wait3A_66 = arith.constant 0 : i32
    %dma_wait3A_67 = arith.constant 0 : i32
    %dma_wait3A_68 = arith.constant 0 : i32
    %dma_wait3A_69 = arith.constant 0 : i32
    %dma_wait3A_70 = tpu.memref_slice %arg18[%dma_wait3A, %dma_wait3A_68, %dma_wait3A_69] : memref<2x128x64xf32, #tpu.memory_space<vmem>> -> memref<1x128x64xf32, #tpu.memory_space<vmem>>
    %dma_wait3A_71 = tpu.memref_squeeze %dma_wait3A_70 : memref<1x128x64xf32, #tpu.memory_space<vmem>> -> memref<128x64xf32, #tpu.memory_space<vmem>>
    %dma_wait3A_72 = arith.constant 0 : i32
    %dma_wait3A_73 = tpu.memref_slice %arg14[%dma_wait3A_66, %dma_wait3A_72] : memref<2x128xi32, #tpu.memory_space<vmem>> -> memref<1x128xi32, #tpu.memory_space<vmem>>
    %dma_wait3A_74 = tpu.memref_squeeze %dma_wait3A_73 : memref<1x128xi32, #tpu.memory_space<vmem>> -> memref<128xi32, #tpu.memory_space<vmem>>
    %dma_wait3A_75 = arith.constant 0 : i32
    %dma_wait3A_76 = arith.constant 0 : i32
    %dma_wait3A_77 = tpu.memref_slice %arg21[%dma_wait3A_75, %dma_wait3A_76] : memref<10112x64xf32, #tpu.memory_space<vmem_shared>> -> memref<10112x64xf32, #tpu.memory_space<vmem_shared>>
    %dma_wait3A_78 = tpu.memref_slice %arg24[%dma_wait3A_67] : memref<2x!tpu.dma_semaphore, #tpu.memory_space<semaphore_mem>> -> memref<1x!tpu.dma_semaphore, #tpu.memory_space<semaphore_mem>>
    %dma_wait3A_79 = tpu.memref_squeeze %dma_wait3A_78 : memref<1x!tpu.dma_semaphore, #tpu.memory_space<semaphore_mem>> -> memref<!tpu.dma_semaphore, #tpu.memory_space<semaphore_mem>>
    tpu.wait_indirect_dma semaphore(%dma_wait3A_79 : memref<!tpu.dma_semaphore, #tpu.memory_space<semaphore_mem>>) src(%dma_wait3A_71 : memref<128x64xf32, #tpu.memory_space<vmem>>) dst(%dma_wait3A_77 : memref<10112x64xf32, #tpu.memory_space<vmem_shared>>)
    %dma_wait3A_80 = arith.constant 0 : i32
    %dma_wait3A_81 = arith.constant 0 : i32
    %dma_wait3A_82 = arith.constant 0 : i32
    %dma_wait3A_83 = arith.constant 0 : i32
    %dma_wait3A_84 = arith.constant 0 : i32
    %dma_wait3A_85 = tpu.memref_slice %arg19[%dma_wait3A_80, %dma_wait3A_83, %dma_wait3A_84] : memref<2x128x16xf32, #tpu.memory_space<vmem>> -> memref<1x128x16xf32, #tpu.memory_space<vmem>>
    %dma_wait3A_86 = tpu.memref_squeeze %dma_wait3A_85 : memref<1x128x16xf32, #tpu.memory_space<vmem>> -> memref<128x16xf32, #tpu.memory_space<vmem>>
    %dma_wait3A_87 = arith.constant 0 : i32
    %dma_wait3A_88 = tpu.memref_slice %arg14[%dma_wait3A_81, %dma_wait3A_87] : memref<2x128xi32, #tpu.memory_space<vmem>> -> memref<1x128xi32, #tpu.memory_space<vmem>>
    %dma_wait3A_89 = tpu.memref_squeeze %dma_wait3A_88 : memref<1x128xi32, #tpu.memory_space<vmem>> -> memref<128xi32, #tpu.memory_space<vmem>>
    %dma_wait3A_90 = arith.constant 0 : i32
    %dma_wait3A_91 = arith.constant 0 : i32
    %dma_wait3A_92 = tpu.memref_slice %arg22[%dma_wait3A_90, %dma_wait3A_91] : memref<10112x16xf32, #tpu.memory_space<vmem_shared>> -> memref<10112x16xf32, #tpu.memory_space<vmem_shared>>
    %dma_wait3A_93 = tpu.memref_slice %arg24[%dma_wait3A_82] : memref<2x!tpu.dma_semaphore, #tpu.memory_space<semaphore_mem>> -> memref<1x!tpu.dma_semaphore, #tpu.memory_space<semaphore_mem>>
    %dma_wait3A_94 = tpu.memref_squeeze %dma_wait3A_93 : memref<1x!tpu.dma_semaphore, #tpu.memory_space<semaphore_mem>> -> memref<!tpu.dma_semaphore, #tpu.memory_space<semaphore_mem>>
    tpu.wait_indirect_dma semaphore(%dma_wait3A_94 : memref<!tpu.dma_semaphore, #tpu.memory_space<semaphore_mem>>) src(%dma_wait3A_86 : memref<128x16xf32, #tpu.memory_space<vmem>>) dst(%dma_wait3A_92 : memref<10112x16xf32, #tpu.memory_space<vmem_shared>>)
    %dma_wait3A_95 = arith.constant 1 : i32
    %dma_wait3A_96 = arith.constant 1 : i32
    %dma_wait3A_97 = arith.constant 1 : i32
    %dma_wait3A_98 = arith.constant 0 : i32
    %dma_wait3A_99 = arith.constant 0 : i32
    %dma_wait3A_100 = tpu.memref_slice %arg18[%dma_wait3A_95, %dma_wait3A_98, %dma_wait3A_99] : memref<2x128x64xf32, #tpu.memory_space<vmem>> -> memref<1x128x64xf32, #tpu.memory_space<vmem>>
    %dma_wait3A_101 = tpu.memref_squeeze %dma_wait3A_100 : memref<1x128x64xf32, #tpu.memory_space<vmem>> -> memref<128x64xf32, #tpu.memory_space<vmem>>
    %dma_wait3A_102 = arith.constant 0 : i32
    %dma_wait3A_103 = tpu.memref_slice %arg14[%dma_wait3A_96, %dma_wait3A_102] : memref<2x128xi32, #tpu.memory_space<vmem>> -> memref<1x128xi32, #tpu.memory_space<vmem>>
    %dma_wait3A_104 = tpu.memref_squeeze %dma_wait3A_103 : memref<1x128xi32, #tpu.memory_space<vmem>> -> memref<128xi32, #tpu.memory_space<vmem>>
    %dma_wait3A_105 = arith.constant 0 : i32
    %dma_wait3A_106 = arith.constant 0 : i32
    %dma_wait3A_107 = tpu.memref_slice %arg21[%dma_wait3A_105, %dma_wait3A_106] : memref<10112x64xf32, #tpu.memory_space<vmem_shared>> -> memref<10112x64xf32, #tpu.memory_space<vmem_shared>>
    %dma_wait3A_108 = tpu.memref_slice %arg24[%dma_wait3A_97] : memref<2x!tpu.dma_semaphore, #tpu.memory_space<semaphore_mem>> -> memref<1x!tpu.dma_semaphore, #tpu.memory_space<semaphore_mem>>
    %dma_wait3A_109 = tpu.memref_squeeze %dma_wait3A_108 : memref<1x!tpu.dma_semaphore, #tpu.memory_space<semaphore_mem>> -> memref<!tpu.dma_semaphore, #tpu.memory_space<semaphore_mem>>
    tpu.wait_indirect_dma semaphore(%dma_wait3A_109 : memref<!tpu.dma_semaphore, #tpu.memory_space<semaphore_mem>>) src(%dma_wait3A_101 : memref<128x64xf32, #tpu.memory_space<vmem>>) dst(%dma_wait3A_107 : memref<10112x64xf32, #tpu.memory_space<vmem_shared>>)
    %dma_wait3A_110 = arith.constant 1 : i32
    %dma_wait3A_111 = arith.constant 1 : i32
    %dma_wait3A_112 = arith.constant 1 : i32
    %dma_wait3A_113 = arith.constant 0 : i32
    %dma_wait3A_114 = arith.constant 0 : i32
    %dma_wait3A_115 = tpu.memref_slice %arg19[%dma_wait3A_110, %dma_wait3A_113, %dma_wait3A_114] : memref<2x128x16xf32, #tpu.memory_space<vmem>> -> memref<1x128x16xf32, #tpu.memory_space<vmem>>
    %dma_wait3A_116 = tpu.memref_squeeze %dma_wait3A_115 : memref<1x128x16xf32, #tpu.memory_space<vmem>> -> memref<128x16xf32, #tpu.memory_space<vmem>>
    %dma_wait3A_117 = arith.constant 0 : i32
    %dma_wait3A_118 = tpu.memref_slice %arg14[%dma_wait3A_111, %dma_wait3A_117] : memref<2x128xi32, #tpu.memory_space<vmem>> -> memref<1x128xi32, #tpu.memory_space<vmem>>
    %dma_wait3A_119 = tpu.memref_squeeze %dma_wait3A_118 : memref<1x128xi32, #tpu.memory_space<vmem>> -> memref<128xi32, #tpu.memory_space<vmem>>
    %dma_wait3A_120 = arith.constant 0 : i32
    %dma_wait3A_121 = arith.constant 0 : i32
    %dma_wait3A_122 = tpu.memref_slice %arg22[%dma_wait3A_120, %dma_wait3A_121] : memref<10112x16xf32, #tpu.memory_space<vmem_shared>> -> memref<10112x16xf32, #tpu.memory_space<vmem_shared>>
    %dma_wait3A_123 = tpu.memref_slice %arg24[%dma_wait3A_112] : memref<2x!tpu.dma_semaphore, #tpu.memory_space<semaphore_mem>> -> memref<1x!tpu.dma_semaphore, #tpu.memory_space<semaphore_mem>>
    %dma_wait3A_124 = tpu.memref_squeeze %dma_wait3A_123 : memref<1x!tpu.dma_semaphore, #tpu.memory_space<semaphore_mem>> -> memref<!tpu.dma_semaphore, #tpu.memory_space<semaphore_mem>>
    tpu.wait_indirect_dma semaphore(%dma_wait3A_124 : memref<!tpu.dma_semaphore, #tpu.memory_space<semaphore_mem>>) src(%dma_wait3A_116 : memref<128x16xf32, #tpu.memory_space<vmem>>) dst(%dma_wait3A_122 : memref<10112x16xf32, #tpu.memory_space<vmem_shared>>)
    %barrier3A_125 = arith.constant 0 : index
    tpu.barrier barrier_id(%barrier3A_125)
    %mul3A_126 = arith.constant 632 : i32
    %mul3A_127 = arith.muli %arg1, %mul3A_126 : i32
    %mul3A_128 = arith.constant 632 : i32
    %mul3A_129 = arith.muli %arg1, %mul3A_128 : i32
    "tpu.region"() ({
      %run_scoped3A_134 = tpu.sem_alloc : memref<!tpu.dma_semaphore, #tpu.memory_space<semaphore_mem>>
      %dma_start3A_135 = arith.constant 0 : i32
      %dma_start3A_136 = tpu.memref_slice %arg10[%arg0, %mul3A_129, %dma_start3A_135] : memref<2x10112x64xf32, #tpu.memory_space<hbm>> -> memref<1x632x64xf32, #tpu.memory_space<hbm>>
      %dma_start3A_137 = tpu.memref_squeeze %dma_start3A_136 : memref<1x632x64xf32, #tpu.memory_space<hbm>> -> memref<632x64xf32, #tpu.memory_space<hbm>>
      %dma_start3A_138 = arith.constant 0 : i32
      %dma_start3A_139 = tpu.memref_slice %arg21[%mul3A_127, %dma_start3A_138] : memref<10112x64xf32, #tpu.memory_space<vmem_shared>> -> memref<632x64xf32, #tpu.memory_space<vmem_shared>>
      tpu.enqueue_dma source(%dma_start3A_139 : memref<632x64xf32, #tpu.memory_space<vmem_shared>>) target(%dma_start3A_137 : memref<632x64xf32, #tpu.memory_space<hbm>>) target_semaphore(%run_scoped3A_134 : memref<!tpu.dma_semaphore, #tpu.memory_space<semaphore_mem>>)
      %dma_wait3A_140 = arith.constant 0 : i32
      %dma_wait3A_141 = tpu.memref_slice %arg10[%arg0, %mul3A_129, %dma_wait3A_140] : memref<2x10112x64xf32, #tpu.memory_space<hbm>> -> memref<1x632x64xf32, #tpu.memory_space<hbm>>
      %dma_wait3A_142 = tpu.memref_squeeze %dma_wait3A_141 : memref<1x632x64xf32, #tpu.memory_space<hbm>> -> memref<632x64xf32, #tpu.memory_space<hbm>>
      %dma_wait3A_143 = arith.constant 0 : i32
      %dma_wait3A_144 = tpu.memref_slice %arg21[%mul3A_127, %dma_wait3A_143] : memref<10112x64xf32, #tpu.memory_space<vmem_shared>> -> memref<632x64xf32, #tpu.memory_space<vmem_shared>>
      tpu.wait_dma2 semaphore(%run_scoped3A_134 : memref<!tpu.dma_semaphore, #tpu.memory_space<semaphore_mem>>) src(%dma_wait3A_144 : memref<632x64xf32, #tpu.memory_space<vmem_shared>>) dst(%dma_wait3A_142 : memref<632x64xf32, #tpu.memory_space<hbm>>)
      tpu.yield
    }) : () -> ()
    %mul3A_130 = arith.constant 632 : i32
    %mul3A_131 = arith.muli %arg1, %mul3A_130 : i32
    %mul3A_132 = arith.constant 632 : i32
    %mul3A_133 = arith.muli %arg1, %mul3A_132 : i32
    "tpu.region"() ({
      %run_scoped3A_134 = tpu.sem_alloc : memref<!tpu.dma_semaphore, #tpu.memory_space<semaphore_mem>>
      %dma_start3A_135 = arith.constant 0 : i32
      %dma_start3A_136 = tpu.memref_slice %arg11[%arg0, %mul3A_133, %dma_start3A_135] : memref<2x10112x16xf32, #tpu.memory_space<hbm>> -> memref<1x632x16xf32, #tpu.memory_space<hbm>>
      %dma_start3A_137 = tpu.memref_squeeze %dma_start3A_136 : memref<1x632x16xf32, #tpu.memory_space<hbm>> -> memref<632x16xf32, #tpu.memory_space<hbm>>
      %dma_start3A_138 = arith.constant 0 : i32
      %dma_start3A_139 = tpu.memref_slice %arg22[%mul3A_131, %dma_start3A_138] : memref<10112x16xf32, #tpu.memory_space<vmem_shared>> -> memref<632x16xf32, #tpu.memory_space<vmem_shared>>
      tpu.enqueue_dma source(%dma_start3A_139 : memref<632x16xf32, #tpu.memory_space<vmem_shared>>) target(%dma_start3A_137 : memref<632x16xf32, #tpu.memory_space<hbm>>) target_semaphore(%run_scoped3A_134 : memref<!tpu.dma_semaphore, #tpu.memory_space<semaphore_mem>>)
      %dma_wait3A_140 = arith.constant 0 : i32
      %dma_wait3A_141 = tpu.memref_slice %arg11[%arg0, %mul3A_133, %dma_wait3A_140] : memref<2x10112x16xf32, #tpu.memory_space<hbm>> -> memref<1x632x16xf32, #tpu.memory_space<hbm>>
      %dma_wait3A_142 = tpu.memref_squeeze %dma_wait3A_141 : memref<1x632x16xf32, #tpu.memory_space<hbm>> -> memref<632x16xf32, #tpu.memory_space<hbm>>
      %dma_wait3A_143 = arith.constant 0 : i32
      %dma_wait3A_144 = tpu.memref_slice %arg22[%mul3A_131, %dma_wait3A_143] : memref<10112x16xf32, #tpu.memory_space<vmem_shared>> -> memref<632x16xf32, #tpu.memory_space<vmem_shared>>
      tpu.wait_dma2 semaphore(%run_scoped3A_134 : memref<!tpu.dma_semaphore, #tpu.memory_space<semaphore_mem>>) src(%dma_wait3A_144 : memref<632x16xf32, #tpu.memory_space<vmem_shared>>) dst(%dma_wait3A_142 : memref<632x16xf32, #tpu.memory_space<hbm>>)
      tpu.yield
    }) : () -> ()
    return
  }
}

module attributes {stable_mosaic.version = 14 : i64} {
  func.func @_dense1_body(%arg0: i32, %arg1: memref<400x256xf32, #tpu.memory_space<vmem>>, %arg2: memref<256x64xf32, #tpu.memory_space<vmem>>, %arg3: memref<64x16xf32, #tpu.memory_space<vmem>>, %arg4: memref<64x16xf32, #tpu.memory_space<vmem>>, %arg5: memref<400x64xf32, #tpu.memory_space<vmem>>, %arg6: memref<400x16xf32, #tpu.memory_space<vmem>>, %arg7: memref<400x16xf32, #tpu.memory_space<vmem>>, %arg8: memref<2x16xf32, #tpu.memory_space<vmem>>) attributes {dimension_semantics = [#tpu.dimension_semantics<arbitrary>], iteration_bounds = array<i64: 25>, scalar_prefetch = 0 : i64, scratch_operands = 0 : i64, tpu.core_type = #tpu.core_type<tc>, window_params = [{transform_indices = @transform_0, window_bounds = array<i64: 400, 256>}, {pipeline_mode = #tpu.pipeline_mode<synchronous>, transform_indices = @transform_1, window_bounds = array<i64: 256, 64>}, {pipeline_mode = #tpu.pipeline_mode<synchronous>, transform_indices = @transform_2, window_bounds = array<i64: 64, 16>}, {pipeline_mode = #tpu.pipeline_mode<synchronous>, transform_indices = @transform_3, window_bounds = array<i64: 64, 16>}, {transform_indices = @transform_4, window_bounds = array<i64: 400, 64>}, {transform_indices = @transform_5, window_bounds = array<i64: 400, 16>}, {transform_indices = @transform_6, window_bounds = array<i64: 400, 16>}, {pipeline_mode = #tpu.pipeline_mode<synchronous>, transform_indices = @transform_7, window_bounds = array<i64: 2, 16>}]} {
    %get3A = arith.constant 0 : index
    %get3A_0 = arith.constant 0 : index
    %get3A_1 = vector.load %arg1[%get3A, %get3A_0] : memref<400x256xf32, #tpu.memory_space<vmem>>, vector<400x256xf32>
    %get3A_2 = arith.constant 0 : index
    %get3A_3 = arith.constant 0 : index
    %get3A_4 = vector.load %arg2[%get3A_2, %get3A_3] : memref<256x64xf32, #tpu.memory_space<vmem>>, vector<256x64xf32>
    %dot_general3A = arith.constant dense<0.000000e+00> : vector<400x64xf32>
    %dot_general3A_5 = tpu.matmul %get3A_1, %get3A_4, %dot_general3A {dimension_numbers = #tpu.dot_dimension_numbers<[1], [0], [0], [1], [0, 0, 1, 1], [], []>, transpose_lhs_hint = false} : vector<400x256xf32>, vector<256x64xf32>, vector<400x64xf32> -> vector<400x64xf32>
    %get3A_6 = arith.constant 0 : index
    %get3A_7 = arith.constant 0 : index
    %get3A_8 = vector.load %arg3[%get3A_6, %get3A_7] : memref<64x16xf32, #tpu.memory_space<vmem>>, vector<64x16xf32>
    %dot_general3A_9 = arith.constant dense<0.000000e+00> : vector<400x16xf32>
    %dot_general3A_10 = tpu.matmul %dot_general3A_5, %get3A_8, %dot_general3A_9 {dimension_numbers = #tpu.dot_dimension_numbers<[1], [0], [0], [1], [0, 0, 1, 1], [], []>, transpose_lhs_hint = false} : vector<400x64xf32>, vector<64x16xf32>, vector<400x16xf32> -> vector<400x16xf32>
    %get3A_11 = arith.constant 0 : index
    %get3A_12 = arith.constant 0 : index
    %get3A_13 = vector.load %arg4[%get3A_11, %get3A_12] : memref<64x16xf32, #tpu.memory_space<vmem>>, vector<64x16xf32>
    %dot_general3A_14 = arith.constant dense<0.000000e+00> : vector<400x16xf32>
    %dot_general3A_15 = tpu.matmul %dot_general3A_5, %get3A_13, %dot_general3A_14 {dimension_numbers = #tpu.dot_dimension_numbers<[1], [0], [0], [1], [0, 0, 1, 1], [], []>, transpose_lhs_hint = false} : vector<400x64xf32>, vector<64x16xf32>, vector<400x16xf32> -> vector<400x16xf32>
    %swap3A = arith.constant 0 : index
    %swap3A_16 = arith.constant 0 : index
    %swap3A_17 = vector.load %arg5[%swap3A, %swap3A_16] : memref<400x64xf32, #tpu.memory_space<vmem>>, vector<400x64xf32>
    tpu.vector_store %arg5[%swap3A, %swap3A_16], %dot_general3A_5 {strides = array<i32>} : memref<400x64xf32, #tpu.memory_space<vmem>>, vector<400x64xf32>,
    %swap3A_18 = arith.constant 0 : index
    %swap3A_19 = arith.constant 0 : index
    %swap3A_20 = vector.load %arg6[%swap3A_18, %swap3A_19] : memref<400x16xf32, #tpu.memory_space<vmem>>, vector<400x16xf32>
    tpu.vector_store %arg6[%swap3A_18, %swap3A_19], %dot_general3A_10 {strides = array<i32>} : memref<400x16xf32, #tpu.memory_space<vmem>>, vector<400x16xf32>,
    %swap3A_21 = arith.constant 0 : index
    %swap3A_22 = arith.constant 0 : index
    %swap3A_23 = vector.load %arg7[%swap3A_21, %swap3A_22] : memref<400x16xf32, #tpu.memory_space<vmem>>, vector<400x16xf32>
    tpu.vector_store %arg7[%swap3A_21, %swap3A_22], %dot_general3A_15 {strides = array<i32>} : memref<400x16xf32, #tpu.memory_space<vmem>>, vector<400x16xf32>,
    %eq3A = arith.constant 0 : i32
    %eq3A_24 = arith.cmpi eq, %arg0, %eq3A : i32
    %convert_element_type3A = arith.extui %eq3A_24 : i1 to i32
    %cond3A = arith.constant 0 : i32
    %cond3A_25 = arith.cmpi ne, %convert_element_type3A, %cond3A : i32
    scf.if %cond3A_25 {
      %broadcast_in_dim3A_36 = arith.constant -3.000000e+38 : f32
      %broadcast_in_dim3A_37 = vector.broadcast %broadcast_in_dim3A_36 : f32 to vector<2x16xf32>
      %swap3A_38 = arith.constant 0 : index
      %swap3A_39 = arith.constant 0 : index
      %swap3A_40 = vector.load %arg8[%swap3A_38, %swap3A_39] : memref<2x16xf32, #tpu.memory_space<vmem>>, vector<2x16xf32>
      tpu.vector_store %arg8[%swap3A_38, %swap3A_39], %broadcast_in_dim3A_37 {strides = array<i32>} : memref<2x16xf32, #tpu.memory_space<vmem>>, vector<2x16xf32>,
    } else {
    }
    %reduce_max3A = arith.constant dense<0xFF800000> : vector<16xf32>
    %reduce_max3A_26 = vector.multi_reduction <maximumf>, %dot_general3A_10, %reduce_max3A [0] : vector<400x16xf32> to vector<16xf32>
    %broadcast_in_dim3A = vector.shape_cast %reduce_max3A_26 : vector<16xf32> to vector<1x16xf32>
    %reduce_max3A_27 = arith.constant dense<0xFF800000> : vector<16xf32>
    %reduce_max3A_28 = vector.multi_reduction <maximumf>, %dot_general3A_15, %reduce_max3A_27 [0] : vector<400x16xf32> to vector<16xf32>
    %broadcast_in_dim3A_29 = vector.shape_cast %reduce_max3A_28 : vector<16xf32> to vector<1x16xf32>
    %concatenate3A = tpu.concatenate %broadcast_in_dim3A, %broadcast_in_dim3A_29 in 0 : vector<1x16xf32>, vector<1x16xf32> -> vector<2x16xf32>
    %get3A_30 = arith.constant 0 : index
    %get3A_31 = arith.constant 0 : index
    %get3A_32 = vector.load %arg8[%get3A_30, %get3A_31] : memref<2x16xf32, #tpu.memory_space<vmem>>, vector<2x16xf32>
    %max3A = arith.maximumf %get3A_32, %concatenate3A : vector<2x16xf32>
    %swap3A_33 = arith.constant 0 : index
    %swap3A_34 = arith.constant 0 : index
    %swap3A_35 = vector.load %arg8[%swap3A_33, %swap3A_34] : memref<2x16xf32, #tpu.memory_space<vmem>>, vector<2x16xf32>
    tpu.vector_store %arg8[%swap3A_33, %swap3A_34], %max3A {strides = array<i32>} : memref<2x16xf32, #tpu.memory_space<vmem>>, vector<2x16xf32>,
    return
  }
  func.func @transform_0(%arg0: i32) -> (i32, i32) {
    %c0_i32 = arith.constant 0 : i32
    %c0_i32_0 = arith.constant 0 : i32
    return %arg0, %c0_i32 : i32, i32
  }
  func.func @transform_1(%arg0: i32) -> (i32, i32) {
    %c0_i32 = arith.constant 0 : i32
    %c0_i32_0 = arith.constant 0 : i32
    %c0_i32_1 = arith.constant 0 : i32
    return %c0_i32, %c0_i32_0 : i32, i32
  }
  func.func @transform_2(%arg0: i32) -> (i32, i32) {
    %c0_i32 = arith.constant 0 : i32
    %c0_i32_0 = arith.constant 0 : i32
    %c0_i32_1 = arith.constant 0 : i32
    return %c0_i32, %c0_i32_0 : i32, i32
  }
  func.func @transform_3(%arg0: i32) -> (i32, i32) {
    %c0_i32 = arith.constant 0 : i32
    %c0_i32_0 = arith.constant 0 : i32
    %c0_i32_1 = arith.constant 0 : i32
    return %c0_i32, %c0_i32_0 : i32, i32
  }
  func.func @transform_4(%arg0: i32) -> (i32, i32) {
    %c0_i32 = arith.constant 0 : i32
    %c0_i32_0 = arith.constant 0 : i32
    return %arg0, %c0_i32 : i32, i32
  }
  func.func @transform_5(%arg0: i32) -> (i32, i32) {
    %c0_i32 = arith.constant 0 : i32
    %c0_i32_0 = arith.constant 0 : i32
    return %arg0, %c0_i32 : i32, i32
  }
  func.func @transform_6(%arg0: i32) -> (i32, i32) {
    %c0_i32 = arith.constant 0 : i32
    %c0_i32_0 = arith.constant 0 : i32
    return %arg0, %c0_i32 : i32, i32
  }
  func.func @transform_7(%arg0: i32) -> (i32, i32) {
    %c0_i32 = arith.constant 0 : i32
    %c0_i32_0 = arith.constant 0 : i32
    %c0_i32_1 = arith.constant 0 : i32
    return %c0_i32, %c0_i32_0 : i32, i32
  }
}

module attributes {stable_mosaic.version = 14 : i64} {
  func.func @_epi1_body(%arg0: i32, %arg1: memref<2x400x64xf32, #tpu.memory_space<vmem>>, %arg2: memref<2x400x16xf32, #tpu.memory_space<vmem>>, %arg3: memref<400x64xf32, #tpu.memory_space<vmem>>, %arg4: memref<400x16xf32, #tpu.memory_space<vmem>>, %arg5: memref<400x16xf32, #tpu.memory_space<vmem>>, %arg6: memref<1x16xf32, #tpu.memory_space<vmem>>, %arg7: memref<1x64xf32, #tpu.memory_space<vmem>>, %arg8: memref<16x64xf32, #tpu.memory_space<vmem>>, %arg9: memref<64x64xf32, #tpu.memory_space<vmem>>, %arg10: memref<64x16xf32, #tpu.memory_space<vmem>>, %arg11: memref<64x16xf32, #tpu.memory_space<vmem>>, %arg12: memref<400x64xf32, #tpu.memory_space<vmem>>, %arg13: memref<400x16xf32, #tpu.memory_space<vmem>>, %arg14: memref<400x16xf32, #tpu.memory_space<vmem>>, %arg15: memref<2x16xf32, #tpu.memory_space<vmem>>) attributes {dimension_semantics = [#tpu.dimension_semantics<arbitrary>], iteration_bounds = array<i64: 25>, scalar_prefetch = 0 : i64, scratch_operands = 0 : i64, tpu.core_type = #tpu.core_type<tc>, window_params = [{transform_indices = @transform_0, window_bounds = array<i64: 2, 400, 64>}, {transform_indices = @transform_1, window_bounds = array<i64: 2, 400, 16>}, {transform_indices = @transform_2, window_bounds = array<i64: 400, 64>}, {transform_indices = @transform_3, window_bounds = array<i64: 400, 16>}, {transform_indices = @transform_4, window_bounds = array<i64: 400, 16>}, {pipeline_mode = #tpu.pipeline_mode<synchronous>, transform_indices = @transform_5, window_bounds = array<i64: 1, 16>}, {pipeline_mode = #tpu.pipeline_mode<synchronous>, transform_indices = @transform_6, window_bounds = array<i64: 1, 64>}, {pipeline_mode = #tpu.pipeline_mode<synchronous>, transform_indices = @transform_7, window_bounds = array<i64: 16, 64>}, {pipeline_mode = #tpu.pipeline_mode<synchronous>, transform_indices = @transform_8, window_bounds = array<i64: 64, 64>}, {pipeline_mode = #tpu.pipeline_mode<synchronous>, transform_indices = @transform_9, window_bounds = array<i64: 64, 16>}, {pipeline_mode = #tpu.pipeline_mode<synchronous>, transform_indices = @transform_10, window_bounds = array<i64: 64, 16>}, {transform_indices = @transform_11, window_bounds = array<i64: 400, 64>}, {transform_indices = @transform_12, window_bounds = array<i64: 400, 16>}, {transform_indices = @transform_13, window_bounds = array<i64: 400, 16>}, {pipeline_mode = #tpu.pipeline_mode<synchronous>, transform_indices = @transform_14, window_bounds = array<i64: 2, 16>}]} {
    %get3A = arith.constant 0 : index
    %get3A_0 = arith.constant 0 : index
    %get3A_1 = arith.constant 0 : index
    %get3A_2 = vector.load %arg1[%get3A, %get3A_0, %get3A_1] : memref<2x400x64xf32, #tpu.memory_space<vmem>>, vector<2x400x64xf32>
    %slice3A = vector.extract_strided_slice %get3A_2 {offsets = [0, 0, 0], sizes = [1, 400, 64], strides = [1, 1, 1]} : vector<2x400x64xf32> to vector<1x400x64xf32>
    %squeeze3A = vector.shape_cast %slice3A : vector<1x400x64xf32> to vector<400x64xf32>
    %get3A_3 = arith.constant 0 : index
    %get3A_4 = arith.constant 0 : index
    %get3A_5 = arith.constant 0 : index
    %get3A_6 = vector.load %arg1[%get3A_3, %get3A_4, %get3A_5] : memref<2x400x64xf32, #tpu.memory_space<vmem>>, vector<2x400x64xf32>
    %slice3A_7 = vector.extract_strided_slice %get3A_6 {offsets = [1, 0, 0], sizes = [1, 400, 64], strides = [1, 1, 1]} : vector<2x400x64xf32> to vector<1x400x64xf32>
    %squeeze3A_8 = vector.shape_cast %slice3A_7 : vector<1x400x64xf32> to vector<400x64xf32>
    %add3A = arith.addf %squeeze3A, %squeeze3A_8 : vector<400x64xf32>
    %get3A_9 = arith.constant 0 : index
    %get3A_10 = arith.constant 0 : index
    %get3A_11 = arith.constant 0 : index
    %get3A_12 = vector.load %arg2[%get3A_9, %get3A_10, %get3A_11] : memref<2x400x16xf32, #tpu.memory_space<vmem>>, vector<2x400x16xf32>
    %slice3A_13 = vector.extract_strided_slice %get3A_12 {offsets = [0, 0, 0], sizes = [1, 400, 16], strides = [1, 1, 1]} : vector<2x400x16xf32> to vector<1x400x16xf32>
    %squeeze3A_14 = vector.shape_cast %slice3A_13 : vector<1x400x16xf32> to vector<400x16xf32>
    %get3A_15 = arith.constant 0 : index
    %get3A_16 = arith.constant 0 : index
    %get3A_17 = arith.constant 0 : index
    %get3A_18 = vector.load %arg2[%get3A_15, %get3A_16, %get3A_17] : memref<2x400x16xf32, #tpu.memory_space<vmem>>, vector<2x400x16xf32>
    %slice3A_19 = vector.extract_strided_slice %get3A_18 {offsets = [1, 0, 0], sizes = [1, 400, 16], strides = [1, 1, 1]} : vector<2x400x16xf32> to vector<1x400x16xf32>
    %squeeze3A_20 = vector.shape_cast %slice3A_19 : vector<1x400x16xf32> to vector<400x16xf32>
    %add3A_21 = arith.addf %squeeze3A_14, %squeeze3A_20 : vector<400x16xf32>
    %get3A_22 = arith.constant 0 : index
    %get3A_23 = arith.constant 0 : index
    %get3A_24 = vector.load %arg4[%get3A_22, %get3A_23] : memref<400x16xf32, #tpu.memory_space<vmem>>, vector<400x16xf32>
    %get3A_25 = arith.constant 0 : index
    %get3A_26 = arith.constant 0 : index
    %get3A_27 = vector.load %arg5[%get3A_25, %get3A_26] : memref<400x16xf32, #tpu.memory_space<vmem>>, vector<400x16xf32>
    %add3A_28 = arith.addf %get3A_24, %get3A_27 : vector<400x16xf32>
    %ge3A = arith.constant 0.000000e+00 : f32
    %ge3A_29 = vector.broadcast %ge3A : f32 to vector<400x16xf32>
    %ge3A_30 = arith.cmpf oge, %add3A_28, %ge3A_29 : vector<400x16xf32>
    %mul3A = arith.constant 2.000000e-01 : f32
    %mul3A_31 = vector.broadcast %mul3A : f32 to vector<400x16xf32>
    %mul3A_32 = arith.mulf %mul3A_31, %add3A_28 : vector<400x16xf32>
    %select_n3A = arith.select %ge3A_30, %add3A_28, %mul3A_32 : vector<400x16xi1>, vector<400x16xf32>
    %get3A_33 = arith.constant 0 : index
    %get3A_34 = arith.constant 0 : index
    %get3A_35 = vector.load %arg6[%get3A_33, %get3A_34] : memref<1x16xf32, #tpu.memory_space<vmem>>, vector<1x16xf32>
    %sub3A = vector.broadcast %get3A_35 : vector<1x16xf32> to vector<400x16xf32>
    %sub3A_36 = arith.subf %select_n3A, %sub3A : vector<400x16xf32>
    %exp3A = math.exp %sub3A_36 : vector<400x16xf32>
    %add3A_37 = arith.addf %add3A_21, %exp3A : vector<400x16xf32>
    %get3A_38 = arith.constant 0 : index
    %get3A_39 = arith.constant 0 : index
    %get3A_40 = vector.load %arg8[%get3A_38, %get3A_39] : memref<16x64xf32, #tpu.memory_space<vmem>>, vector<16x64xf32>
    %dot_general3A = arith.constant dense<0.000000e+00> : vector<400x64xf32>
    %dot_general3A_41 = tpu.matmul %add3A_37, %get3A_40, %dot_general3A {dimension_numbers = #tpu.dot_dimension_numbers<[1], [0], [0], [1], [0, 0, 1, 1], [], []>, transpose_lhs_hint = false} : vector<400x16xf32>, vector<16x64xf32>, vector<400x64xf32> -> vector<400x64xf32>
    %get3A_42 = arith.constant 0 : index
    %get3A_43 = arith.constant 0 : index
    %get3A_44 = vector.load %arg8[%get3A_42, %get3A_43] : memref<16x64xf32, #tpu.memory_space<vmem>>, vector<16x64xf32>
    %dot_general3A_45 = arith.constant dense<0.000000e+00> : vector<400x64xf32>
    %dot_general3A_46 = tpu.matmul %exp3A, %get3A_44, %dot_general3A_45 {dimension_numbers = #tpu.dot_dimension_numbers<[1], [0], [0], [1], [0, 0, 1, 1], [], []>, transpose_lhs_hint = false} : vector<400x16xf32>, vector<16x64xf32>, vector<400x64xf32> -> vector<400x64xf32>
    %get3A_47 = arith.constant 0 : index
    %get3A_48 = arith.constant 0 : index
    %get3A_49 = vector.load %arg3[%get3A_47, %get3A_48] : memref<400x64xf32, #tpu.memory_space<vmem>>, vector<400x64xf32>
    %mul3A_50 = arith.mulf %get3A_49, %dot_general3A_46 : vector<400x64xf32>
    %add3A_51 = arith.addf %add3A, %mul3A_50 : vector<400x64xf32>
    %add3A_52 = arith.constant 1.000000e-16 : f32
    %add3A_53 = vector.broadcast %add3A_52 : f32 to vector<400x64xf32>
    %add3A_54 = arith.addf %dot_general3A_41, %add3A_53 : vector<400x64xf32>
    %div3A = arith.divf %add3A_51, %add3A_54 : vector<400x64xf32>
    %get3A_55 = arith.constant 0 : index
    %get3A_56 = arith.constant 0 : index
    %get3A_57 = vector.load %arg7[%get3A_55, %get3A_56] : memref<1x64xf32, #tpu.memory_space<vmem>>, vector<1x64xf32>
    %add3A_58 = vector.broadcast %get3A_57 : vector<1x64xf32> to vector<400x64xf32>
    %add3A_59 = arith.addf %div3A, %add3A_58 : vector<400x64xf32>
    %gt3A = arith.constant 0.000000e+00 : f32
    %gt3A_60 = vector.broadcast %gt3A : f32 to vector<400x64xf32>
    %gt3A_61 = arith.cmpf ogt, %add3A_59, %gt3A_60 : vector<400x64xf32>
    %exp3A_62 = math.exp %add3A_59 : vector<400x64xf32>
    %sub3A_63 = arith.constant 1.000000e+00 : f32
    %sub3A_64 = vector.broadcast %sub3A_63 : f32 to vector<400x64xf32>
    %sub3A_65 = arith.subf %exp3A_62, %sub3A_64 : vector<400x64xf32>
    %select_n3A_66 = arith.select %gt3A_61, %add3A_59, %sub3A_65 : vector<400x64xi1>, vector<400x64xf32>
    %get3A_67 = arith.constant 0 : index
    %get3A_68 = arith.constant 0 : index
    %get3A_69 = vector.load %arg9[%get3A_67, %get3A_68] : memref<64x64xf32, #tpu.memory_space<vmem>>, vector<64x64xf32>
    %dot_general3A_70 = arith.constant dense<0.000000e+00> : vector<400x64xf32>
    %dot_general3A_71 = tpu.matmul %select_n3A_66, %get3A_69, %dot_general3A_70 {dimension_numbers = #tpu.dot_dimension_numbers<[1], [0], [0], [1], [0, 0, 1, 1], [], []>, transpose_lhs_hint = false} : vector<400x64xf32>, vector<64x64xf32>, vector<400x64xf32> -> vector<400x64xf32>
    %get3A_72 = arith.constant 0 : index
    %get3A_73 = arith.constant 0 : index
    %get3A_74 = vector.load %arg10[%get3A_72, %get3A_73] : memref<64x16xf32, #tpu.memory_space<vmem>>, vector<64x16xf32>
    %dot_general3A_75 = arith.constant dense<0.000000e+00> : vector<400x16xf32>
    %dot_general3A_76 = tpu.matmul %dot_general3A_71, %get3A_74, %dot_general3A_75 {dimension_numbers = #tpu.dot_dimension_numbers<[1], [0], [0], [1], [0, 0, 1, 1], [], []>, transpose_lhs_hint = false} : vector<400x64xf32>, vector<64x16xf32>, vector<400x16xf32> -> vector<400x16xf32>
    %get3A_77 = arith.constant 0 : index
    %get3A_78 = arith.constant 0 : index
    %get3A_79 = vector.load %arg11[%get3A_77, %get3A_78] : memref<64x16xf32, #tpu.memory_space<vmem>>, vector<64x16xf32>
    %dot_general3A_80 = arith.constant dense<0.000000e+00> : vector<400x16xf32>
    %dot_general3A_81 = tpu.matmul %dot_general3A_71, %get3A_79, %dot_general3A_80 {dimension_numbers = #tpu.dot_dimension_numbers<[1], [0], [0], [1], [0, 0, 1, 1], [], []>, transpose_lhs_hint = false} : vector<400x64xf32>, vector<64x16xf32>, vector<400x16xf32> -> vector<400x16xf32>
    %swap3A = arith.constant 0 : index
    %swap3A_82 = arith.constant 0 : index
    %swap3A_83 = vector.load %arg12[%swap3A, %swap3A_82] : memref<400x64xf32, #tpu.memory_space<vmem>>, vector<400x64xf32>
    tpu.vector_store %arg12[%swap3A, %swap3A_82], %dot_general3A_71 {strides = array<i32>} : memref<400x64xf32, #tpu.memory_space<vmem>>, vector<400x64xf32>,
    %swap3A_84 = arith.constant 0 : index
    %swap3A_85 = arith.constant 0 : index
    %swap3A_86 = vector.load %arg13[%swap3A_84, %swap3A_85] : memref<400x16xf32, #tpu.memory_space<vmem>>, vector<400x16xf32>
    tpu.vector_store %arg13[%swap3A_84, %swap3A_85], %dot_general3A_76 {strides = array<i32>} : memref<400x16xf32, #tpu.memory_space<vmem>>, vector<400x16xf32>,
    %swap3A_87 = arith.constant 0 : index
    %swap3A_88 = arith.constant 0 : index
    %swap3A_89 = vector.load %arg14[%swap3A_87, %swap3A_88] : memref<400x16xf32, #tpu.memory_space<vmem>>, vector<400x16xf32>
    tpu.vector_store %arg14[%swap3A_87, %swap3A_88], %dot_general3A_81 {strides = array<i32>} : memref<400x16xf32, #tpu.memory_space<vmem>>, vector<400x16xf32>,
    %eq3A = arith.constant 0 : i32
    %eq3A_90 = arith.cmpi eq, %arg0, %eq3A : i32
    %convert_element_type3A = arith.extui %eq3A_90 : i1 to i32
    %cond3A = arith.constant 0 : i32
    %cond3A_91 = arith.cmpi ne, %convert_element_type3A, %cond3A : i32
    scf.if %cond3A_91 {
      %broadcast_in_dim3A_102 = arith.constant -3.000000e+38 : f32
      %broadcast_in_dim3A_103 = vector.broadcast %broadcast_in_dim3A_102 : f32 to vector<2x16xf32>
      %swap3A_104 = arith.constant 0 : index
      %swap3A_105 = arith.constant 0 : index
      %swap3A_106 = vector.load %arg15[%swap3A_104, %swap3A_105] : memref<2x16xf32, #tpu.memory_space<vmem>>, vector<2x16xf32>
      tpu.vector_store %arg15[%swap3A_104, %swap3A_105], %broadcast_in_dim3A_103 {strides = array<i32>} : memref<2x16xf32, #tpu.memory_space<vmem>>, vector<2x16xf32>,
    } else {
    }
    %reduce_max3A = arith.constant dense<0xFF800000> : vector<16xf32>
    %reduce_max3A_92 = vector.multi_reduction <maximumf>, %dot_general3A_76, %reduce_max3A [0] : vector<400x16xf32> to vector<16xf32>
    %broadcast_in_dim3A = vector.shape_cast %reduce_max3A_92 : vector<16xf32> to vector<1x16xf32>
    %reduce_max3A_93 = arith.constant dense<0xFF800000> : vector<16xf32>
    %reduce_max3A_94 = vector.multi_reduction <maximumf>, %dot_general3A_81, %reduce_max3A_93 [0] : vector<400x16xf32> to vector<16xf32>
    %broadcast_in_dim3A_95 = vector.shape_cast %reduce_max3A_94 : vector<16xf32> to vector<1x16xf32>
    %concatenate3A = tpu.concatenate %broadcast_in_dim3A, %broadcast_in_dim3A_95 in 0 : vector<1x16xf32>, vector<1x16xf32> -> vector<2x16xf32>
    %get3A_96 = arith.constant 0 : index
    %get3A_97 = arith.constant 0 : index
    %get3A_98 = vector.load %arg15[%get3A_96, %get3A_97] : memref<2x16xf32, #tpu.memory_space<vmem>>, vector<2x16xf32>
    %max3A = arith.maximumf %get3A_98, %concatenate3A : vector<2x16xf32>
    %swap3A_99 = arith.constant 0 : index
    %swap3A_100 = arith.constant 0 : index
    %swap3A_101 = vector.load %arg15[%swap3A_99, %swap3A_100] : memref<2x16xf32, #tpu.memory_space<vmem>>, vector<2x16xf32>
    tpu.vector_store %arg15[%swap3A_99, %swap3A_100], %max3A {strides = array<i32>} : memref<2x16xf32, #tpu.memory_space<vmem>>, vector<2x16xf32>,
    return
  }
  func.func @transform_0(%arg0: i32) -> (i32, i32, i32) {
    %c0_i32 = arith.constant 0 : i32
    %c0_i32_0 = arith.constant 0 : i32
    %c0_i32_1 = arith.constant 0 : i32
    return %c0_i32, %arg0, %c0_i32_0 : i32, i32, i32
  }
  func.func @transform_1(%arg0: i32) -> (i32, i32, i32) {
    %c0_i32 = arith.constant 0 : i32
    %c0_i32_0 = arith.constant 0 : i32
    %c0_i32_1 = arith.constant 0 : i32
    return %c0_i32, %arg0, %c0_i32_0 : i32, i32, i32
  }
  func.func @transform_2(%arg0: i32) -> (i32, i32) {
    %c0_i32 = arith.constant 0 : i32
    %c0_i32_0 = arith.constant 0 : i32
    return %arg0, %c0_i32 : i32, i32
  }
  func.func @transform_3(%arg0: i32) -> (i32, i32) {
    %c0_i32 = arith.constant 0 : i32
    %c0_i32_0 = arith.constant 0 : i32
    return %arg0, %c0_i32 : i32, i32
  }
  func.func @transform_4(%arg0: i32) -> (i32, i32) {
    %c0_i32 = arith.constant 0 : i32
    %c0_i32_0 = arith.constant 0 : i32
    return %arg0, %c0_i32 : i32, i32
  }
  func.func @transform_5(%arg0: i32) -> (i32, i32) {
    %c0_i32 = arith.constant 0 : i32
    %c0_i32_0 = arith.constant 0 : i32
    %c0_i32_1 = arith.constant 0 : i32
    return %c0_i32, %c0_i32_0 : i32, i32
  }
  func.func @transform_6(%arg0: i32) -> (i32, i32) {
    %c0_i32 = arith.constant 0 : i32
    %c0_i32_0 = arith.constant 0 : i32
    %c0_i32_1 = arith.constant 0 : i32
    return %c0_i32, %c0_i32_0 : i32, i32
  }
  func.func @transform_7(%arg0: i32) -> (i32, i32) {
    %c0_i32 = arith.constant 0 : i32
    %c0_i32_0 = arith.constant 0 : i32
    %c0_i32_1 = arith.constant 0 : i32
    return %c0_i32, %c0_i32_0 : i32, i32
  }
  func.func @transform_8(%arg0: i32) -> (i32, i32) {
    %c0_i32 = arith.constant 0 : i32
    %c0_i32_0 = arith.constant 0 : i32
    %c0_i32_1 = arith.constant 0 : i32
    return %c0_i32, %c0_i32_0 : i32, i32
  }
  func.func @transform_9(%arg0: i32) -> (i32, i32) {
    %c0_i32 = arith.constant 0 : i32
    %c0_i32_0 = arith.constant 0 : i32
    %c0_i32_1 = arith.constant 0 : i32
    return %c0_i32, %c0_i32_0 : i32, i32
  }
  func.func @transform_10(%arg0: i32) -> (i32, i32) {
    %c0_i32 = arith.constant 0 : i32
    %c0_i32_0 = arith.constant 0 : i32
    %c0_i32_1 = arith.constant 0 : i32
    return %c0_i32, %c0_i32_0 : i32, i32
  }
  func.func @transform_11(%arg0: i32) -> (i32, i32) {
    %c0_i32 = arith.constant 0 : i32
    %c0_i32_0 = arith.constant 0 : i32
    return %arg0, %c0_i32 : i32, i32
  }
  func.func @transform_12(%arg0: i32) -> (i32, i32) {
    %c0_i32 = arith.constant 0 : i32
    %c0_i32_0 = arith.constant 0 : i32
    return %arg0, %c0_i32 : i32, i32
  }
  func.func @transform_13(%arg0: i32) -> (i32, i32) {
    %c0_i32 = arith.constant 0 : i32
    %c0_i32_0 = arith.constant 0 : i32
    return %arg0, %c0_i32 : i32, i32
  }
  func.func @transform_14(%arg0: i32) -> (i32, i32) {
    %c0_i32 = arith.constant 0 : i32
    %c0_i32_0 = arith.constant 0 : i32
    %c0_i32_1 = arith.constant 0 : i32
    return %c0_i32, %c0_i32_0 : i32, i32
  }
}

module attributes {stable_mosaic.version = 14 : i64} {
  func.func @_epi2_body(%arg0: i32, %arg1: memref<2x400x64xf32, #tpu.memory_space<vmem>>, %arg2: memref<2x400x16xf32, #tpu.memory_space<vmem>>, %arg3: memref<400x64xf32, #tpu.memory_space<vmem>>, %arg4: memref<400x16xf32, #tpu.memory_space<vmem>>, %arg5: memref<400x16xf32, #tpu.memory_space<vmem>>, %arg6: memref<1x16xf32, #tpu.memory_space<vmem>>, %arg7: memref<1x64xf32, #tpu.memory_space<vmem>>, %arg8: memref<16x64xf32, #tpu.memory_space<vmem>>, %arg9: memref<400x64xf32, #tpu.memory_space<vmem>>) attributes {dimension_semantics = [#tpu.dimension_semantics<arbitrary>], iteration_bounds = array<i64: 25>, scalar_prefetch = 0 : i64, scratch_operands = 0 : i64, tpu.core_type = #tpu.core_type<tc>, window_params = [{transform_indices = @transform_0, window_bounds = array<i64: 2, 400, 64>}, {transform_indices = @transform_1, window_bounds = array<i64: 2, 400, 16>}, {transform_indices = @transform_2, window_bounds = array<i64: 400, 64>}, {transform_indices = @transform_3, window_bounds = array<i64: 400, 16>}, {transform_indices = @transform_4, window_bounds = array<i64: 400, 16>}, {pipeline_mode = #tpu.pipeline_mode<synchronous>, transform_indices = @transform_5, window_bounds = array<i64: 1, 16>}, {pipeline_mode = #tpu.pipeline_mode<synchronous>, transform_indices = @transform_6, window_bounds = array<i64: 1, 64>}, {pipeline_mode = #tpu.pipeline_mode<synchronous>, transform_indices = @transform_7, window_bounds = array<i64: 16, 64>}, {transform_indices = @transform_8, window_bounds = array<i64: 400, 64>}]} {
    %get3A = arith.constant 0 : index
    %get3A_0 = arith.constant 0 : index
    %get3A_1 = arith.constant 0 : index
    %get3A_2 = vector.load %arg1[%get3A, %get3A_0, %get3A_1] : memref<2x400x64xf32, #tpu.memory_space<vmem>>, vector<2x400x64xf32>
    %slice3A = vector.extract_strided_slice %get3A_2 {offsets = [0, 0, 0], sizes = [1, 400, 64], strides = [1, 1, 1]} : vector<2x400x64xf32> to vector<1x400x64xf32>
    %squeeze3A = vector.shape_cast %slice3A : vector<1x400x64xf32> to vector<400x64xf32>
    %get3A_3 = arith.constant 0 : index
    %get3A_4 = arith.constant 0 : index
    %get3A_5 = arith.constant 0 : index
    %get3A_6 = vector.load %arg1[%get3A_3, %get3A_4, %get3A_5] : memref<2x400x64xf32, #tpu.memory_space<vmem>>, vector<2x400x64xf32>
    %slice3A_7 = vector.extract_strided_slice %get3A_6 {offsets = [1, 0, 0], sizes = [1, 400, 64], strides = [1, 1, 1]} : vector<2x400x64xf32> to vector<1x400x64xf32>
    %squeeze3A_8 = vector.shape_cast %slice3A_7 : vector<1x400x64xf32> to vector<400x64xf32>
    %add3A = arith.addf %squeeze3A, %squeeze3A_8 : vector<400x64xf32>
    %get3A_9 = arith.constant 0 : index
    %get3A_10 = arith.constant 0 : index
    %get3A_11 = arith.constant 0 : index
    %get3A_12 = vector.load %arg2[%get3A_9, %get3A_10, %get3A_11] : memref<2x400x16xf32, #tpu.memory_space<vmem>>, vector<2x400x16xf32>
    %slice3A_13 = vector.extract_strided_slice %get3A_12 {offsets = [0, 0, 0], sizes = [1, 400, 16], strides = [1, 1, 1]} : vector<2x400x16xf32> to vector<1x400x16xf32>
    %squeeze3A_14 = vector.shape_cast %slice3A_13 : vector<1x400x16xf32> to vector<400x16xf32>
    %get3A_15 = arith.constant 0 : index
    %get3A_16 = arith.constant 0 : index
    %get3A_17 = arith.constant 0 : index
    %get3A_18 = vector.load %arg2[%get3A_15, %get3A_16, %get3A_17] : memref<2x400x16xf32, #tpu.memory_space<vmem>>, vector<2x400x16xf32>
    %slice3A_19 = vector.extract_strided_slice %get3A_18 {offsets = [1, 0, 0], sizes = [1, 400, 16], strides = [1, 1, 1]} : vector<2x400x16xf32> to vector<1x400x16xf32>
    %squeeze3A_20 = vector.shape_cast %slice3A_19 : vector<1x400x16xf32> to vector<400x16xf32>
    %add3A_21 = arith.addf %squeeze3A_14, %squeeze3A_20 : vector<400x16xf32>
    %get3A_22 = arith.constant 0 : index
    %get3A_23 = arith.constant 0 : index
    %get3A_24 = vector.load %arg4[%get3A_22, %get3A_23] : memref<400x16xf32, #tpu.memory_space<vmem>>, vector<400x16xf32>
    %get3A_25 = arith.constant 0 : index
    %get3A_26 = arith.constant 0 : index
    %get3A_27 = vector.load %arg5[%get3A_25, %get3A_26] : memref<400x16xf32, #tpu.memory_space<vmem>>, vector<400x16xf32>
    %add3A_28 = arith.addf %get3A_24, %get3A_27 : vector<400x16xf32>
    %ge3A = arith.constant 0.000000e+00 : f32
    %ge3A_29 = vector.broadcast %ge3A : f32 to vector<400x16xf32>
    %ge3A_30 = arith.cmpf oge, %add3A_28, %ge3A_29 : vector<400x16xf32>
    %mul3A = arith.constant 2.000000e-01 : f32
    %mul3A_31 = vector.broadcast %mul3A : f32 to vector<400x16xf32>
    %mul3A_32 = arith.mulf %mul3A_31, %add3A_28 : vector<400x16xf32>
    %select_n3A = arith.select %ge3A_30, %add3A_28, %mul3A_32 : vector<400x16xi1>, vector<400x16xf32>
    %get3A_33 = arith.constant 0 : index
    %get3A_34 = arith.constant 0 : index
    %get3A_35 = vector.load %arg6[%get3A_33, %get3A_34] : memref<1x16xf32, #tpu.memory_space<vmem>>, vector<1x16xf32>
    %sub3A = vector.broadcast %get3A_35 : vector<1x16xf32> to vector<400x16xf32>
    %sub3A_36 = arith.subf %select_n3A, %sub3A : vector<400x16xf32>
    %exp3A = math.exp %sub3A_36 : vector<400x16xf32>
    %add3A_37 = arith.addf %add3A_21, %exp3A : vector<400x16xf32>
    %get3A_38 = arith.constant 0 : index
    %get3A_39 = arith.constant 0 : index
    %get3A_40 = vector.load %arg8[%get3A_38, %get3A_39] : memref<16x64xf32, #tpu.memory_space<vmem>>, vector<16x64xf32>
    %dot_general3A = arith.constant dense<0.000000e+00> : vector<400x64xf32>
    %dot_general3A_41 = tpu.matmul %add3A_37, %get3A_40, %dot_general3A {dimension_numbers = #tpu.dot_dimension_numbers<[1], [0], [0], [1], [0, 0, 1, 1], [], []>, transpose_lhs_hint = false} : vector<400x16xf32>, vector<16x64xf32>, vector<400x64xf32> -> vector<400x64xf32>
    %get3A_42 = arith.constant 0 : index
    %get3A_43 = arith.constant 0 : index
    %get3A_44 = vector.load %arg8[%get3A_42, %get3A_43] : memref<16x64xf32, #tpu.memory_space<vmem>>, vector<16x64xf32>
    %dot_general3A_45 = arith.constant dense<0.000000e+00> : vector<400x64xf32>
    %dot_general3A_46 = tpu.matmul %exp3A, %get3A_44, %dot_general3A_45 {dimension_numbers = #tpu.dot_dimension_numbers<[1], [0], [0], [1], [0, 0, 1, 1], [], []>, transpose_lhs_hint = false} : vector<400x16xf32>, vector<16x64xf32>, vector<400x64xf32> -> vector<400x64xf32>
    %get3A_47 = arith.constant 0 : index
    %get3A_48 = arith.constant 0 : index
    %get3A_49 = vector.load %arg3[%get3A_47, %get3A_48] : memref<400x64xf32, #tpu.memory_space<vmem>>, vector<400x64xf32>
    %mul3A_50 = arith.mulf %get3A_49, %dot_general3A_46 : vector<400x64xf32>
    %add3A_51 = arith.addf %add3A, %mul3A_50 : vector<400x64xf32>
    %add3A_52 = arith.constant 1.000000e-16 : f32
    %add3A_53 = vector.broadcast %add3A_52 : f32 to vector<400x64xf32>
    %add3A_54 = arith.addf %dot_general3A_41, %add3A_53 : vector<400x64xf32>
    %div3A = arith.divf %add3A_51, %add3A_54 : vector<400x64xf32>
    %get3A_55 = arith.constant 0 : index
    %get3A_56 = arith.constant 0 : index
    %get3A_57 = vector.load %arg7[%get3A_55, %get3A_56] : memref<1x64xf32, #tpu.memory_space<vmem>>, vector<1x64xf32>
    %add3A_58 = vector.broadcast %get3A_57 : vector<1x64xf32> to vector<400x64xf32>
    %add3A_59 = arith.addf %div3A, %add3A_58 : vector<400x64xf32>
    %reduce_max3A = arith.constant dense<0xFF800000> : vector<400xf32>
    %reduce_max3A_60 = vector.multi_reduction <maximumf>, %add3A_59, %reduce_max3A [1] : vector<400x64xf32> to vector<400xf32>
    %broadcast_in_dim3A = vector.shape_cast %reduce_max3A_60 : vector<400xf32> to vector<400x1xf32>
    %sub3A_61 = vector.broadcast %broadcast_in_dim3A : vector<400x1xf32> to vector<400x64xf32>
    %sub3A_62 = arith.subf %add3A_59, %sub3A_61 : vector<400x64xf32>
    %exp3A_63 = math.exp %sub3A_62 : vector<400x64xf32>
    %reduce_sum3A = arith.constant dense<0.000000e+00> : vector<400xf32>
    %reduce_sum3A_64 = vector.multi_reduction <add>, %exp3A_63, %reduce_sum3A [1] : vector<400x64xf32> to vector<400xf32>
    %broadcast_in_dim3A_65 = vector.shape_cast %reduce_sum3A_64 : vector<400xf32> to vector<400x1xf32>
    %log3A = math.log %broadcast_in_dim3A_65 : vector<400x1xf32>
    %sub3A_66 = vector.broadcast %log3A : vector<400x1xf32> to vector<400x64xf32>
    %sub3A_67 = arith.subf %sub3A_62, %sub3A_66 : vector<400x64xf32>
    %swap3A = arith.constant 0 : index
    %swap3A_68 = arith.constant 0 : index
    %swap3A_69 = vector.load %arg9[%swap3A, %swap3A_68] : memref<400x64xf32, #tpu.memory_space<vmem>>, vector<400x64xf32>
    tpu.vector_store %arg9[%swap3A, %swap3A_68], %sub3A_67 {strides = array<i32>} : memref<400x64xf32, #tpu.memory_space<vmem>>, vector<400x64xf32>,
    return
  }
  func.func @transform_0(%arg0: i32) -> (i32, i32, i32) {
    %c0_i32 = arith.constant 0 : i32
    %c0_i32_0 = arith.constant 0 : i32
    %c0_i32_1 = arith.constant 0 : i32
    return %c0_i32, %arg0, %c0_i32_0 : i32, i32, i32
  }
  func.func @transform_1(%arg0: i32) -> (i32, i32, i32) {
    %c0_i32 = arith.constant 0 : i32
    %c0_i32_0 = arith.constant 0 : i32
    %c0_i32_1 = arith.constant 0 : i32
    return %c0_i32, %arg0, %c0_i32_0 : i32, i32, i32
  }
  func.func @transform_2(%arg0: i32) -> (i32, i32) {
    %c0_i32 = arith.constant 0 : i32
    %c0_i32_0 = arith.constant 0 : i32
    return %arg0, %c0_i32 : i32, i32
  }
  func.func @transform_3(%arg0: i32) -> (i32, i32) {
    %c0_i32 = arith.constant 0 : i32
    %c0_i32_0 = arith.constant 0 : i32
    return %arg0, %c0_i32 : i32, i32
  }
  func.func @transform_4(%arg0: i32) -> (i32, i32) {
    %c0_i32 = arith.constant 0 : i32
    %c0_i32_0 = arith.constant 0 : i32
    return %arg0, %c0_i32 : i32, i32
  }
  func.func @transform_5(%arg0: i32) -> (i32, i32) {
    %c0_i32 = arith.constant 0 : i32
    %c0_i32_0 = arith.constant 0 : i32
    %c0_i32_1 = arith.constant 0 : i32
    return %c0_i32, %c0_i32_0 : i32, i32
  }
  func.func @transform_6(%arg0: i32) -> (i32, i32) {
    %c0_i32 = arith.constant 0 : i32
    %c0_i32_0 = arith.constant 0 : i32
    %c0_i32_1 = arith.constant 0 : i32
    return %c0_i32, %c0_i32_0 : i32, i32
  }
  func.func @transform_7(%arg0: i32) -> (i32, i32) {
    %c0_i32 = arith.constant 0 : i32
    %c0_i32_0 = arith.constant 0 : i32
    %c0_i32_1 = arith.constant 0 : i32
    return %c0_i32, %c0_i32_0 : i32, i32
  }
  func.func @transform_8(%arg0: i32) -> (i32, i32) {
    %c0_i32 = arith.constant 0 : i32
    %c0_i32_0 = arith.constant 0 : i32
    return %arg0, %c0_i32 : i32, i32
  }
}

</mosaic_0001>

<sc_bundles>
// kernel: kernel.10.cloned.1.call-start
scs
__scs_entry_jumppad:
0x0: {  	(pc) =	sbr.rel $0x88, $3  }
0x1: {  	(tag) =	ssettag $0x0;
	lr =	simm.s32 $0x1  }
0x2: {  	[smem:$0x3F97] =	sst lr;
	_ =	strace $0xD0000000  }
0x3: {  	_ = 	snop  }
0x4: {  	_ = 	snop  }
0x5: {  	_ = 	snop  }
0x6: {  	_ = 	snop  }
0x7: {  	_ = 	snop  }
__scs_overlays_trampoline_lowered:
0x8: {  	[smem:$0x3FA6] =	sst s0  }
0x9: {  	[smem:$0x3FA7] =	sst s1  }
0xa: {  	[smem:$0x3FA8] =	sst s2  }
0xb: {  	[smem:$0x3FA9] =	sst s3  }
0xc: {  	[smem:$0x3FAA] =	sst s4  }
0xd: {  	[smem:$0x3FAB] =	sst s5  }
0xe: {  	[smem:$0x3FAC] =	sst s6  }
0xf: {  	[smem:$0x3FAD] =	sst s7  }
0x10: {  	[smem:$0x3FAE] =	sst s8  }
0x11: {  	[smem:$0x3FAF] =	sst s9;
	s0 =	simm.s32 @!p0 $0x0  }
0x12: {  	s1 =	sld [smem:$0x3F95];
	s0 =	simm.s32 @p0 $0x1  }
0x13: {  	[smem:$0x3FB0] =	sst s0;
	s0 =	simm.s32 @!p1 $0x0  }
0x14: {  	s2 =	sld [smem:$0x3F94];
	s0 =	simm.s32 @p1 $0x1  }
0x15: {  	[smem:$0x3FB1] =	sst s0;
	s0 =	simm.s32 @!p2 $0x0  }
0x16: {  	s3 =	sld [smem:$0x3FDB];
	s0 =	simm.s32 @p2 $0x1  }
0x17: {  	s4 =	simm.s32 $0x1BF5;
	[smem:$0x3FB3] =	sst s0  }
0x18: {  	s0 =	sld [smem:$0x3F96];
	_ =	swait.ge [sflag:s4], $0x0  }
0x19: {  	s7 =	sld [smem:$0x3F97]  }
0x1a: {  	s8 =	sadd.s32 $0xFFFFE003, lr  }
0x1b: {  	s9 =	sadd.s32 $0xFFFFFEF7, lr;
	s5 =	simm.s32 $0xFFFFFFFF;
	p2 =	slt.u32 s8, $0xFFFFF086  }
0x1c: {  	p1 =	slt.u32 s9, $0xF7A;
	s5 =	simm.s32 @!p2 $0x0  }
0x1d: {  	s5 =	simm.s32 @p1 $0x1;
	p0 =	seq.s32 s7, s2  }
0x1e: {  	s7 =	smul.u32 @!p0 $0xF7A, s2;
	p2 =	seq.s32 @!p0 s5, $0x0  }
0x1f: {  	s9 =	smul.u32 $0xF7A, s1;
	s8 =	simm.s32 @!p0 $0x1BF5;
	p2 =	por !p2, p0  }
0x20: {  	[sflag:s8] =	ssyncset.s32 @!p0 $0xFFFFF086;
	s6 =	sadd.s32 @!p0 s3, s7;
	s7 =	simm.s32 @!p0 $0x108  }
0x21: {  	s3 =	sadd.s32 s3, s9;
	s6 =	sadd.s32 @!p0 $0x88, s6;
	s7 =	simm.s32 @p2 $0x1082  }
0x22: {  	[simem:s7], [sflag:s8] =	dma.local @!p0 [hbm:s6], $0xF7A  }
0x23: {  	s9 =	sor.u32 $0xD0000000, s2;
	s6 =	simm.s32 $0x108;
	_ =	swait.ge @!p0 [sflag:s8], $0x0  }
0x24: {  	s3 =	sadd.s32 $0x88, s3;
	s6 =	simm.s32 @!p1 $0x1082;
	[sflag:s4] =	ssyncset.s32 $0xFFFFF086  }
0x25: {  	[simem:s6], [sflag:s4] =	dma.local [hbm:s3], $0xF7A  }
0x26: {  	[smem:$0x3F97] =	sst s1;
	(tag) =	ssettag s2;
	_ =	strace s9  }
0x27: {  	s1 =	sld [smem:$0x3FA7]  }
0x28: {  	s2 =	sld [smem:$0x3FA8]  }
0x29: {  	s4 =	sld [smem:$0x3FAA]  }
0x2a: {  	p0 =	seq.s32 s5, $0x0;
	s5 =	sld [smem:$0x3FAB]  }
0x2b: {  	s6 =	sld [smem:$0x3FAC]  }
0x2c: {  	s7 =	sld [smem:$0x3FAD]  }
0x2d: {  	s3 =	simm.s32 $0x108;
	s8 =	sld [smem:$0x3FAE]  }
0x2e: {  	s3 =	simm.s32 @!p0 $0x1082;
	s9 =	sld [smem:$0x3FAF]  }
0x2f: {  	lr =	sadd.s32 s0, s3;
	s0 =	sld [smem:$0x3FA6]  }
0x30: {  	s3 =	sld [smem:$0x3FA9]  }
0x31: {  	[smem:$0x3FB2] =	sst s10  }
0x32: {  	s10 =	sld [smem:$0x3FB0];
	_ =	sdelay $0x3  }
0x33: {  	p0 =	seq.s32 s10, $0x1;
	s10 =	sld [smem:$0x3FB2];
	_ =	sdelay $0x3  }
0x34: {  	[smem:$0x3FB2] =	sst s10  }
0x35: {  	s10 =	sld [smem:$0x3FB1];
	_ =	sdelay $0x3  }
0x36: {  	p1 =	seq.s32 s10, $0x1;
	s10 =	sld [smem:$0x3FB2];
	_ =	sdelay $0x3  }
0x37: {  	[smem:$0x3FB2] =	sst s10  }
0x38: {  	s10 =	sld [smem:$0x3FB3]  }
0x39: {  	_ = 	snop;
	(pc) =	sbr.ind lr, $3  }
0x3a: {  	_ = 	snop  }
0x3b: {  	_ = 	snop  }
0x3c: {  	p2 =	seq.s32 s10, $0x1;
	s10 =	sld [smem:$0x3FB2]  }
0x3d: {  	_ =	shalt  }
0x3e: {  	_ =	shalt  }
0x3f: {  	_ =	shalt  }
0x40: {  	_ =	shalt  }
0x41: {  	_ =	shalt  }
0x42: {  	_ =	shalt  }
0x43: {  	_ =	shalt  }
0x44: {  	_ =	shalt  }
0x45: {  	_ =	shalt  }
0x46: {  	_ =	shalt  }
0x47: {  	_ =	shalt  }
0x48: {  	_ =	shalt  }
0x49: {  	_ =	shalt  }
0x4a: {  	_ =	shalt  }
0x4b: {  	_ =	shalt  }
0x4c: {  	_ =	shalt  }
0x4d: {  	_ =	shalt  }
0x4e: {  	_ =	shalt  }
0x4f: {  	_ =	shalt  }
0x50: {  	_ =	shalt  }
0x51: {  	_ =	shalt  }
0x52: {  	_ =	shalt  }
0x53: {  	_ =	shalt  }
0x54: {  	_ =	shalt  }
0x55: {  	_ =	shalt  }
0x56: {  	_ =	shalt  }
0x57: {  	_ =	shalt  }
0x58: {  	_ =	shalt  }
0x59: {  	_ =	shalt  }
0x5a: {  	_ =	shalt  }
0x5b: {  	_ =	shalt  }
0x5c: {  	_ =	shalt  }
0x5d: {  	_ =	shalt  }
0x5e: {  	_ =	shalt  }
0x5f: {  	_ =	shalt  }
0x60: {  	_ =	shalt  }
0x61: {  	_ =	shalt  }
0x62: {  	_ =	shalt  }
0x63: {  	_ =	shalt  }
0x64: {  	_ =	shalt  }
0x65: {  	_ =	shalt  }
0x66: {  	_ =	shalt  }
0x67: {  	_ =	shalt  }
0x68: {  	_ =	shalt  }
0x69: {  	_ =	shalt  }
0x6a: {  	_ =	shalt  }
0x6b: {  	_ =	shalt  }
0x6c: {  	_ =	shalt  }
0x6d: {  	_ =	shalt  }
0x6e: {  	_ =	shalt  }
0x6f: {  	_ =	shalt  }
0x70: {  	_ =	shalt  }
0x71: {  	_ =	shalt  }
0x72: {  	_ =	shalt  }
0x73: {  	_ =	shalt  }
0x74: {  	_ =	shalt  }
0x75: {  	_ =	shalt  }
0x76: {  	_ =	shalt  }
0x77: {  	_ =	shalt  }
0x78: {  	_ =	shalt  }
0x79: {  	_ =	shalt  }
0x7a: {  	_ =	shalt  }
0x7b: {  	_ =	shalt  }
0x7c: {  	_ =	shalt  }
0x7d: {  	_ =	shalt  }
0x7e: {  	_ =	shalt  }
0x7f: {  	_ =	shalt  }
0x80: {  	_ =	shalt  }
0x81: {  	_ =	shalt  }
0x82: {  	_ =	shalt  }
0x83: {  	_ =	shalt  }
0x84: {  	_ =	shalt  }
0x85: {  	_ =	shalt  }
0x86: {  	_ =	shalt  }
0x87: {  	_ =	shalt  }
.Lfunc_end0:
.L_simem_size_0:
called_computation.1_lowered:
.L_overlay_start_0:
0x88: {  	s2 =	sld [smem:$0x3FD9]  }
0x89: {  	s3 =	sld [smem:$0x3FFE];
	_ =	sdelay $0x1  }
0x8a: {  	s1 =	srdreg.scid  }
0x8b: {  	s0 =	sand.u32 $0x1, s1  }
0x8c: {  	s17 =	sshll.u32 s0, $0xA;
	s2 =	sadd.s32 s3, s2  }
0x8d: {  	s2 =	sadd.s32 s2, s17  }
0x8e: {  	[smem:$0x3FBE] =	sst s2  }
0x8f: {  	_ = 	snop  }
0x90: {  	s2 =	sld [smem:$0x3FD0];
	(tm) =	ssettm $0x1  }
0x91: {  	s18 =	sld [smem:$0x3FFB];
	_ =	sdelay $0x3  }
0x92: {  	_ =	strace s18  }
0x93: {  	s3 =	sld [smem:$0x3FFC];
	_ =	sdelay $0x3  }
0x94: {  	_ =	strace s3  }
0x95: {  	s3 =	sld [smem:$0x3FFD];
	_ =	sdelay $0x3  }
0x96: {  	_ =	strace s3  }
0x97: {  	_ =	strace $0x8FFFFFFF  }
0x98: {  	s19 =	sld [smem:$0x3FDB];
	_ =	sdelay $0x1  }
0x99: {  	s4 =	simm.s32 $_scs_section_size  }
0x9a: {  	s5 =	simm.s32 $_size__tile_overlayer_lowered;
	s6 =	simm.s32 $_tile_overlayer_lowered  }
0x9b: {  	s22 =	simm.s32 $0x1BFF;
	s21 =	sshll.u32 s6, $0x1;
	s3 =	sadd.s32 s4, s19  }
0x9c: {  	s7 =	simm.s32 $0x0;
	s20 =	sshll.u32 s5, $0x1;
	s5 =	sadd.s32 s21, s3  }
0x9d: {  	[timem:s7], [sflag:s22] =	dma.local [hbm:s5], s20  }
0x9e: {  	_ =	swait.ge [sflag:s22], s20  }
0x9f: {  	s4 =	ssub.s32 $0x0, s20;
	[sflag:s22] =	ssyncset.done $0x0  }
0xa0: {  	[sflag:s22] =	ssyncadd.s32 s4;
	_ =	sdelay $0x1  }
0xa1: {  	s23 =	simm.s32 $0x1B8B  }
0xa2: {  	_ =	swait.ge [sflag:s23], $0x1  }
0xa3: {  	[sflag:s23] =	ssyncset.done $0x0  }
0xa4: {  	s25 =	simm.s32 $0x1B8E;
	s24 =	sld [smem:$0x3FFE];
	[sflag:s23] =	ssyncadd.s32 $0xFFFFFFFF  }
0xa5: {  	s26 =	simm.s32 $execute0_lowered;
	[smem:$0x3FD2] =	sst s25  }
0xa6: {  	s5 =	sshll.u32 s26, $0x1;
	_ =	strace $0x80000049;
	[dreg:$0x1] =	wrdreg $0xFFFFFFFF  }
0xa7: {  	s28 =	simm.s32 $_size_execute0_lowered;
	s3 =	sadd.s32 s3, s5;
	[dreg:$0x0] =	wrdreg $0x0  }
0xa8: {  	s5 =	sshll.u32 s28, $0x1;
	[dreg:$0x2] =	wrdreg s3  }
0xa9: {  	[dreg:$0x3] =	wrdreg s5  }
0xaa: {  	[dreg:$0x4] =	wrdreg $0xC0  }
0xab: {  	_ =	task [dreg:s7], $0x5FFFF  }
0xac: {  	[dreg:$0x1] =	wrdreg $0xFFFFFFFF  }
0xad: {  	[dreg:$0x0] =	wrdreg $0x60  }
0xae: {  	[dreg:$0x2] =	wrdreg s24  }
0xaf: {  	[dreg:$0x3] =	wrdreg s2  }
0xb0: {  	[dreg:$0x4] =	wrdreg $0xB3100  }
0xb1: {  	[dreg:$0x5] =	wrdreg $0x151100  }
0xb2: {  	[dreg:$0x6] =	wrdreg $0x9  }
0xb3: {  	_ =	task.clear_ibuf [dreg:s7], $0x7FFFF;
	_ =	strace $0x90000049  }
0xb4: {  	s29 =	simm.s32 $0x9;
	_ =	strace $0x8000004B  }
0xb5: {  	_ =	swait.ge [sflag:s29], $0x1  }
0xb6: {  	[sflag:s29] =	ssyncadd.s32 $0xFFFFFFFF  }
0xb7: {  	_ =	strace $0x9000004B  }
0xb8: {  	_ =	sfence  }
0xb9: {  	s30 =	sld [smem:$0x0];
	_ =	sdelay $0x2  }
0xba: {  	s31 =	sshll.u32 s1, $0xD;
	s1 =	sshrl.u32 s1, $0x2  }
0xbb: {  	s3 =	sand.u32 $0x4000, s31;
	s1 =	sadd.s32 s1, s30  }
0xbc: {  	s0 =	sor.u32 s3, s0;
	s1 =	sshll.u32 s1, $0x11  }
0xbd: {  	s0 =	sor.u32 s1, s0  }
0xbe: {  	s0 =	sadd.s32 $0x8F2B, s0  }
0xbf: {  	[sflag:s0] =	ssyncadd.remote.s32 $0x1  }
0xc0: {  	_ =	sfence.sel $0xFFFF  }
0xc1: {  	[dreg:$0x0] =	wrdreg $0xFFFFFFFF;
	(pc) =	sbr.abs _section_cstart, $3  }
0xc2: {  	[dreg:$0x1] =	wrdreg $0xFFFFFFFF  }
0xc3: {  	_ =	task.clear_ibuf [dreg:s7], $0x2FFFF;
	_ =	strace $0x9FFFFFFF  }
0xc4: {  	(tm) =	ssettm $0x7FFFFFFF  }
0xc5: {  	_ =	shalt  }
tec
execute0_lowered:
.L_overlay_start_1:
0x0: {  	(tag) =	ssettag $0x1  }
0x1: {  	s0 =	rddreg [dreg:$0x0]  }
0x2: {  	s2 =	rddreg [dreg:$0x1]  }
0x3: {  	s1 =	rddreg [dreg:$0x2]  }
0x4: {  	s3 =	rddreg [dreg:$0x3];
	s4 =	simm.s32 $0x0;
	s19 =	stileid.u32  }
0x5: {  	s5 =	srdreg.scid;
	s28 =	simm.s32 $0x80;
	s30 =	simm.s32 $0x1  }
0x6: {  	s31 =	simm.s32 $0x200;
	[smem:$0x7FF] =	sst s4;
	s10 =	smul.u32 $0x2780, s19  }
0x7: {  	s11 =	sand.u32 $0x1, s5;
	s12 =	smul.u32 $0x9E00, s19;
	s5 =	sadd.s32 $0x2200, s0  }
0x8: {  	s6 =	sadd.s32 $0x1AC00, s0;
	s7 =	sadd.s32 $0x15C00, s0;
	s8 =	sadd.s32 $0x73200, s0  }
0x9: {  	s9 =	sadd.s32 $0x6E200, s0;
	s16 =	sadd.s32 $0x1FC00, s0;
	s18 =	sshll.u32 s19, $0x1  }
0xa: {  	s21 =	sshll.u32 s19, $0x6;
	_ =	strace $0x8000004A;
	s13 =	smul.u32 $0x9E000, s11  }
0xb: {  	s15 =	smul.u32 $0x27800, s11;
	[dreg:$0x5] =	wrdreg s16;
	s26 =	ssub.s32 $0x2, s11  }
0xc: {  	s11 =	sor.u32 s11, s18;
	s16 =	sor.u32 $0x1C05, s21;
	s14 =	sshrl.u32 s10, $0x3  }
0xd: {  	s17 =	sshrl.u32 s26, $0x1;
	s20 =	sshrl.u32 s12, $0x3;
	s11 =	smul.u32 $0x1400, s11  }
0xe: {  	s22 =	sadd.s32 s10, s3;
	[dreg:$0x7] =	wrdreg s16;
	s13 =	sadd.s32 s12, s13  }
0xf: {  	s14 =	sadd.s32 s14, s0;
	s15 =	sadd.s32 s10, s15;
	s29 =	ssub.s32 s26, s17  }
0x10: {  	s12 =	sadd.s32 s12, s1;
	s2 =	sadd.s32 s2, s20;
	[dreg:$0x8] =	wrdreg s22  }
0x11: {  	s13 =	sshrl.u32 s13, $0x3;
	s15 =	sshrl.u32 s15, $0x3;
	[dreg:$0x6] =	wrdreg s2  }
0x12: {  	s23 =	sadd.s32 $0x78200, s14;
	s24 =	sshrl.u32 s11, $0x3;
	s18 =	sor.u32 $0x80, s11  }
0x13: {  	s19 =	sor.u32 $0x100, s11;
	s29 =	smax.u32 s29, $0x1;
	[dreg:$0x9] =	wrdreg s23  }
0x14: {  	s10 =	sshrl.u32 s12, $0x3;
	s12 =	simm.s32 $0x2;
	[dreg:$0xe] =	wrdreg s29  }
0x15: {  	s14 =	simm.s32 $0x280;
	s25 =	sadd.s32 s8, s24;
	[dreg:$0xf] =	wrdreg s10  }
0x16: {  	s13 =	sadd.s32 s13, s0;
	s2 =	sadd.s32 s9, s24;
	[dreg:$0xa] =	wrdreg s25  }
0x17: {  	s0 =	sadd.s32 s15, s0;
	[dreg:$0xb] =	wrdreg s2;
	s26 =	sadd.s32 $0x29C00, s13  }
0x18: {  	s24 =	simm.s32 $0x5;
	s0 =	sadd.s32 $0x1FE00, s0;
	[dreg:$0xc] =	wrdreg s26  }
0x19: {  	s13 =	simm.s32 $0x0;
	[dreg:$0xd] =	wrdreg s0;
	s0 =	simm.s32 $0x180  }
.LBB2_1:
0x1a: {  	[dreg:$0x10] =	wrdreg s13  }
0x1b: {  	s2 =	rddreg [dreg:$0x6]  }
0x1c: {  	[spmem:s10], [sflag:s16] =	dma.local [hbm:s2], $0x13C0  }
0x1d: {  	_ =	swait.ge [sflag:s24], $0x13C0  }
0x1e: {  	s10 =	rddreg [dreg:$0x8]  }
0x1f: {  	[sflag:s24] =	ssyncset.done $0x0;
	s15 =	rddreg [dreg:$0x9];
	s13 =	sshrl.u32 s10, $0x3  }
0x20: {  	[sflag:s24] =	ssyncadd.s32 $0xFFFFEC40;
	[dreg:$0x11] =	wrdreg s13  }
0x21: {  	[spmem:s13], [sflag:s16] =	dma.local [hbm:s15], $0x4F0  }
0x22: {  	_ =	swait.ge [sflag:s24], $0x4F0  }
0x23: {  	[sflag:s24] =	ssyncset.done $0x0  }
0x24: {  	s20 =	simm.s32 $0xB300;
	s17 =	rddreg [dreg:$0x5];
	[sflag:s24] =	ssyncadd.s32 $0xFFFFFB10  }
0x25: {  	[tilespmem:s20], [sflag:$0x5] =	stream.linear.gather [hbm4b:s17+s4], $0x10, $0x38;
	[tilespmem:$0x17890] =	vst v63  }
0x26: {  	_ =	swait.ge [sflag:s24], $0x10  }
0x27: {  	[sflag:s24] =	ssyncset.done $0x0  }
0x28: {  	[sflag:s24] =	ssyncadd.s32 $0xFFFFFFF0  }
0x29: {  	[bflag:$0x0] =	sbarrier.arrive $0xFFFF  }
0x2a: {  	s21 =	rddreg [dreg:$0xa]  }
0x2b: {  	v0 =	vld [tilespmem:$0xB300];
	[tilespmem:s4], [sflag:$0x5] =	stream.linear.gather [hbm4b:s21+s4], $0x80, $0x38  }
0x2c: {  	_ =	swait.ge [sflag:s24], $0x80  }
0x2d: {  	[sflag:s24] =	ssyncset.done $0x0  }
0x2e: {  	s23 =	simm.s32 $0x100;
	s22 =	rddreg [dreg:$0xb];
	[sflag:s24] =	ssyncadd.s32 $0xFFFFFF80  }
0x2f: {  	[tilespmem:s23], [sflag:$0x5] =	stream.linear.gather [hbm4b:s22+s4], $0x80, $0x38;
	[tilespmem:$0x17890] =	vst v63  }
0x30: {  	_ =	swait.ge [sflag:s24], $0x80  }
0x31: {  	[sflag:s24] =	ssyncset.done $0x0  }
0x32: {  	s25 =	simm.s32 $0x300;
	[sflag:s24] =	ssyncadd.s32 $0xFFFFFF80  }
0x33: {  	[tilespmem:s25], [sflag:$0x1] =	stream.indirect.gather [hbm4b:s5+s28], $0x40, s4, s28, $0xb8;
	[tilespmem:$0x17890] =	vst v63  }
0x34: {  	s26 =	simm.s32 $0x4300  }
0x35: {  	[tilespmem:s26], [sflag:$0x1] =	stream.indirect.gather [hbm4b:s6+s28], $0x10, s4, s28, $0xb8;
	[tilespmem:$0x17890] =	vst v63  }
0x36: {  	s29 =	simm.s32 $0x5300  }
0x37: {  	[tilespmem:s29], [sflag:$0x1] =	stream.indirect.gather [hbm4b:s7+s28], $0x10, s23, s28, $0xb8;
	[tilespmem:$0x17890] =	vst v63  }
0x38: {  	s23 =	simm.s32 $0x0  }
.LBB2_2:
0x39: {  	s20 =	sshll.u32 s23, $0x8  }
0x3a: {  	s2 =	sadd.s32 s20, s18  }
0x3b: {  	s2 =	sshrl.u32 s2, $0x3  }
0x3c: {  	s10 =	sadd.s32 s8, s2  }
0x3d: {  	[tilespmem:s28], [sflag:$0x5] =	stream.linear.gather [hbm4b:s10+s4], $0x80, $0x38;
	[tilespmem:$0x17890] =	vst v63  }
0x3e: {  	_ =	swait.ge [sflag:s24], $0x80  }
0x3f: {  	[sflag:s24] =	ssyncset.done $0x0  }
0x40: {  	s17 =	sadd.s32 s9, s2;
	[sflag:s24] =	ssyncadd.s32 $0xFFFFFF80  }
0x41: {  	[tilespmem:s0], [sflag:$0x5] =	stream.linear.gather [hbm4b:s17+s4], $0x80, $0x38;
	[tilespmem:$0x17890] =	vst v63  }
0x42: {  	_ =	swait.ge [sflag:s24], $0x80  }
0x43: {  	[sflag:s24] =	ssyncset.done $0x0  }
0x44: {  	s13 =	simm.s32 $0x2300;
	[sflag:s24] =	ssyncadd.s32 $0xFFFFFF80  }
0x45: {  	[tilespmem:s13], [sflag:$0x2] =	stream.indirect.gather [hbm4b:s5+s28], $0x40, s28, s28, $0xb8;
	[tilespmem:$0x17890] =	vst v63  }
0x46: {  	s15 =	simm.s32 $0x4B00  }
0x47: {  	[tilespmem:s15], [sflag:$0x2] =	stream.indirect.gather [hbm4b:s6+s28], $0x10, s28, s28, $0xb8;
	[tilespmem:$0x17890] =	vst v63  }
0x48: {  	s16 =	simm.s32 $0x5B00  }
0x49: {  	[tilespmem:s16], [sflag:$0x2] =	stream.indirect.gather [hbm4b:s7+s28], $0x10, s0, s28, $0xb8;
	[tilespmem:$0x17890] =	vst v63  }
0x4a: {  	_ =	swait.ge [sflag:s30], $0x2000  }
0x4b: {  	[sflag:s30] =	ssyncset.done $0x0  }
0x4c: {  	[sflag:s30] =	ssyncadd.s32 $0xFFFFE000  }
0x4d: {  	_ =	swait.ge [sflag:s30], $0x800  }
0x4e: {  	[sflag:s30] =	ssyncset.done $0x0  }
0x4f: {  	[sflag:s30] =	ssyncadd.s32 $0xFFFFF800  }
0x50: {  	_ =	swait.ge [sflag:s30], $0x800  }
0x51: {  	p0 =	seq.s32 s23, $0x0;
	[sflag:s30] =	ssyncset.done $0x0  }
0x52: {  	s2 =	simm.s32 @!p0 $0x3;
	[sflag:s30] =	ssyncadd.s32 $0xFFFFF800  }
0x53: {  	_ =	swait.ge @!p0 [sflag:s2], $0x2000  }
0x54: {  	[sflag:s2] =	ssyncset.done @!p0 $0x0  }
0x55: {  	[sflag:s2] =	ssyncadd.s32 @!p0 $0xFFFFE000  }
0x56: {  	s21 =	sadd.s32 s11, s20;
	_ =	swait.ge @!p0 [sflag:s2], $0x800  }
0x57: {  	s10 =	sshrl.u32 s21, $0x3;
	[sflag:s2] =	ssyncset.done @!p0 $0x0  }
0x58: {  	s22 =	sadd.s32 s9, s10;
	[sflag:s2] =	ssyncadd.s32 @!p0 $0xFFFFF800  }
0x59: {  	[tilespmem:s31], [sflag:$0x5] =	stream.linear.gather [hbm4b:s22+s4], $0x80, $0x38;
	[tilespmem:$0x17890] =	vst v63  }
0x5a: {  	_ =	swait.ge [sflag:s24], $0x80  }
0x5b: {  	[sflag:s24] =	ssyncset.done $0x0  }
0x5c: {  	s25 =	simm.s32 $0x4340;
	[sflag:s24] =	ssyncadd.s32 $0xFFFFFF80  }
0x5d: {  	s26 =	simm.s32 $0x5340;
	v1 =	vld [tilespmem:s25+$0x30]  }
0x5e: {  	v2 =	vld [tilespmem:s26+$0x30];
	_ =	sdelay $0x4  }
0x5f: {  	v4 =	vld [tilespmem:s25+$0xFFFFFFD0];
	v1 =	vadd.f32 v2, v1  }
0x60: {  	v5 =	vld [tilespmem:s25+$0xFFFFFFE0]  }
0x61: {  	v7 =	vld [tilespmem:s26+$0xFFFFFFE0];
	v6 =	vmul.f32 $2.000000030e-01, v1  }
0x62: {  	v8 =	vld [tilespmem:s25+$0xFFFFFFF0];
	vm0 =	vge.f32 v1, $0.0e+00  }
0x63: {  	v2 =	vld [tilespmem:s26+$0xFFFFFFD0];
	v1 =	vsel vm0, v1, v6  }
0x64: {  	v9 =	vld [tilespmem:s25+$0x0];
	v1 =	vsub.f32 v1, v0  }
0x65: {  	v10 =	vld [tilespmem:s26+$0x0]  }
0x66: {  	v6 =	vld [tilespmem:s26+$0xFFFFFFF0];
	v1 =	vmul.f32 $1.442695020e+00, v1;
	_ =	sdelay $0x1  }
0x67: {  	v11 =	vld [tilespmem:s25+$0x10];
	v2 =	vadd.f32 v2, v4;
	(erf) = vpow2.f32 v1  }
0x68: {  	v4 =	vld [tilespmem:s26+$0x10];
	v1 =	vadd.f32 v7, v5  }
0x69: {  	v3 =	vld [tilespmem:s26+$0xFFFFFFC0];
	v9 =	vadd.f32 v10, v9;
	v7 =	vmul.f32 $2.000000030e-01, v2  }
0x6a: {  	vm6 =	vge.f32 v2, $0.0e+00;
	v5 =	vld [tilespmem:s25+$0xFFFFFFC0];
	v6 =	vadd.f32 v6, v8;
	v8 =	vmul.f32 $2.000000030e-01, v1  }
0x6b: {  	vm1 =	vge.f32 v1, $0.0e+00;
	v2 =	vsel vm6, v2, v7  }
0x6c: {  	v12 =	vld [tilespmem:s25+$0x20];
	v2 =	vsub.f32 v2, v0;
	v1 =	vsel vm1, v1, v8;
	v8 =	vmul.f32 $2.000000030e-01, v9  }
0x6d: {  	v4 =	vadd.f32 v4, v11;
	v7 =	vld [tilespmem:s26+$0x20]  }
0x6e: {  	vm8 =	vge.f32 v9, $0.0e+00;
	vm7 =	vge.f32 v6, $0.0e+00;
	v2 =	vmul.f32 $1.442695020e+00, v2  }
0x6f: {  	s15 =	simm.s32 $0x53C0;
	v10 =	vmul.f32 $2.000000030e-01, v6;
	vm9 =	vge.f32 v4, $0.0e+00;
	v3 =	vadd.f32 v3, v5  }
0x70: {  	s13 =	simm.s32 $0x43C0;
	v19 =	vld [tilespmem:s15+$0xFFFFFFC0];
	v1 =	vsub.f32 v1, v0;
	v9 =	vsel vm8, v9, v8;
	v8 =	vpop (erf);
	(erf) = vpow2.f32 v2  }
0x71: {  	v20 =	vld [tilespmem:s13+$0xFFFFFFD0];
	v5 =	vsel vm7, v6, v10;
	v6 =	vmul.f32 $2.000000030e-01, v4;
	v10 =	vmul.f32 $2.000000030e-01, v3  }
0x72: {  	v21 =	vld [tilespmem:s15+$0xFFFFFFD0];
	v5 =	vsub.f32 v5, v0;
	v7 =	vadd.f32 v7, v12;
	vm10 =	vge.f32 v3, $0.0e+00  }
0x73: {  	v22 =	vld [tilespmem:s15+$0xFFFFFFE0];
	v4 =	vsel vm9, v4, v6;
	v1 =	vmul.f32 $1.442695020e+00, v1;
	v3 =	vsel vm10, v3, v10  }
0x74: {  	v24 =	vld [tilespmem:s13+$0xFFFFFFF0];
	v5 =	vmul.f32 $1.442695020e+00, v5;
	v6 =	vmul.f32 $2.000000030e-01, v7;
	v3 =	vsub.f32 v3, v0  }
0x75: {  	v25 =	vld [tilespmem:s15+$0xFFFFFFF0];
	vm11 =	vge.f32 v7, $0.0e+00;
	v2 =	vsub.f32 v9, v0;
	(erf) = vpow2.f32 v1  }
0x76: {  	s10 =	simm.s32 $0xA340;
	v26 =	vld [tilespmem:s15+$0x0];
	v1 =	vsub.f32 v4, v0;
	v4 =	vsel vm11, v7, v6;
	v3 =	vmul.f32 $1.442695020e+00, v3  }
0x77: {  	v28 =	vld [tilespmem:s13+$0x20];
	s25 =	simm.s32 $0x400;
	[tilespmem:s10+$0x30] =	vst v8;
	(erf) = vpow2.f32 v5;
	v2 =	vmul.f32 $1.442695020e+00, v2;
	v4 =	vsub.f32 v4, v0  }
0x78: {  	s2 =	simm.s32 $0x5440;
	v10 =	vld [tilespmem:s25+$0xC0];
	v1 =	vmul.f32 $1.442695020e+00, v1;
	(erf) = vpow2.f32 v3  }
0x79: {  	v34 =	vld [tilespmem:s2+$0x30];
	v4 =	vmul.f32 $1.442695020e+00, v4;
	(erf) = vpow2.f32 v2;
	v11 =	vpop (erf)  }
0x7a: {  	v36 =	vld [tilespmem:s2+$0xFFFFFFD0];
	(erf) = vpow2.f32 v1;
	[tilespmem:s10+$0xFFFFFFD0] =	vst v11  }
0x7b: {  	(erf) = vpow2.f32 v4;
	v2 =	vld [tilespmem:s25+$0xFFFFFF40]  }
0x7c: {  	v37 =	vld [tilespmem:s2+$0xFFFFFFC0]  }
0x7d: {  	v40 =	vld [tilespmem:s2+$0xFFFFFFF0];
	v3 =	vmul.f32 v8, v10  }
0x7e: {  	s22 =	simm.s32 $0x6400;
	v63 =	vld [tilespmem:s2+$0x0]  }
0x7f: {  	v10 =	vld [tilespmem:s13+$0x30];
	[tilespmem:s22+$0xC0] =	vst v3;
	v13 =	vpop (erf)  }
0x80: {  	v1 =	vld [tilespmem:s25+$0xD0];
	[tilespmem:s10+$0xFFFFFFE0] =	vst v13;
	v12 =	vpop (erf);
	v2 =	vmul.f32 v11, v2  }
0x81: {  	v3 =	vld [tilespmem:s25+$0xFFFFFF80];
	[tilespmem:s10+$0xFFFFFFF0] =	vst v12;
	v14 =	vpop (erf)  }
0x82: {  	v17 =	vpop (erf);
	[tilespmem:s22+$0xFFFFFF40] =	vst v2;
	v2 =	vld [tilespmem:s15+$0x30]  }
0x83: {  	v4 =	vld [tilespmem:s25+$0xFFFFFFC0];
	[tilespmem:s10+$0xFFFFFFC0] =	vst v14;
	v16 =	vpop (erf)  }
0x84: {  	v5 =	vld [tilespmem:s25+$0xFFFFFF00];
	[tilespmem:s10+$0x0] =	vst v17;
	v15 =	vpop (erf)  }
0x85: {  	v1 =	vmul.f32 v8, v1;
	v6 =	vld [tilespmem:s25+$0x0];
	[tilespmem:s10+$0x20] =	vst v15  }
0x86: {  	v9 =	vld [tilespmem:s25+$0x80]  }
0x87: {  	[tilespmem:s22+$0xD0] =	vst v1;
	v18 =	vld [tilespmem:s25+$0xFFFFFF50];
	v2 =	vadd.f32 v2, v10  }
0x88: {  	[tilespmem:s10+$0x10] =	vst v16;
	v1 =	vld [tilespmem:s25+$0xE0]  }
0x89: {  	v7 =	vld [tilespmem:s25+$0x40];
	v23 =	vmul.f32 $2.000000030e-01, v2  }
0x8a: {  	v3 =	vmul.f32 v13, v3;
	v10 =	vld [tilespmem:s13+$0xFFFFFFE0];
	vm12 =	vge.f32 v2, $0.0e+00  }
0x8b: {  	v27 =	vmul.f32 v15, v9;
	v9 =	vadd.f32 v21, v20;
	v20 =	vld [tilespmem:s13+$0x10];
	v2 =	vsel vm12, v2, v23  }
0x8c: {  	[tilespmem:s22+$0xFFFFFF80] =	vst v3;
	v18 =	vmul.f32 v11, v18;
	v21 =	vld [tilespmem:s15+$0x10];
	v2 =	vsub.f32 v2, v0  }
0x8d: {  	v4 =	vmul.f32 v12, v4;
	v3 =	vld [tilespmem:s25+$0xFFFFFF90];
	v5 =	vmul.f32 v14, v5  }
0x8e: {  	v6 =	vmul.f32 v17, v6;
	[tilespmem:s22+$0xFFFFFF50] =	vst v18;
	v23 =	vld [tilespmem:s13+$0x0];
	v2 =	vmul.f32 $1.442695020e+00, v2  }
0x8f: {  	v1 =	vmul.f32 v8, v1;
	v7 =	vmul.f32 v16, v7;
	v18 =	vld [tilespmem:s25+$0xFFFFFF60]  }
0x90: {  	v45 =	vld [tilespmem:s2+$0x10];
	v10 =	vadd.f32 v22, v10;
	v22 =	vmul.f32 $2.000000030e-01, v9;
	(erf) = vpow2.f32 v2  }
0x91: {  	vm13 =	vge.f32 v9, $0.0e+00;
	v20 =	vadd.f32 v21, v20;
	v2 =	vadd.f32 v25, v24;
	v24 =	vld [tilespmem:s13+$0xFFFFFFC0]  }
0x92: {  	s26 =	simm.s32 $0x4440;
	v3 =	vmul.f32 v13, v3;
	vm14 =	vge.f32 v10, $0.0e+00;
	v9 =	vsel vm13, v9, v22;
	v22 =	vld [tilespmem:s15+$0x20]  }
0x93: {  	v33 =	vld [tilespmem:s26+$0x30];
	v9 =	vsub.f32 v9, v0;
	vm5 =	vge.f32 v20, $0.0e+00;
	v25 =	vmul.f32 $2.000000030e-01, v10  }
0x94: {  	v35 =	vld [tilespmem:s26+$0xFFFFFFD0];
	v23 =	vadd.f32 v26, v23;
	v18 =	vmul.f32 v11, v18;
	vm15 =	vge.f32 v2, $0.0e+00  }
0x95: {  	v38 =	vld [tilespmem:s26+$0xFFFFFFE0];
	[tilespmem:s22+$0xFFFFFFC0] =	vst v4;
	v10 =	vsel vm14, v10, v25;
	v25 =	vmul.f32 $1.442695020e+00, v9;
	v9 =	vmul.f32 $2.000000030e-01, v20  }
0x96: {  	v61 =	vld [tilespmem:s26+$0xFFFFFFF0];
	[tilespmem:s22+$0xFFFFFF00] =	vst v5;
	v26 =	vmul.f32 $2.000000030e-01, v2;
	v21 =	vmul.f32 $2.000000030e-01, v23;
	v19 =	vadd.f32 v19, v24  }
0x97: {  	v62 =	vld [tilespmem:s26+$0x0];
	[tilespmem:s22+$0xE0] =	vst v1;
	vm4 =	vge.f32 v23, $0.0e+00;
	v10 =	vsub.f32 v10, v0;
	v1 =	vadd.f32 v22, v28  }
0x98: {  	v4 =	vld [tilespmem:s25+$0xFFFFFF10];
	[tilespmem:s22+$0x0] =	vst v6;
	v2 =	vsel vm15, v2, v26;
	v5 =	vsel vm4, v23, v21;
	v21 =	vmul.f32 $2.000000030e-01, v19  }
0x99: {  	s16 =	simm.s32 $0xA3C0;
	[tilespmem:s22+$0x40] =	vst v7;
	v22 =	vld [tilespmem:s25+$0xF0];
	v20 =	vsel vm5, v20, v9;
	(erf) = vpow2.f32 v25;
	vm6 =	vge.f32 v19, $0.0e+00;
	v9 =	vpop (erf)  }
0x9a: {  	v7 =	vld [tilespmem:s25+$0x10];
	s13 =	simm.s32 $0x600;
	v2 =	vsub.f32 v2, v0;
	v5 =	vsub.f32 v5, v0;
	v19 =	vsel vm6, v19, v21;
	[tilespmem:s16+$0x30] =	vst v9  }
0x9b: {  	v23 =	vmul.f32 $2.000000030e-01, v1;
	v20 =	vsub.f32 v20, v0;
	v6 =	vsub.f32 v19, v0;
	v19 =	vld [tilespmem:s13+$0xC0]  }
0x9c: {  	v24 =	vld [tilespmem:s25+$0xFFFFFFD0];
	v10 =	vmul.f32 $1.442695020e+00, v10;
	v2 =	vmul.f32 $1.442695020e+00, v2  }
0x9d: {  	v44 =	vld [tilespmem:s26+$0x10];
	[tilespmem:s22+$0x80] =	vst v27;
	v5 =	vmul.f32 $1.442695020e+00, v5;
	v20 =	vmul.f32 $1.442695020e+00, v20  }
0x9e: {  	vm7 =	vge.f32 v1, $0.0e+00;
	(erf) = vpow2.f32 v10;
	v10 =	vld [tilespmem:s25+$0x90];
	v8 =	vmul.f32 v22, v8  }
0x9f: {  	v46 =	vld [tilespmem:s26+$0x20];
	[tilespmem:s22+$0xFFFFFF90] =	vst v3;
	v1 =	vsel vm7, v1, v23;
	(erf) = vpow2.f32 v2;
	v2 =	vmul.f32 v14, v4  }
0xa0: {  	[tilespmem:s22+$0xFFFFFF60] =	vst v18;
	v23 =	vld [tilespmem:s25+$0xFFFFFFA0];
	v1 =	vsub.f32 v1, v0;
	v6 =	vmul.f32 $1.442695020e+00, v6;
	v4 =	vmul.f32 v9, v19  }
0xa1: {  	s21 =	simm.s32 $0x6600;
	v21 =	vld [tilespmem:s25+$0x50];
	v3 =	vmul.f32 v12, v24;
	[tilespmem:s22+$0xFFFFFF10] =	vst v2;
	v2 =	vmul.f32 v17, v7  }
0xa2: {  	v22 =	vld [tilespmem:s2+$0xFFFFFFE0];
	v1 =	vmul.f32 $1.442695020e+00, v1;
	(erf) = vpow2.f32 v6;
	[tilespmem:s21+$0xC0] =	vst v4  }
0xa3: {  	[tilespmem:s22+$0x10] =	vst v2;
	v2 =	vmul.f32 v15, v10;
	(erf) = vpow2.f32 v5;
	v4 =	vld [tilespmem:s13+$0xD0]  }
0xa4: {  	[tilespmem:s22+$0xF0] =	vst v8;
	v10 =	vld [tilespmem:s25+$0x20];
	(erf) = vpow2.f32 v20  }
0xa5: {  	[tilespmem:s22+$0xFFFFFFD0] =	vst v3;
	v19 =	vld [tilespmem:s25+$0xFFFFFF20]  }
0xa6: {  	v3 =	vmul.f32 v16, v21;
	[tilespmem:s22+$0x90] =	vst v2;
	v20 =	vld [tilespmem:s25+$0xFFFFFFE0];
	(erf) = vpow2.f32 v1;
	v1 =	vpop (erf)  }
0xa7: {  	v24 =	vld [tilespmem:s25+$0xA0];
	[tilespmem:s16+$0xFFFFFFD0] =	vst v1;
	v2 =	vpop (erf)  }
0xa8: {  	v33 =	vadd.f32 v34, v33;
	v25 =	vld [tilespmem:s13+$0xFFFFFF40];
	[tilespmem:s16+$0xFFFFFFE0] =	vst v2;
	v4 =	vmul.f32 v9, v4  }
0xa9: {  	[tilespmem:s22+$0x50] =	vst v3;
	v26 =	vld [tilespmem:s13+$0xFFFFFF80]  }
0xaa: {  	v39 =	vmul.f32 $2.000000030e-01, v33;
	v21 =	vld [tilespmem:s25+$0x60];
	v3 =	vpop (erf);
	[tilespmem:s21+$0xD0] =	vst v4  }
0xab: {  	vm8 =	vge.f32 v33, $0.0e+00;
	[tilespmem:s16+$0xFFFFFFF0] =	vst v3;
	v6 =	vpop (erf);
	v29 =	vld [tilespmem:s13+$0xE0]  }
0xac: {  	v33 =	vsel vm8, v33, v39;
	v27 =	vld [tilespmem:s13+$0xFFFFFFC0];
	[tilespmem:s16+$0xFFFFFFC0] =	vst v6;
	v7 =	vpop (erf)  }
0xad: {  	v35 =	vadd.f32 v36, v35;
	v33 =	vsub.f32 v33, v0;
	v25 =	vmul.f32 v1, v25;
	v28 =	vld [tilespmem:s13+$0xFFFFFF00];
	v5 =	vpop (erf);
	[tilespmem:s16+$0x0] =	vst v7  }
0xae: {  	v34 =	vadd.f32 v40, v61;
	v47 =	vadd.f32 v45, v44;
	v26 =	vmul.f32 v2, v26;
	v30 =	vld [tilespmem:s13+$0x0];
	[tilespmem:s16+$0x10] =	vst v5  }
0xaf: {  	v41 =	vmul.f32 $2.000000030e-01, v35;
	vm9 =	vge.f32 v35, $0.0e+00;
	v33 =	vmul.f32 $1.442695020e+00, v33;
	[tilespmem:s21+$0xFFFFFF40] =	vst v25;
	v31 =	vld [tilespmem:s13+$0x40]  }
0xb0: {  	vm11 =	vge.f32 v34, $0.0e+00;
	v23 =	vmul.f32 v13, v23;
	v32 =	vld [tilespmem:s13+$0xFFFFFF50];
	[tilespmem:s21+$0xFFFFFF80] =	vst v26;
	v4 =	vpop (erf);
	v29 =	vmul.f32 v9, v29  }
0xb1: {  	v22 =	vadd.f32 v22, v38;
	v10 =	vmul.f32 v17, v10;
	v27 =	vmul.f32 v3, v27;
	v26 =	vld [tilespmem:s13+$0xFFFFFF90];
	[tilespmem:s16+$0x20] =	vst v4  }
0xb2: {  	v35 =	vsel vm9, v35, v41;
	(erf) = vpow2.f32 v33;
	v25 =	vld [tilespmem:s13+$0x80];
	v8 =	vmul.f32 v6, v28;
	[tilespmem:s21+$0xE0] =	vst v29  }
0xb3: {  	vm13 =	vge.f32 v47, $0.0e+00;
	[tilespmem:s21+$0xFFFFFFC0] =	vst v27;
	v28 =	vmul.f32 $2.000000030e-01, v22;
	v27 =	vmul.f32 v7, v30;
	v29 =	vld [tilespmem:s13+$0xF0]  }
0xb4: {  	vm10 =	vge.f32 v22, $0.0e+00;
	v19 =	vmul.f32 v14, v19;
	v20 =	vmul.f32 v12, v20;
	v30 =	vld [tilespmem:s26+$0xFFFFFFC0];
	[tilespmem:s21+$0xFFFFFF00] =	vst v8  }
0xb5: {  	v22 =	vsel vm10, v22, v28;
	v8 =	vmul.f32 v5, v31;
	v28 =	vld [tilespmem:s2+$0x20];
	[tilespmem:s21+$0x0] =	vst v27;
	v27 =	vmul.f32 $2.000000030e-01, v34  }
0xb6: {  	[tilespmem:s22+$0xFFFFFFA0] =	vst v23;
	v24 =	vmul.f32 v15, v24;
	v21 =	vmul.f32 v16, v21;
	v22 =	vsub.f32 v22, v0  }
0xb7: {  	v53 =	vld [tilespmem:s25+$0xFFFFFF70];
	[tilespmem:s21+$0x40] =	vst v8;
	v8 =	vmul.f32 v1, v32;
	v25 =	vmul.f32 v4, v25;
	v27 =	vsel vm11, v34, v27  }
0xb8: {  	[tilespmem:s22+$0xFFFFFF20] =	vst v19;
	v31 =	vld [tilespmem:s13+$0xFFFFFF10];
	v22 =	vmul.f32 $1.442695020e+00, v22;
	v9 =	vmul.f32 v29, v9;
	v29 =	vadd.f32 v63, v62  }
0xb9: {  	v48 =	vld [tilespmem:s13+$0xFFFFFFD0];
	v30 =	vadd.f32 v37, v30;
	v27 =	vsub.f32 v27, v0;
	[tilespmem:s21+$0x80] =	vst v25;
	v25 =	vmul.f32 v2, v26  }
0xba: {  	v49 =	vld [tilespmem:s13+$0x10];
	[tilespmem:s21+$0xFFFFFF50] =	vst v8;
	v26 =	vsub.f32 v35, v0;
	v28 =	vadd.f32 v28, v46;
	v8 =	vmul.f32 $2.000000030e-01, v29  }
0xbb: {  	[tilespmem:s22+$0x60] =	vst v21;
	v50 =	vld [tilespmem:s13+$0x50];
	vm14 =	vge.f32 v30, $0.0e+00;
	v23 =	vmul.f32 $1.442695020e+00, v27;
	vm12 =	vge.f32 v29, $0.0e+00  }
0xbc: {  	s10 =	simm.s32 $0xA440;
	v19 =	vld [tilespmem:s13+$0xFFFFFF60];
	v18 =	vpop (erf);
	[tilespmem:s21+$0xFFFFFF90] =	vst v25;
	v25 =	vmul.f32 $2.000000030e-01, v47;
	v8 =	vsel vm12, v29, v8;
	v29 =	vmul.f32 $2.000000030e-01, v30  }
0xbd: {  	v51 =	vld [tilespmem:s13+$0x90];
	[tilespmem:s10+$0x30] =	vst v18;
	v21 =	vmul.f32 v6, v31;
	v26 =	vmul.f32 $1.442695020e+00, v26;
	vm15 =	vge.f32 v28, $0.0e+00  }
0xbe: {  	s29 =	simm.s32 $0x800;
	v31 =	vld [tilespmem:s25+$0x70];
	v25 =	vsel vm13, v47, v25;
	[tilespmem:s21+$0xF0] =	vst v9;
	v9 =	vmul.f32 $2.000000030e-01, v28;
	v29 =	vsel vm14, v30, v29  }
0xbf: {  	(erf) = vpow2.f32 v26;
	v25 =	vsub.f32 v25, v0;
	v27 =	vsub.f32 v29, v0;
	v29 =	vld [tilespmem:s29+$0xC0]  }
0xc0: {  	v52 =	vld [tilespmem:s13+$0xFFFFFFA0];
	[tilespmem:s21+$0xFFFFFF10] =	vst v21;
	(erf) = vpow2.f32 v22;
	v9 =	vsel vm15, v28, v9;
	v8 =	vsub.f32 v8, v0  }
0xc1: {  	[tilespmem:s22+$0x20] =	vst v10;
	v26 =	vld [tilespmem:s13+$0xFFFFFF20];
	(erf) = vpow2.f32 v23;
	v9 =	vsub.f32 v9, v0;
	v10 =	vmul.f32 $1.442695020e+00, v27  }
0xc2: {  	[tilespmem:s22+$0xFFFFFFE0] =	vst v20;
	v20 =	vmul.f32 $1.442695020e+00, v25;
	v25 =	vld [tilespmem:s25+$0xFFFFFFB0];
	v8 =	vmul.f32 $1.442695020e+00, v8  }
0xc3: {  	v28 =	vld [tilespmem:s25+$0x30];
	v9 =	vmul.f32 $1.442695020e+00, v9;
	(erf) = vpow2.f32 v10  }
0xc4: {  	v30 =	vld [tilespmem:s25+$0xFFFFFF30];
	v10 =	vmul.f32 v3, v48;
	v22 =	vmul.f32 v18, v29  }
0xc5: {  	[tilespmem:s22+$0xA0] =	vst v24;
	v27 =	vld [tilespmem:s25+$0xFFFFFFF0];
	(erf) = vpow2.f32 v8;
	v8 =	vmul.f32 v7, v49  }
0xc6: {  	v29 =	vld [tilespmem:s25+$0xB0];
	s25 =	simm.s32 $0x6800;
	[tilespmem:s21+$0xFFFFFFD0] =	vst v10;
	(erf) = vpow2.f32 v20;
	v10 =	vmul.f32 v5, v50  }
0xc7: {  	[tilespmem:s25+$0xC0] =	vst v22;
	v54 =	vld [tilespmem:s13+$0xFFFFFFE0];
	(erf) = vpow2.f32 v9;
	v9 =	vmul.f32 v4, v51  }
0xc8: {  	[tilespmem:s21+$0x10] =	vst v8;
	v20 =	vld [tilespmem:s29+$0xD0]  }
0xc9: {  	v55 =	vld [tilespmem:s13+$0x20];
	[tilespmem:s21+$0x50] =	vst v10  }
0xca: {  	v8 =	vpop (erf);
	v56 =	vld [tilespmem:s13+$0x60];
	[tilespmem:s21+$0x90] =	vst v9  }
0xcb: {  	[tilespmem:s10+$0xFFFFFFD0] =	vst v8;
	v57 =	vld [tilespmem:s13+$0xA0];
	v9 =	vpop (erf)  }
0xcc: {  	v24 =	vmul.f32 v1, v19;
	v16 =	vmul.f32 v31, v16;
	v58 =	vld [tilespmem:s29+$0xFFFFFF40];
	[tilespmem:s10+$0xFFFFFFE0] =	vst v9;
	v10 =	vpop (erf)  }
0xcd: {  	v21 =	vmul.f32 v30, v14;
	v59 =	vld [tilespmem:s29+$0xFFFFFF80];
	[tilespmem:s10+$0xFFFFFFF0] =	vst v10;
	v30 =	vmul.f32 v18, v20;
	v14 =	vpop (erf)  }
0xce: {  	v23 =	vmul.f32 v2, v52;
	v26 =	vmul.f32 v6, v26;
	[tilespmem:s10+$0xFFFFFFC0] =	vst v14;
	v60 =	vld [tilespmem:s29+$0xFFFFFFC0]  }
0xcf: {  	v19 =	vmul.f32 v25, v13;
	v22 =	vmul.f32 v53, v11;
	v11 =	vpop (erf);
	v61 =	vld [tilespmem:s29+$0xFFFFFF00];
	[tilespmem:s25+$0xD0] =	vst v30  }
0xd0: {  	v17 =	vmul.f32 v28, v17;
	v20 =	vmul.f32 v27, v12;
	v12 =	vpop (erf);
	[tilespmem:s10+$0x0] =	vst v11;
	v62 =	vld [tilespmem:s29+$0xE0]  }
0xd1: {  	v15 =	vmul.f32 v29, v15;
	v13 =	vpop (erf);
	v28 =	vmul.f32 v8, v58;
	v30 =	vld [tilespmem:s29+$0x0];
	[tilespmem:s10+$0x10] =	vst v12  }
0xd2: {  	v25 =	vmul.f32 v3, v54;
	v31 =	vld [tilespmem:s29+$0x40];
	[tilespmem:s10+$0x20] =	vst v13;
	v63 =	vmul.f32 v9, v59  }
0xd3: {  	v27 =	vmul.f32 v7, v55;
	[tilespmem:s25+$0xFFFFFF40] =	vst v28;
	v32 =	vld [tilespmem:s29+$0x80];
	v37 =	vmul.f32 v10, v60  }
0xd4: {  	v29 =	vmul.f32 v4, v57;
	v33 =	vld [tilespmem:s29+$0xFFFFFF50];
	[tilespmem:s25+$0xFFFFFF80] =	vst v63;
	v36 =	vmul.f32 v14, v61  }
0xd5: {  	s15 =	simm.s32 $0x10;
	s16 =	simm.s32 $0x44C0;
	s26 =	simm.s32 $0x800;
	v28 =	vmul.f32 v5, v56;
	v34 =	vld [tilespmem:s29+$0xFFFFFF90];
	[tilespmem:s25+$0xFFFFFFC0] =	vst v37;
	v35 =	vmul.f32 v18, v62  }
.LBB2_3:
0xd6: {  	v37 =	vld [tilespmem:s16+$0x30];
	[tilespmem:s25+$0xFFFFFF00] =	vst v36;
	v30 =	vmul.f32 v11, v30;
	s2 =	sadd.s32 $0x80, s2  }
0xd7: {  	s15 =	sadd.s32 $0x8, s15;
	v36 =	vld [tilespmem:s2+$0x30];
	v31 =	vmul.f32 v12, v31;
	[tilespmem:s25+$0xE0] =	vst v35  }
0xd8: {  	p1 =	slt.u32 s15, $0x78;
	[tilespmem:s25+$0x0] =	vst v30;
	v30 =	vmul.f32 v13, v32;
	v32 =	vld [tilespmem:s29+$0xF0]  }
0xd9: {  	v35 =	vld [tilespmem:s2+$0xFFFFFFC0];
	v33 =	vmul.f32 v8, v33;
	[tilespmem:s25+$0x40] =	vst v31  }
0xda: {  	v31 =	vld [tilespmem:s16+$0xFFFFFFD0];
	v34 =	vmul.f32 v9, v34;
	[tilespmem:s25+$0x80] =	vst v30  }
0xdb: {  	v30 =	vld [tilespmem:s2+$0xFFFFFFD0];
	[tilespmem:s25+$0xFFFFFF50] =	vst v33  }
0xdc: {  	v33 =	vld [tilespmem:s16+$0xFFFFFFE0];
	v36 =	vadd.f32 v36, v37;
	[tilespmem:s25+$0xFFFFFF90] =	vst v34  }
0xdd: {  	v34 =	vld [tilespmem:s2+$0xFFFFFFE0];
	v18 =	vmul.f32 v32, v18;
	[tilespmem:s21+$0xFFFFFF20] =	vst v26  }
0xde: {  	v26 =	vld [tilespmem:s16+$0xFFFFFFF0];
	v32 =	vmul.f32 $2.000000030e-01, v36;
	[tilespmem:s21+$0xFFFFFF60] =	vst v24  }
0xdf: {  	vm0 =	vge.f32 v36, $0.0e+00;
	v24 =	vld [tilespmem:s2+$0xFFFFFFF0];
	[tilespmem:s25+$0xF0] =	vst v18  }
0xe0: {  	v18 =	vadd.f32 v30, v31;
	v30 =	vld [tilespmem:s16+$0x0];
	v31 =	vsel vm0, v36, v32;
	[tilespmem:s21+$0xFFFFFFA0] =	vst v23  }
0xe1: {  	v23 =	vld [tilespmem:s2+$0x0];
	v31 =	vsub.f32 v31, v0;
	[tilespmem:s21+$0xFFFFFFE0] =	vst v25  }
0xe2: {  	vm0 =	vge.f32 v18, $0.0e+00;
	v25 =	vmul.f32 $2.000000030e-01, v18;
	v32 =	vadd.f32 v34, v33;
	v33 =	vld [tilespmem:s16+$0x10];
	[tilespmem:s21+$0x20] =	vst v27  }
0xe3: {  	v27 =	vld [tilespmem:s2+$0x10];
	v31 =	vmul.f32 $1.442695020e+00, v31;
	[tilespmem:s21+$0x60] =	vst v28  }
0xe4: {  	vm1 =	vge.f32 v32, $0.0e+00;
	v28 =	vmul.f32 $2.000000030e-01, v32;
	v24 =	vadd.f32 v24, v26;
	v26 =	vld [tilespmem:s16+$0x20];
	[tilespmem:s21+$0xA0] =	vst v29  }
0xe5: {  	v18 =	vsel vm0, v18, v25;
	v25 =	vld [tilespmem:s2+$0x20];
	(erf) = vpow2.f32 v31;
	[tilespmem:s22+$0xFFFFFF30] =	vst v21  }
0xe6: {  	v21 =	vld [tilespmem:s16+$0xFFFFFFC0];
	vm0 =	vge.f32 v24, $0.0e+00;
	v29 =	vmul.f32 $2.000000030e-01, v24;
	v23 =	vadd.f32 v23, v30;
	[tilespmem:s22+$0xFFFFFF70] =	vst v22  }
0xe7: {  	v18 =	vsub.f32 v18, v0;
	v22 =	vsel vm1, v32, v28;
	v28 =	vld [tilespmem:s29+$0xFFFFFF10];
	[tilespmem:s22+$0xFFFFFFB0] =	vst v19  }
0xe8: {  	vm1 =	vge.f32 v23, $0.0e+00;
	v19 =	vmul.f32 $2.000000030e-01, v23;
	v27 =	vadd.f32 v27, v33;
	v30 =	vld [tilespmem:s29+$0xFFFFFFD0];
	[tilespmem:s22+$0xFFFFFFF0] =	vst v20  }
0xe9: {  	v20 =	vmul.f32 $1.442695020e+00, v18;
	v18 =	vsub.f32 v22, v0;
	v22 =	vsel vm0, v24, v29;
	v24 =	vld [tilespmem:s29+$0x10];
	[tilespmem:s22+$0x30] =	vst v17  }
0xea: {  	vm0 =	vge.f32 v27, $0.0e+00;
	v17 =	vmul.f32 $2.000000030e-01, v27;
	v25 =	vadd.f32 v25, v26;
	v26 =	vld [tilespmem:s29+$0x50];
	[tilespmem:s22+$0x70] =	vst v16  }
0xeb: {  	v19 =	vsel vm1, v23, v19;
	v16 =	vadd.f32 v35, v21;
	v21 =	vsub.f32 v22, v0;
	v22 =	vld [tilespmem:s29+$0x90];
	[tilespmem:s22+$0xB0] =	vst v15;
	s22 =	smov.u32 s21;
	s21 =	smov.u32 s25  }
0xec: {  	v15 =	vsel vm0, v27, v17;
	vm0 =	vge.f32 v25, $0.0e+00;
	v17 =	vmul.f32 $2.000000030e-01, v25;
	v23 =	vld [tilespmem:s29+$0xFFFFFF60]  }
0xed: {  	v19 =	vsub.f32 v19, v0;
	vm1 =	vge.f32 v16, $0.0e+00;
	v27 =	vmul.f32 $2.000000030e-01, v16;
	v29 =	vld [tilespmem:s29+$0xFFFFFFA0]  }
0xee: {  	s10 =	sadd.s32 $0x80, s10;
	v31 =	vmul.f32 $1.442695020e+00, v18;
	v15 =	vsub.f32 v15, v0;
	v17 =	vsel vm0, v25, v17;
	v18 =	vpop (erf);
	v25 =	vld [tilespmem:s13+$0xFFFFFF30]  }
0xef: {  	v21 =	vmul.f32 $1.442695020e+00, v21;
	s29 =	sadd.s32 $0x200, s29;
	v16 =	vsel vm1, v16, v27;
	v17 =	vsub.f32 v17, v0;
	[tilespmem:s10+$0x30] =	vst v18;
	v27 =	vld [tilespmem:s13+$0xFFFFFF70]  }
0xf0: {  	v19 =	vmul.f32 $1.442695020e+00, v19;
	v15 =	vmul.f32 $1.442695020e+00, v15;
	v16 =	vsub.f32 v16, v0;
	v32 =	vld [tilespmem:s29+$0xC0]  }
0xf1: {  	v17 =	vmul.f32 $1.442695020e+00, v17;
	(erf) = vpow2.f32 v20;
	v20 =	vld [tilespmem:s13+$0xFFFFFFB0]  }
0xf2: {  	v16 =	vmul.f32 $1.442695020e+00, v16;
	(erf) = vpow2.f32 v31;
	v31 =	vld [tilespmem:s13+$0xFFFFFFF0]  }
0xf3: {  	(erf) = vpow2.f32 v21;
	v21 =	vmul.f32 v14, v28;
	v28 =	vld [tilespmem:s13+$0x30]  }
0xf4: {  	(erf) = vpow2.f32 v16;
	v16 =	vmul.f32 v10, v30;
	v30 =	vld [tilespmem:s13+$0x70]  }
0xf5: {  	v32 =	vmul.f32 v18, v32;
	(erf) = vpow2.f32 v19;
	[tilespmem:s25+$0xFFFFFF10] =	vst v21;
	v33 =	vld [tilespmem:s13+$0xB0];
	s13 =	smov.u32 s26;
	s26 =	smov.u32 s29  }
0xf6: {  	s25 =	sadd.s32 $0x200, s25;
	(erf) = vpow2.f32 v15;
	v15 =	vld [tilespmem:s13+$0xFFFFFF20];
	[tilespmem:s21+$0xFFFFFFD0] =	vst v16;
	v16 =	vmul.f32 v11, v24  }
0xf7: {  	v19 =	vmul.f32 v12, v26;
	[tilespmem:s25+$0xC0] =	vst v32;
	(erf) = vpow2.f32 v17;
	v17 =	vld [tilespmem:s13+$0xFFFFFFE0]  }
0xf8: {  	v24 =	vmul.f32 v8, v23;
	v32 =	vld [tilespmem:s29+$0xD0];
	[tilespmem:s21+$0x10] =	vst v16;
	v16 =	vmul.f32 v13, v22  }
0xf9: {  	v21 =	vmul.f32 v25, v6;
	v6 =	vmov v14;
	v23 =	vmul.f32 v9, v29;
	v29 =	vld [tilespmem:s13+$0x20];
	[tilespmem:s21+$0x50] =	vst v19  }
0xfa: {  	v22 =	vmul.f32 v27, v1;
	v1 =	vmov v8;
	v19 =	vmul.f32 v20, v2;
	v34 =	vld [tilespmem:s13+$0x60];
	[tilespmem:s21+$0x90] =	vst v16;
	v8 =	vpop (erf)  }
0xfb: {  	v20 =	vmul.f32 v31, v3;
	v2 =	vmov v9;
	[tilespmem:s10+$0xFFFFFFD0] =	vst v8;
	v26 =	vmul.f32 v6, v15;
	v35 =	vld [tilespmem:s13+$0xA0];
	v9 =	vpop (erf)  }
0xfc: {  	v3 =	vmov v10;
	v31 =	vld [tilespmem:s29+$0xFFFFFF40];
	[tilespmem:s10+$0xFFFFFFE0] =	vst v9;
	v25 =	vmul.f32 v10, v17;
	v17 =	vmul.f32 v28, v7;
	v10 =	vpop (erf)  }
0xfd: {  	v16 =	vmul.f32 v30, v5;
	v7 =	vmov v11;
	v36 =	vld [tilespmem:s29+$0xFFFFFF80];
	[tilespmem:s10+$0xFFFFFFF0] =	vst v10;
	v28 =	vmul.f32 v18, v32;
	v14 =	vpop (erf)  }
0xfe: {  	v5 =	vmov v12;
	v15 =	vmul.f32 v33, v4;
	[tilespmem:s10+$0xFFFFFFC0] =	vst v14;
	v32 =	vld [tilespmem:s29+$0xFFFFFFC0];
	v11 =	vpop (erf);
	v27 =	vmul.f32 v7, v29  }
0xff: {  	v4 =	vmov v13;
	v33 =	vld [tilespmem:s29+$0xFFFFFF00];
	[tilespmem:s25+$0xD0] =	vst v28;
	v12 =	vpop (erf);
	v28 =	vmul.f32 v5, v34  }
0x100: {  	[tilespmem:s10+$0x0] =	vst v11;
	v37 =	vld [tilespmem:s29+$0xE0];
	v13 =	vpop (erf);
	v29 =	vmul.f32 v4, v35  }
.Ltmp0:
0x101: {  	v34 =	vmul.f32 v8, v31;
	v30 =	vld [tilespmem:s29+$0x0];
	[tilespmem:s10+$0x10] =	vst v12;
	(pc) =	sbr.rel @p1 .LBB2_3-.Ltmp0, $4  }
0x102: {  	v35 =	vmul.f32 v9, v36;
	v31 =	vld [tilespmem:s29+$0x40];
	[tilespmem:s10+$0x20] =	vst v13  }
0x103: {  	[tilespmem:s25+$0xFFFFFF40] =	vst v34;
	v38 =	vmul.f32 v10, v32;
	v32 =	vld [tilespmem:s29+$0x80]  }
0x104: {  	v36 =	vmul.f32 v14, v33;
	v33 =	vld [tilespmem:s29+$0xFFFFFF50];
	[tilespmem:s25+$0xFFFFFF80] =	vst v35  }
0x105: {  	s16 =	sadd.s32 $0x80, s16;
	v34 =	vld [tilespmem:s29+$0xFFFFFF90];
	[tilespmem:s25+$0xFFFFFFC0] =	vst v38;
	v35 =	vmul.f32 v18, v37  }
0x106: {  	[tilespmem:s25+$0xFFFFFF00] =	vst v36  }
0x107: {  	[tilespmem:s21+$0xFFFFFF20] =	vst v26  }
0x108: {  	[tilespmem:s21+$0xFFFFFF60] =	vst v24  }
0x109: {  	[tilespmem:s21+$0xFFFFFFA0] =	vst v23  }
0x10a: {  	[tilespmem:s21+$0xFFFFFFE0] =	vst v25  }
0x10b: {  	[tilespmem:s21+$0x20] =	vst v27  }
0x10c: {  	[tilespmem:s21+$0x60] =	vst v28  }
0x10d: {  	[tilespmem:s21+$0xA0] =	vst v29  }
0x10e: {  	[tilespmem:s25+$0xE0] =	vst v35  }
0x10f: {  	[tilespmem:s22+$0xFFFFFF30] =	vst v21;
	v55 =	vld [tilespmem:s29+$0xF0]  }
0x110: {  	[tilespmem:s22+$0xFFFFFF70] =	vst v22  }
0x111: {  	[tilespmem:s22+$0xFFFFFFB0] =	vst v19  }
0x112: {  	v30 =	vmul.f32 v11, v30;
	[tilespmem:s22+$0xFFFFFFF0] =	vst v20  }
0x113: {  	[tilespmem:s22+$0x30] =	vst v17;
	v31 =	vmul.f32 v12, v31  }
0x114: {  	v21 =	vld [tilespmem:s29+$0xFFFFFFD0];
	[tilespmem:s25+$0x0] =	vst v30;
	v18 =	vmul.f32 v55, v18  }
0x115: {  	[tilespmem:s25+$0x40] =	vst v31;
	v22 =	vld [tilespmem:s29+$0x10]  }
0x116: {  	v30 =	vmul.f32 v13, v32;
	[tilespmem:s25+$0xF0] =	vst v18;
	v18 =	vld [tilespmem:s29+$0xFFFFFF10]  }
0x117: {  	[tilespmem:s22+$0x70] =	vst v16;
	v33 =	vmul.f32 v8, v33;
	v19 =	vld [tilespmem:s29+$0x50]  }
0x118: {  	v31 =	vmul.f32 v9, v34;
	[tilespmem:s25+$0x80] =	vst v30  }
0x119: {  	[tilespmem:s25+$0xFFFFFF50] =	vst v33;
	v20 =	vld [tilespmem:s29+$0x90];
	v17 =	vmul.f32 v10, v21  }
0x11a: {  	[tilespmem:s25+$0xFFFFFF90] =	vst v31;
	v16 =	vld [tilespmem:s29+$0xFFFFFF60];
	v21 =	vmul.f32 v11, v22  }
0x11b: {  	[tilespmem:s25+$0xFFFFFFD0] =	vst v17;
	v22 =	vld [tilespmem:s29+$0xFFFFFFA0];
	v18 =	vmul.f32 v14, v18  }
0x11c: {  	v17 =	vmul.f32 v12, v19;
	v19 =	vld [tilespmem:s26+$0xFFFFFFE0];
	[tilespmem:s25+$0x10] =	vst v21  }
0x11d: {  	v21 =	vld [tilespmem:s26+$0x20];
	[tilespmem:s25+$0xFFFFFF10] =	vst v18  }
0x11e: {  	v20 =	vmul.f32 v13, v20;
	[tilespmem:s25+$0x50] =	vst v17;
	v18 =	vld [tilespmem:s26+$0xFFFFFF20]  }
0x11f: {  	[tilespmem:s22+$0xB0] =	vst v15;
	v15 =	vmul.f32 v8, v16;
	v17 =	vld [tilespmem:s26+$0x60]  }
0x120: {  	[tilespmem:s25+$0x90] =	vst v20;
	v20 =	vld [tilespmem:s13+$0xFFFFFF30];
	v22 =	vmul.f32 v9, v22  }
0x121: {  	[tilespmem:s25+$0xFFFFFF60] =	vst v15;
	v15 =	vld [tilespmem:s13+$0xFFFFFFB0];
	v19 =	vmul.f32 v10, v19  }
0x122: {  	[tilespmem:s25+$0xFFFFFFA0] =	vst v22;
	v22 =	vld [tilespmem:s13+$0xFFFFFFF0];
	v21 =	vmul.f32 v11, v21  }
0x123: {  	v16 =	vld [tilespmem:s26+$0xA0];
	[tilespmem:s25+$0xFFFFFFE0] =	vst v19;
	v18 =	vmul.f32 v14, v18  }
0x124: {  	v17 =	vmul.f32 v12, v17;
	[tilespmem:s25+$0x20] =	vst v21;
	v21 =	vld [tilespmem:s13+$0x70]  }
0x125: {  	v6 =	vmul.f32 v20, v6;
	[tilespmem:s25+$0xFFFFFF20] =	vst v18;
	v18 =	vld [tilespmem:s13+$0xFFFFFF70]  }
0x126: {  	v2 =	vmul.f32 v15, v2;
	[tilespmem:s25+$0x60] =	vst v17;
	v17 =	vld [tilespmem:s13+$0xB0]  }
0x127: {  	v19 =	vld [tilespmem:s13+$0x30];
	[tilespmem:s21+$0xFFFFFF30] =	vst v6;
	v3 =	vmul.f32 v22, v3  }
0x128: {  	v16 =	vmul.f32 v13, v16;
	[tilespmem:s21+$0xFFFFFFB0] =	vst v2;
	v2 =	vld [tilespmem:s26+$0xFFFFFFB0]  }
0x129: {  	[tilespmem:s21+$0xFFFFFFF0] =	vst v3;
	v3 =	vld [tilespmem:s26+$0xFFFFFFF0];
	v5 =	vmul.f32 v21, v5  }
0x12a: {  	[tilespmem:s25+$0xA0] =	vst v16;
	v6 =	vld [tilespmem:s26+$0xFFFFFF30];
	v1 =	vmul.f32 v18, v1  }
0x12b: {  	v4 =	vmul.f32 v17, v4;
	[tilespmem:s21+$0x70] =	vst v5;
	v5 =	vld [tilespmem:s26+$0x70]  }
0x12c: {  	v7 =	vmul.f32 v19, v7;
	[tilespmem:s21+$0xFFFFFF70] =	vst v1;
	v1 =	vld [tilespmem:s26+$0xFFFFFF70]  }
0x12d: {  	v2 =	vmul.f32 v2, v9;
	[tilespmem:s21+$0xB0] =	vst v4;
	v4 =	vld [tilespmem:s26+$0xB0]  }
0x12e: {  	[tilespmem:s21+$0x30] =	vst v7;
	v7 =	vld [tilespmem:s26+$0x30];
	v3 =	vmul.f32 v3, v10  }
0x12f: {  	[tilespmem:s25+$0xFFFFFFB0] =	vst v2;
	v6 =	vmul.f32 v6, v14  }
0x130: {  	[tilespmem:s25+$0xFFFFFFF0] =	vst v3;
	v2 =	vmul.f32 v5, v12  }
0x131: {  	[tilespmem:s25+$0xFFFFFF30] =	vst v6;
	v1 =	vmul.f32 v1, v8  }
0x132: {  	v3 =	vmul.f32 v4, v13;
	[tilespmem:s25+$0x70] =	vst v2  }
0x133: {  	[tilespmem:s25+$0xFFFFFF70] =	vst v1;
	v1 =	vmul.f32 v7, v11  }
0x134: {  	[tilespmem:s25+$0xB0] =	vst v3  }
0x135: {  	s2 =	simm.s32 $0x6300;
	p1 =	seq.s32 s23, $0x13;
	[tilespmem:s25+$0x30] =	vst v1  }
0x136: {  	[spmem:s1] =	stream.indirect.scatter.add.f32 [tilespmem:s2], [sflag:$0x3], $0x40, s31, s28, $0xb8;
	[tilespmem:$0x17890] =	vst v63  }
0x137: {  	s2 =	sadd.s32 @!p1 s20, s19  }
0x138: {  	s29 =	simm.s32 $0xA300;
	s2 =	sshrl.u32 @!p1 s2, $0x3  }
0x139: {  	[spmem:s3] =	stream.indirect.scatter.add.f32 [tilespmem:s29], [sflag:$0x3], $0x10, s31, s28, $0xb8;
	[tilespmem:$0x17890] =	vst v63  }
0x13a: {  	s13 =	simm.s32 @!p1 $0x0;
	s10 =	sadd.s32 @!p1 s8, s2  }
0x13b: {  	[tilespmem:s13], [sflag:$0x5] =	stream.linear.gather @!p1 [hbm4b:s10+s13], $0x80, $0x38;
	[tilespmem:$0x17890] =	vst v63  }
0x13c: {  	s10 =	simm.s32 @!p1 $0x5  }
0x13d: {  	_ =	swait.ge @!p1 [sflag:s10], $0x80  }
0x13e: {  	[sflag:s10] =	ssyncset.done @!p1 $0x0  }
0x13f: {  	s15 =	simm.s32 @!p1 $0x100;
	s2 =	sadd.s32 @!p1 s9, s2;
	[sflag:s10] =	ssyncadd.s32 @!p1 $0xFFFFFF80  }
0x140: {  	[tilespmem:s15], [sflag:$0x5] =	stream.linear.gather @!p1 [hbm4b:s2+s13], $0x80, $0x38;
	[tilespmem:$0x17890] =	vst v63  }
0x141: {  	_ =	swait.ge @!p1 [sflag:s10], $0x80  }
0x142: {  	[sflag:s10] =	ssyncset.done @!p1 $0x0  }
0x143: {  	s2 =	simm.s32 @!p1 $0x80;
	[sflag:s10] =	ssyncadd.s32 @!p1 $0xFFFFFF80;
	s10 =	simm.s32 @!p1 $0x300  }
0x144: {  	[tilespmem:s10], [sflag:$0x1] =	stream.indirect.gather @!p1 [hbm4b:s5+s2], $0x40, s13, s2, $0xb8;
	[tilespmem:$0x17890] =	vst v63  }
0x145: {  	s10 =	simm.s32 @!p1 $0x4300  }
0x146: {  	[tilespmem:s10], [sflag:$0x1] =	stream.indirect.gather @!p1 [hbm4b:s6+s2], $0x10, s13, s2, $0xb8;
	[tilespmem:$0x17890] =	vst v63  }
0x147: {  	s10 =	simm.s32 @!p1 $0x5300  }
0x148: {  	[tilespmem:s10], [sflag:$0x1] =	stream.indirect.gather @!p1 [hbm4b:s7+s2], $0x10, s15, s2, $0xb8;
	[tilespmem:$0x17890] =	vst v63  }
0x149: {  	_ =	swait.ge [sflag:s12], $0x2000  }
0x14a: {  	[sflag:s12] =	ssyncset.done $0x0  }
0x14b: {  	[sflag:s12] =	ssyncadd.s32 $0xFFFFE000  }
0x14c: {  	_ =	swait.ge [sflag:s12], $0x800  }
0x14d: {  	[sflag:s12] =	ssyncset.done $0x0  }
0x14e: {  	[sflag:s12] =	ssyncadd.s32 $0xFFFFF800  }
0x14f: {  	_ =	swait.ge [sflag:s12], $0x800  }
0x150: {  	[sflag:s12] =	ssyncset.done $0x0  }
0x151: {  	s2 =	simm.s32 @!p0 $0x4;
	[sflag:s12] =	ssyncadd.s32 $0xFFFFF800  }
0x152: {  	_ =	swait.ge @!p0 [sflag:s2], $0x2000  }
0x153: {  	[sflag:s2] =	ssyncset.done @!p0 $0x0  }
0x154: {  	[sflag:s2] =	ssyncadd.s32 @!p0 $0xFFFFE000  }
0x155: {  	_ =	swait.ge @!p0 [sflag:s2], $0x800  }
0x156: {  	[sflag:s2] =	ssyncset.done @!p0 $0x0  }
0x157: {  	[sflag:s2] =	ssyncadd.s32 @!p0 $0xFFFFF800  }
0x158: {  	[tilespmem:s14], [sflag:$0x5] =	stream.linear.gather [hbm4b:s17+s4], $0x80, $0x38;
	[tilespmem:$0x17890] =	vst v63  }
0x159: {  	_ =	swait.ge [sflag:s24], $0x80  }
0x15a: {  	[sflag:s24] =	ssyncset.done $0x0  }
0x15b: {  	s10 =	simm.s32 $0x4B70;
	[sflag:s24] =	ssyncadd.s32 $0xFFFFFF80  }
0x15c: {  	s13 =	simm.s32 $0x5B70;
	v1 =	vld [tilespmem:s10+$0x0]  }
0x15d: {  	v2 =	vld [tilespmem:s13+$0x0];
	_ =	sdelay $0x4  }
0x15e: {  	v4 =	vld [tilespmem:s10+$0xFFFFFFA0];
	v1 =	vadd.f32 v2, v1  }
0x15f: {  	v5 =	vld [tilespmem:s10+$0xFFFFFFB0]  }
0x160: {  	v7 =	vld [tilespmem:s13+$0xFFFFFFB0];
	v6 =	vmul.f32 $2.000000030e-01, v1  }
0x161: {  	v8 =	vld [tilespmem:s10+$0xFFFFFFC0];
	vm0 =	vge.f32 v1, $0.0e+00  }
0x162: {  	v2 =	vld [tilespmem:s13+$0xFFFFFFA0];
	v1 =	vsel vm0, v1, v6  }
0x163: {  	v9 =	vld [tilespmem:s10+$0xFFFFFFD0];
	v1 =	vsub.f32 v1, v0  }
0x164: {  	v10 =	vld [tilespmem:s13+$0xFFFFFFD0]  }
0x165: {  	v6 =	vld [tilespmem:s13+$0xFFFFFFC0];
	v1 =	vmul.f32 $1.442695020e+00, v1;
	_ =	sdelay $0x1  }
0x166: {  	v11 =	vld [tilespmem:s10+$0xFFFFFFE0];
	v2 =	vadd.f32 v2, v4;
	(erf) = vpow2.f32 v1  }
0x167: {  	v4 =	vld [tilespmem:s13+$0xFFFFFFE0];
	v1 =	vadd.f32 v7, v5  }
0x168: {  	v3 =	vld [tilespmem:s13+$0xFFFFFF90];
	v9 =	vadd.f32 v10, v9;
	v7 =	vmul.f32 $2.000000030e-01, v2  }
0x169: {  	vm6 =	vge.f32 v2, $0.0e+00;
	v5 =	vld [tilespmem:s10+$0xFFFFFF90];
	v6 =	vadd.f32 v6, v8;
	v8 =	vmul.f32 $2.000000030e-01, v1  }
0x16a: {  	vm1 =	vge.f32 v1, $0.0e+00;
	v2 =	vsel vm6, v2, v7  }
0x16b: {  	v12 =	vld [tilespmem:s10+$0xFFFFFFF0];
	v2 =	vsub.f32 v2, v0;
	v1 =	vsel vm1, v1, v8;
	v8 =	vmul.f32 $2.000000030e-01, v9  }
0x16c: {  	v4 =	vadd.f32 v4, v11;
	v7 =	vld [tilespmem:s13+$0xFFFFFFF0]  }
0x16d: {  	vm8 =	vge.f32 v9, $0.0e+00;
	vm7 =	vge.f32 v6, $0.0e+00;
	v2 =	vmul.f32 $1.442695020e+00, v2  }
0x16e: {  	s25 =	simm.s32 $0x5BF0;
	v10 =	vmul.f32 $2.000000030e-01, v6;
	vm9 =	vge.f32 v4, $0.0e+00;
	v3 =	vadd.f32 v3, v5  }
0x16f: {  	s22 =	simm.s32 $0x4BF0;
	v19 =	vld [tilespmem:s25+$0xFFFFFF90];
	v1 =	vsub.f32 v1, v0;
	v9 =	vsel vm8, v9, v8;
	v8 =	vpop (erf);
	(erf) = vpow2.f32 v2  }
0x170: {  	v20 =	vld [tilespmem:s22+$0xFFFFFFA0];
	v5 =	vsel vm7, v6, v10;
	v6 =	vmul.f32 $2.000000030e-01, v4;
	v10 =	vmul.f32 $2.000000030e-01, v3  }
0x171: {  	v21 =	vld [tilespmem:s25+$0xFFFFFFA0];
	v5 =	vsub.f32 v5, v0;
	v7 =	vadd.f32 v7, v12;
	vm10 =	vge.f32 v3, $0.0e+00  }
0x172: {  	v22 =	vld [tilespmem:s25+$0xFFFFFFB0];
	v4 =	vsel vm9, v4, v6;
	v1 =	vmul.f32 $1.442695020e+00, v1;
	v3 =	vsel vm10, v3, v10  }
0x173: {  	v24 =	vld [tilespmem:s22+$0xFFFFFFC0];
	v5 =	vmul.f32 $1.442695020e+00, v5;
	v6 =	vmul.f32 $2.000000030e-01, v7;
	v3 =	vsub.f32 v3, v0  }
0x174: {  	v25 =	vld [tilespmem:s25+$0xFFFFFFC0];
	vm11 =	vge.f32 v7, $0.0e+00;
	v2 =	vsub.f32 v9, v0;
	(erf) = vpow2.f32 v1  }
0x175: {  	s15 =	simm.s32 $0xAB70;
	v26 =	vld [tilespmem:s25+$0xFFFFFFD0];
	v1 =	vsub.f32 v4, v0;
	v4 =	vsel vm11, v7, v6;
	v3 =	vmul.f32 $1.442695020e+00, v3  }
0x176: {  	s16 =	simm.s32 $0x24F0;
	v28 =	vld [tilespmem:s22+$0xFFFFFFF0];
	[tilespmem:s15+$0x0] =	vst v8;
	(erf) = vpow2.f32 v5;
	v2 =	vmul.f32 $1.442695020e+00, v2;
	v4 =	vsub.f32 v4, v0  }
0x177: {  	s29 =	simm.s32 $0x4C70;
	v10 =	vld [tilespmem:s16+$0xFFFFFFD0];
	v1 =	vmul.f32 $1.442695020e+00, v1;
	(erf) = vpow2.f32 v3  }
0x178: {  	s2 =	simm.s32 $0x5C70;
	v57 =	vld [tilespmem:s29+$0x0];
	v4 =	vmul.f32 $1.442695020e+00, v4;
	(erf) = vpow2.f32 v2;
	v11 =	vpop (erf)  }
0x179: {  	v58 =	vld [tilespmem:s2+$0x0];
	(erf) = vpow2.f32 v1;
	[tilespmem:s15+$0xFFFFFFA0] =	vst v11  }
0x17a: {  	(erf) = vpow2.f32 v4;
	v2 =	vld [tilespmem:s16+$0xFFFFFE50]  }
0x17b: {  	v59 =	vld [tilespmem:s29+$0xFFFFFFA0]  }
0x17c: {  	v60 =	vld [tilespmem:s2+$0xFFFFFFA0];
	v3 =	vmul.f32 v8, v10  }
0x17d: {  	s17 =	simm.s32 $0x84F0;
	v37 =	vld [tilespmem:s2+$0xFFFFFF90]  }
0x17e: {  	v10 =	vld [tilespmem:s22+$0x0];
	[tilespmem:s17+$0xFFFFFFD0] =	vst v3;
	v13 =	vpop (erf)  }
0x17f: {  	v1 =	vld [tilespmem:s16+$0xFFFFFFE0];
	[tilespmem:s15+$0xFFFFFFB0] =	vst v13;
	v12 =	vpop (erf);
	v2 =	vmul.f32 v11, v2  }
0x180: {  	v3 =	vld [tilespmem:s16+$0xFFFFFE90];
	[tilespmem:s15+$0xFFFFFFC0] =	vst v12;
	v14 =	vpop (erf)  }
0x181: {  	v17 =	vpop (erf);
	[tilespmem:s17+$0xFFFFFE50] =	vst v2;
	v2 =	vld [tilespmem:s25+$0x0]  }
0x182: {  	v4 =	vld [tilespmem:s16+$0xFFFFFED0];
	[tilespmem:s15+$0xFFFFFF90] =	vst v14;
	v16 =	vpop (erf)  }
0x183: {  	v5 =	vld [tilespmem:s16+$0xFFFFFE10];
	[tilespmem:s15+$0xFFFFFFD0] =	vst v17;
	v15 =	vpop (erf)  }
0x184: {  	v1 =	vmul.f32 v8, v1;
	v6 =	vld [tilespmem:s16+$0xFFFFFF10];
	[tilespmem:s15+$0xFFFFFFF0] =	vst v15  }
0x185: {  	v9 =	vld [tilespmem:s16+$0xFFFFFF90]  }
0x186: {  	[tilespmem:s17+$0xFFFFFFE0] =	vst v1;
	v18 =	vld [tilespmem:s16+$0xFFFFFE60];
	v2 =	vadd.f32 v2, v10  }
0x187: {  	[tilespmem:s15+$0xFFFFFFE0] =	vst v16;
	v1 =	vld [tilespmem:s16+$0xFFFFFFF0]  }
0x188: {  	v7 =	vld [tilespmem:s16+$0xFFFFFF50];
	v23 =	vmul.f32 $2.000000030e-01, v2  }
0x189: {  	v3 =	vmul.f32 v13, v3;
	v10 =	vld [tilespmem:s22+$0xFFFFFFB0];
	vm12 =	vge.f32 v2, $0.0e+00  }
0x18a: {  	v27 =	vmul.f32 v15, v9;
	v9 =	vadd.f32 v21, v20;
	v20 =	vld [tilespmem:s22+$0xFFFFFFE0];
	v2 =	vsel vm12, v2, v23  }
0x18b: {  	[tilespmem:s17+$0xFFFFFE90] =	vst v3;
	v18 =	vmul.f32 v11, v18;
	v21 =	vld [tilespmem:s25+$0xFFFFFFE0];
	v2 =	vsub.f32 v2, v0  }
0x18c: {  	v4 =	vmul.f32 v12, v4;
	v3 =	vld [tilespmem:s16+$0xFFFFFEA0];
	v5 =	vmul.f32 v14, v5  }
0x18d: {  	v6 =	vmul.f32 v17, v6;
	[tilespmem:s17+$0xFFFFFE60] =	vst v18;
	v23 =	vld [tilespmem:s22+$0xFFFFFFD0];
	v2 =	vmul.f32 $1.442695020e+00, v2  }
0x18e: {  	v1 =	vmul.f32 v8, v1;
	v7 =	vmul.f32 v16, v7;
	v18 =	vld [tilespmem:s16+$0xFFFFFE70]  }
0x18f: {  	v38 =	vld [tilespmem:s29+$0xFFFFFFB0];
	v10 =	vadd.f32 v22, v10;
	v22 =	vmul.f32 $2.000000030e-01, v9;
	(erf) = vpow2.f32 v2  }
0x190: {  	vm13 =	vge.f32 v9, $0.0e+00;
	v20 =	vadd.f32 v21, v20;
	v2 =	vadd.f32 v25, v24;
	v24 =	vld [tilespmem:s22+$0xFFFFFF90]  }
0x191: {  	v3 =	vmul.f32 v13, v3;
	vm14 =	vge.f32 v10, $0.0e+00;
	v9 =	vsel vm13, v9, v22;
	v22 =	vld [tilespmem:s25+$0xFFFFFFF0]  }
0x192: {  	v61 =	vld [tilespmem:s29+$0xFFFFFFC0];
	v9 =	vsub.f32 v9, v0;
	vm5 =	vge.f32 v20, $0.0e+00;
	v25 =	vmul.f32 $2.000000030e-01, v10  }
0x193: {  	v40 =	vld [tilespmem:s2+$0xFFFFFFC0];
	v23 =	vadd.f32 v26, v23;
	v18 =	vmul.f32 v11, v18;
	vm15 =	vge.f32 v2, $0.0e+00  }
0x194: {  	v62 =	vld [tilespmem:s29+$0xFFFFFFD0];
	[tilespmem:s17+$0xFFFFFED0] =	vst v4;
	v10 =	vsel vm14, v10, v25;
	v25 =	vmul.f32 $1.442695020e+00, v9;
	v9 =	vmul.f32 $2.000000030e-01, v20  }
0x195: {  	v63 =	vld [tilespmem:s2+$0xFFFFFFD0];
	[tilespmem:s17+$0xFFFFFE10] =	vst v5;
	v26 =	vmul.f32 $2.000000030e-01, v2;
	v21 =	vmul.f32 $2.000000030e-01, v23;
	v19 =	vadd.f32 v19, v24  }
0x196: {  	v44 =	vld [tilespmem:s29+$0xFFFFFFE0];
	[tilespmem:s17+$0xFFFFFFF0] =	vst v1;
	vm4 =	vge.f32 v23, $0.0e+00;
	v10 =	vsub.f32 v10, v0;
	v1 =	vadd.f32 v22, v28  }
0x197: {  	v4 =	vld [tilespmem:s16+$0xFFFFFE20];
	[tilespmem:s17+$0xFFFFFF10] =	vst v6;
	v2 =	vsel vm15, v2, v26;
	v5 =	vsel vm4, v23, v21;
	v21 =	vmul.f32 $2.000000030e-01, v19  }
0x198: {  	s26 =	simm.s32 $0xABF0;
	[tilespmem:s17+$0xFFFFFF50] =	vst v7;
	v22 =	vld [tilespmem:s16+$0x0];
	v20 =	vsel vm5, v20, v9;
	(erf) = vpow2.f32 v25;
	vm6 =	vge.f32 v19, $0.0e+00;
	v9 =	vpop (erf)  }
0x199: {  	s13 =	simm.s32 $0x26F0;
	v7 =	vld [tilespmem:s16+$0xFFFFFF20];
	v2 =	vsub.f32 v2, v0;
	v5 =	vsub.f32 v5, v0;
	v19 =	vsel vm6, v19, v21;
	[tilespmem:s26+$0x0] =	vst v9  }
0x19a: {  	v23 =	vmul.f32 $2.000000030e-01, v1;
	v20 =	vsub.f32 v20, v0;
	v6 =	vsub.f32 v19, v0;
	v19 =	vld [tilespmem:s13+$0xFFFFFFD0]  }
0x19b: {  	v24 =	vld [tilespmem:s16+$0xFFFFFEE0];
	v10 =	vmul.f32 $1.442695020e+00, v10;
	v2 =	vmul.f32 $1.442695020e+00, v2  }
0x19c: {  	v45 =	vld [tilespmem:s2+$0xFFFFFFE0];
	[tilespmem:s17+$0xFFFFFF90] =	vst v27;
	v5 =	vmul.f32 $1.442695020e+00, v5;
	v20 =	vmul.f32 $1.442695020e+00, v20  }
0x19d: {  	vm7 =	vge.f32 v1, $0.0e+00;
	(erf) = vpow2.f32 v10;
	v10 =	vld [tilespmem:s16+$0xFFFFFFA0];
	v8 =	vmul.f32 v22, v8  }
0x19e: {  	v46 =	vld [tilespmem:s29+$0xFFFFFFF0];
	[tilespmem:s17+$0xFFFFFEA0] =	vst v3;
	v1 =	vsel vm7, v1, v23;
	(erf) = vpow2.f32 v2;
	v2 =	vmul.f32 v14, v4  }
0x19f: {  	[tilespmem:s17+$0xFFFFFE70] =	vst v18;
	v23 =	vld [tilespmem:s16+$0xFFFFFEB0];
	v1 =	vsub.f32 v1, v0;
	v6 =	vmul.f32 $1.442695020e+00, v6;
	v4 =	vmul.f32 v9, v19  }
0x1a0: {  	s20 =	simm.s32 $0x86F0;
	v21 =	vld [tilespmem:s16+$0xFFFFFF60];
	v3 =	vmul.f32 v12, v24;
	[tilespmem:s17+$0xFFFFFE20] =	vst v2;
	v2 =	vmul.f32 v17, v7  }
0x1a1: {  	v22 =	vld [tilespmem:s2+$0xFFFFFFB0];
	v1 =	vmul.f32 $1.442695020e+00, v1;
	(erf) = vpow2.f32 v6;
	[tilespmem:s20+$0xFFFFFFD0] =	vst v4  }
0x1a2: {  	[tilespmem:s17+$0xFFFFFF20] =	vst v2;
	v2 =	vmul.f32 v15, v10;
	(erf) = vpow2.f32 v5;
	v4 =	vld [tilespmem:s13+$0xFFFFFFE0]  }
0x1a3: {  	[tilespmem:s17+$0x0] =	vst v8;
	v10 =	vld [tilespmem:s16+$0xFFFFFF30];
	(erf) = vpow2.f32 v20  }
0x1a4: {  	[tilespmem:s17+$0xFFFFFEE0] =	vst v3;
	v19 =	vld [tilespmem:s16+$0xFFFFFE30]  }
0x1a5: {  	v3 =	vmul.f32 v16, v21;
	[tilespmem:s17+$0xFFFFFFA0] =	vst v2;
	v20 =	vld [tilespmem:s16+$0xFFFFFEF0];
	(erf) = vpow2.f32 v1;
	v1 =	vpop (erf)  }
0x1a6: {  	v24 =	vld [tilespmem:s16+$0xFFFFFFB0];
	[tilespmem:s26+$0xFFFFFFA0] =	vst v1;
	v2 =	vpop (erf)  }
0x1a7: {  	v33 =	vadd.f32 v58, v57;
	v25 =	vld [tilespmem:s13+$0xFFFFFE50];
	[tilespmem:s26+$0xFFFFFFB0] =	vst v2;
	v4 =	vmul.f32 v9, v4  }
0x1a8: {  	[tilespmem:s17+$0xFFFFFF60] =	vst v3;
	v26 =	vld [tilespmem:s13+$0xFFFFFE90]  }
0x1a9: {  	v39 =	vmul.f32 $2.000000030e-01, v33;
	v21 =	vld [tilespmem:s16+$0xFFFFFF70];
	v3 =	vpop (erf);
	[tilespmem:s20+$0xFFFFFFE0] =	vst v4  }
0x1aa: {  	vm8 =	vge.f32 v33, $0.0e+00;
	[tilespmem:s26+$0xFFFFFFC0] =	vst v3;
	v6 =	vpop (erf);
	v29 =	vld [tilespmem:s13+$0xFFFFFFF0]  }
0x1ab: {  	v35 =	vadd.f32 v60, v59;
	v33 =	vsel vm8, v33, v39;
	v27 =	vld [tilespmem:s13+$0xFFFFFED0];
	[tilespmem:s26+$0xFFFFFF90] =	vst v6;
	v7 =	vpop (erf)  }
0x1ac: {  	v33 =	vsub.f32 v33, v0;
	v25 =	vmul.f32 v1, v25;
	v28 =	vld [tilespmem:s13+$0xFFFFFE10];
	v5 =	vpop (erf);
	[tilespmem:s26+$0xFFFFFFD0] =	vst v7  }
0x1ad: {  	v34 =	vadd.f32 v40, v61;
	v41 =	vmul.f32 $2.000000030e-01, v35;
	v26 =	vmul.f32 v2, v26;
	v30 =	vld [tilespmem:s13+$0xFFFFFF10];
	[tilespmem:s26+$0xFFFFFFE0] =	vst v5  }
0x1ae: {  	v47 =	vadd.f32 v45, v44;
	vm9 =	vge.f32 v35, $0.0e+00;
	v33 =	vmul.f32 $1.442695020e+00, v33;
	[tilespmem:s20+$0xFFFFFE50] =	vst v25;
	v31 =	vld [tilespmem:s13+$0xFFFFFF50]  }
0x1af: {  	v35 =	vsel vm9, v35, v41;
	v23 =	vmul.f32 v13, v23;
	v56 =	vld [tilespmem:s13+$0xFFFFFE60];
	[tilespmem:s20+$0xFFFFFE90] =	vst v26;
	v4 =	vpop (erf);
	v29 =	vmul.f32 v9, v29  }
0x1b0: {  	v22 =	vadd.f32 v22, v38;
	v10 =	vmul.f32 v17, v10;
	v27 =	vmul.f32 v3, v27;
	v26 =	vld [tilespmem:s13+$0xFFFFFEA0];
	[tilespmem:s26+$0xFFFFFFF0] =	vst v4  }
0x1b1: {  	vm11 =	vge.f32 v34, $0.0e+00;
	(erf) = vpow2.f32 v33;
	v25 =	vld [tilespmem:s13+$0xFFFFFF90];
	v8 =	vmul.f32 v6, v28;
	[tilespmem:s20+$0xFFFFFFF0] =	vst v29  }
0x1b2: {  	vm13 =	vge.f32 v47, $0.0e+00;
	[tilespmem:s20+$0xFFFFFED0] =	vst v27;
	v28 =	vmul.f32 $2.000000030e-01, v22;
	v27 =	vmul.f32 v7, v30;
	v29 =	vld [tilespmem:s13+$0x0]  }
0x1b3: {  	vm10 =	vge.f32 v22, $0.0e+00;
	v19 =	vmul.f32 v14, v19;
	v20 =	vmul.f32 v12, v20;
	v30 =	vld [tilespmem:s29+$0xFFFFFF90];
	[tilespmem:s20+$0xFFFFFE10] =	vst v8  }
0x1b4: {  	v22 =	vsel vm10, v22, v28;
	v8 =	vmul.f32 v5, v31;
	v28 =	vld [tilespmem:s2+$0xFFFFFFF0];
	[tilespmem:s20+$0xFFFFFF10] =	vst v27;
	v27 =	vmul.f32 $2.000000030e-01, v34  }
0x1b5: {  	[tilespmem:s17+$0xFFFFFEB0] =	vst v23;
	v24 =	vmul.f32 v15, v24;
	v21 =	vmul.f32 v16, v21;
	v22 =	vsub.f32 v22, v0  }
0x1b6: {  	v53 =	vld [tilespmem:s16+$0xFFFFFE80];
	[tilespmem:s20+$0xFFFFFF50] =	vst v8;
	v8 =	vmul.f32 v1, v56;
	v25 =	vmul.f32 v4, v25;
	v27 =	vsel vm11, v34, v27  }
0x1b7: {  	[tilespmem:s17+$0xFFFFFE30] =	vst v19;
	v31 =	vld [tilespmem:s13+$0xFFFFFE20];
	v22 =	vmul.f32 $1.442695020e+00, v22;
	v9 =	vmul.f32 v29, v9;
	v29 =	vadd.f32 v63, v62  }
0x1b8: {  	v48 =	vld [tilespmem:s13+$0xFFFFFEE0];
	v30 =	vadd.f32 v37, v30;
	v27 =	vsub.f32 v27, v0;
	[tilespmem:s20+$0xFFFFFF90] =	vst v25;
	v25 =	vmul.f32 v2, v26  }
0x1b9: {  	v49 =	vld [tilespmem:s13+$0xFFFFFF20];
	[tilespmem:s20+$0xFFFFFE60] =	vst v8;
	v26 =	vsub.f32 v35, v0;
	v28 =	vadd.f32 v28, v46;
	v8 =	vmul.f32 $2.000000030e-01, v29  }
0x1ba: {  	[tilespmem:s17+$0xFFFFFF70] =	vst v21;
	v50 =	vld [tilespmem:s13+$0xFFFFFF60];
	vm14 =	vge.f32 v30, $0.0e+00;
	v23 =	vmul.f32 $1.442695020e+00, v27;
	vm12 =	vge.f32 v29, $0.0e+00  }
0x1bb: {  	s10 =	simm.s32 $0xAC70;
	v19 =	vld [tilespmem:s13+$0xFFFFFE70];
	v18 =	vpop (erf);
	[tilespmem:s20+$0xFFFFFEA0] =	vst v25;
	v25 =	vmul.f32 $2.000000030e-01, v47;
	v8 =	vsel vm12, v29, v8;
	v29 =	vmul.f32 $2.000000030e-01, v30  }
0x1bc: {  	v51 =	vld [tilespmem:s13+$0xFFFFFFA0];
	[tilespmem:s10+$0x0] =	vst v18;
	v21 =	vmul.f32 v6, v31;
	v26 =	vmul.f32 $1.442695020e+00, v26;
	vm15 =	vge.f32 v28, $0.0e+00  }
0x1bd: {  	s22 =	simm.s32 $0x28F0;
	v31 =	vld [tilespmem:s16+$0xFFFFFF80];
	v25 =	vsel vm13, v47, v25;
	[tilespmem:s20+$0x0] =	vst v9;
	v9 =	vmul.f32 $2.000000030e-01, v28;
	v29 =	vsel vm14, v30, v29  }
0x1be: {  	(erf) = vpow2.f32 v26;
	v25 =	vsub.f32 v25, v0;
	v27 =	vsub.f32 v29, v0;
	v29 =	vld [tilespmem:s22+$0xFFFFFFD0]  }
0x1bf: {  	v52 =	vld [tilespmem:s13+$0xFFFFFEB0];
	[tilespmem:s20+$0xFFFFFE20] =	vst v21;
	(erf) = vpow2.f32 v22;
	v9 =	vsel vm15, v28, v9;
	v8 =	vsub.f32 v8, v0  }
0x1c0: {  	[tilespmem:s17+$0xFFFFFF30] =	vst v10;
	v26 =	vld [tilespmem:s13+$0xFFFFFE30];
	(erf) = vpow2.f32 v23;
	v9 =	vsub.f32 v9, v0;
	v10 =	vmul.f32 $1.442695020e+00, v27  }
0x1c1: {  	[tilespmem:s17+$0xFFFFFEF0] =	vst v20;
	v20 =	vmul.f32 $1.442695020e+00, v25;
	v25 =	vld [tilespmem:s16+$0xFFFFFEC0];
	v8 =	vmul.f32 $1.442695020e+00, v8  }
0x1c2: {  	v28 =	vld [tilespmem:s16+$0xFFFFFF40];
	v9 =	vmul.f32 $1.442695020e+00, v9;
	(erf) = vpow2.f32 v10  }
0x1c3: {  	v30 =	vld [tilespmem:s16+$0xFFFFFE40];
	v10 =	vmul.f32 v3, v48;
	v22 =	vmul.f32 v18, v29  }
0x1c4: {  	[tilespmem:s17+$0xFFFFFFB0] =	vst v24;
	v27 =	vld [tilespmem:s16+$0xFFFFFF00];
	(erf) = vpow2.f32 v8;
	v8 =	vmul.f32 v7, v49  }
0x1c5: {  	s21 =	simm.s32 $0x88F0;
	v29 =	vld [tilespmem:s16+$0xFFFFFFC0];
	[tilespmem:s20+$0xFFFFFEE0] =	vst v10;
	(erf) = vpow2.f32 v20;
	v10 =	vmul.f32 v5, v50  }
0x1c6: {  	[tilespmem:s21+$0xFFFFFFD0] =	vst v22;
	v54 =	vld [tilespmem:s13+$0xFFFFFEF0];
	(erf) = vpow2.f32 v9;
	v9 =	vmul.f32 v4, v51  }
0x1c7: {  	[tilespmem:s20+$0xFFFFFF20] =	vst v8;
	v20 =	vld [tilespmem:s22+$0xFFFFFFE0]  }
0x1c8: {  	v55 =	vld [tilespmem:s13+$0xFFFFFF30];
	[tilespmem:s20+$0xFFFFFF60] =	vst v10  }
0x1c9: {  	v8 =	vpop (erf);
	v56 =	vld [tilespmem:s13+$0xFFFFFF70];
	[tilespmem:s20+$0xFFFFFFA0] =	vst v9  }
0x1ca: {  	[tilespmem:s10+$0xFFFFFFA0] =	vst v8;
	v57 =	vld [tilespmem:s13+$0xFFFFFFB0];
	v9 =	vpop (erf)  }
0x1cb: {  	v24 =	vmul.f32 v1, v19;
	v16 =	vmul.f32 v31, v16;
	v58 =	vld [tilespmem:s22+$0xFFFFFE50];
	[tilespmem:s10+$0xFFFFFFB0] =	vst v9;
	v10 =	vpop (erf)  }
0x1cc: {  	v21 =	vmul.f32 v30, v14;
	v59 =	vld [tilespmem:s22+$0xFFFFFE90];
	[tilespmem:s10+$0xFFFFFFC0] =	vst v10;
	v30 =	vmul.f32 v18, v20;
	v14 =	vpop (erf)  }
0x1cd: {  	v23 =	vmul.f32 v2, v52;
	v26 =	vmul.f32 v6, v26;
	[tilespmem:s10+$0xFFFFFF90] =	vst v14;
	v60 =	vld [tilespmem:s22+$0xFFFFFED0]  }
0x1ce: {  	v19 =	vmul.f32 v25, v13;
	v22 =	vmul.f32 v53, v11;
	v11 =	vpop (erf);
	v61 =	vld [tilespmem:s22+$0xFFFFFE10];
	[tilespmem:s21+$0xFFFFFFE0] =	vst v30  }
0x1cf: {  	v17 =	vmul.f32 v28, v17;
	v20 =	vmul.f32 v27, v12;
	v12 =	vpop (erf);
	[tilespmem:s10+$0xFFFFFFD0] =	vst v11;
	v62 =	vld [tilespmem:s22+$0xFFFFFFF0]  }
0x1d0: {  	v15 =	vmul.f32 v29, v15;
	v13 =	vpop (erf);
	v28 =	vmul.f32 v8, v58;
	v30 =	vld [tilespmem:s22+$0xFFFFFF10];
	[tilespmem:s10+$0xFFFFFFE0] =	vst v12  }
0x1d1: {  	v25 =	vmul.f32 v3, v54;
	v31 =	vld [tilespmem:s22+$0xFFFFFF50];
	[tilespmem:s10+$0xFFFFFFF0] =	vst v13;
	v63 =	vmul.f32 v9, v59  }
0x1d2: {  	v27 =	vmul.f32 v7, v55;
	[tilespmem:s21+$0xFFFFFE50] =	vst v28;
	v32 =	vld [tilespmem:s22+$0xFFFFFF90];
	v37 =	vmul.f32 v10, v60  }
0x1d3: {  	v29 =	vmul.f32 v4, v57;
	v33 =	vld [tilespmem:s22+$0xFFFFFE60];
	[tilespmem:s21+$0xFFFFFE90] =	vst v63;
	v36 =	vmul.f32 v14, v61  }
0x1d4: {  	s15 =	simm.s32 $0x10;
	s25 =	simm.s32 $0x28F0;
	s16 =	simm.s32 $0x4CF0;
	v28 =	vmul.f32 v5, v56;
	v34 =	vld [tilespmem:s22+$0xFFFFFEA0];
	[tilespmem:s21+$0xFFFFFED0] =	vst v37;
	v35 =	vmul.f32 v18, v62  }
.LBB2_5:
0x1d5: {  	v37 =	vld [tilespmem:s16+$0x0];
	[tilespmem:s21+$0xFFFFFE10] =	vst v36;
	v30 =	vmul.f32 v11, v30;
	s2 =	sadd.s32 $0x80, s2  }
0x1d6: {  	s15 =	sadd.s32 $0x8, s15;
	v36 =	vld [tilespmem:s2+$0x0];
	v31 =	vmul.f32 v12, v31;
	[tilespmem:s21+$0xFFFFFFF0] =	vst v35  }
0x1d7: {  	p0 =	slt.u32 s15, $0x78;
	[tilespmem:s21+$0xFFFFFF10] =	vst v30;
	v30 =	vmul.f32 v13, v32;
	v32 =	vld [tilespmem:s22+$0x0]  }
0x1d8: {  	v35 =	vld [tilespmem:s2+$0xFFFFFF90];
	v33 =	vmul.f32 v8, v33;
	[tilespmem:s21+$0xFFFFFF50] =	vst v31  }
0x1d9: {  	v31 =	vld [tilespmem:s16+$0xFFFFFFA0];
	v34 =	vmul.f32 v9, v34;
	[tilespmem:s21+$0xFFFFFF90] =	vst v30  }
0x1da: {  	v30 =	vld [tilespmem:s2+$0xFFFFFFA0];
	[tilespmem:s21+$0xFFFFFE60] =	vst v33  }
0x1db: {  	v33 =	vld [tilespmem:s16+$0xFFFFFFB0];
	v36 =	vadd.f32 v36, v37;
	[tilespmem:s21+$0xFFFFFEA0] =	vst v34  }
0x1dc: {  	v34 =	vld [tilespmem:s2+$0xFFFFFFB0];
	v18 =	vmul.f32 v32, v18;
	[tilespmem:s20+$0xFFFFFE30] =	vst v26  }
0x1dd: {  	v26 =	vld [tilespmem:s16+$0xFFFFFFC0];
	v32 =	vmul.f32 $2.000000030e-01, v36;
	[tilespmem:s20+$0xFFFFFE70] =	vst v24  }
0x1de: {  	vm0 =	vge.f32 v36, $0.0e+00;
	v24 =	vld [tilespmem:s2+$0xFFFFFFC0];
	[tilespmem:s21+$0x0] =	vst v18  }
0x1df: {  	v18 =	vadd.f32 v30, v31;
	v30 =	vld [tilespmem:s16+$0xFFFFFFD0];
	v31 =	vsel vm0, v36, v32;
	[tilespmem:s20+$0xFFFFFEB0] =	vst v23  }
0x1e0: {  	v23 =	vld [tilespmem:s2+$0xFFFFFFD0];
	v31 =	vsub.f32 v31, v0;
	[tilespmem:s20+$0xFFFFFEF0] =	vst v25  }
0x1e1: {  	vm0 =	vge.f32 v18, $0.0e+00;
	v25 =	vmul.f32 $2.000000030e-01, v18;
	v32 =	vadd.f32 v34, v33;
	v33 =	vld [tilespmem:s16+$0xFFFFFFE0];
	[tilespmem:s20+$0xFFFFFF30] =	vst v27  }
0x1e2: {  	v27 =	vld [tilespmem:s2+$0xFFFFFFE0];
	v31 =	vmul.f32 $1.442695020e+00, v31;
	[tilespmem:s20+$0xFFFFFF70] =	vst v28  }
0x1e3: {  	vm1 =	vge.f32 v32, $0.0e+00;
	v28 =	vmul.f32 $2.000000030e-01, v32;
	v24 =	vadd.f32 v24, v26;
	v26 =	vld [tilespmem:s16+$0xFFFFFFF0];
	[tilespmem:s20+$0xFFFFFFB0] =	vst v29  }
0x1e4: {  	v18 =	vsel vm0, v18, v25;
	v25 =	vld [tilespmem:s2+$0xFFFFFFF0];
	(erf) = vpow2.f32 v31;
	[tilespmem:s17+$0xFFFFFE40] =	vst v21  }
0x1e5: {  	v21 =	vld [tilespmem:s16+$0xFFFFFF90];
	vm0 =	vge.f32 v24, $0.0e+00;
	v29 =	vmul.f32 $2.000000030e-01, v24;
	v23 =	vadd.f32 v23, v30;
	[tilespmem:s17+$0xFFFFFE80] =	vst v22  }
0x1e6: {  	v18 =	vsub.f32 v18, v0;
	v22 =	vsel vm1, v32, v28;
	v28 =	vld [tilespmem:s22+$0xFFFFFE20];
	[tilespmem:s17+$0xFFFFFEC0] =	vst v19  }
0x1e7: {  	vm1 =	vge.f32 v23, $0.0e+00;
	v19 =	vmul.f32 $2.000000030e-01, v23;
	v27 =	vadd.f32 v27, v33;
	v30 =	vld [tilespmem:s22+$0xFFFFFEE0];
	[tilespmem:s17+$0xFFFFFF00] =	vst v20  }
0x1e8: {  	v20 =	vmul.f32 $1.442695020e+00, v18;
	v18 =	vsub.f32 v22, v0;
	v22 =	vsel vm0, v24, v29;
	v24 =	vld [tilespmem:s22+$0xFFFFFF20];
	[tilespmem:s17+$0xFFFFFF40] =	vst v17  }
0x1e9: {  	vm0 =	vge.f32 v27, $0.0e+00;
	v17 =	vmul.f32 $2.000000030e-01, v27;
	v25 =	vadd.f32 v25, v26;
	v26 =	vld [tilespmem:s22+$0xFFFFFF60];
	[tilespmem:s17+$0xFFFFFF80] =	vst v16  }
0x1ea: {  	v19 =	vsel vm1, v23, v19;
	v16 =	vadd.f32 v35, v21;
	v21 =	vsub.f32 v22, v0;
	v22 =	vld [tilespmem:s22+$0xFFFFFFA0];
	[tilespmem:s17+$0xFFFFFFC0] =	vst v15;
	s17 =	smov.u32 s20;
	s20 =	smov.u32 s21  }
0x1eb: {  	v15 =	vsel vm0, v27, v17;
	vm0 =	vge.f32 v25, $0.0e+00;
	v17 =	vmul.f32 $2.000000030e-01, v25;
	v23 =	vld [tilespmem:s22+$0xFFFFFE70]  }
0x1ec: {  	v19 =	vsub.f32 v19, v0;
	vm1 =	vge.f32 v16, $0.0e+00;
	v27 =	vmul.f32 $2.000000030e-01, v16;
	v29 =	vld [tilespmem:s22+$0xFFFFFEB0]  }
0x1ed: {  	s10 =	sadd.s32 $0x80, s10;
	v31 =	vmul.f32 $1.442695020e+00, v18;
	v15 =	vsub.f32 v15, v0;
	v17 =	vsel vm0, v25, v17;
	v18 =	vpop (erf);
	v25 =	vld [tilespmem:s13+$0xFFFFFE40]  }
0x1ee: {  	v21 =	vmul.f32 $1.442695020e+00, v21;
	s22 =	sadd.s32 $0x200, s22;
	v16 =	vsel vm1, v16, v27;
	v17 =	vsub.f32 v17, v0;
	[tilespmem:s10+$0x0] =	vst v18;
	v27 =	vld [tilespmem:s13+$0xFFFFFE80]  }
0x1ef: {  	v19 =	vmul.f32 $1.442695020e+00, v19;
	v15 =	vmul.f32 $1.442695020e+00, v15;
	v16 =	vsub.f32 v16, v0;
	v32 =	vld [tilespmem:s22+$0xFFFFFFD0]  }
0x1f0: {  	v17 =	vmul.f32 $1.442695020e+00, v17;
	(erf) = vpow2.f32 v20;
	v20 =	vld [tilespmem:s13+$0xFFFFFEC0]  }
0x1f1: {  	v16 =	vmul.f32 $1.442695020e+00, v16;
	(erf) = vpow2.f32 v31;
	v31 =	vld [tilespmem:s13+$0xFFFFFF00]  }
0x1f2: {  	(erf) = vpow2.f32 v21;
	v21 =	vmul.f32 v14, v28;
	v28 =	vld [tilespmem:s13+$0xFFFFFF40]  }
0x1f3: {  	(erf) = vpow2.f32 v16;
	v16 =	vmul.f32 v10, v30;
	v30 =	vld [tilespmem:s13+$0xFFFFFF80]  }
0x1f4: {  	v32 =	vmul.f32 v18, v32;
	(erf) = vpow2.f32 v19;
	[tilespmem:s21+$0xFFFFFE20] =	vst v21;
	v33 =	vld [tilespmem:s13+$0xFFFFFFC0];
	s13 =	smov.u32 s25;
	s25 =	smov.u32 s22  }
0x1f5: {  	s21 =	sadd.s32 $0x200, s21;
	(erf) = vpow2.f32 v15;
	v15 =	vld [tilespmem:s13+$0xFFFFFE30];
	[tilespmem:s20+$0xFFFFFEE0] =	vst v16;
	v16 =	vmul.f32 v11, v24  }
0x1f6: {  	v19 =	vmul.f32 v12, v26;
	[tilespmem:s21+$0xFFFFFFD0] =	vst v32;
	(erf) = vpow2.f32 v17;
	v17 =	vld [tilespmem:s13+$0xFFFFFEF0]  }
0x1f7: {  	v24 =	vmul.f32 v8, v23;
	v32 =	vld [tilespmem:s22+$0xFFFFFFE0];
	[tilespmem:s20+$0xFFFFFF20] =	vst v16;
	v16 =	vmul.f32 v13, v22  }
0x1f8: {  	v21 =	vmul.f32 v25, v6;
	v6 =	vmov v14;
	v23 =	vmul.f32 v9, v29;
	v29 =	vld [tilespmem:s13+$0xFFFFFF30];
	[tilespmem:s20+$0xFFFFFF60] =	vst v19  }
0x1f9: {  	v22 =	vmul.f32 v27, v1;
	v1 =	vmov v8;
	v19 =	vmul.f32 v20, v2;
	v34 =	vld [tilespmem:s13+$0xFFFFFF70];
	[tilespmem:s20+$0xFFFFFFA0] =	vst v16;
	v8 =	vpop (erf)  }
0x1fa: {  	v20 =	vmul.f32 v31, v3;
	v2 =	vmov v9;
	[tilespmem:s10+$0xFFFFFFA0] =	vst v8;
	v26 =	vmul.f32 v6, v15;
	v35 =	vld [tilespmem:s13+$0xFFFFFFB0];
	v9 =	vpop (erf)  }
0x1fb: {  	v3 =	vmov v10;
	v31 =	vld [tilespmem:s22+$0xFFFFFE50];
	[tilespmem:s10+$0xFFFFFFB0] =	vst v9;
	v25 =	vmul.f32 v10, v17;
	v17 =	vmul.f32 v28, v7;
	v10 =	vpop (erf)  }
0x1fc: {  	v16 =	vmul.f32 v30, v5;
	v7 =	vmov v11;
	v36 =	vld [tilespmem:s22+$0xFFFFFE90];
	[tilespmem:s10+$0xFFFFFFC0] =	vst v10;
	v28 =	vmul.f32 v18, v32;
	v14 =	vpop (erf)  }
0x1fd: {  	v5 =	vmov v12;
	v15 =	vmul.f32 v33, v4;
	[tilespmem:s10+$0xFFFFFF90] =	vst v14;
	v32 =	vld [tilespmem:s22+$0xFFFFFED0];
	v11 =	vpop (erf);
	v27 =	vmul.f32 v7, v29  }
0x1fe: {  	v4 =	vmov v13;
	v33 =	vld [tilespmem:s22+$0xFFFFFE10];
	[tilespmem:s21+$0xFFFFFFE0] =	vst v28;
	v12 =	vpop (erf);
	v28 =	vmul.f32 v5, v34  }
0x1ff: {  	[tilespmem:s10+$0xFFFFFFD0] =	vst v11;
	v37 =	vld [tilespmem:s22+$0xFFFFFFF0];
	v13 =	vpop (erf);
	v29 =	vmul.f32 v4, v35  }
.Ltmp1:
0x200: {  	v34 =	vmul.f32 v8, v31;
	v30 =	vld [tilespmem:s22+$0xFFFFFF10];
	[tilespmem:s10+$0xFFFFFFE0] =	vst v12;
	(pc) =	sbr.rel @p0 .LBB2_5-.Ltmp1, $4  }
0x201: {  	v35 =	vmul.f32 v9, v36;
	v31 =	vld [tilespmem:s22+$0xFFFFFF50];
	[tilespmem:s10+$0xFFFFFFF0] =	vst v13  }
0x202: {  	[tilespmem:s21+$0xFFFFFE50] =	vst v34;
	v38 =	vmul.f32 v10, v32;
	v32 =	vld [tilespmem:s22+$0xFFFFFF90]  }
0x203: {  	v36 =	vmul.f32 v14, v33;
	v33 =	vld [tilespmem:s22+$0xFFFFFE60];
	[tilespmem:s21+$0xFFFFFE90] =	vst v35  }
0x204: {  	s16 =	sadd.s32 $0x80, s16;
	v34 =	vld [tilespmem:s22+$0xFFFFFEA0];
	[tilespmem:s21+$0xFFFFFED0] =	vst v38;
	v35 =	vmul.f32 v18, v37  }
0x205: {  	[tilespmem:s21+$0xFFFFFE10] =	vst v36  }
0x206: {  	[tilespmem:s20+$0xFFFFFE30] =	vst v26  }
0x207: {  	[tilespmem:s20+$0xFFFFFE70] =	vst v24  }
0x208: {  	[tilespmem:s20+$0xFFFFFEB0] =	vst v23  }
0x209: {  	[tilespmem:s20+$0xFFFFFEF0] =	vst v25  }
0x20a: {  	[tilespmem:s20+$0xFFFFFF30] =	vst v27  }
0x20b: {  	[tilespmem:s20+$0xFFFFFF70] =	vst v28  }
0x20c: {  	[tilespmem:s20+$0xFFFFFFB0] =	vst v29  }
0x20d: {  	[tilespmem:s17+$0xFFFFFE40] =	vst v21  }
0x20e: {  	[tilespmem:s17+$0xFFFFFE80] =	vst v22  }
0x20f: {  	[tilespmem:s17+$0xFFFFFEC0] =	vst v19  }
0x210: {  	[tilespmem:s17+$0xFFFFFF00] =	vst v20  }
0x211: {  	[tilespmem:s17+$0xFFFFFF40] =	vst v17  }
0x212: {  	[tilespmem:s17+$0xFFFFFF80] =	vst v16  }
0x213: {  	v30 =	vmul.f32 v11, v30;
	v41 =	vld [tilespmem:s22+$0xFFFFFEE0];
	[tilespmem:s17+$0xFFFFFFC0] =	vst v15  }
0x214: {  	v31 =	vmul.f32 v12, v31;
	[tilespmem:s21+$0xFFFFFFF0] =	vst v35;
	v53 =	vld [tilespmem:s13+$0xFFFFFE40]  }
0x215: {  	v54 =	vld [tilespmem:s13+$0xFFFFFE80];
	[tilespmem:s21+$0xFFFFFF10] =	vst v30;
	v37 =	vmul.f32 v13, v32  }
0x216: {  	v55 =	vld [tilespmem:s13+$0xFFFFFEC0];
	v33 =	vmul.f32 v8, v33;
	[tilespmem:s21+$0xFFFFFF50] =	vst v31  }
0x217: {  	v56 =	vld [tilespmem:s13+$0xFFFFFF00];
	v39 =	vmul.f32 v9, v34;
	[tilespmem:s21+$0xFFFFFF90] =	vst v37  }
0x218: {  	v57 =	vld [tilespmem:s13+$0xFFFFFF40];
	[tilespmem:s21+$0xFFFFFE60] =	vst v33;
	v45 =	vmul.f32 v10, v41  }
0x219: {  	v38 =	vld [tilespmem:s22+$0x0];
	[tilespmem:s21+$0xFFFFFEA0] =	vst v39;
	v6 =	vmul.f32 v53, v6  }
0x21a: {  	v42 =	vld [tilespmem:s22+$0xFFFFFF20];
	v1 =	vmul.f32 v54, v1;
	[tilespmem:s21+$0xFFFFFEE0] =	vst v45  }
0x21b: {  	v40 =	vld [tilespmem:s22+$0xFFFFFE20];
	v2 =	vmul.f32 v55, v2;
	[tilespmem:s20+$0xFFFFFE40] =	vst v6  }
0x21c: {  	v43 =	vld [tilespmem:s22+$0xFFFFFF60];
	v3 =	vmul.f32 v56, v3;
	[tilespmem:s20+$0xFFFFFE80] =	vst v1  }
0x21d: {  	v44 =	vld [tilespmem:s22+$0xFFFFFFA0];
	v7 =	vmul.f32 v57, v7;
	[tilespmem:s20+$0xFFFFFEC0] =	vst v2  }
0x21e: {  	v58 =	vld [tilespmem:s13+$0xFFFFFF80];
	v18 =	vmul.f32 v38, v18;
	[tilespmem:s20+$0xFFFFFF00] =	vst v3  }
0x21f: {  	v46 =	vld [tilespmem:s22+$0xFFFFFE70];
	v47 =	vmul.f32 v11, v42;
	[tilespmem:s20+$0xFFFFFF40] =	vst v7  }
0x220: {  	v48 =	vld [tilespmem:s22+$0xFFFFFEB0];
	[tilespmem:s21+$0x0] =	vst v18;
	v18 =	vmul.f32 v14, v40  }
0x221: {  	v50 =	vld [tilespmem:s25+$0xFFFFFEF0];
	v49 =	vmul.f32 v12, v43;
	[tilespmem:s21+$0xFFFFFF20] =	vst v47  }
0x222: {  	v20 =	vmul.f32 v13, v44;
	[tilespmem:s21+$0xFFFFFE20] =	vst v18;
	v21 =	vld [tilespmem:s25+$0xFFFFFF30]  }
0x223: {  	v5 =	vmul.f32 v58, v5;
	[tilespmem:s21+$0xFFFFFF60] =	vst v49;
	v18 =	vld [tilespmem:s25+$0xFFFFFE30]  }
0x224: {  	v51 =	vmul.f32 v8, v46;
	v17 =	vld [tilespmem:s25+$0xFFFFFF70];
	[tilespmem:s21+$0xFFFFFFA0] =	vst v20  }
0x225: {  	[tilespmem:s20+$0xFFFFFF80] =	vst v5;
	v22 =	vmul.f32 v9, v48;
	v52 =	vld [tilespmem:s25+$0xFFFFFFB0]  }
0x226: {  	v59 =	vld [tilespmem:s13+$0xFFFFFFC0];
	v19 =	vmul.f32 v10, v50;
	[tilespmem:s21+$0xFFFFFE70] =	vst v51  }
0x227: {  	[tilespmem:s21+$0xFFFFFEB0] =	vst v22;
	v1 =	vld [tilespmem:s25+$0xFFFFFE80];
	v21 =	vmul.f32 v11, v21  }
0x228: {  	[tilespmem:s21+$0xFFFFFEF0] =	vst v19;
	v2 =	vld [tilespmem:s25+$0xFFFFFEC0];
	v18 =	vmul.f32 v14, v18  }
0x229: {  	v3 =	vld [tilespmem:s25+$0xFFFFFF00];
	v17 =	vmul.f32 v12, v17;
	[tilespmem:s21+$0xFFFFFF30] =	vst v21  }
0x22a: {  	v16 =	vmul.f32 v13, v52;
	[tilespmem:s21+$0xFFFFFE30] =	vst v18;
	v61 =	vld [tilespmem:s25+$0xFFFFFF40]  }
0x22b: {  	v4 =	vmul.f32 v59, v4;
	[tilespmem:s21+$0xFFFFFF70] =	vst v17;
	v60 =	vld [tilespmem:s25+$0xFFFFFE40]  }
0x22c: {  	v1 =	vmul.f32 v1, v8;
	[tilespmem:s21+$0xFFFFFFB0] =	vst v16;
	v62 =	vld [tilespmem:s25+$0xFFFFFF80]  }
0x22d: {  	[tilespmem:s20+$0xFFFFFFC0] =	vst v4;
	v2 =	vmul.f32 v2, v9;
	v63 =	vld [tilespmem:s25+$0xFFFFFFC0]  }
0x22e: {  	v3 =	vmul.f32 v3, v10;
	[tilespmem:s21+$0xFFFFFE80] =	vst v1  }
0x22f: {  	[tilespmem:s21+$0xFFFFFEC0] =	vst v2;
	v1 =	vmul.f32 v61, v11  }
0x230: {  	[tilespmem:s21+$0xFFFFFF00] =	vst v3;
	v6 =	vmul.f32 v60, v14  }
0x231: {  	s23 =	sadd.s32 $0x1, s23;
	v2 =	vmul.f32 v62, v12;
	[tilespmem:s21+$0xFFFFFF40] =	vst v1  }
0x232: {  	p0 =	sne.s32 s23, $0x14;
	v3 =	vmul.f32 v63, v13;
	[tilespmem:s21+$0xFFFFFE40] =	vst v6  }
.Ltmp2:
0x233: {  	[tilespmem:s21+$0xFFFFFF80] =	vst v2;
	(pc) =	sbr.rel @p0 .LBB2_2-.Ltmp2, $4  }
0x234: {  	s2 =	simm.s32 $0x8300;
	[tilespmem:s21+$0xFFFFFFC0] =	vst v3  }
0x235: {  	[spmem:s1] =	stream.indirect.scatter.add.f32 [tilespmem:s2], [sflag:$0x4], $0x40, s14, s28, $0xb8;
	[tilespmem:$0x17890] =	vst v63  }
0x236: {  	s29 =	simm.s32 $0xAB00  }
0x237: {  	[spmem:s3] =	stream.indirect.scatter.add.f32 [tilespmem:s29], [sflag:$0x4], $0x10, s14, s28, $0xb8;
	[tilespmem:$0x17890] =	vst v63  }
0x238: {  	s2 =	simm.s32 $0x3  }
0x239: {  	_ =	swait.ge [sflag:s2], $0x2000  }
0x23a: {  	[sflag:s2] =	ssyncset.done $0x0  }
0x23b: {  	[sflag:s2] =	ssyncadd.s32 $0xFFFFE000  }
0x23c: {  	_ =	swait.ge [sflag:s2], $0x800  }
0x23d: {  	[sflag:s2] =	ssyncset.done $0x0  }
0x23e: {  	s22 =	simm.s32 $0x4;
	[sflag:s2] =	ssyncadd.s32 $0xFFFFF800  }
0x23f: {  	_ =	swait.ge [sflag:s22], $0x2000  }
0x240: {  	[sflag:s22] =	ssyncset.done $0x0  }
0x241: {  	[sflag:s22] =	ssyncadd.s32 $0xFFFFE000  }
0x242: {  	_ =	swait.ge [sflag:s22], $0x800  }
0x243: {  	[sflag:s22] =	ssyncset.done $0x0  }
0x244: {  	[sflag:s22] =	ssyncadd.s32 $0xFFFFF800  }
0x245: {  	[bflag:$0x0] =	sbarrier.arrive $0xFFFF  }
0x246: {  	s16 =	rddreg [dreg:$0x7]  }
0x247: {  	s23 =	rddreg [dreg:$0xc]  }
0x248: {  	s10 =	rddreg [dreg:$0xf]  }
0x249: {  	[hbm:s23], [sflag:s16] =	dma.local [spmem:s10], $0x13C0  }
0x24a: {  	_ =	swait.ge [sflag:s24], $0x13C0  }
0x24b: {  	[sflag:s24] =	ssyncset.done $0x0;
	s25 =	rddreg [dreg:$0xd]  }
0x24c: {  	s13 =	rddreg [dreg:$0x11];
	[sflag:s24] =	ssyncadd.s32 $0xFFFFEC40  }
0x24d: {  	[hbm:s25], [sflag:s16] =	dma.local [spmem:s13], $0x4F0  }
0x24e: {  	_ =	swait.ge [sflag:s24], $0x4F0  }
0x24f: {  	s26 =	rddreg [dreg:$0x10]  }
0x250: {  	s29 =	rddreg [dreg:$0xe];
	s13 =	sadd.s32 $0x1, s26  }
0x251: {  	p0 =	sne.s32 s13, s29  }
.Ltmp3:
0x252: {  	_ = 	snop;
	(pc) =	sbr.rel @p0 .LBB2_1-.Ltmp3, $3  }
0x253: {  	_ =	sdelay $0x1  }
0x254: {  	[sflag:s24] =	ssyncset.done $0x0  }
0x255: {  	[sflag:s24] =	ssyncadd.s32 $0xFFFFFB10  }
0x256: {  	_ =	sfence.sel $0x180000  }
0x257: {  	[bflag:$0x0] =	sbarrier.arrive $0xFFFF  }
0x258: {  	_ =	strace $0x9000004A  }
0x259: {  	s0 =	stileid.u32;
	[bflag:$0x2] =	sbarrier.arrive $0xFFFF  }
0x25a: {  	p0 =	sne.s32 s0, $0x0;
	s0 =	rddreg [dreg:$0x4]  }
0x25b: {  	s0 =	sadd.s32 @!p0 $0x100000, s0  }
0x25c: {  	[sflag:s0] =	ssyncadd.tile.s32 @!p0 $0x1;
	_ =	shalt  }
.Lfunc_end2:
_tile_overlayer_lowered:
.L_overlay_start_2:
0x25d: {  	(tag) =	ssettag $0x2  }
0x25e: {  	s0 =	rddreg [dreg:$0x0];
	s2 =	stileid.u32  }
0x25f: {  	s1 =	rddreg [dreg:$0x1];
	p0 =	sne.s32 s2, $0x0  }
0x260: {  	s3 =	rddreg [dreg:$0x2];
	[bflag:$0x3] =	sbarrier.arrive $0xFFFF;
	s2 =	simm.s32 @!p0 $0x1C05  }
0x261: {  	[timem:s3], [sflag:s2] =	dma.local @!p0 [hbm:s0], s1  }
0x262: {  	s0 =	simm.s32 @!p0 $0x5  }
0x263: {  	_ =	swait.ge @!p0 [sflag:s0], s1  }
0x264: {  	s1 =	ssub.s32 @!p0 $0x0, s1;
	[sflag:s0] =	ssyncset.done @!p0 $0x0  }
0x265: {  	[sflag:s0] =	ssyncadd.s32 @!p0 s1  }
0x266: {  	[bflag:$0x3] =	sbarrier.arrive $0xFFFF  }
0x267: {  	_ =	shalt  }

// kernel: kernel.7.cloned.1.call-start
scs
__scs_entry_jumppad:
0x0: {  	(pc) =	sbr.rel $0x88, $3  }
0x1: {  	(tag) =	ssettag $0x0;
	lr =	simm.s32 $0x1  }
0x2: {  	[smem:$0x3F97] =	sst lr;
	_ =	strace $0xD0000000  }
0x3: {  	_ = 	snop  }
0x4: {  	_ = 	snop  }
0x5: {  	_ = 	snop  }
0x6: {  	_ = 	snop  }
0x7: {  	_ = 	snop  }
__scs_overlays_trampoline_lowered:
0x8: {  	[smem:$0x3FA6] =	sst s0  }
0x9: {  	[smem:$0x3FA7] =	sst s1  }
0xa: {  	[smem:$0x3FA8] =	sst s2  }
0xb: {  	[smem:$0x3FA9] =	sst s3  }
0xc: {  	[smem:$0x3FAA] =	sst s4  }
0xd: {  	[smem:$0x3FAB] =	sst s5  }
0xe: {  	[smem:$0x3FAC] =	sst s6  }
0xf: {  	[smem:$0x3FAD] =	sst s7  }
0x10: {  	[smem:$0x3FAE] =	sst s8  }
0x11: {  	[smem:$0x3FAF] =	sst s9;
	s0 =	simm.s32 @!p0 $0x0  }
0x12: {  	s1 =	sld [smem:$0x3F95];
	s0 =	simm.s32 @p0 $0x1  }
0x13: {  	[smem:$0x3FB0] =	sst s0;
	s0 =	simm.s32 @!p1 $0x0  }
0x14: {  	s2 =	sld [smem:$0x3F94];
	s0 =	simm.s32 @p1 $0x1  }
0x15: {  	[smem:$0x3FB1] =	sst s0;
	s0 =	simm.s32 @!p2 $0x0  }
0x16: {  	s3 =	sld [smem:$0x3FDB];
	s0 =	simm.s32 @p2 $0x1  }
0x17: {  	s4 =	simm.s32 $0x1BF5;
	[smem:$0x3FB3] =	sst s0  }
0x18: {  	s0 =	sld [smem:$0x3F96];
	_ =	swait.ge [sflag:s4], $0x0  }
0x19: {  	s7 =	sld [smem:$0x3F97]  }
0x1a: {  	s8 =	sadd.s32 $0xFFFFE003, lr  }
0x1b: {  	s9 =	sadd.s32 $0xFFFFFEF7, lr;
	s5 =	simm.s32 $0xFFFFFFFF;
	p2 =	slt.u32 s8, $0xFFFFF086  }
0x1c: {  	p1 =	slt.u32 s9, $0xF7A;
	s5 =	simm.s32 @!p2 $0x0  }
0x1d: {  	s5 =	simm.s32 @p1 $0x1;
	p0 =	seq.s32 s7, s2  }
0x1e: {  	s7 =	smul.u32 @!p0 $0xF7A, s2;
	p2 =	seq.s32 @!p0 s5, $0x0  }
0x1f: {  	s9 =	smul.u32 $0xF7A, s1;
	s8 =	simm.s32 @!p0 $0x1BF5;
	p2 =	por !p2, p0  }
0x20: {  	[sflag:s8] =	ssyncset.s32 @!p0 $0xFFFFF086;
	s6 =	sadd.s32 @!p0 s3, s7;
	s7 =	simm.s32 @!p0 $0x108  }
0x21: {  	s3 =	sadd.s32 s3, s9;
	s6 =	sadd.s32 @!p0 $0x88, s6;
	s7 =	simm.s32 @p2 $0x1082  }
0x22: {  	[simem:s7], [sflag:s8] =	dma.local @!p0 [hbm:s6], $0xF7A  }
0x23: {  	s9 =	sor.u32 $0xD0000000, s2;
	s6 =	simm.s32 $0x108;
	_ =	swait.ge @!p0 [sflag:s8], $0x0  }
0x24: {  	s3 =	sadd.s32 $0x88, s3;
	s6 =	simm.s32 @!p1 $0x1082;
	[sflag:s4] =	ssyncset.s32 $0xFFFFF086  }
0x25: {  	[simem:s6], [sflag:s4] =	dma.local [hbm:s3], $0xF7A  }
0x26: {  	[smem:$0x3F97] =	sst s1;
	(tag) =	ssettag s2;
	_ =	strace s9  }
0x27: {  	s1 =	sld [smem:$0x3FA7]  }
0x28: {  	s2 =	sld [smem:$0x3FA8]  }
0x29: {  	s4 =	sld [smem:$0x3FAA]  }
0x2a: {  	p0 =	seq.s32 s5, $0x0;
	s5 =	sld [smem:$0x3FAB]  }
0x2b: {  	s6 =	sld [smem:$0x3FAC]  }
0x2c: {  	s7 =	sld [smem:$0x3FAD]  }
0x2d: {  	s3 =	simm.s32 $0x108;
	s8 =	sld [smem:$0x3FAE]  }
0x2e: {  	s3 =	simm.s32 @!p0 $0x1082;
	s9 =	sld [smem:$0x3FAF]  }
0x2f: {  	lr =	sadd.s32 s0, s3;
	s0 =	sld [smem:$0x3FA6]  }
0x30: {  	s3 =	sld [smem:$0x3FA9]  }
0x31: {  	[smem:$0x3FB2] =	sst s10  }
0x32: {  	s10 =	sld [smem:$0x3FB0];
	_ =	sdelay $0x3  }
0x33: {  	p0 =	seq.s32 s10, $0x1;
	s10 =	sld [smem:$0x3FB2];
	_ =	sdelay $0x3  }
0x34: {  	[smem:$0x3FB2] =	sst s10  }
0x35: {  	s10 =	sld [smem:$0x3FB1];
	_ =	sdelay $0x3  }
0x36: {  	p1 =	seq.s32 s10, $0x1;
	s10 =	sld [smem:$0x3FB2];
	_ =	sdelay $0x3  }
0x37: {  	[smem:$0x3FB2] =	sst s10  }
0x38: {  	s10 =	sld [smem:$0x3FB3]  }
0x39: {  	_ = 	snop;
	(pc) =	sbr.ind lr, $3  }
0x3a: {  	_ = 	snop  }
0x3b: {  	_ = 	snop  }
0x3c: {  	p2 =	seq.s32 s10, $0x1;
	s10 =	sld [smem:$0x3FB2]  }
0x3d: {  	_ =	shalt  }
0x3e: {  	_ =	shalt  }
0x3f: {  	_ =	shalt  }
0x40: {  	_ =	shalt  }
0x41: {  	_ =	shalt  }
0x42: {  	_ =	shalt  }
0x43: {  	_ =	shalt  }
0x44: {  	_ =	shalt  }
0x45: {  	_ =	shalt  }
0x46: {  	_ =	shalt  }
0x47: {  	_ =	shalt  }
0x48: {  	_ =	shalt  }
0x49: {  	_ =	shalt  }
0x4a: {  	_ =	shalt  }
0x4b: {  	_ =	shalt  }
0x4c: {  	_ =	shalt  }
0x4d: {  	_ =	shalt  }
0x4e: {  	_ =	shalt  }
0x4f: {  	_ =	shalt  }
0x50: {  	_ =	shalt  }
0x51: {  	_ =	shalt  }
0x52: {  	_ =	shalt  }
0x53: {  	_ =	shalt  }
0x54: {  	_ =	shalt  }
0x55: {  	_ =	shalt  }
0x56: {  	_ =	shalt  }
0x57: {  	_ =	shalt  }
0x58: {  	_ =	shalt  }
0x59: {  	_ =	shalt  }
0x5a: {  	_ =	shalt  }
0x5b: {  	_ =	shalt  }
0x5c: {  	_ =	shalt  }
0x5d: {  	_ =	shalt  }
0x5e: {  	_ =	shalt  }
0x5f: {  	_ =	shalt  }
0x60: {  	_ =	shalt  }
0x61: {  	_ =	shalt  }
0x62: {  	_ =	shalt  }
0x63: {  	_ =	shalt  }
0x64: {  	_ =	shalt  }
0x65: {  	_ =	shalt  }
0x66: {  	_ =	shalt  }
0x67: {  	_ =	shalt  }
0x68: {  	_ =	shalt  }
0x69: {  	_ =	shalt  }
0x6a: {  	_ =	shalt  }
0x6b: {  	_ =	shalt  }
0x6c: {  	_ =	shalt  }
0x6d: {  	_ =	shalt  }
0x6e: {  	_ =	shalt  }
0x6f: {  	_ =	shalt  }
0x70: {  	_ =	shalt  }
0x71: {  	_ =	shalt  }
0x72: {  	_ =	shalt  }
0x73: {  	_ =	shalt  }
0x74: {  	_ =	shalt  }
0x75: {  	_ =	shalt  }
0x76: {  	_ =	shalt  }
0x77: {  	_ =	shalt  }
0x78: {  	_ =	shalt  }
0x79: {  	_ =	shalt  }
0x7a: {  	_ =	shalt  }
0x7b: {  	_ =	shalt  }
0x7c: {  	_ =	shalt  }
0x7d: {  	_ =	shalt  }
0x7e: {  	_ =	shalt  }
0x7f: {  	_ =	shalt  }
0x80: {  	_ =	shalt  }
0x81: {  	_ =	shalt  }
0x82: {  	_ =	shalt  }
0x83: {  	_ =	shalt  }
0x84: {  	_ =	shalt  }
0x85: {  	_ =	shalt  }
0x86: {  	_ =	shalt  }
0x87: {  	_ =	shalt  }
.Lfunc_end0:
.L_simem_size_0:
called_computation_lowered:
.L_overlay_start_0:
0x88: {  	s2 =	sld [smem:$0x3FD9]  }
0x89: {  	s3 =	sld [smem:$0x3FFE];
	_ =	sdelay $0x1  }
0x8a: {  	s1 =	srdreg.scid  }
0x8b: {  	s0 =	sand.u32 $0x1, s1  }
0x8c: {  	s17 =	sshll.u32 s0, $0xA;
	s2 =	sadd.s32 s3, s2  }
0x8d: {  	s2 =	sadd.s32 s2, s17  }
0x8e: {  	[smem:$0x3FBE] =	sst s2  }
0x8f: {  	_ = 	snop  }
0x90: {  	s2 =	sld [smem:$0x3FD0];
	(tm) =	ssettm $0x1  }
0x91: {  	s18 =	sld [smem:$0x3FFB];
	_ =	sdelay $0x3  }
0x92: {  	_ =	strace s18  }
0x93: {  	s3 =	sld [smem:$0x3FFC];
	_ =	sdelay $0x3  }
0x94: {  	_ =	strace s3  }
0x95: {  	s3 =	sld [smem:$0x3FFD];
	_ =	sdelay $0x3  }
0x96: {  	_ =	strace s3  }
0x97: {  	_ =	strace $0x8FFFFFFF  }
0x98: {  	s19 =	sld [smem:$0x3FDB];
	_ =	sdelay $0x1  }
0x99: {  	s4 =	simm.s32 $_scs_section_size  }
0x9a: {  	s5 =	simm.s32 $_size__tile_overlayer_lowered;
	s6 =	simm.s32 $_tile_overlayer_lowered  }
0x9b: {  	s22 =	simm.s32 $0x1BFF;
	s21 =	sshll.u32 s6, $0x1;
	s3 =	sadd.s32 s4, s19  }
0x9c: {  	s7 =	simm.s32 $0x0;
	s20 =	sshll.u32 s5, $0x1;
	s5 =	sadd.s32 s21, s3  }
0x9d: {  	[timem:s7], [sflag:s22] =	dma.local [hbm:s5], s20  }
0x9e: {  	_ =	swait.ge [sflag:s22], s20  }
0x9f: {  	s4 =	ssub.s32 $0x0, s20;
	[sflag:s22] =	ssyncset.done $0x0  }
0xa0: {  	[sflag:s22] =	ssyncadd.s32 s4;
	_ =	sdelay $0x1  }
0xa1: {  	s23 =	simm.s32 $0x1B8B  }
0xa2: {  	_ =	swait.ge [sflag:s23], $0x1  }
0xa3: {  	[sflag:s23] =	ssyncset.done $0x0  }
0xa4: {  	s25 =	simm.s32 $0x1B8E;
	s24 =	sld [smem:$0x3FFE];
	[sflag:s23] =	ssyncadd.s32 $0xFFFFFFFF  }
0xa5: {  	s26 =	simm.s32 $execute0_lowered;
	[smem:$0x3FD2] =	sst s25  }
0xa6: {  	s5 =	sshll.u32 s26, $0x1;
	_ =	strace $0x80000046;
	[dreg:$0x1] =	wrdreg $0xFFFFFFFF  }
0xa7: {  	s28 =	simm.s32 $_size_execute0_lowered;
	s3 =	sadd.s32 s3, s5;
	[dreg:$0x0] =	wrdreg $0x0  }
0xa8: {  	s5 =	sshll.u32 s28, $0x1;
	[dreg:$0x2] =	wrdreg s3  }
0xa9: {  	[dreg:$0x3] =	wrdreg s5  }
0xaa: {  	[dreg:$0x4] =	wrdreg $0xC0  }
0xab: {  	_ =	task [dreg:s7], $0x5FFFF  }
0xac: {  	[dreg:$0x1] =	wrdreg $0xFFFFFFFF  }
0xad: {  	[dreg:$0x0] =	wrdreg $0x60  }
0xae: {  	[dreg:$0x2] =	wrdreg s24  }
0xaf: {  	[dreg:$0x3] =	wrdreg s2  }
0xb0: {  	[dreg:$0x4] =	wrdreg $0xB3100  }
0xb1: {  	[dreg:$0x5] =	wrdreg $0x151100  }
0xb2: {  	[dreg:$0x6] =	wrdreg $0x9  }
0xb3: {  	_ =	task.clear_ibuf [dreg:s7], $0x7FFFF;
	_ =	strace $0x90000046  }
0xb4: {  	s29 =	simm.s32 $0x9;
	_ =	strace $0x80000048  }
0xb5: {  	_ =	swait.ge [sflag:s29], $0x1  }
0xb6: {  	[sflag:s29] =	ssyncadd.s32 $0xFFFFFFFF  }
0xb7: {  	_ =	strace $0x90000048  }
0xb8: {  	_ =	sfence  }
0xb9: {  	s30 =	sld [smem:$0x0];
	_ =	sdelay $0x2  }
0xba: {  	s31 =	sshll.u32 s1, $0xD;
	s1 =	sshrl.u32 s1, $0x2  }
0xbb: {  	s3 =	sand.u32 $0x4000, s31;
	s1 =	sadd.s32 s1, s30  }
0xbc: {  	s0 =	sor.u32 s3, s0;
	s1 =	sshll.u32 s1, $0x11  }
0xbd: {  	s0 =	sor.u32 s1, s0  }
0xbe: {  	s0 =	sadd.s32 $0x8F2B, s0  }
0xbf: {  	[sflag:s0] =	ssyncadd.remote.s32 $0x1  }
0xc0: {  	_ =	sfence.sel $0xFFFF  }
0xc1: {  	[dreg:$0x0] =	wrdreg $0xFFFFFFFF;
	(pc) =	sbr.abs _section_cstart, $3  }
0xc2: {  	[dreg:$0x1] =	wrdreg $0xFFFFFFFF  }
0xc3: {  	_ =	task.clear_ibuf [dreg:s7], $0x2FFFF;
	_ =	strace $0x9FFFFFFF  }
0xc4: {  	(tm) =	ssettm $0x7FFFFFFF  }
0xc5: {  	_ =	shalt  }
tec
execute0_lowered:
.L_overlay_start_1:
0x0: {  	(tag) =	ssettag $0x1  }
0x1: {  	s0 =	rddreg [dreg:$0x0]  }
0x2: {  	s1 =	rddreg [dreg:$0x1]  }
0x3: {  	s29 =	rddreg [dreg:$0x2]  }
0x4: {  	s31 =	rddreg [dreg:$0x3];
	s2 =	simm.s32 $0x0  }
0x5: {  	s6 =	stileid.u32;
	s3 =	srdreg.scid;
	s28 =	simm.s32 $0x80  }
0x6: {  	s30 =	simm.s32 $0x1;
	[smem:$0x7FF] =	sst s2;
	s22 =	smul.u32 $0x2780, s6  }
0x7: {  	s3 =	sand.u32 $0x1, s3;
	s4 =	smul.u32 $0x9E00, s6;
	s5 =	sadd.s32 $0x50600, s0  }
0x8: {  	s23 =	sadd.s32 $0x69000, s0;
	s7 =	sadd.s32 $0x64000, s0;
	s25 =	sadd.s32 $0x73200, s0  }
0x9: {  	s9 =	sadd.s32 $0x6E200, s0;
	_ =	strace $0x80000047;
	[dreg:$0x5] =	wrdreg s5  }
0xa: {  	s11 =	sadd.s32 $0x6E000, s0;
	s13 =	sshll.u32 s6, $0x1;
	[dreg:$0x6] =	wrdreg s23  }
0xb: {  	s16 =	sshll.u32 s6, $0x6;
	s24 =	smul.u32 $0x9E000, s3;
	[dreg:$0x7] =	wrdreg s7  }
0xc: {  	s2 =	simm.s32 $0x0;
	s10 =	smul.u32 $0x27800, s3;
	[dreg:$0x9] =	wrdreg s11  }
0xd: {  	s26 =	ssub.s32 $0x2, s3;
	s3 =	sor.u32 s3, s13;
	[dreg:$0x8] =	wrdreg s25  }
0xe: {  	[dreg:$0x17] =	wrdreg s9;
	s8 =	sshrl.u32 s22, $0x3;
	s12 =	sshrl.u32 s26, $0x1  }
0xf: {  	s15 =	sshrl.u32 s4, $0x3;
	s17 =	smul.u32 $0x1400, s3;
	s19 =	sadd.s32 s22, s31  }
0x10: {  	s18 =	sadd.s32 s4, s29;
	s1 =	sadd.s32 s1, s15;
	[dreg:$0xd] =	wrdreg s19  }
0x11: {  	s5 =	sadd.s32 s4, s24;
	s8 =	sadd.s32 s8, s0;
	[dreg:$0xb] =	wrdreg s1  }
0x12: {  	s10 =	sadd.s32 s22, s10;
	s4 =	sor.u32 $0x1C05, s16;
	[dreg:$0xa] =	wrdreg s17  }
0x13: {  	s14 =	ssub.s32 s26, s12;
	s20 =	sadd.s32 $0x78200, s8;
	[dreg:$0xc] =	wrdreg s4  }
0x14: {  	s12 =	simm.s32 $0x2;
	s23 =	sor.u32 $0x80, s17;
	[dreg:$0xe] =	wrdreg s20  }
0x15: {  	s5 =	sshrl.u32 s5, $0x3;
	s24 =	sor.u32 $0x100, s17;
	[dreg:$0x11] =	wrdreg s23  }
0x16: {  	s21 =	sshrl.u32 s17, $0x3;
	s26 =	smax.u32 s14, $0x1;
	[dreg:$0x12] =	wrdreg s24  }
0x17: {  	s10 =	sshrl.u32 s10, $0x3;
	s22 =	sadd.s32 s25, s21;
	[dreg:$0x15] =	wrdreg s26  }
0x18: {  	s5 =	sadd.s32 s5, s0;
	s1 =	sadd.s32 s9, s21;
	[dreg:$0xf] =	wrdreg s22  }
0x19: {  	s0 =	sadd.s32 s10, s0;
	[dreg:$0x10] =	wrdreg s1;
	s25 =	sadd.s32 $0x87000, s5  }
0x1a: {  	v0 =	vlaneseq.u32;
	s15 =	simm.s32 $0xAB00;
	s0 =	sadd.s32 $0x7D200, s0;
	[dreg:$0x13] =	wrdreg s25  }
0x1b: {  	v0 =	vshrl.u32 v0, $0x3;
	s24 =	simm.s32 $0x5;
	s1 =	sshrl.u32 s18, $0x3;
	[dreg:$0x14] =	wrdreg s0  }
0x1c: {  	v1 =	vor.u32 $0x2, v0;
	v2 =	vor.u32 $0x4, v0;
	v3 =	vor.u32 $0x6, v0;
	s9 =	simm.s32 $0x200;
	s26 =	simm.s32 $0xA300;
	[dreg:$0x16] =	wrdreg s1  }
.LBB2_1:
0x1d: {  	[dreg:$0x18] =	wrdreg s2  }
0x1e: {  	s0 =	rddreg [dreg:$0xb]  }
0x1f: {  	[spmem:s1], [sflag:s4] =	dma.local [hbm:s0], $0x13C0  }
0x20: {  	_ =	swait.ge [sflag:s24], $0x13C0  }
0x21: {  	s8 =	rddreg [dreg:$0xd]  }
0x22: {  	[sflag:s24] =	ssyncset.done $0x0;
	s11 =	rddreg [dreg:$0xe];
	s10 =	sshrl.u32 s8, $0x3  }
0x23: {  	[sflag:s24] =	ssyncadd.s32 $0xFFFFEC40;
	[dreg:$0x19] =	wrdreg s10  }
0x24: {  	[spmem:s10], [sflag:s4] =	dma.local [hbm:s11], $0x4F0  }
0x25: {  	_ =	swait.ge [sflag:s24], $0x4F0  }
0x26: {  	s13 =	simm.s32 $0x0;
	[sflag:s24] =	ssyncset.done $0x0  }
0x27: {  	s16 =	simm.s32 $0xB300;
	s14 =	rddreg [dreg:$0x9];
	[sflag:s24] =	ssyncadd.s32 $0xFFFFFB10  }
0x28: {  	[tilespmem:s16], [sflag:$0x5] =	stream.linear.gather [hbm4b:s14+s13], $0x10, $0x38;
	[tilespmem:$0x17890] =	vst v63  }
0x29: {  	_ =	swait.ge [sflag:s24], $0x10  }
0x2a: {  	[sflag:s24] =	ssyncset.done $0x0  }
0x2b: {  	[sflag:s24] =	ssyncadd.s32 $0xFFFFFFF0  }
0x2c: {  	[bflag:$0x0] =	sbarrier.arrive $0xFFFF  }
0x2d: {  	s17 =	rddreg [dreg:$0xf]  }
0x2e: {  	v4 =	vld [tilespmem:$0xB300];
	[tilespmem:s13], [sflag:$0x5] =	stream.linear.gather [hbm4b:s17+s13], $0x80, $0x38  }
0x2f: {  	_ =	swait.ge [sflag:s24], $0x80  }
0x30: {  	[sflag:s24] =	ssyncset.done $0x0  }
0x31: {  	s19 =	simm.s32 $0x100;
	s18 =	rddreg [dreg:$0x10];
	[sflag:s24] =	ssyncadd.s32 $0xFFFFFF80  }
0x32: {  	[tilespmem:s19], [sflag:$0x5] =	stream.linear.gather [hbm4b:s18+s13], $0x80, $0x38;
	[tilespmem:$0x17890] =	vst v63  }
0x33: {  	_ =	swait.ge [sflag:s24], $0x80  }
0x34: {  	[sflag:s24] =	ssyncset.done $0x0  }
0x35: {  	s3 =	simm.s32 $0x300;
	s20 =	rddreg [dreg:$0x5];
	[sflag:s24] =	ssyncadd.s32 $0xFFFFFF80  }
0x36: {  	[tilespmem:s3], [sflag:$0x1] =	stream.indirect.gather [hbm4b:s20+s28], $0x40, s13, s28, $0xb8;
	[tilespmem:$0x17890] =	vst v63  }
0x37: {  	s22 =	simm.s32 $0x4300;
	s21 =	rddreg [dreg:$0x6]  }
0x38: {  	[tilespmem:s22], [sflag:$0x1] =	stream.indirect.gather [hbm4b:s21+s28], $0x10, s13, s28, $0xb8;
	[tilespmem:$0x17890] =	vst v63  }
0x39: {  	s25 =	simm.s32 $0x5300;
	s23 =	rddreg [dreg:$0x7]  }
0x3a: {  	[tilespmem:s25], [sflag:$0x1] =	stream.indirect.gather [hbm4b:s23+s28], $0x10, s19, s28, $0xb8;
	[tilespmem:$0x17890] =	vst v63  }
0x3b: {  	s23 =	simm.s32 $0x0  }
.LBB2_2:
0x3c: {  	s20 =	sshll.u32 s23, $0x8;
	s0 =	rddreg [dreg:$0x11]  }
0x3d: {  	s0 =	sadd.s32 s20, s0  }
0x3e: {  	s1 =	rddreg [dreg:$0x8];
	s0 =	sshrl.u32 s0, $0x3  }
0x3f: {  	s2 =	simm.s32 $0x0;
	s1 =	sadd.s32 s1, s0  }
0x40: {  	[tilespmem:s28], [sflag:$0x5] =	stream.linear.gather [hbm4b:s1+s2], $0x80, $0x38;
	[tilespmem:$0x17890] =	vst v63  }
0x41: {  	_ =	swait.ge [sflag:s24], $0x80  }
0x42: {  	s7 =	smov.u32 s31;
	[sflag:s24] =	ssyncset.done $0x0;
	s3 =	rddreg [dreg:$0x17]  }
0x43: {  	s31 =	simm.s32 $0x180;
	[sflag:s24] =	ssyncadd.s32 $0xFFFFFF80;
	s17 =	sadd.s32 s3, s0  }
0x44: {  	[tilespmem:s31], [sflag:$0x5] =	stream.linear.gather [hbm4b:s17+s2], $0x80, $0x38;
	[tilespmem:$0x17890] =	vst v63  }
0x45: {  	_ =	swait.ge [sflag:s24], $0x80  }
0x46: {  	[sflag:s24] =	ssyncset.done $0x0  }
0x47: {  	s4 =	simm.s32 $0x2300;
	s2 =	rddreg [dreg:$0x5];
	[sflag:s24] =	ssyncadd.s32 $0xFFFFFF80  }
0x48: {  	[tilespmem:s4], [sflag:$0x2] =	stream.indirect.gather [hbm4b:s2+s28], $0x40, s28, s28, $0xb8;
	[tilespmem:$0x17890] =	vst v63  }
0x49: {  	s8 =	simm.s32 $0x4B00;
	s5 =	rddreg [dreg:$0x6]  }
0x4a: {  	[tilespmem:s8], [sflag:$0x2] =	stream.indirect.gather [hbm4b:s5+s28], $0x10, s28, s28, $0xb8;
	[tilespmem:$0x17890] =	vst v63  }
0x4b: {  	s11 =	simm.s32 $0x5B00;
	s10 =	rddreg [dreg:$0x7]  }
0x4c: {  	[tilespmem:s11], [sflag:$0x2] =	stream.indirect.gather [hbm4b:s10+s28], $0x10, s31, s28, $0xb8;
	[tilespmem:$0x17890] =	vst v63  }
0x4d: {  	_ =	swait.ge [sflag:s30], $0x2000  }
0x4e: {  	[sflag:s30] =	ssyncset.done $0x0  }
0x4f: {  	[sflag:s30] =	ssyncadd.s32 $0xFFFFE000  }
0x50: {  	_ =	swait.ge [sflag:s30], $0x800  }
0x51: {  	[sflag:s30] =	ssyncset.done $0x0  }
0x52: {  	[sflag:s30] =	ssyncadd.s32 $0xFFFFF800  }
0x53: {  	_ =	swait.ge [sflag:s30], $0x800  }
0x54: {  	p0 =	seq.s32 s23, $0x0;
	[sflag:s30] =	ssyncset.done $0x0  }
0x55: {  	s0 =	simm.s32 @!p0 $0x3;
	[sflag:s30] =	ssyncadd.s32 $0xFFFFF800  }
0x56: {  	_ =	swait.ge @!p0 [sflag:s0], $0x2000  }
0x57: {  	[sflag:s0] =	ssyncset.done @!p0 $0x0  }
0x58: {  	[sflag:s0] =	ssyncadd.s32 @!p0 $0xFFFFE000  }
0x59: {  	_ =	swait.ge @!p0 [sflag:s0], $0x800  }
0x5a: {  	s13 =	rddreg [dreg:$0xa]  }
0x5b: {  	s1 =	sadd.s32 s13, s20  }
0x5c: {  	[sflag:s0] =	ssyncset.done @!p0 $0x0;
	s1 =	sshrl.u32 s1, $0x3  }
0x5d: {  	s16 =	simm.s32 $0x0;
	[sflag:s0] =	ssyncadd.s32 @!p0 $0xFFFFF800;
	s14 =	sadd.s32 s3, s1  }
0x5e: {  	[tilespmem:s9], [sflag:$0x5] =	stream.linear.gather [hbm4b:s14+s16], $0x80, $0x38;
	[tilespmem:$0x17890] =	vst v63  }
0x5f: {  	_ =	swait.ge [sflag:s24], $0x80  }
0x60: {  	[sflag:s24] =	ssyncset.done $0x0  }
0x61: {  	s18 =	simm.s32 $0x4340;
	[sflag:s24] =	ssyncadd.s32 $0xFFFFFF80  }
0x62: {  	s19 =	simm.s32 $0x5340;
	v5 =	vld [tilespmem:s18+$0x30]  }
0x63: {  	v6 =	vld [tilespmem:s19+$0x30];
	_ =	sdelay $0x3  }
0x64: {  	v7 =	vld [tilespmem:s19+$0xFFFFFFC0]  }
0x65: {  	v9 =	vld [tilespmem:s18+$0xFFFFFFE0];
	v5 =	vadd.f32 v6, v5  }
0x66: {  	v11 =	vld [tilespmem:s19+$0xFFFFFFE0]  }
0x67: {  	v8 =	vld [tilespmem:s18+$0xFFFFFFD0];
	v10 =	vmul.f32 $2.000000030e-01, v5  }
0x68: {  	v6 =	vld [tilespmem:s19+$0xFFFFFFD0];
	vm0 =	vge.f32 v5, $0.0e+00  }
0x69: {  	v12 =	vld [tilespmem:s18+$0xFFFFFFF0];
	v5 =	vsel vm0, v5, v10  }
0x6a: {  	v13 =	vld [tilespmem:s18+$0x0];
	v5 =	vsub.f32 v5, v4  }
0x6b: {  	v9 =	vadd.f32 v11, v9;
	v11 =	vld [tilespmem:s18+$0xFFFFFFC0]  }
0x6c: {  	v10 =	vld [tilespmem:s19+$0xFFFFFFF0];
	v5 =	vmul.f32 $1.442695020e+00, v5  }
0x6d: {  	v6 =	vadd.f32 v6, v8;
	v8 =	vld [tilespmem:s19+$0x0]  }
0x6e: {  	(erf) = vpow2.f32 v5  }
0x6f: {  	s5 =	simm.s32 $0x70;
	v14 =	vld [tilespmem:s18+$0x10];
	vm4 =	vge.f32 v9, $0.0e+00;
	v15 =	vmul.f32 $2.000000030e-01, v6  }
0x70: {  	v16 =	vld [tilespmem:s18+$0x20];
	v7 =	vadd.f32 v7, v11;
	v11 =	vor.u32 s5, v0;
	vm15 =	vge.f32 v6, $0.0e+00  }
0x71: {  	v5 =	vld [tilespmem:s19+$0x10];
	v10 =	vadd.f32 v10, v12;
	v12 =	vmul.f32 $2.000000030e-01, v9;
	v6 =	vsel vm15, v6, v15  }
0x72: {  	vm2 =	vge.f32 v7, $0.0e+00;
	v15 =	vld [tilespmem:s19+$0x20];
	v8 =	vadd.f32 v8, v13;
	v6 =	vsub.f32 v6, v4  }
0x73: {  	v13 =	vmul.f32 $2.000000030e-01, v7;
	v17 =	vmul.f32 $2.000000030e-01, v10;
	v9 =	vsel vm4, v9, v12  }
0x74: {  	vm5 =	vge.f32 v10, $0.0e+00;
	vm1 =	vge.f32 v8, $0.0e+00;
	v12 =	vmul.f32 $2.000000030e-01, v8  }
0x75: {  	v6 =	vmul.f32 $1.442695020e+00, v6;
	v9 =	vsub.f32 v9, v4;
	v7 =	vsel vm2, v7, v13  }
0x76: {  	v10 =	vsel vm5, v10, v17;
	v7 =	vsub.f32 v7, v4;
	v5 =	vadd.f32 v5, v14  }
0x77: {  	s8 =	simm.s32 $0xA340;
	v14 =	vadd.f32 v15, v16;
	v10 =	vsub.f32 v10, v4;
	v8 =	vsel vm1, v8, v12;
	v13 =	vpop (erf)  }
0x78: {  	v9 =	vmul.f32 $1.442695020e+00, v9;
	v8 =	vsub.f32 v8, v4;
	v15 =	vmul.f32 $2.000000030e-01, v5;
	[tilespmem:s8+$0x30] =	vst v13  }
0x79: {  	s13 =	simm.s32 $0x400;
	v7 =	vmul.f32 $1.442695020e+00, v7;
	vm6 =	vge.f32 v5, $0.0e+00;
	(erf) = vpow2.f32 v6;
	v11 =	vld.idx.msk [tilespmem:v11+s26+$0x0], $0xffff  }
0x7a: {  	v12 =	vmul.f32 $2.000000030e-01, v14;
	v5 =	vsel vm6, v5, v15;
	(erf) = vpow2.f32 v9;
	v13 =	vld [tilespmem:s13+$0xC0]  }
0x7b: {  	vm7 =	vge.f32 v14, $0.0e+00;
	v6 =	vmul.f32 $1.442695020e+00, v10;
	v5 =	vsub.f32 v5, v4  }
0x7c: {  	s31 =	simm.s32 $0x53C0;
	v8 =	vmul.f32 $1.442695020e+00, v8;
	v9 =	vsel vm7, v14, v12;
	(erf) = vpow2.f32 v7  }
0x7d: {  	s25 =	simm.s32 $0x43C0;
	v22 =	vld [tilespmem:s31+$0xFFFFFFC0];
	v7 =	vor.u32 s5, v1;
	v5 =	vmul.f32 $1.442695020e+00, v5;
	(erf) = vpow2.f32 v6  }
0x7e: {  	s10 =	simm.s32 $0x10;
	v23 =	vld [tilespmem:s25+$0xFFFFFFD0];
	v6 =	vsub.f32 v9, v4;
	(erf) = vpow2.f32 v8  }
0x7f: {  	s11 =	simm.s32 $0x20;
	v24 =	vld [tilespmem:s25+$0xFFFFFFE0];
	(erf) = vpow2.f32 v5;
	v5 =	vor.u32 s10, v0;
	v8 =	vmul.f32 v13, v11  }
0x80: {  	s22 =	simm.s32 $0x6400;
	v27 =	vld [tilespmem:s31+$0xFFFFFFE0];
	v9 =	vor.u32 s11, v0;
	v6 =	vmul.f32 $1.442695020e+00, v6  }
0x81: {  	s21 =	simm.s32 $0x0;
	v30 =	vld [tilespmem:s25+$0xFFFFFFF0];
	[tilespmem:s22+$0xC0] =	vst v8  }
0x82: {  	(erf) = vpow2.f32 v6;
	v8 =	vor.u32 s21, v0;
	v11 =	vpop (erf);
	v6 =	vld.idx.msk [tilespmem:v7+s26+$0x0], $0xffff  }
0x83: {  	v10 =	vld [tilespmem:s13+$0xD0];
	[tilespmem:s8+$0xFFFFFFD0] =	vst v11;
	v11 =	vpop (erf)  }
0x84: {  	s4 =	simm.s32 $0x30;
	v5 =	vld.idx.msk [tilespmem:v5+s26+$0x0], $0xffff;
	[tilespmem:s8+$0xFFFFFFE0] =	vst v11  }
0x85: {  	s1 =	simm.s32 $0x40;
	v7 =	vor.u32 s4, v0;
	v11 =	vpop (erf);
	v9 =	vld.idx.msk [tilespmem:v9+s26+$0x0], $0xffff  }
0x86: {  	v12 =	vor.u32 s1, v0;
	[tilespmem:s8+$0xFFFFFFC0] =	vst v11;
	v14 =	vpop (erf);
	v17 =	vld [tilespmem:s13+$0xFFFFFF80]  }
0x87: {  	s2 =	simm.s32 $0x50;
	[tilespmem:s8+$0xFFFFFFF0] =	vst v14;
	v14 =	vpop (erf);
	v8 =	vld.idx.msk [tilespmem:v8+s26+$0x0], $0xffff  }
0x88: {  	v13 =	vor.u32 s2, v0;
	[tilespmem:s8+$0x0] =	vst v14;
	v14 =	vld [tilespmem:s13+$0xFFFFFF00]  }
0x89: {  	v11 =	vor.u32 s5, v2;
	v19 =	vld [tilespmem:s13+$0xFFFFFFC0]  }
0x8a: {  	s3 =	simm.s32 $0x60;
	v7 =	vld.idx.msk [tilespmem:v7+s26+$0x0], $0xffff;
	v6 =	vmul.f32 v10, v6  }
0x8b: {  	v15 =	vor.u32 s3, v0;
	v10 =	vpop (erf);
	v12 =	vld.idx.msk [tilespmem:v12+s26+$0x0], $0xffff  }
0x8c: {  	v20 =	vld [tilespmem:s13+$0x0];
	[tilespmem:s8+$0x10] =	vst v10  }
0x8d: {  	v10 =	vld.idx.msk [tilespmem:v13+s26+$0x0], $0xffff;
	[tilespmem:s22+$0xD0] =	vst v6  }
0x8e: {  	v11 =	vld.idx.msk [tilespmem:v11+s26+$0x0], $0xffff;
	v6 =	vpop (erf)  }
0x8f: {  	v8 =	vmul.f32 v14, v8;
	v14 =	vld [tilespmem:s13+$0x40];
	[tilespmem:s8+$0x20] =	vst v6  }
0x90: {  	v21 =	vor.u32 s11, v1;
	v13 =	vld.idx.msk [tilespmem:v15+s26+$0x0], $0xffff  }
0x91: {  	[tilespmem:s22+$0xFFFFFF00] =	vst v8;
	v8 =	vmul.f32 v17, v9;
	v9 =	vld [tilespmem:s13+$0x80]  }
0x92: {  	v6 =	vld [tilespmem:s13+$0xE0];
	v7 =	vmul.f32 v19, v7;
	v17 =	vor.u32 s2, v1  }
0x93: {  	v15 =	vld [tilespmem:s13+$0xFFFFFF40];
	[tilespmem:s22+$0xFFFFFF80] =	vst v8;
	v8 =	vmul.f32 v20, v12  }
0x94: {  	v32 =	vld [tilespmem:s31+$0xFFFFFFF0];
	[tilespmem:s22+$0xFFFFFFC0] =	vst v7;
	v7 =	vmul.f32 v14, v10  }
0x95: {  	v16 =	vor.u32 s5, v3;
	v10 =	vld.idx.msk [tilespmem:v21+s26+$0x0], $0xffff;
	[tilespmem:s22+$0x0] =	vst v8  }
0x96: {  	v18 =	vor.u32 s21, v1;
	[tilespmem:s22+$0x40] =	vst v7;
	v8 =	vmul.f32 v9, v13;
	v13 =	vld [tilespmem:s13+$0xFFFFFF10]  }
0x97: {  	v12 =	vor.u32 s3, v1;
	v6 =	vmul.f32 v6, v11;
	v9 =	vld.idx.msk [tilespmem:v17+s26+$0x0], $0xffff  }
0x98: {  	v15 =	vmul.f32 v15, v5;
	v17 =	vld [tilespmem:s13+$0xFFFFFFD0]  }
0x99: {  	v11 =	vor.u32 s10, v1;
	[tilespmem:s22+$0xE0] =	vst v6;
	v20 =	vld [tilespmem:s13+$0x50]  }
0x9a: {  	v6 =	vor.u32 s4, v1;
	v5 =	vld.idx.msk [tilespmem:v16+s26+$0x0], $0xffff;
	[tilespmem:s22+$0xFFFFFF40] =	vst v15  }
0x9b: {  	v16 =	vor.u32 s1, v1;
	v15 =	vld.idx.msk [tilespmem:v18+s26+$0x0], $0xffff;
	[tilespmem:s22+$0x80] =	vst v8  }
0x9c: {  	v8 =	vld.idx.msk [tilespmem:v12+s26+$0x0], $0xffff  }
0x9d: {  	v12 =	vld [tilespmem:s13+$0xFFFFFF50]  }
0x9e: {  	v11 =	vld.idx.msk [tilespmem:v11+s26+$0x0], $0xffff  }
0x9f: {  	v14 =	vor.u32 s21, v2;
	v6 =	vld.idx.msk [tilespmem:v6+s26+$0x0], $0xffff  }
0xa0: {  	v7 =	vld.idx.msk [tilespmem:v16+s26+$0x0], $0xffff  }
0xa1: {  	v16 =	vld [tilespmem:s13+$0xFFFFFF90];
	v13 =	vmul.f32 v13, v15  }
0xa2: {  	v15 =	vld [tilespmem:s13+$0x10]  }
0xa3: {  	v18 =	vor.u32 s10, v2;
	[tilespmem:s22+$0xFFFFFF10] =	vst v13;
	v11 =	vmul.f32 v12, v11;
	v12 =	vld [tilespmem:s13+$0x90]  }
0xa4: {  	v13 =	vld.idx.msk [tilespmem:v14+s26+$0x0], $0xffff  }
0xa5: {  	v14 =	vld [tilespmem:s13+$0xFFFFFF20]  }
0xa6: {  	v19 =	vor.u32 s11, v2;
	v6 =	vmul.f32 v17, v6;
	v17 =	vld [tilespmem:s31+$0x30]  }
0xa7: {  	[tilespmem:s22+$0xFFFFFF50] =	vst v11;
	v10 =	vmul.f32 v16, v10;
	v16 =	vld [tilespmem:s25+$0x30]  }
0xa8: {  	v11 =	vld.idx.msk [tilespmem:v18+s26+$0x0], $0xffff  }
0xa9: {  	v21 =	vor.u32 s4, v2;
	v18 =	vld [tilespmem:s13+$0xFFFFFF60]  }
0xaa: {  	v7 =	vmul.f32 v15, v7;
	v15 =	vld [tilespmem:s25+$0x0];
	[tilespmem:s22+$0xFFFFFF90] =	vst v10  }
0xab: {  	v10 =	vld.idx.msk [tilespmem:v19+s26+$0x0], $0xffff  }
0xac: {  	v19 =	vld [tilespmem:s13+$0xFFFFFFA0];
	v16 =	vadd.f32 v17, v16  }
0xad: {  	[tilespmem:s22+$0xFFFFFFD0] =	vst v6;
	v17 =	vld [tilespmem:s31+$0xFFFFFFD0]  }
0xae: {  	v6 =	vld.idx.msk [tilespmem:v21+s26+$0x0], $0xffff;
	v25 =	vmul.f32 $2.000000030e-01, v16  }
0xaf: {  	v28 =	vor.u32 s2, v2;
	v21 =	vld [tilespmem:s13+$0xFFFFFFE0];
	vm8 =	vge.f32 v16, $0.0e+00  }
0xb0: {  	v26 =	vor.u32 s1, v2;
	v14 =	vmul.f32 v14, v13;
	v13 =	vld [tilespmem:s25+$0x10];
	v16 =	vsel vm8, v16, v25  }
0xb1: {  	v29 =	vor.u32 s3, v2;
	v19 =	vmul.f32 v19, v10;
	v10 =	vld [tilespmem:s31+$0x10];
	v16 =	vsub.f32 v16, v4  }
0xb2: {  	v9 =	vmul.f32 v20, v9;
	v8 =	vmul.f32 v12, v8;
	v12 =	vadd.f32 v17, v23;
	v17 =	vld [tilespmem:s31+$0x0]  }
0xb3: {  	v33 =	vor.u32 s4, v3;
	v23 =	vadd.f32 v27, v24;
	v24 =	vld [tilespmem:s25+$0xFFFFFFC0];
	v16 =	vmul.f32 $1.442695020e+00, v16  }
0xb4: {  	v31 =	vor.u32 s11, v3;
	v44 =	vld [tilespmem:s25+$0x20];
	[tilespmem:s22+$0x50] =	vst v9;
	v11 =	vmul.f32 v18, v11;
	v21 =	vmul.f32 v21, v6  }
0xb5: {  	v9 =	vld.idx.msk [tilespmem:v28+s26+$0x0], $0xffff;
	[tilespmem:s22+$0x10] =	vst v7;
	v25 =	vor.u32 s10, v3;
	v18 =	vmul.f32 $2.000000030e-01, v12;
	(erf) = vpow2.f32 v16  }
0xb6: {  	v7 =	vld.idx.msk [tilespmem:v26+s26+$0x0], $0xffff;
	[tilespmem:s22+$0x90] =	vst v8;
	vm9 =	vge.f32 v12, $0.0e+00;
	v27 =	vmul.f32 $2.000000030e-01, v23;
	vm10 =	vge.f32 v23, $0.0e+00  }
0xb7: {  	v8 =	vld.idx.msk [tilespmem:v29+s26+$0x0], $0xffff;
	v10 =	vadd.f32 v10, v13;
	v12 =	vsel vm9, v12, v18;
	v17 =	vadd.f32 v17, v15  }
0xb8: {  	v6 =	vld [tilespmem:s13+$0xF0];
	[tilespmem:s22+$0xFFFFFFE0] =	vst v21;
	v12 =	vsub.f32 v12, v4;
	v15 =	vsel vm10, v23, v27;
	v22 =	vadd.f32 v22, v24  }
0xb9: {  	v47 =	vld [tilespmem:s13+$0xFFFFFFF0];
	v16 =	vadd.f32 v32, v30;
	v45 =	vmul.f32 $2.000000030e-01, v10;
	v26 =	vsub.f32 v15, v4  }
0xba: {  	s14 =	simm.s32 $0xF0;
	v20 =	vor.u32 s21, v3;
	v18 =	vld [tilespmem:s31+$0x20];
	v12 =	vmul.f32 $1.442695020e+00, v12;
	v27 =	vmul.f32 $2.000000030e-01, v22  }
0xbb: {  	[tilespmem:s22+$0xFFFFFF60] =	vst v11;
	v13 =	vld [tilespmem:s13+$0x20];
	v24 =	vor.u32 s14, v0;
	v32 =	vmul.f32 $2.000000030e-01, v16;
	v26 =	vmul.f32 $1.442695020e+00, v26  }
0xbc: {  	[tilespmem:s22+$0xFFFFFFA0] =	vst v19;
	v11 =	vld.idx.msk [tilespmem:v25+s26+$0x0], $0xffff;
	vm11 =	vge.f32 v16, $0.0e+00;
	vm14 =	vge.f32 v22, $0.0e+00;
	(erf) = vpow2.f32 v12  }
0xbd: {  	v25 =	vld [tilespmem:s13+$0xFFFFFFB0];
	v23 =	vmul.f32 $2.000000030e-01, v17;
	v22 =	vsel vm14, v22, v27;
	(erf) = vpow2.f32 v26  }
0xbe: {  	s6 =	smov.u32 s29;
	s29 =	simm.s32 $0xA3C0;
	vm12 =	vge.f32 v17, $0.0e+00;
	v15 =	vsel vm11, v16, v32;
	v16 =	vld [tilespmem:s13+$0x60];
	v22 =	vsub.f32 v22, v4;
	v27 =	vpop (erf)  }
0xbf: {  	v18 =	vadd.f32 v18, v44;
	v46 =	vsub.f32 v15, v4;
	v15 =	vld [tilespmem:s13+$0xA0];
	v17 =	vsel vm12, v17, v23;
	[tilespmem:s29+$0x30] =	vst v27  }
0xc0: {  	[tilespmem:s22+$0xFFFFFF20] =	vst v14;
	s25 =	simm.s32 $0x600;
	vm13 =	vge.f32 v10, $0.0e+00;
	v14 =	vsub.f32 v17, v4;
	v17 =	vmul.f32 $1.442695020e+00, v22;
	v24 =	vld.idx.msk [tilespmem:v24+s26+$0x0], $0xffff  }
0xc1: {  	v23 =	vmul.f32 $2.000000030e-01, v18;
	v27 =	vsel vm13, v10, v45;
	v22 =	vld [tilespmem:s25+$0xC0]  }
0xc2: {  	v10 =	vld.idx.msk [tilespmem:v20+s26+$0x0], $0xffff;
	(erf) = vpow2.f32 v17;
	v20 =	vsub.f32 v27, v4;
	v27 =	vmul.f32 $1.442695020e+00, v46  }
0xc3: {  	v21 =	vor.u32 s14, v1;
	v12 =	vld.idx.msk [tilespmem:v31+s26+$0x0], $0xffff;
	vm15 =	vge.f32 v18, $0.0e+00;
	v19 =	vmul.f32 $1.442695020e+00, v14  }
0xc4: {  	v14 =	vld.idx.msk [tilespmem:v33+s26+$0x0], $0xffff;
	v18 =	vsel vm15, v18, v23;
	v20 =	vmul.f32 $1.442695020e+00, v20;
	(erf) = vpow2.f32 v27  }
0xc5: {  	s16 =	simm.s32 $0x90;
	v23 =	vld [tilespmem:s13+$0xFFFFFF70];
	v18 =	vsub.f32 v18, v4;
	(erf) = vpow2.f32 v19;
	v26 =	vpop (erf)  }
0xc6: {  	s18 =	simm.s32 $0xA0;
	v17 =	vld [tilespmem:s13+$0xFFFFFF30];
	(erf) = vpow2.f32 v20;
	v20 =	vor.u32 s16, v0;
	[tilespmem:s29+$0xFFFFFFD0] =	vst v26;
	v26 =	vpop (erf);
	v19 =	vmul.f32 v22, v24  }
0xc7: {  	s10 =	simm.s32 $0x6600;
	v18 =	vmul.f32 $1.442695020e+00, v18;
	v22 =	vor.u32 s18, v0;
	[tilespmem:s29+$0xFFFFFFE0] =	vst v26;
	v55 =	vld [tilespmem:s25+$0xFFFFFF40]  }
0xc8: {  	s8 =	simm.s32 $0x80;
	v56 =	vld [tilespmem:s25+$0xFFFFFF80];
	[tilespmem:s10+$0xC0] =	vst v19  }
0xc9: {  	s19 =	simm.s32 $0xB0;
	(erf) = vpow2.f32 v18;
	v19 =	vor.u32 s8, v0;
	v18 =	vld.idx.msk [tilespmem:v21+s26+$0x0], $0xffff  }
0xca: {  	v21 =	vor.u32 s19, v0;
	v24 =	vld [tilespmem:s25+$0xD0]  }
0xcb: {  	s21 =	simm.s32 $0xC0;
	v26 =	vpop (erf);
	v20 =	vld.idx.msk [tilespmem:v20+s26+$0x0], $0xffff  }
0xcc: {  	v27 =	vor.u32 s21, v0;
	[tilespmem:s29+$0xFFFFFFC0] =	vst v26;
	v22 =	vld.idx.msk [tilespmem:v22+s26+$0x0], $0xffff  }
0xcd: {  	s9 =	simm.s32 $0xD0;
	v53 =	vld [tilespmem:s25+$0xFFFFFF00];
	v49 =	vpop (erf)  }
0xce: {  	v48 =	vor.u32 s9, v0;
	v19 =	vld.idx.msk [tilespmem:v19+s26+$0x0], $0xffff;
	[tilespmem:s29+$0xFFFFFFF0] =	vst v49  }
0xcf: {  	v50 =	vpop (erf);
	v21 =	vld.idx.msk [tilespmem:v21+s26+$0x0], $0xffff  }
0xd0: {  	v26 =	vor.u32 s14, v2;
	[tilespmem:s29+$0x0] =	vst v50;
	v34 =	vld [tilespmem:s25+$0xFFFFFFC0]  }
0xd1: {  	v18 =	vmul.f32 v24, v18;
	v24 =	vpop (erf);
	v27 =	vld.idx.msk [tilespmem:v27+s26+$0x0], $0xffff  }
0xd2: {  	s31 =	simm.s32 $0xE0;
	[tilespmem:s29+$0x10] =	vst v24;
	v35 =	vld [tilespmem:s25+$0x0]  }
0xd3: {  	v51 =	vor.u32 s31, v0;
	v20 =	vmul.f32 v55, v20;
	v24 =	vld.idx.msk [tilespmem:v48+s26+$0x0], $0xffff  }
0xd4: {  	[tilespmem:s10+$0xD0] =	vst v18;
	v37 =	vld [tilespmem:s25+$0x40]  }
0xd5: {  	v26 =	vld.idx.msk [tilespmem:v26+s26+$0x0], $0xffff;
	[tilespmem:s10+$0xFFFFFF40] =	vst v20  }
0xd6: {  	v5 =	vmul.f32 v6, v5;
	v18 =	vpop (erf);
	v6 =	vld [tilespmem:s25+$0xFFFFFF50]  }
0xd7: {  	v19 =	vmul.f32 v53, v19;
	[tilespmem:s29+$0x20] =	vst v18;
	v18 =	vld [tilespmem:s25+$0xE0]  }
0xd8: {  	v58 =	vor.u32 s19, v1;
	[tilespmem:s22+$0xF0] =	vst v5;
	v20 =	vmul.f32 v34, v21;
	v52 =	vld.idx.msk [tilespmem:v51+s26+$0x0], $0xffff  }
0xd9: {  	v60 =	vor.u32 s9, v1;
	[tilespmem:s10+$0xFFFFFF00] =	vst v19;
	v19 =	vmul.f32 v56, v22;
	v22 =	vld [tilespmem:s25+$0x80]  }
0xda: {  	[tilespmem:s10+$0xFFFFFFC0] =	vst v20;
	v20 =	vmul.f32 v37, v24;
	v24 =	vld [tilespmem:s25+$0xFFFFFF10]  }
0xdb: {  	v38 =	vor.u32 s21, v1;
	v5 =	vmul.f32 v16, v9;
	[tilespmem:s10+$0xFFFFFF80] =	vst v19;
	v19 =	vmul.f32 v35, v27;
	v9 =	vld [tilespmem:s25+$0xFFFFFFD0]  }
0xdc: {  	v7 =	vmul.f32 v13, v7;
	[tilespmem:s10+$0x40] =	vst v20;
	v13 =	vld [tilespmem:s25+$0xFFFFFF90];
	v18 =	vmul.f32 v18, v26;
	v26 =	vor.u32 s8, v1  }
0xdd: {  	v54 =	vor.u32 s14, v3;
	[tilespmem:s10+$0x0] =	vst v19;
	v19 =	vld.idx.msk [tilespmem:v58+s26+$0x0], $0xffff  }
0xde: {  	v36 =	vor.u32 s16, v1;
	[tilespmem:s22+$0x60] =	vst v5;
	v61 =	vld.idx.msk [tilespmem:v60+s26+$0x0], $0xffff  }
0xdf: {  	v5 =	vld [tilespmem:s25+$0x50];
	[tilespmem:s10+$0xE0] =	vst v18;
	v18 =	vor.u32 s18, v1  }
0xe0: {  	v20 =	vld.idx.msk [tilespmem:v38+s26+$0x0], $0xffff  }
0xe1: {  	v27 =	vor.u32 s31, v1;
	v21 =	vld.idx.msk [tilespmem:v26+s26+$0x0], $0xffff  }
0xe2: {  	v22 =	vmul.f32 v22, v52;
	v57 =	vld.idx.msk [tilespmem:v54+s26+$0x0], $0xffff  }
0xe3: {  	v26 =	vld.idx.msk [tilespmem:v36+s26+$0x0], $0xffff  }
0xe4: {  	[tilespmem:s10+$0x80] =	vst v22;
	v22 =	vor.u32 s8, v2;
	v18 =	vld.idx.msk [tilespmem:v18+s26+$0x0], $0xffff  }
0xe5: {  	v8 =	vmul.f32 v15, v8;
	v59 =	vld [tilespmem:s25+$0xF0]  }
0xe6: {  	[tilespmem:s22+$0x20] =	vst v7;
	v16 =	vor.u32 s16, v2;
	v27 =	vld.idx.msk [tilespmem:v27+s26+$0x0], $0xffff;
	v7 =	vmul.f32 v24, v21  }
0xe7: {  	v62 =	vor.u32 s18, v2;
	[tilespmem:s22+$0xA0] =	vst v8;
	v5 =	vmul.f32 v5, v61;
	v21 =	vld [tilespmem:s25+$0x10]  }
0xe8: {  	v15 =	vor.u32 s19, v2;
	v6 =	vmul.f32 v6, v26;
	[tilespmem:s10+$0xFFFFFF10] =	vst v7;
	v7 =	vld [tilespmem:s25+$0x90]  }
0xe9: {  	[tilespmem:s10+$0x50] =	vst v5;
	v8 =	vmul.f32 v13, v18;
	v63 =	vld.idx.msk [tilespmem:v22+s26+$0x0], $0xffff  }
0xea: {  	v13 =	vor.u32 s9, v2;
	[tilespmem:s10+$0xFFFFFF50] =	vst v6;
	v6 =	vmul.f32 v9, v19;
	v18 =	vld [tilespmem:s25+$0xFFFFFF20]  }
0xeb: {  	v26 =	vor.u32 s21, v2;
	v24 =	vld.idx.msk [tilespmem:v16+s26+$0x0], $0xffff;
	[tilespmem:s10+$0xFFFFFF90] =	vst v8  }
0xec: {  	v5 =	vmul.f32 v23, v11;
	v19 =	vor.u32 s31, v2;
	[tilespmem:s10+$0xFFFFFFD0] =	vst v6;
	v22 =	vld.idx.msk [tilespmem:v62+s26+$0x0], $0xffff  }
0xed: {  	v8 =	vmul.f32 v21, v20;
	v21 =	vld.idx.msk [tilespmem:v15+s26+$0x0], $0xffff  }
0xee: {  	[tilespmem:s22+$0xFFFFFF70] =	vst v5;
	v20 =	vld [tilespmem:s25+$0xFFFFFF60];
	v6 =	vmul.f32 v7, v27  }
0xef: {  	[tilespmem:s10+$0x10] =	vst v8;
	v7 =	vmul.f32 v17, v10;
	v10 =	vld.idx.msk [tilespmem:v13+s26+$0x0], $0xffff  }
0xf0: {  	v9 =	vld.idx.msk [tilespmem:v26+s26+$0x0], $0xffff;
	[tilespmem:s10+$0x90] =	vst v6;
	v6 =	vmul.f32 v25, v12  }
0xf1: {  	v11 =	vor.u32 s3, v3;
	v5 =	vor.u32 s9, v3;
	[tilespmem:s22+$0xFFFFFF30] =	vst v7;
	v7 =	vmul.f32 v47, v14;
	v8 =	vld.idx.msk [tilespmem:v19+s26+$0x0], $0xffff  }
0xf2: {  	v16 =	vor.u32 s18, v3;
	v15 =	vor.u32 s16, v3;
	v25 =	vmul.f32 v18, v63;
	v19 =	vld [tilespmem:s25+$0xFFFFFFA0];
	[tilespmem:s22+$0xFFFFFFB0] =	vst v6  }
0xf3: {  	v13 =	vor.u32 s1, v3;
	s1 =	simm.s32 $0x4440;
	v17 =	vor.u32 s8, v3;
	v18 =	vld [tilespmem:s25+$0xFFFFFFE0];
	v6 =	vmul.f32 v59, v57;
	[tilespmem:s22+$0xFFFFFFF0] =	vst v7  }
0xf4: {  	s11 =	simm.s32 $0x18;
	s3 =	simm.s32 $0x5440;
	v23 =	vld [tilespmem:s1+$0x30];
	v12 =	vor.u32 s2, v3;
	v14 =	vor.u32 s19, v3;
	[tilespmem:s10+$0xFFFFFF20] =	vst v25  }
0xf5: {  	s16 =	simm.s32 $0x10;
	s2 =	simm.s32 $0x600;
	v7 =	vor.u32 s21, v3;
	v25 =	vld [tilespmem:s3+$0x30];
	s21 =	simm.s32 $0x6600;
	[tilespmem:s10+$0xF0] =	vst v6;
	v6 =	vor.u32 s31, v3  }
.LBB2_3:
0xf6: {  	p1 =	slt.u32 s11, $0x78;
	v26 =	vld [tilespmem:s3+$0xFFFFFFC0];
	v20 =	vmul.f32 v20, v24  }
0xf7: {  	v24 =	vld [tilespmem:s1+$0xFFFFFFD0];
	v19 =	vmul.f32 v19, v22  }
0xf8: {  	v22 =	vld [tilespmem:s3+$0xFFFFFFD0];
	[tilespmem:s10+$0xFFFFFF60] =	vst v20;
	v18 =	vmul.f32 v18, v21  }
0xf9: {  	v20 =	vld [tilespmem:s1+$0xFFFFFFE0];
	[tilespmem:s10+$0xFFFFFFA0] =	vst v19  }
0xfa: {  	v19 =	vld [tilespmem:s3+$0xFFFFFFE0];
	v21 =	vadd.f32 v25, v23;
	[tilespmem:s10+$0xFFFFFFE0] =	vst v18  }
0xfb: {  	v18 =	vld [tilespmem:s1+$0xFFFFFFF0]  }
0xfc: {  	v23 =	vld [tilespmem:s3+$0xFFFFFFF0];
	v25 =	vmul.f32 $2.000000030e-01, v21  }
0xfd: {  	vm0 =	vge.f32 v21, $0.0e+00;
	v22 =	vadd.f32 v22, v24;
	v24 =	vld [tilespmem:s1+$0x0]  }
0xfe: {  	v27 =	vld [tilespmem:s3+$0x0];
	v21 =	vsel vm0, v21, v25  }
0xff: {  	v25 =	vmul.f32 $2.000000030e-01, v22;
	v19 =	vadd.f32 v19, v20;
	v20 =	vld [tilespmem:s1+$0x10];
	v21 =	vsub.f32 v21, v4  }
0x100: {  	vm0 =	vge.f32 v22, $0.0e+00;
	v28 =	vld [tilespmem:s3+$0x10]  }
0x101: {  	v29 =	vmul.f32 $2.000000030e-01, v19;
	v18 =	vadd.f32 v23, v18;
	v23 =	vld [tilespmem:s1+$0x20];
	v21 =	vmul.f32 $1.442695020e+00, v21  }
0x102: {  	v22 =	vsel vm0, v22, v25;
	vm0 =	vge.f32 v19, $0.0e+00;
	v25 =	vld [tilespmem:s3+$0x20]  }
0x103: {  	v30 =	vld [tilespmem:s1+$0xFFFFFFC0];
	v31 =	vmul.f32 $2.000000030e-01, v18;
	v24 =	vadd.f32 v27, v24;
	(erf) = vpow2.f32 v21  }
0x104: {  	v21 =	vsub.f32 v22, v4;
	v19 =	vsel vm0, v19, v29;
	vm0 =	vge.f32 v18, $0.0e+00;
	v29 =	vld [tilespmem:s25+$0x20]  }
0x105: {  	vm1 =	vge.f32 v24, $0.0e+00;
	v22 =	vmul.f32 $2.000000030e-01, v24;
	v20 =	vadd.f32 v28, v20;
	v28 =	vld [tilespmem:s25+$0x60]  }
0x106: {  	v19 =	vsub.f32 v19, v4;
	v21 =	vmul.f32 $1.442695020e+00, v21;
	v18 =	vsel vm0, v18, v31;
	v31 =	vld [tilespmem:s25+$0xA0]  }
0x107: {  	s19 =	sshll.u32 s16, $0x4;
	s16 =	smov.u32 s11;
	vm0 =	vge.f32 v20, $0.0e+00;
	v27 =	vmul.f32 $2.000000030e-01, v20;
	v23 =	vadd.f32 v25, v23;
	v17 =	vld.idx.msk [tilespmem:v17+s26+$0x0], $0xffff  }
0x108: {  	s5 =	sadd.s32 $0x10, s19;
	s4 =	sadd.s32 $0x20, s19;
	s18 =	sadd.s32 $0x70, s19;
	v18 =	vsub.f32 v18, v4;
	v22 =	vsel vm1, v24, v22;
	v25 =	vadd.f32 v26, v30;
	v30 =	vld.idx.msk [tilespmem:v15+s26+$0x0], $0xffff  }
0x109: {  	s8 =	sadd.s32 $0x30, s19;
	s31 =	sadd.s32 $0x40, s19;
	s0 =	sadd.s32 $0x50, s19;
	v24 =	vor.u32 s18, v0;
	vm1 =	vge.f32 v23, $0.0e+00;
	v15 =	vmul.f32 $2.000000030e-01, v23;
	v32 =	vld.idx.msk [tilespmem:v16+s26+$0x0], $0xffff  }
0x10a: {  	s14 =	sadd.s32 $0x60, s19;
	v20 =	vsel vm0, v20, v27;
	vm2 =	vge.f32 v25, $0.0e+00;
	v16 =	vmul.f32 $2.000000030e-01, v25;
	v33 =	vld.idx.msk [tilespmem:v14+s26+$0x0], $0xffff  }
0x10b: {  	v14 =	vsub.f32 v22, v4;
	v20 =	vsub.f32 v20, v4;
	v15 =	vsel vm1, v23, v15;
	v34 =	vld.idx.msk [tilespmem:v13+s26+$0x0], $0xffff  }
0x10c: {  	s29 =	sadd.s32 $0x80, s29;
	v23 =	vsel vm2, v25, v16;
	v16 =	vmul.f32 $1.442695020e+00, v19;
	v15 =	vsub.f32 v15, v4;
	v19 =	vpop (erf);
	v35 =	vld.idx.msk [tilespmem:v12+s26+$0x0], $0xffff  }
0x10d: {  	v18 =	vmul.f32 $1.442695020e+00, v18;
	v13 =	vmovc v7;
	v14 =	vmul.f32 $1.442695020e+00, v14;
	v22 =	vsub.f32 v23, v4;
	[tilespmem:s29+$0x30] =	vst v19;
	v36 =	vld.idx.msk [tilespmem:v11+s26+$0x0], $0xffff  }
0x10e: {  	s25 =	sadd.s32 $0x200, s25;
	v7 =	vor.u32 s5, v0;
	v12 =	vmovc v5;
	v19 =	vmul.f32 $1.442695020e+00, v20;
	v11 =	vmovc v6;
	v15 =	vmul.f32 $1.442695020e+00, v15;
	v20 =	vld.idx.msk [tilespmem:v24+s26+$0x0], $0xffff  }
0x10f: {  	v6 =	vor.u32 s4, v0;
	v5 =	vmul.f32 $1.442695020e+00, v22;
	v22 =	vld [tilespmem:s25+$0xC0];
	(erf) = vpow2.f32 v21  }
0x110: {  	v37 =	vor.u32 s8, v0;
	v38 =	vor.u32 s31, v0;
	(erf) = vpow2.f32 v16;
	v39 =	vld [tilespmem:s2+$0xFFFFFF30]  }
0x111: {  	v40 =	vor.u32 s0, v0;
	v41 =	vor.u32 s14, v0;
	(erf) = vpow2.f32 v5;
	v42 =	vld [tilespmem:s2+$0xFFFFFF70]  }
0x112: {  	v16 =	vor.u32 s18, v1;
	v5 =	vor.u32 s19, v0;
	(erf) = vpow2.f32 v18;
	v43 =	vld [tilespmem:s2+$0xFFFFFFB0]  }
0x113: {  	v44 =	vor.u32 s5, v1;
	v26 =	vor.u32 s4, v1;
	(erf) = vpow2.f32 v14;
	v45 =	vld [tilespmem:s2+$0xFFFFFFF0]  }
0x114: {  	v46 =	vor.u32 s8, v1;
	v14 =	vmul.f32 v22, v20;
	(erf) = vpow2.f32 v19;
	v47 =	vld [tilespmem:s13+$0x30]  }
0x115: {  	v48 =	vor.u32 s31, v1;
	s10 =	sadd.s32 $0x200, s10;
	v25 =	vor.u32 s0, v1;
	(erf) = vpow2.f32 v15;
	v49 =	vld [tilespmem:s13+$0x70]  }
0x116: {  	v50 =	vor.u32 s19, v1;
	v27 =	vor.u32 s14, v1;
	v22 =	vor.u32 s5, v2;
	[tilespmem:s10+$0xC0] =	vst v14  }
0x117: {  	v23 =	vor.u32 s4, v2;
	v21 =	vor.u32 s8, v2;
	v19 =	vor.u32 s31, v2;
	v51 =	vld.idx.msk [tilespmem:v16+s26+$0x0], $0xffff  }
0x118: {  	v24 =	vor.u32 s19, v2;
	v18 =	vor.u32 s14, v2;
	v20 =	vor.u32 s0, v2;
	v52 =	vld [tilespmem:s25+$0xD0];
	v14 =	vpop (erf)  }
0x119: {  	v9 =	vmul.f32 v29, v9;
	v10 =	vmul.f32 v28, v10;
	v15 =	vor.u32 s5, v3;
	[tilespmem:s29+$0xFFFFFFD0] =	vst v14;
	v14 =	vpop (erf);
	v28 =	vld [tilespmem:s13+$0xB0];
	s13 =	smov.u32 s2;
	s2 =	smov.u32 s25  }
0x11a: {  	v8 =	vmul.f32 v31, v8;
	v16 =	vor.u32 s4, v3;
	v29 =	vld.idx.msk [tilespmem:v7+s26+$0x0], $0xffff;
	[tilespmem:s29+$0xFFFFFFE0] =	vst v14;
	v14 =	vor.u32 s8, v3;
	v7 =	vpop (erf)  }
0x11b: {  	v53 =	vor.u32 s18, v2;
	v39 =	vmul.f32 v39, v17;
	[tilespmem:s29+$0xFFFFFFC0] =	vst v7;
	v31 =	vld.idx.msk [tilespmem:v6+s26+$0x0], $0xffff;
	v7 =	vor.u32 s31, v3;
	v6 =	vpop (erf)  }
0x11c: {  	v30 =	vmul.f32 v42, v30;
	v54 =	vld.idx.msk [tilespmem:v5+s26+$0x0], $0xffff;
	[tilespmem:s29+$0xFFFFFFF0] =	vst v6;
	v5 =	vor.u32 s0, v3;
	v6 =	vor.u32 s14, v3;
	v55 =	vpop (erf)  }
0x11d: {  	v17 =	vor.u32 s19, v3;
	v32 =	vmul.f32 v43, v32;
	v37 =	vld.idx.msk [tilespmem:v37+s26+$0x0], $0xffff;
	[tilespmem:s29+$0x0] =	vst v55;
	v42 =	vmul.f32 v52, v51;
	v51 =	vpop (erf)  }
0x11e: {  	v33 =	vmul.f32 v45, v33;
	v34 =	vmul.f32 v47, v34;
	v38 =	vld.idx.msk [tilespmem:v38+s26+$0x0], $0xffff;
	[tilespmem:s29+$0x10] =	vst v51;
	v43 =	vpop (erf)  }
0x11f: {  	v35 =	vmul.f32 v49, v35;
	v28 =	vmul.f32 v28, v36;
	v40 =	vld.idx.msk [tilespmem:v40+s26+$0x0], $0xffff;
	[tilespmem:s10+$0xD0] =	vst v42  }
0x120: {  	[tilespmem:s29+$0x20] =	vst v43;
	v36 =	vld.idx.msk [tilespmem:v53+s26+$0x0], $0xffff  }
0x121: {  	v42 =	vld [tilespmem:s25+$0xE0];
	[tilespmem:s21+$0x20] =	vst v9  }
0x122: {  	v9 =	vld.idx.msk [tilespmem:v41+s26+$0x0], $0xffff;
	[tilespmem:s21+$0x60] =	vst v10  }
0x123: {  	v10 =	vld [tilespmem:s25+$0xFFFFFF00];
	[tilespmem:s21+$0xA0] =	vst v8  }
0x124: {  	v41 =	vor.u32 s18, v3;
	v8 =	vld [tilespmem:s25+$0xFFFFFF40];
	[tilespmem:s21+$0xFFFFFF30] =	vst v39  }
0x125: {  	v39 =	vld [tilespmem:s25+$0xFFFFFF80];
	[tilespmem:s21+$0xFFFFFF70] =	vst v30  }
0x126: {  	v30 =	vld [tilespmem:s25+$0xFFFFFFC0];
	v36 =	vmul.f32 v42, v36;
	[tilespmem:s21+$0xFFFFFFB0] =	vst v32  }
0x127: {  	v32 =	vld [tilespmem:s25+$0x0];
	[tilespmem:s21+$0xFFFFFFF0] =	vst v33  }
0x128: {  	v10 =	vmul.f32 v10, v54;
	v33 =	vld [tilespmem:s25+$0x40];
	[tilespmem:s10+$0xE0] =	vst v36  }
0x129: {  	v8 =	vmul.f32 v8, v29;
	v29 =	vld.idx.msk [tilespmem:v41+s26+$0x0], $0xffff;
	[tilespmem:s22+$0x30] =	vst v34  }
0x12a: {  	[tilespmem:s10+$0xFFFFFF00] =	vst v10;
	v10 =	vmul.f32 v39, v31;
	v31 =	vld [tilespmem:s25+$0xF0]  }
0x12b: {  	[tilespmem:s10+$0xFFFFFF40] =	vst v8;
	v8 =	vmul.f32 v30, v37;
	v30 =	vld [tilespmem:s25+$0x80]  }
0x12c: {  	v34 =	vld.idx.msk [tilespmem:v50+s26+$0x0], $0xffff;
	[tilespmem:s10+$0xFFFFFF80] =	vst v10;
	v10 =	vmul.f32 v32, v38  }
0x12d: {  	v32 =	vld.idx.msk [tilespmem:v44+s26+$0x0], $0xffff;
	[tilespmem:s10+$0xFFFFFFC0] =	vst v8;
	v8 =	vmul.f32 v33, v40  }
0x12e: {  	v26 =	vld.idx.msk [tilespmem:v26+s26+$0x0], $0xffff;
	[tilespmem:s10+$0x0] =	vst v10  }
0x12f: {  	v10 =	vld.idx.msk [tilespmem:v46+s26+$0x0], $0xffff;
	[tilespmem:s10+$0x40] =	vst v8;
	v8 =	vmul.f32 v31, v29  }
0x130: {  	v29 =	vld.idx.msk [tilespmem:v48+s26+$0x0], $0xffff;
	v9 =	vmul.f32 v30, v9;
	[tilespmem:s22+$0x70] =	vst v35  }
0x131: {  	v25 =	vld.idx.msk [tilespmem:v25+s26+$0x0], $0xffff;
	[tilespmem:s10+$0xF0] =	vst v8  }
0x132: {  	v8 =	vld [tilespmem:s25+$0xFFFFFF10];
	[tilespmem:s10+$0x80] =	vst v9  }
0x133: {  	v9 =	vld.idx.msk [tilespmem:v27+s26+$0x0], $0xffff;
	[tilespmem:s22+$0xB0] =	vst v28;
	s22 =	smov.u32 s21;
	s21 =	smov.u32 s10  }
0x134: {  	v27 =	vld [tilespmem:s25+$0xFFFFFF50]  }
0x135: {  	v28 =	vld [tilespmem:s25+$0xFFFFFF90]  }
0x136: {  	v30 =	vld [tilespmem:s25+$0xFFFFFFD0]  }
0x137: {  	v8 =	vmul.f32 v8, v34;
	v31 =	vld [tilespmem:s25+$0x10]  }
0x138: {  	v33 =	vld [tilespmem:s25+$0x50]  }
0x139: {  	[tilespmem:s10+$0xFFFFFF10] =	vst v8;
	v8 =	vmul.f32 v27, v32;
	v27 =	vld [tilespmem:s25+$0x90]  }
0x13a: {  	v32 =	vld.idx.msk [tilespmem:v24+s26+$0x0], $0xffff;
	v26 =	vmul.f32 v28, v26  }
0x13b: {  	v28 =	vld [tilespmem:s25+$0xFFFFFF20];
	[tilespmem:s10+$0xFFFFFF50] =	vst v8;
	v8 =	vmul.f32 v30, v10  }
0x13c: {  	v24 =	vld.idx.msk [tilespmem:v22+s26+$0x0], $0xffff;
	[tilespmem:s10+$0xFFFFFF90] =	vst v26;
	v10 =	vmul.f32 v31, v29  }
0x13d: {  	v22 =	vld.idx.msk [tilespmem:v23+s26+$0x0], $0xffff;
	[tilespmem:s10+$0xFFFFFFD0] =	vst v8;
	v8 =	vmul.f32 v33, v25  }
0x13e: {  	v21 =	vld.idx.msk [tilespmem:v21+s26+$0x0], $0xffff;
	[tilespmem:s10+$0x10] =	vst v10;
	v23 =	vmul.f32 v27, v9  }
0x13f: {  	v9 =	vld.idx.msk [tilespmem:v19+s26+$0x0], $0xffff;
	[tilespmem:s10+$0x50] =	vst v8  }
0x140: {  	v19 =	vmul.f32 v28, v32;
	v10 =	vld.idx.msk [tilespmem:v20+s26+$0x0], $0xffff;
	[tilespmem:s10+$0x90] =	vst v23  }
0x141: {  	v8 =	vld.idx.msk [tilespmem:v18+s26+$0x0], $0xffff  }
.Ltmp0:
0x142: {  	[tilespmem:s10+$0xFFFFFF20] =	vst v19;
	v20 =	vld [tilespmem:s25+$0xFFFFFF60];
	(pc) =	sbr.rel @p1 .LBB2_3-.Ltmp0, $4  }
0x143: {  	v19 =	vld [tilespmem:s25+$0xFFFFFFA0]  }
0x144: {  	s1 =	sadd.s32 $0x80, s1;
	v18 =	vld [tilespmem:s25+$0xFFFFFFE0]  }
0x145: {  	s3 =	sadd.s32 $0x80, s3;
	v23 =	vld [tilespmem:s1+$0x30]  }
0x146: {  	s11 =	sadd.s32 $0x8, s11;
	v25 =	vld [tilespmem:s3+$0x30]  }
0x147: {  	v26 =	vld [tilespmem:s3+$0xFFFFFFC0]  }
0x148: {  	v27 =	vld [tilespmem:s1+$0xFFFFFFD0]  }
0x149: {  	v28 =	vld [tilespmem:s3+$0xFFFFFFD0]  }
0x14a: {  	v29 =	vld [tilespmem:s1+$0xFFFFFFE0]  }
0x14b: {  	v30 =	vld [tilespmem:s1+$0xFFFFFFF0]  }
0x14c: {  	v32 =	vld [tilespmem:s3+$0xFFFFFFF0]  }
0x14d: {  	v33 =	vld [tilespmem:s1+$0x0]  }
0x14e: {  	v50 =	vld [tilespmem:s3+$0x0];
	v23 =	vadd.f32 v25, v23  }
0x14f: {  	v34 =	vld [tilespmem:s1+$0x10]  }
0x150: {  	v51 =	vld [tilespmem:s3+$0x10];
	v31 =	vmul.f32 $2.000000030e-01, v23  }
0x151: {  	v52 =	vld [tilespmem:s1+$0xFFFFFFC0];
	vm0 =	vge.f32 v23, $0.0e+00  }
0x152: {  	v22 =	vmul.f32 v19, v22;
	v19 =	vld [tilespmem:s25+$0x60];
	v23 =	vsel vm0, v23, v31  }
0x153: {  	v25 =	vld [tilespmem:s3+$0xFFFFFFE0];
	v23 =	vsub.f32 v23, v4  }
0x154: {  	v24 =	vmul.f32 v20, v24;
	v35 =	vld [tilespmem:s1+$0x20];
	s11 =	sshll.u32 s16, $0x4  }
0x155: {  	s8 =	sadd.s32 $0x70, s11;
	v21 =	vmul.f32 v18, v21;
	v18 =	vld [tilespmem:s25+$0x20];
	v23 =	vmul.f32 $1.442695020e+00, v23  }
0x156: {  	v53 =	vld [tilespmem:s3+$0x20];
	v57 =	vor.u32 s8, v0;
	v27 =	vadd.f32 v28, v27;
	v26 =	vadd.f32 v26, v52  }
0x157: {  	v17 =	vld.idx.msk [tilespmem:v17+s26+$0x0], $0xffff;
	[tilespmem:s10+$0xFFFFFFA0] =	vst v22;
	v22 =	vadd.f32 v51, v34;
	v10 =	vmul.f32 v19, v10;
	(erf) = vpow2.f32 v23  }
0x158: {  	v13 =	vld.idx.msk [tilespmem:v13+s26+$0x0], $0xffff;
	v20 =	vmul.f32 $2.000000030e-01, v27;
	vm7 =	vge.f32 v27, $0.0e+00;
	v25 =	vadd.f32 v25, v29  }
0x159: {  	v12 =	vld.idx.msk [tilespmem:v12+s26+$0x0], $0xffff;
	vm10 =	vge.f32 v22, $0.0e+00;
	vm2 =	vge.f32 v26, $0.0e+00;
	v58 =	vmul.f32 $2.000000030e-01, v22  }
0x15a: {  	v11 =	vld.idx.msk [tilespmem:v11+s26+$0x0], $0xffff;
	[tilespmem:s10+$0xFFFFFF60] =	vst v24;
	v9 =	vmul.f32 v18, v9;
	v31 =	vadd.f32 v50, v33;
	v54 =	vmul.f32 $2.000000030e-01, v25  }
0x15b: {  	v15 =	vld.idx.msk [tilespmem:v15+s26+$0x0], $0xffff;
	v20 =	vsel vm7, v27, v20;
	v22 =	vsel vm10, v22, v58;
	vm8 =	vge.f32 v25, $0.0e+00  }
0x15c: {  	v55 =	vsub.f32 v20, v4;
	v20 =	vld [tilespmem:s25+$0xA0];
	v24 =	vmul.f32 $2.000000030e-01, v31;
	v25 =	vsel vm8, v25, v54  }
0x15d: {  	[tilespmem:s10+$0xFFFFFFE0] =	vst v21;
	v16 =	vld.idx.msk [tilespmem:v16+s26+$0x0], $0xffff;
	v23 =	vadd.f32 v32, v30;
	v21 =	vsub.f32 v25, v4;
	v25 =	vmul.f32 $2.000000030e-01, v26  }
0x15e: {  	v14 =	vld.idx.msk [tilespmem:v14+s26+$0x0], $0xffff;
	[tilespmem:s21+$0x60] =	vst v10;
	vm1 =	vge.f32 v31, $0.0e+00;
	v22 =	vsub.f32 v22, v4;
	v56 =	vmul.f32 $1.442695020e+00, v55  }
0x15f: {  	[tilespmem:s21+$0x20] =	vst v9;
	v5 =	vld.idx.msk [tilespmem:v5+s26+$0x0], $0xffff;
	v24 =	vsel vm1, v31, v24;
	v27 =	vmul.f32 $2.000000030e-01, v23;
	v25 =	vsel vm2, v26, v25  }
0x160: {  	s5 =	sadd.s32 $0x80, s29;
	v7 =	vld.idx.msk [tilespmem:v7+s26+$0x0], $0xffff;
	v60 =	vmul.f32 $1.442695020e+00, v22;
	vm9 =	vge.f32 v23, $0.0e+00;
	v25 =	vsub.f32 v25, v4;
	v26 =	vpop (erf)  }
0x161: {  	v22 =	vld [tilespmem:s2+$0xFFFFFF70];
	v8 =	vmul.f32 v20, v8;
	v23 =	vsel vm9, v23, v27;
	v27 =	vadd.f32 v53, v35;
	[tilespmem:s5+$0x30] =	vst v26  }
0x162: {  	s19 =	sadd.s32 $0x200, s25;
	v21 =	vmul.f32 $1.442695020e+00, v21;
	v23 =	vsub.f32 v23, v4;
	v25 =	vmul.f32 $1.442695020e+00, v25;
	v29 =	vld.idx.msk [tilespmem:v57+s26+$0x0], $0xffff  }
0x163: {  	v24 =	vsub.f32 v24, v4;
	[tilespmem:s21+$0xA0] =	vst v8;
	(erf) = vpow2.f32 v56;
	v26 =	vmul.f32 $2.000000030e-01, v27;
	v59 =	vld [tilespmem:s19+$0xC0]  }
0x164: {  	v6 =	vld.idx.msk [tilespmem:v6+s26+$0x0], $0xffff;
	vm11 =	vge.f32 v27, $0.0e+00;
	v23 =	vmul.f32 $1.442695020e+00, v23;
	(erf) = vpow2.f32 v21  }
0x165: {  	(erf) = vpow2.f32 v25;
	v26 =	vsel vm11, v27, v26;
	v27 =	vmul.f32 $1.442695020e+00, v24;
	v24 =	vld [tilespmem:s2+$0xFFFFFFB0]  }
0x166: {  	v61 =	vor.u32 s8, v1;
	v21 =	vld [tilespmem:s2+$0xFFFFFF30];
	(erf) = vpow2.f32 v23;
	v23 =	vsub.f32 v26, v4  }
0x167: {  	v26 =	vld [tilespmem:s13+$0x70]  }
0x168: {  	v25 =	vld [tilespmem:s2+$0xFFFFFFF0];
	v23 =	vmul.f32 $1.442695020e+00, v23;
	v29 =	vmul.f32 v59, v29  }
0x169: {  	s0 =	sadd.s32 $0x10, s11;
	s25 =	sadd.s32 $0x200, s10;
	(erf) = vpow2.f32 v27;
	v27 =	vld [tilespmem:s13+$0x30]  }
0x16a: {  	v62 =	vor.u32 s0, v0;
	v8 =	vmul.f32 v24, v16;
	v24 =	vld [tilespmem:s2+$0xB0];
	[tilespmem:s25+$0xC0] =	vst v29  }
0x16b: {  	s4 =	sadd.s32 $0x20, s11;
	(erf) = vpow2.f32 v60;
	v31 =	vld.idx.msk [tilespmem:v61+s26+$0x0], $0xffff  }
0x16c: {  	v63 =	vor.u32 s4, v0;
	(erf) = vpow2.f32 v23;
	v12 =	vmul.f32 v26, v12;
	v42 =	vld [tilespmem:s19+$0xD0];
	v23 =	vpop (erf)  }
0x16d: {  	v40 =	vor.u32 s11, v0;
	[tilespmem:s5+$0xFFFFFFD0] =	vst v23;
	v23 =	vld [tilespmem:s13+$0xB0]  }
0x16e: {  	[tilespmem:s22+$0x70] =	vst v12;
	v12 =	vld [tilespmem:s2+$0x30]  }
0x16f: {  	s18 =	sadd.s32 $0x30, s11;
	v44 =	vpop (erf);
	v28 =	vld.idx.msk [tilespmem:v62+s26+$0x0], $0xffff  }
0x170: {  	v41 =	vor.u32 s18, v0;
	[tilespmem:s5+$0xFFFFFFE0] =	vst v44;
	v45 =	vpop (erf);
	v53 =	vld [tilespmem:s19+$0xFFFFFF40]  }
0x171: {  	s9 =	sadd.s32 $0x40, s11;
	[tilespmem:s5+$0xFFFFFFC0] =	vst v45;
	v30 =	vld.idx.msk [tilespmem:v63+s26+$0x0], $0xffff  }
0x172: {  	v43 =	vor.u32 s9, v0;
	v29 =	vld.idx.msk [tilespmem:v40+s26+$0x0], $0xffff  }
0x173: {  	s16 =	sadd.s32 $0x50, s11;
	v37 =	vpop (erf);
	v52 =	vld [tilespmem:s19+$0xFFFFFF00]  }
0x174: {  	v36 =	vor.u32 s16, v0;
	[tilespmem:s5+$0xFFFFFFF0] =	vst v37;
	v40 =	vld [tilespmem:s19+$0xFFFFFF80]  }
0x175: {  	v47 =	vpop (erf);
	v32 =	vld.idx.msk [tilespmem:v41+s26+$0x0], $0xffff  }
0x176: {  	v46 =	vor.u32 s8, v2;
	[tilespmem:s5+$0x0] =	vst v47;
	v41 =	vld [tilespmem:s19+$0xFFFFFFC0]  }
0x177: {  	s14 =	sadd.s32 $0x60, s11;
	v48 =	vpop (erf);
	v34 =	vld.idx.msk [tilespmem:v43+s26+$0x0], $0xffff  }
0x178: {  	v38 =	vor.u32 s14, v0;
	v31 =	vmul.f32 v42, v31;
	[tilespmem:s5+$0x10] =	vst v48;
	v42 =	vld [tilespmem:s19+$0x0]  }
0x179: {  	v33 =	vld.idx.msk [tilespmem:v36+s26+$0x0], $0xffff  }
0x17a: {  	v43 =	vor.u32 s0, v1;
	[tilespmem:s25+$0xD0] =	vst v31;
	v44 =	vld [tilespmem:s19+$0x40]  }
0x17b: {  	v54 =	vor.u32 s11, v1;
	v49 =	vpop (erf);
	v35 =	vld.idx.msk [tilespmem:v46+s26+$0x0], $0xffff  }
0x17c: {  	v28 =	vmul.f32 v53, v28;
	[tilespmem:s5+$0x20] =	vst v49;
	v50 =	vld [tilespmem:s19+$0xE0]  }
0x17d: {  	v56 =	vor.u32 s18, v1;
	v51 =	vld.idx.msk [tilespmem:v38+s26+$0x0], $0xffff;
	v29 =	vmul.f32 v52, v29  }
0x17e: {  	v57 =	vmul.f32 v40, v30;
	v58 =	vld [tilespmem:s19+$0x80];
	[tilespmem:s25+$0xFFFFFF40] =	vst v28  }
0x17f: {  	v60 =	vmul.f32 v41, v32;
	[tilespmem:s25+$0xFFFFFF00] =	vst v29;
	v63 =	vld.idx.msk [tilespmem:v43+s26+$0x0], $0xffff  }
0x180: {  	v45 =	vor.u32 s9, v1;
	[tilespmem:s25+$0xFFFFFF80] =	vst v57;
	v61 =	vld.idx.msk [tilespmem:v54+s26+$0x0], $0xffff  }
0x181: {  	[tilespmem:s25+$0xFFFFFFC0] =	vst v60;
	v53 =	vld [tilespmem:s19+$0xFFFFFF90]  }
0x182: {  	v62 =	vmul.f32 v42, v34;
	v29 =	vld.idx.msk [tilespmem:v56+s26+$0x0], $0xffff  }
0x183: {  	v55 =	vor.u32 s4, v1;
	v31 =	vmul.f32 v50, v35;
	v50 =	vld [tilespmem:s19+$0xFFFFFF10]  }
0x184: {  	v59 =	vor.u32 s16, v1;
	[tilespmem:s25+$0x0] =	vst v62;
	v54 =	vld [tilespmem:s19+$0xFFFFFFD0]  }
0x185: {  	v47 =	vmul.f32 v44, v33;
	v48 =	vld.idx.msk [tilespmem:v45+s26+$0x0], $0xffff  }
0x186: {  	v39 =	vor.u32 s8, v3;
	v30 =	vmul.f32 v58, v51;
	v51 =	vld [tilespmem:s19+$0xFFFFFF50]  }
0x187: {  	[tilespmem:s25+$0x40] =	vst v47;
	v56 =	vld [tilespmem:s19+$0x10]  }
0x188: {  	v46 =	vor.u32 s14, v1;
	[tilespmem:s25+$0xE0] =	vst v31;
	v31 =	vld.idx.msk [tilespmem:v55+s26+$0x0], $0xffff  }
0x189: {  	v49 =	vld.idx.msk [tilespmem:v59+s26+$0x0], $0xffff  }
0x18a: {  	v52 =	vor.u32 s11, v2;
	v58 =	vld [tilespmem:s19+$0x50]  }
0x18b: {  	v37 =	vld.idx.msk [tilespmem:v39+s26+$0x0], $0xffff  }
0x18c: {  	v59 =	vor.u32 s18, v2;
	v38 =	vld [tilespmem:s19+$0xF0];
	[tilespmem:s25+$0x80] =	vst v30;
	v32 =	vmul.f32 v50, v61  }
0x18d: {  	v30 =	vld.idx.msk [tilespmem:v46+s26+$0x0], $0xffff  }
0x18e: {  	v55 =	vor.u32 s0, v2;
	v61 =	vld [tilespmem:s19+$0x90];
	v29 =	vmul.f32 v54, v29;
	[tilespmem:s25+$0xFFFFFF10] =	vst v32  }
0x18f: {  	v62 =	vor.u32 s9, v2;
	v39 =	vld.idx.msk [tilespmem:v52+s26+$0x0], $0xffff  }
0x190: {  	v60 =	vmul.f32 v51, v63;
	[tilespmem:s25+$0xFFFFFFD0] =	vst v29;
	v46 =	vld [tilespmem:s19+$0xFFFFFF20]  }
0x191: {  	v28 =	vmul.f32 v56, v48;
	v48 =	vld.idx.msk [tilespmem:v59+s26+$0x0], $0xffff  }
0x192: {  	v57 =	vor.u32 s4, v2;
	v31 =	vmul.f32 v53, v31;
	[tilespmem:s25+$0xFFFFFF50] =	vst v60;
	v53 =	vld [tilespmem:s19+$0xFFFFFFE0]  }
0x193: {  	[tilespmem:s25+$0x10] =	vst v28;
	v32 =	vld.idx.msk [tilespmem:v55+s26+$0x0], $0xffff  }
0x194: {  	v35 =	vld.idx.msk [tilespmem:v62+s26+$0x0], $0xffff  }
0x195: {  	v13 =	vmul.f32 v27, v13;
	v50 =	vld [tilespmem:s19+$0xFFFFFF60]  }
0x196: {  	v63 =	vor.u32 s16, v2;
	v47 =	vmul.f32 v58, v49;
	[tilespmem:s25+$0xFFFFFF90] =	vst v31;
	v56 =	vld [tilespmem:s19+$0x20]  }
0x197: {  	[tilespmem:s22+$0x30] =	vst v13;
	v49 =	vor.u32 s14, v2;
	v31 =	vld.idx.msk [tilespmem:v57+s26+$0x0], $0xffff  }
0x198: {  	v13 =	vmul.f32 v38, v37;
	[tilespmem:s25+$0x50] =	vst v47;
	v51 =	vld [tilespmem:s19+$0xFFFFFFA0]  }
0x199: {  	v52 =	vor.u32 s11, v3;
	v30 =	vmul.f32 v61, v30;
	v58 =	vld [tilespmem:s19+$0x60]  }
0x19a: {  	v57 =	vor.u32 s18, v3;
	[tilespmem:s25+$0xF0] =	vst v13;
	v13 =	vld [tilespmem:s2+$0x70]  }
0x19b: {  	v29 =	vld.idx.msk [tilespmem:v63+s26+$0x0], $0xffff;
	[tilespmem:s25+$0x90] =	vst v30;
	v39 =	vmul.f32 v46, v39  }
0x19c: {  	v28 =	vld.idx.msk [tilespmem:v49+s26+$0x0], $0xffff;
	v30 =	vmul.f32 v53, v48  }
0x19d: {  	v10 =	vmul.f32 v22, v15;
	v54 =	vor.u32 s0, v3;
	v59 =	vld [tilespmem:s19+$0xA0];
	[tilespmem:s25+$0xFFFFFF20] =	vst v39  }
0x19e: {  	v17 =	vmul.f32 v21, v17;
	[tilespmem:s25+$0xFFFFFFE0] =	vst v30;
	v60 =	vld.idx.msk [tilespmem:v52+s26+$0x0], $0xffff  }
0x19f: {  	v15 =	vor.u32 s9, v3;
	[tilespmem:s21+$0xFFFFFF70] =	vst v10;
	v32 =	vmul.f32 v50, v32;
	v9 =	vld.idx.msk [tilespmem:v57+s26+$0x0], $0xffff  }
0x1a0: {  	[tilespmem:s21+$0xFFFFFF30] =	vst v17;
	v55 =	vor.u32 s4, v3;
	v10 =	vld [tilespmem:s19+$0xFFFFFF30]  }
0x1a1: {  	v21 =	vmul.f32 v56, v35;
	[tilespmem:s25+$0xFFFFFF60] =	vst v32;
	v17 =	vld [tilespmem:s19+$0xFFFFFFF0]  }
0x1a2: {  	v16 =	vor.u32 s16, v3;
	[tilespmem:s21+$0xFFFFFFB0] =	vst v8;
	v31 =	vmul.f32 v51, v31;
	v18 =	vld.idx.msk [tilespmem:v54+s26+$0x0], $0xffff  }
0x1a3: {  	v20 =	vor.u32 s14, v3;
	v14 =	vmul.f32 v25, v14;
	[tilespmem:s25+$0x20] =	vst v21;
	v8 =	vld [tilespmem:s19+$0xFFFFFF70]  }
0x1a4: {  	v22 =	vmul.f32 v58, v29;
	[tilespmem:s25+$0xFFFFFFA0] =	vst v31;
	v15 =	vld.idx.msk [tilespmem:v15+s26+$0x0], $0xffff  }
0x1a5: {  	[tilespmem:s21+$0xFFFFFFF0] =	vst v14;
	v19 =	vld.idx.msk [tilespmem:v55+s26+$0x0], $0xffff;
	v25 =	vmul.f32 v59, v28  }
0x1a6: {  	v11 =	vmul.f32 v23, v11;
	v14 =	vld [tilespmem:s19+$0xFFFFFFB0];
	[tilespmem:s25+$0x60] =	vst v22  }
0x1a7: {  	v6 =	vmul.f32 v24, v6;
	v16 =	vld.idx.msk [tilespmem:v16+s26+$0x0], $0xffff;
	[tilespmem:s25+$0xA0] =	vst v25  }
0x1a8: {  	[tilespmem:s22+$0xB0] =	vst v11;
	v10 =	vmul.f32 v10, v60;
	v11 =	vld.idx.msk [tilespmem:v20+s26+$0x0], $0xffff  }
0x1a9: {  	[tilespmem:s21+$0xB0] =	vst v6;
	v7 =	vmul.f32 v12, v7;
	v12 =	vld [tilespmem:s19+$0xB0];
	v8 =	vmul.f32 v8, v18  }
0x1aa: {  	[tilespmem:s25+$0xFFFFFF30] =	vst v10;
	v10 =	vld [tilespmem:s19+$0x30]  }
0x1ab: {  	v5 =	vmul.f32 v13, v5;
	[tilespmem:s25+$0xFFFFFF70] =	vst v8;
	v8 =	vld [tilespmem:s19+$0x70]  }
0x1ac: {  	[tilespmem:s21+$0x30] =	vst v7;
	v9 =	vmul.f32 v17, v9  }
0x1ad: {  	[tilespmem:s21+$0x70] =	vst v5;
	v14 =	vmul.f32 v14, v19  }
0x1ae: {  	[tilespmem:s25+$0xFFFFFFF0] =	vst v9;
	v7 =	vmul.f32 v12, v11  }
0x1af: {  	[tilespmem:s25+$0xFFFFFFB0] =	vst v14;
	v5 =	vmul.f32 v10, v15  }
0x1b0: {  	[tilespmem:s25+$0xB0] =	vst v7;
	v6 =	vmul.f32 v8, v16  }
0x1b1: {  	[tilespmem:s25+$0x30] =	vst v5  }
0x1b2: {  	s18 =	simm.s32 $0x200;
	s19 =	simm.s32 $0x6300;
	[tilespmem:s25+$0x70] =	vst v6  }
0x1b3: {  	[spmem:s6] =	stream.indirect.scatter.add.f32 [tilespmem:s19], [sflag:$0x3], $0x40, s18, s28, $0xb8;
	[tilespmem:$0x17890] =	vst v63  }
0x1b4: {  	p1 =	seq.s32 s23, $0x13;
	s0 =	rddreg [dreg:$0x12]  }
0x1b5: {  	s0 =	sadd.s32 @!p1 s20, s0  }
0x1b6: {  	[spmem:s7] =	stream.indirect.scatter.add.f32 [tilespmem:s26], [sflag:$0x3], $0x10, s18, s28, $0xb8;
	[tilespmem:$0x17890] =	vst v63  }
0x1b7: {  	s1 =	rddreg [dreg:$0x8];
	s0 =	sshrl.u32 @!p1 s0, $0x3  }
0x1b8: {  	s2 =	simm.s32 @!p1 $0x0;
	s1 =	sadd.s32 @!p1 s1, s0  }
0x1b9: {  	[tilespmem:s2], [sflag:$0x5] =	stream.linear.gather @!p1 [hbm4b:s1+s2], $0x80, $0x38;
	[tilespmem:$0x17890] =	vst v63  }
0x1ba: {  	s1 =	simm.s32 @!p1 $0x5  }
0x1bb: {  	_ =	swait.ge @!p1 [sflag:s1], $0x80  }
0x1bc: {  	[sflag:s1] =	ssyncset.done @!p1 $0x0;
	s3 =	rddreg [dreg:$0x17]  }
0x1bd: {  	[sflag:s1] =	ssyncadd.s32 @!p1 $0xFFFFFF80;
	s0 =	sadd.s32 @!p1 s3, s0;
	s3 =	simm.s32 @!p1 $0x100  }
0x1be: {  	[tilespmem:s3], [sflag:$0x5] =	stream.linear.gather @!p1 [hbm4b:s0+s2], $0x80, $0x38;
	[tilespmem:$0x17890] =	vst v63  }
0x1bf: {  	_ =	swait.ge @!p1 [sflag:s1], $0x80  }
0x1c0: {  	s0 =	simm.s32 @!p1 $0x80;
	[sflag:s1] =	ssyncset.done @!p1 $0x0  }
0x1c1: {  	s4 =	rddreg [dreg:$0x5];
	[sflag:s1] =	ssyncadd.s32 @!p1 $0xFFFFFF80;
	s1 =	simm.s32 @!p1 $0x300  }
0x1c2: {  	[tilespmem:s1], [sflag:$0x1] =	stream.indirect.gather @!p1 [hbm4b:s4+s0], $0x40, s2, s0, $0xb8;
	[tilespmem:$0x17890] =	vst v63  }
0x1c3: {  	s1 =	simm.s32 @!p1 $0x4300;
	s4 =	rddreg [dreg:$0x6]  }
0x1c4: {  	[tilespmem:s1], [sflag:$0x1] =	stream.indirect.gather @!p1 [hbm4b:s4+s0], $0x10, s2, s0, $0xb8;
	[tilespmem:$0x17890] =	vst v63  }
0x1c5: {  	s1 =	simm.s32 @!p1 $0x5300;
	s2 =	rddreg [dreg:$0x7]  }
0x1c6: {  	[tilespmem:s1], [sflag:$0x1] =	stream.indirect.gather @!p1 [hbm4b:s2+s0], $0x10, s3, s0, $0xb8;
	[tilespmem:$0x17890] =	vst v63  }
0x1c7: {  	_ =	swait.ge [sflag:s12], $0x2000  }
0x1c8: {  	[sflag:s12] =	ssyncset.done $0x0  }
0x1c9: {  	[sflag:s12] =	ssyncadd.s32 $0xFFFFE000  }
0x1ca: {  	_ =	swait.ge [sflag:s12], $0x800  }
0x1cb: {  	[sflag:s12] =	ssyncset.done $0x0  }
0x1cc: {  	[sflag:s12] =	ssyncadd.s32 $0xFFFFF800  }
0x1cd: {  	_ =	swait.ge [sflag:s12], $0x800  }
0x1ce: {  	[sflag:s12] =	ssyncset.done $0x0  }
0x1cf: {  	s0 =	simm.s32 @!p0 $0x4;
	[sflag:s12] =	ssyncadd.s32 $0xFFFFF800  }
0x1d0: {  	_ =	swait.ge @!p0 [sflag:s0], $0x2000  }
0x1d1: {  	[sflag:s0] =	ssyncset.done @!p0 $0x0  }
0x1d2: {  	[sflag:s0] =	ssyncadd.s32 @!p0 $0xFFFFE000  }
0x1d3: {  	_ =	swait.ge @!p0 [sflag:s0], $0x800  }
0x1d4: {  	s29 =	smov.u32 s6;
	[sflag:s0] =	ssyncset.done @!p0 $0x0  }
0x1d5: {  	s21 =	simm.s32 $0x0;
	s6 =	simm.s32 $0x280;
	[sflag:s0] =	ssyncadd.s32 @!p0 $0xFFFFF800  }
0x1d6: {  	[tilespmem:s6], [sflag:$0x5] =	stream.linear.gather [hbm4b:s17+s21], $0x80, $0x38;
	[tilespmem:$0x17890] =	vst v63  }
0x1d7: {  	_ =	swait.ge [sflag:s24], $0x80  }
0x1d8: {  	[sflag:s24] =	ssyncset.done $0x0  }
0x1d9: {  	s22 =	simm.s32 $0x4B70;
	[sflag:s24] =	ssyncadd.s32 $0xFFFFFF80  }
0x1da: {  	s25 =	simm.s32 $0x5B70;
	v5 =	vld [tilespmem:s22+$0x0]  }
0x1db: {  	v6 =	vld [tilespmem:s25+$0x0];
	_ =	sdelay $0x2  }
0x1dc: {  	v9 =	vld [tilespmem:s22+$0xFFFFFFB0]  }
0x1dd: {  	v11 =	vld [tilespmem:s25+$0xFFFFFFB0]  }
0x1de: {  	v5 =	vadd.f32 v6, v5  }
0x1df: {  	v7 =	vld [tilespmem:s25+$0xFFFFFF90]  }
0x1e0: {  	v8 =	vld [tilespmem:s22+$0xFFFFFFA0];
	v10 =	vmul.f32 $2.000000030e-01, v5  }
0x1e1: {  	v6 =	vld [tilespmem:s25+$0xFFFFFFA0];
	vm12 =	vge.f32 v5, $0.0e+00  }
0x1e2: {  	v9 =	vadd.f32 v11, v9;
	v11 =	vld [tilespmem:s22+$0xFFFFFF90];
	v5 =	vsel vm12, v5, v10  }
0x1e3: {  	v12 =	vld [tilespmem:s22+$0xFFFFFFC0];
	v5 =	vsub.f32 v5, v4  }
0x1e4: {  	v13 =	vld [tilespmem:s22+$0xFFFFFFD0]  }
0x1e5: {  	v10 =	vld [tilespmem:s25+$0xFFFFFFC0];
	v5 =	vmul.f32 $1.442695020e+00, v5  }
0x1e6: {  	v6 =	vadd.f32 v6, v8;
	v8 =	vld [tilespmem:s25+$0xFFFFFFD0]  }
0x1e7: {  	v14 =	vld [tilespmem:s22+$0xFFFFFFE0];
	v7 =	vadd.f32 v7, v11;
	(erf) = vpow2.f32 v5  }
0x1e8: {  	s0 =	simm.s32 $0x70;
	v16 =	vld [tilespmem:s22+$0xFFFFFFF0];
	vm14 =	vge.f32 v9, $0.0e+00;
	v15 =	vmul.f32 $2.000000030e-01, v6  }
0x1e9: {  	v11 =	vor.u32 s0, v0;
	vm13 =	vge.f32 v6, $0.0e+00;
	vm6 =	vge.f32 v7, $0.0e+00;
	v5 =	vld [tilespmem:s25+$0xFFFFFFE0]  }
0x1ea: {  	v10 =	vadd.f32 v10, v12;
	v12 =	vmul.f32 $2.000000030e-01, v9;
	v6 =	vsel vm13, v6, v15;
	v15 =	vld [tilespmem:s25+$0xFFFFFFF0]  }
0x1eb: {  	v8 =	vadd.f32 v8, v13;
	v6 =	vsub.f32 v6, v4;
	v13 =	vmul.f32 $2.000000030e-01, v7  }
0x1ec: {  	v17 =	vmul.f32 $2.000000030e-01, v10;
	v9 =	vsel vm14, v9, v12;
	vm15 =	vge.f32 v10, $0.0e+00  }
0x1ed: {  	vm4 =	vge.f32 v8, $0.0e+00;
	v12 =	vmul.f32 $2.000000030e-01, v8;
	v7 =	vsel vm6, v7, v13  }
0x1ee: {  	v6 =	vmul.f32 $1.442695020e+00, v6;
	v9 =	vsub.f32 v9, v4;
	v7 =	vsub.f32 v7, v4  }
0x1ef: {  	v10 =	vsel vm15, v10, v17;
	v5 =	vadd.f32 v5, v14;
	v14 =	vadd.f32 v15, v16  }
0x1f0: {  	s1 =	simm.s32 $0xAB70;
	v10 =	vsub.f32 v10, v4;
	v8 =	vsel vm4, v8, v12;
	v9 =	vmul.f32 $1.442695020e+00, v9;
	v13 =	vpop (erf)  }
0x1f1: {  	(erf) = vpow2.f32 v6;
	v8 =	vsub.f32 v8, v4;
	v15 =	vmul.f32 $2.000000030e-01, v5;
	[tilespmem:s1+$0x0] =	vst v13  }
0x1f2: {  	s13 =	simm.s32 $0x24F0;
	v7 =	vmul.f32 $1.442695020e+00, v7;
	vm5 =	vge.f32 v5, $0.0e+00;
	v12 =	vmul.f32 $2.000000030e-01, v14;
	v11 =	vld.idx.msk [tilespmem:v11+s15+$0x0], $0xffff  }
0x1f3: {  	v6 =	vmul.f32 $1.442695020e+00, v10;
	(erf) = vpow2.f32 v9;
	v5 =	vsel vm5, v5, v15;
	v13 =	vld [tilespmem:s13+$0xFFFFFFD0]  }
0x1f4: {  	v8 =	vmul.f32 $1.442695020e+00, v8;
	(erf) = vpow2.f32 v7;
	v5 =	vsub.f32 v5, v4  }
0x1f5: {  	s22 =	simm.s32 $0x4BF0;
	vm7 =	vge.f32 v14, $0.0e+00;
	v7 =	vor.u32 s0, v1;
	(erf) = vpow2.f32 v6  }
0x1f6: {  	v23 =	vld [tilespmem:s22+$0xFFFFFFA0];
	v9 =	vsel vm7, v14, v12;
	(erf) = vpow2.f32 v8;
	v5 =	vmul.f32 $1.442695020e+00, v5  }
0x1f7: {  	s2 =	simm.s32 $0x10;
	v24 =	vld [tilespmem:s22+$0xFFFFFFB0];
	v6 =	vsub.f32 v9, v4  }
0x1f8: {  	s3 =	simm.s32 $0x20;
	v63 =	vld [tilespmem:s22+$0xFFFFFFC0];
	(erf) = vpow2.f32 v5;
	v5 =	vor.u32 s2, v0;
	v8 =	vmul.f32 v13, v11  }
0x1f9: {  	s17 =	simm.s32 $0x84F0;
	v39 =	vld [tilespmem:s22+$0xFFFFFFF0];
	s25 =	simm.s32 $0x5BF0;
	v9 =	vor.u32 s3, v0;
	v6 =	vmul.f32 $1.442695020e+00, v6  }
0x1fa: {  	v22 =	vld [tilespmem:s25+$0xFFFFFF90];
	[tilespmem:s17+$0xFFFFFFD0] =	vst v8  }
0x1fb: {  	(erf) = vpow2.f32 v6;
	v11 =	vpop (erf);
	v6 =	vld.idx.msk [tilespmem:v7+s15+$0x0], $0xffff  }
0x1fc: {  	s16 =	simm.s32 $0x40;
	[tilespmem:s1+$0xFFFFFFA0] =	vst v11;
	v11 =	vpop (erf);
	v10 =	vld [tilespmem:s13+$0xFFFFFFE0]  }
0x1fd: {  	s31 =	smov.u32 s7;
	s7 =	simm.s32 $0x0;
	v12 =	vor.u32 s16, v0;
	[tilespmem:s1+$0xFFFFFFB0] =	vst v11;
	v11 =	vpop (erf);
	v5 =	vld.idx.msk [tilespmem:v5+s15+$0x0], $0xffff  }
0x1fe: {  	v8 =	vor.u32 s7, v0;
	[tilespmem:s1+$0xFFFFFF90] =	vst v11;
	v9 =	vld.idx.msk [tilespmem:v9+s15+$0x0], $0xffff;
	v14 =	vpop (erf)  }
0x1ff: {  	s14 =	simm.s32 $0x30;
	v17 =	vld [tilespmem:s13+$0xFFFFFE90];
	[tilespmem:s1+$0xFFFFFFC0] =	vst v14;
	v14 =	vpop (erf)  }
0x200: {  	s18 =	simm.s32 $0x50;
	v7 =	vor.u32 s14, v0;
	[tilespmem:s1+$0xFFFFFFD0] =	vst v14;
	v14 =	vld [tilespmem:s13+$0xFFFFFE10]  }
0x201: {  	v13 =	vor.u32 s18, v0;
	v19 =	vld [tilespmem:s13+$0xFFFFFED0]  }
0x202: {  	v11 =	vor.u32 s0, v2;
	v12 =	vld.idx.msk [tilespmem:v12+s15+$0x0], $0xffff  }
0x203: {  	s20 =	simm.s32 $0x60;
	v8 =	vld.idx.msk [tilespmem:v8+s15+$0x0], $0xffff;
	v6 =	vmul.f32 v10, v6  }
0x204: {  	v15 =	vor.u32 s20, v0;
	v20 =	vld [tilespmem:s13+$0xFFFFFF10];
	v10 =	vpop (erf)  }
0x205: {  	v7 =	vld.idx.msk [tilespmem:v7+s15+$0x0], $0xffff;
	[tilespmem:s1+$0xFFFFFFE0] =	vst v10  }
0x206: {  	v10 =	vld.idx.msk [tilespmem:v13+s15+$0x0], $0xffff;
	[tilespmem:s17+$0xFFFFFFE0] =	vst v6  }
0x207: {  	v11 =	vld.idx.msk [tilespmem:v11+s15+$0x0], $0xffff;
	v6 =	vpop (erf)  }
0x208: {  	v8 =	vmul.f32 v14, v8;
	v14 =	vld [tilespmem:s13+$0xFFFFFF50];
	[tilespmem:s1+$0xFFFFFFF0] =	vst v6  }
0x209: {  	v21 =	vor.u32 s3, v1;
	v13 =	vld.idx.msk [tilespmem:v15+s15+$0x0], $0xffff  }
0x20a: {  	[tilespmem:s17+$0xFFFFFE10] =	vst v8;
	v8 =	vmul.f32 v17, v9;
	v9 =	vld [tilespmem:s13+$0xFFFFFF90]  }
0x20b: {  	v6 =	vld [tilespmem:s13+$0xFFFFFFF0];
	v7 =	vmul.f32 v19, v7;
	v17 =	vor.u32 s18, v1  }
0x20c: {  	v15 =	vld [tilespmem:s13+$0xFFFFFE50];
	[tilespmem:s17+$0xFFFFFE90] =	vst v8;
	v8 =	vmul.f32 v20, v12  }
0x20d: {  	v27 =	vld [tilespmem:s25+$0xFFFFFFB0];
	[tilespmem:s17+$0xFFFFFED0] =	vst v7;
	v7 =	vmul.f32 v14, v10  }
0x20e: {  	v16 =	vor.u32 s0, v3;
	v10 =	vld.idx.msk [tilespmem:v21+s15+$0x0], $0xffff;
	[tilespmem:s17+$0xFFFFFF10] =	vst v8  }
0x20f: {  	v18 =	vor.u32 s7, v1;
	[tilespmem:s17+$0xFFFFFF50] =	vst v7;
	v8 =	vmul.f32 v9, v13;
	v13 =	vld [tilespmem:s13+$0xFFFFFE20]  }
0x210: {  	v12 =	vor.u32 s20, v1;
	v6 =	vmul.f32 v6, v11;
	v9 =	vld.idx.msk [tilespmem:v17+s15+$0x0], $0xffff  }
0x211: {  	v15 =	vmul.f32 v15, v5;
	v17 =	vld [tilespmem:s13+$0xFFFFFEE0]  }
0x212: {  	v11 =	vor.u32 s2, v1;
	[tilespmem:s17+$0xFFFFFFF0] =	vst v6;
	v20 =	vld [tilespmem:s13+$0xFFFFFF60]  }
0x213: {  	v6 =	vor.u32 s14, v1;
	v5 =	vld.idx.msk [tilespmem:v16+s15+$0x0], $0xffff;
	[tilespmem:s17+$0xFFFFFE50] =	vst v15  }
0x214: {  	v16 =	vor.u32 s16, v1;
	v15 =	vld.idx.msk [tilespmem:v18+s15+$0x0], $0xffff;
	[tilespmem:s17+$0xFFFFFF90] =	vst v8  }
0x215: {  	v8 =	vld.idx.msk [tilespmem:v12+s15+$0x0], $0xffff  }
0x216: {  	v12 =	vld [tilespmem:s13+$0xFFFFFE60]  }
0x217: {  	v11 =	vld.idx.msk [tilespmem:v11+s15+$0x0], $0xffff  }
0x218: {  	v14 =	vor.u32 s7, v2;
	v6 =	vld.idx.msk [tilespmem:v6+s15+$0x0], $0xffff  }
0x219: {  	v7 =	vld.idx.msk [tilespmem:v16+s15+$0x0], $0xffff  }
0x21a: {  	v16 =	vld [tilespmem:s13+$0xFFFFFEA0];
	v13 =	vmul.f32 v13, v15  }
0x21b: {  	v15 =	vld [tilespmem:s13+$0xFFFFFF20]  }
0x21c: {  	v18 =	vor.u32 s2, v2;
	[tilespmem:s17+$0xFFFFFE20] =	vst v13;
	v11 =	vmul.f32 v12, v11;
	v12 =	vld [tilespmem:s13+$0xFFFFFFA0]  }
0x21d: {  	v13 =	vld.idx.msk [tilespmem:v14+s15+$0x0], $0xffff  }
0x21e: {  	v14 =	vld [tilespmem:s13+$0xFFFFFE30]  }
0x21f: {  	v19 =	vor.u32 s3, v2;
	v6 =	vmul.f32 v17, v6;
	v17 =	vld [tilespmem:s25+$0x0]  }
0x220: {  	[tilespmem:s17+$0xFFFFFE60] =	vst v11;
	v10 =	vmul.f32 v16, v10;
	v16 =	vld [tilespmem:s22+$0x0]  }
0x221: {  	v11 =	vld.idx.msk [tilespmem:v18+s15+$0x0], $0xffff  }
0x222: {  	v21 =	vor.u32 s14, v2;
	v18 =	vld [tilespmem:s13+$0xFFFFFE70]  }
0x223: {  	v7 =	vmul.f32 v15, v7;
	v15 =	vld [tilespmem:s22+$0xFFFFFFD0];
	[tilespmem:s17+$0xFFFFFEA0] =	vst v10  }
0x224: {  	v10 =	vld.idx.msk [tilespmem:v19+s15+$0x0], $0xffff  }
0x225: {  	v19 =	vld [tilespmem:s13+$0xFFFFFEB0];
	v16 =	vadd.f32 v17, v16  }
0x226: {  	[tilespmem:s17+$0xFFFFFEE0] =	vst v6;
	v17 =	vld [tilespmem:s25+$0xFFFFFFA0]  }
0x227: {  	v6 =	vld.idx.msk [tilespmem:v21+s15+$0x0], $0xffff;
	v25 =	vmul.f32 $2.000000030e-01, v16  }
0x228: {  	v26 =	vor.u32 s16, v2;
	v21 =	vld [tilespmem:s13+$0xFFFFFEF0];
	vm8 =	vge.f32 v16, $0.0e+00  }
0x229: {  	v61 =	vor.u32 s18, v2;
	v14 =	vmul.f32 v14, v13;
	v13 =	vld [tilespmem:s22+$0xFFFFFFE0];
	v16 =	vsel vm8, v16, v25  }
0x22a: {  	v62 =	vor.u32 s20, v2;
	v19 =	vmul.f32 v19, v10;
	v10 =	vld [tilespmem:s25+$0xFFFFFFE0];
	v16 =	vsub.f32 v16, v4  }
0x22b: {  	v9 =	vmul.f32 v20, v9;
	v8 =	vmul.f32 v12, v8;
	v12 =	vadd.f32 v17, v23;
	v17 =	vld [tilespmem:s25+$0xFFFFFFD0]  }
0x22c: {  	v38 =	vor.u32 s14, v3;
	v23 =	vadd.f32 v27, v24;
	v24 =	vld [tilespmem:s22+$0xFFFFFF90];
	v16 =	vmul.f32 $1.442695020e+00, v16  }
0x22d: {  	v36 =	vor.u32 s3, v3;
	v37 =	vld [tilespmem:s25+$0xFFFFFFC0];
	[tilespmem:s17+$0xFFFFFF60] =	vst v9;
	v11 =	vmul.f32 v18, v11;
	v21 =	vmul.f32 v21, v6  }
0x22e: {  	v9 =	vld.idx.msk [tilespmem:v61+s15+$0x0], $0xffff;
	[tilespmem:s17+$0xFFFFFF20] =	vst v7;
	v25 =	vor.u32 s2, v3;
	v18 =	vmul.f32 $2.000000030e-01, v12;
	(erf) = vpow2.f32 v16  }
0x22f: {  	v7 =	vld.idx.msk [tilespmem:v26+s15+$0x0], $0xffff;
	[tilespmem:s17+$0xFFFFFFA0] =	vst v8;
	vm9 =	vge.f32 v12, $0.0e+00;
	v27 =	vmul.f32 $2.000000030e-01, v23;
	vm10 =	vge.f32 v23, $0.0e+00  }
0x230: {  	v8 =	vld.idx.msk [tilespmem:v62+s15+$0x0], $0xffff;
	v10 =	vadd.f32 v10, v13;
	v12 =	vsel vm9, v12, v18;
	v17 =	vadd.f32 v17, v15  }
0x231: {  	v6 =	vld [tilespmem:s13+$0x0];
	[tilespmem:s17+$0xFFFFFEF0] =	vst v21;
	v12 =	vsub.f32 v12, v4;
	v15 =	vsel vm10, v23, v27;
	v22 =	vadd.f32 v22, v24  }
0x232: {  	v42 =	vld [tilespmem:s13+$0xFFFFFF00];
	v16 =	vadd.f32 v37, v63;
	v40 =	vmul.f32 $2.000000030e-01, v10;
	v26 =	vsub.f32 v15, v4  }
0x233: {  	s14 =	simm.s32 $0xF0;
	v20 =	vor.u32 s7, v3;
	v18 =	vld [tilespmem:s25+$0xFFFFFFF0];
	v12 =	vmul.f32 $1.442695020e+00, v12;
	v27 =	vmul.f32 $2.000000030e-01, v22  }
0x234: {  	[tilespmem:s17+$0xFFFFFE70] =	vst v11;
	v13 =	vld [tilespmem:s13+$0xFFFFFF30];
	v24 =	vor.u32 s14, v0;
	v32 =	vmul.f32 $2.000000030e-01, v16;
	v26 =	vmul.f32 $1.442695020e+00, v26  }
0x235: {  	[tilespmem:s17+$0xFFFFFEB0] =	vst v19;
	v11 =	vld.idx.msk [tilespmem:v25+s15+$0x0], $0xffff;
	vm11 =	vge.f32 v16, $0.0e+00;
	vm14 =	vge.f32 v22, $0.0e+00;
	(erf) = vpow2.f32 v12  }
0x236: {  	v25 =	vld [tilespmem:s13+$0xFFFFFEC0];
	v23 =	vmul.f32 $2.000000030e-01, v17;
	v22 =	vsel vm14, v22, v27;
	(erf) = vpow2.f32 v26  }
0x237: {  	s22 =	simm.s32 $0xABF0;
	vm12 =	vge.f32 v17, $0.0e+00;
	v15 =	vsel vm11, v16, v32;
	v16 =	vld [tilespmem:s13+$0xFFFFFF70];
	v22 =	vsub.f32 v22, v4;
	v27 =	vpop (erf)  }
0x238: {  	v18 =	vadd.f32 v18, v39;
	v41 =	vsub.f32 v15, v4;
	v15 =	vld [tilespmem:s13+$0xFFFFFFB0];
	v17 =	vsel vm12, v17, v23;
	[tilespmem:s22+$0x0] =	vst v27  }
0x239: {  	s21 =	simm.s32 $0x26F0;
	[tilespmem:s17+$0xFFFFFE30] =	vst v14;
	vm13 =	vge.f32 v10, $0.0e+00;
	v14 =	vsub.f32 v17, v4;
	v17 =	vmul.f32 $1.442695020e+00, v22;
	v24 =	vld.idx.msk [tilespmem:v24+s15+$0x0], $0xffff  }
0x23a: {  	v23 =	vmul.f32 $2.000000030e-01, v18;
	v27 =	vsel vm13, v10, v40;
	v22 =	vld [tilespmem:s21+$0xFFFFFFD0]  }
0x23b: {  	v10 =	vld.idx.msk [tilespmem:v20+s15+$0x0], $0xffff;
	(erf) = vpow2.f32 v17;
	v20 =	vsub.f32 v27, v4;
	v27 =	vmul.f32 $1.442695020e+00, v41  }
0x23c: {  	v21 =	vor.u32 s14, v1;
	v12 =	vld.idx.msk [tilespmem:v36+s15+$0x0], $0xffff;
	vm15 =	vge.f32 v18, $0.0e+00;
	v19 =	vmul.f32 $1.442695020e+00, v14  }
0x23d: {  	v14 =	vld.idx.msk [tilespmem:v38+s15+$0x0], $0xffff;
	v18 =	vsel vm15, v18, v23;
	v20 =	vmul.f32 $1.442695020e+00, v20;
	(erf) = vpow2.f32 v27  }
0x23e: {  	s0 =	simm.s32 $0x90;
	v23 =	vld [tilespmem:s13+$0xFFFFFE80];
	v18 =	vsub.f32 v18, v4;
	(erf) = vpow2.f32 v19;
	v26 =	vpop (erf)  }
0x23f: {  	s4 =	simm.s32 $0xA0;
	v17 =	vld [tilespmem:s13+$0xFFFFFE40];
	(erf) = vpow2.f32 v20;
	v20 =	vor.u32 s0, v0;
	[tilespmem:s22+$0xFFFFFFA0] =	vst v26;
	v26 =	vpop (erf);
	v19 =	vmul.f32 v22, v24  }
0x240: {  	s10 =	simm.s32 $0x86F0;
	v18 =	vmul.f32 $1.442695020e+00, v18;
	v22 =	vor.u32 s4, v0;
	[tilespmem:s22+$0xFFFFFFB0] =	vst v26;
	v50 =	vld [tilespmem:s21+$0xFFFFFE50]  }
0x241: {  	s5 =	simm.s32 $0x80;
	v51 =	vld [tilespmem:s21+$0xFFFFFE90];
	[tilespmem:s10+$0xFFFFFFD0] =	vst v19  }
0x242: {  	s19 =	simm.s32 $0xB0;
	(erf) = vpow2.f32 v18;
	v19 =	vor.u32 s5, v0;
	v18 =	vld.idx.msk [tilespmem:v21+s15+$0x0], $0xffff  }
0x243: {  	v21 =	vor.u32 s19, v0;
	v24 =	vld [tilespmem:s21+$0xFFFFFFE0]  }
0x244: {  	s7 =	simm.s32 $0xC0;
	v26 =	vpop (erf);
	v20 =	vld.idx.msk [tilespmem:v20+s15+$0x0], $0xffff  }
0x245: {  	v27 =	vor.u32 s7, v0;
	[tilespmem:s22+$0xFFFFFF90] =	vst v26;
	v22 =	vld.idx.msk [tilespmem:v22+s15+$0x0], $0xffff  }
0x246: {  	s8 =	simm.s32 $0xD0;
	v48 =	vld [tilespmem:s21+$0xFFFFFE10];
	v44 =	vpop (erf)  }
0x247: {  	v43 =	vor.u32 s8, v0;
	v19 =	vld.idx.msk [tilespmem:v19+s15+$0x0], $0xffff;
	[tilespmem:s22+$0xFFFFFFC0] =	vst v44  }
0x248: {  	v45 =	vpop (erf);
	v21 =	vld.idx.msk [tilespmem:v21+s15+$0x0], $0xffff  }
0x249: {  	v26 =	vor.u32 s14, v2;
	[tilespmem:s22+$0xFFFFFFD0] =	vst v45;
	v52 =	vld [tilespmem:s21+$0xFFFFFED0]  }
0x24a: {  	v18 =	vmul.f32 v24, v18;
	v24 =	vpop (erf);
	v27 =	vld.idx.msk [tilespmem:v27+s15+$0x0], $0xffff  }
0x24b: {  	s25 =	simm.s32 $0xE0;
	[tilespmem:s22+$0xFFFFFFE0] =	vst v24;
	v53 =	vld [tilespmem:s21+$0xFFFFFF10]  }
0x24c: {  	v46 =	vor.u32 s25, v0;
	v20 =	vmul.f32 v50, v20;
	v24 =	vld.idx.msk [tilespmem:v43+s15+$0x0], $0xffff  }
0x24d: {  	[tilespmem:s10+$0xFFFFFFE0] =	vst v18;
	v55 =	vld [tilespmem:s21+$0xFFFFFF50]  }
0x24e: {  	v26 =	vld.idx.msk [tilespmem:v26+s15+$0x0], $0xffff;
	[tilespmem:s10+$0xFFFFFE50] =	vst v20  }
0x24f: {  	v5 =	vmul.f32 v6, v5;
	v18 =	vpop (erf);
	v6 =	vld [tilespmem:s21+$0xFFFFFE60]  }
0x250: {  	v19 =	vmul.f32 v48, v19;
	[tilespmem:s22+$0xFFFFFFF0] =	vst v18;
	v18 =	vld [tilespmem:s21+$0xFFFFFFF0]  }
0x251: {  	v57 =	vor.u32 s19, v1;
	[tilespmem:s17+$0x0] =	vst v5;
	v20 =	vmul.f32 v52, v21;
	v47 =	vld.idx.msk [tilespmem:v46+s15+$0x0], $0xffff  }
0x252: {  	v60 =	vor.u32 s8, v1;
	[tilespmem:s10+$0xFFFFFE10] =	vst v19;
	v19 =	vmul.f32 v51, v22;
	v22 =	vld [tilespmem:s21+$0xFFFFFF90]  }
0x253: {  	[tilespmem:s10+$0xFFFFFED0] =	vst v20;
	v20 =	vmul.f32 v55, v24;
	v24 =	vld [tilespmem:s21+$0xFFFFFE20]  }
0x254: {  	v59 =	vor.u32 s7, v1;
	v5 =	vmul.f32 v16, v9;
	[tilespmem:s10+$0xFFFFFE90] =	vst v19;
	v19 =	vmul.f32 v53, v27;
	v9 =	vld [tilespmem:s21+$0xFFFFFEE0]  }
0x255: {  	v49 =	vor.u32 s14, v3;
	v7 =	vmul.f32 v13, v7;
	[tilespmem:s10+$0xFFFFFF50] =	vst v20;
	v13 =	vld [tilespmem:s21+$0xFFFFFEA0]  }
0x256: {  	v18 =	vmul.f32 v18, v26;
	v26 =	vor.u32 s5, v1;
	[tilespmem:s10+$0xFFFFFF10] =	vst v19;
	v19 =	vld.idx.msk [tilespmem:v57+s15+$0x0], $0xffff  }
0x257: {  	v61 =	vld.idx.msk [tilespmem:v60+s15+$0x0], $0xffff  }
0x258: {  	v54 =	vor.u32 s0, v1;
	[tilespmem:s17+$0xFFFFFF70] =	vst v5;
	v5 =	vld [tilespmem:s21+$0xFFFFFF60]  }
0x259: {  	v20 =	vld.idx.msk [tilespmem:v59+s15+$0x0], $0xffff;
	[tilespmem:s10+$0xFFFFFFF0] =	vst v18;
	v18 =	vor.u32 s4, v1  }
0x25a: {  	v27 =	vor.u32 s25, v1;
	v56 =	vld.idx.msk [tilespmem:v49+s15+$0x0], $0xffff  }
0x25b: {  	v21 =	vld.idx.msk [tilespmem:v26+s15+$0x0], $0xffff  }
0x25c: {  	v22 =	vmul.f32 v22, v47;
	v58 =	vld [tilespmem:s21+$0x0]  }
0x25d: {  	v26 =	vld.idx.msk [tilespmem:v54+s15+$0x0], $0xffff  }
0x25e: {  	[tilespmem:s10+$0xFFFFFF90] =	vst v22;
	v22 =	vor.u32 s5, v2;
	v5 =	vmul.f32 v5, v61;
	v18 =	vld.idx.msk [tilespmem:v18+s15+$0x0], $0xffff  }
0x25f: {  	s1 =	simm.s32 $0x4C70;
	[tilespmem:s17+$0xFFFFFF30] =	vst v7;
	v27 =	vld.idx.msk [tilespmem:v27+s15+$0x0], $0xffff  }
0x260: {  	v16 =	vor.u32 s0, v2;
	[tilespmem:s10+$0xFFFFFF60] =	vst v5;
	v5 =	vmul.f32 v23, v11;
	v23 =	vld [tilespmem:s1+$0x0];
	v7 =	vmul.f32 v24, v21  }
0x261: {  	v62 =	vor.u32 s4, v2;
	v8 =	vmul.f32 v15, v8;
	v21 =	vld [tilespmem:s21+$0xFFFFFF20]  }
0x262: {  	v15 =	vor.u32 s19, v2;
	v6 =	vmul.f32 v6, v26;
	[tilespmem:s10+$0xFFFFFE20] =	vst v7;
	v7 =	vld [tilespmem:s21+$0xFFFFFFA0]  }
0x263: {  	[tilespmem:s17+$0xFFFFFFB0] =	vst v8;
	v8 =	vmul.f32 v13, v18;
	v63 =	vld.idx.msk [tilespmem:v22+s15+$0x0], $0xffff  }
0x264: {  	v13 =	vor.u32 s8, v2;
	[tilespmem:s10+$0xFFFFFE60] =	vst v6;
	v6 =	vmul.f32 v9, v19;
	v18 =	vld [tilespmem:s21+$0xFFFFFE30]  }
0x265: {  	v19 =	vor.u32 s25, v2;
	v24 =	vld.idx.msk [tilespmem:v16+s15+$0x0], $0xffff;
	[tilespmem:s10+$0xFFFFFEA0] =	vst v8  }
0x266: {  	[tilespmem:s10+$0xFFFFFEE0] =	vst v6;
	v8 =	vmul.f32 v21, v20;
	v22 =	vld.idx.msk [tilespmem:v62+s15+$0x0], $0xffff  }
0x267: {  	[tilespmem:s17+$0xFFFFFE80] =	vst v5;
	v21 =	vld.idx.msk [tilespmem:v15+s15+$0x0], $0xffff;
	v6 =	vmul.f32 v7, v27  }
0x268: {  	v26 =	vor.u32 s7, v2;
	v20 =	vld [tilespmem:s21+$0xFFFFFE70];
	[tilespmem:s10+$0xFFFFFF20] =	vst v8;
	v7 =	vmul.f32 v17, v10  }
0x269: {  	v10 =	vld.idx.msk [tilespmem:v13+s15+$0x0], $0xffff;
	[tilespmem:s10+$0xFFFFFFA0] =	vst v6;
	v6 =	vmul.f32 v25, v12  }
0x26a: {  	v11 =	vor.u32 s20, v3;
	v5 =	vor.u32 s8, v3;
	[tilespmem:s17+$0xFFFFFE40] =	vst v7;
	v7 =	vmul.f32 v42, v14;
	v8 =	vld.idx.msk [tilespmem:v19+s15+$0x0], $0xffff  }
0x26b: {  	v16 =	vor.u32 s4, v3;
	v15 =	vor.u32 s0, v3;
	v25 =	vmul.f32 v18, v63;
	v19 =	vld [tilespmem:s21+$0xFFFFFEB0];
	[tilespmem:s17+$0xFFFFFEC0] =	vst v6  }
0x26c: {  	v13 =	vor.u32 s16, v3;
	v17 =	vor.u32 s5, v3;
	v18 =	vld [tilespmem:s21+$0xFFFFFEF0];
	v6 =	vmul.f32 v58, v56;
	[tilespmem:s17+$0xFFFFFF00] =	vst v7  }
0x26d: {  	s9 =	simm.s32 $0x200;
	s11 =	simm.s32 $0x18;
	s3 =	simm.s32 $0x5C70;
	v9 =	vld.idx.msk [tilespmem:v26+s15+$0x0], $0xffff;
	v12 =	vor.u32 s18, v3;
	v14 =	vor.u32 s19, v3;
	[tilespmem:s10+$0xFFFFFE30] =	vst v25  }
0x26e: {  	s2 =	simm.s32 $0x26F0;
	s20 =	simm.s32 $0x86F0;
	s16 =	simm.s32 $0x10;
	v7 =	vor.u32 s7, v3;
	v25 =	vld [tilespmem:s3+$0x0];
	[tilespmem:s10+$0x0] =	vst v6;
	v6 =	vor.u32 s25, v3  }
.LBB2_5:
0x26f: {  	p0 =	slt.u32 s11, $0x78;
	v26 =	vld [tilespmem:s3+$0xFFFFFF90];
	v20 =	vmul.f32 v20, v24  }
0x270: {  	v24 =	vld [tilespmem:s1+$0xFFFFFFA0];
	v19 =	vmul.f32 v19, v22  }
0x271: {  	v22 =	vld [tilespmem:s3+$0xFFFFFFA0];
	[tilespmem:s10+$0xFFFFFE70] =	vst v20;
	v18 =	vmul.f32 v18, v21  }
0x272: {  	v20 =	vld [tilespmem:s1+$0xFFFFFFB0];
	[tilespmem:s10+$0xFFFFFEB0] =	vst v19  }
0x273: {  	v19 =	vld [tilespmem:s3+$0xFFFFFFB0];
	v21 =	vadd.f32 v25, v23;
	[tilespmem:s10+$0xFFFFFEF0] =	vst v18  }
0x274: {  	v18 =	vld [tilespmem:s1+$0xFFFFFFC0]  }
0x275: {  	v23 =	vld [tilespmem:s3+$0xFFFFFFC0];
	v25 =	vmul.f32 $2.000000030e-01, v21  }
0x276: {  	vm0 =	vge.f32 v21, $0.0e+00;
	v22 =	vadd.f32 v22, v24;
	v24 =	vld [tilespmem:s1+$0xFFFFFFD0]  }
0x277: {  	v27 =	vld [tilespmem:s3+$0xFFFFFFD0];
	v21 =	vsel vm0, v21, v25  }
0x278: {  	v25 =	vmul.f32 $2.000000030e-01, v22;
	v19 =	vadd.f32 v19, v20;
	v20 =	vld [tilespmem:s1+$0xFFFFFFE0];
	v21 =	vsub.f32 v21, v4  }
0x279: {  	vm0 =	vge.f32 v22, $0.0e+00;
	v28 =	vld [tilespmem:s3+$0xFFFFFFE0]  }
0x27a: {  	v29 =	vmul.f32 $2.000000030e-01, v19;
	v18 =	vadd.f32 v23, v18;
	v23 =	vld [tilespmem:s1+$0xFFFFFFF0];
	v21 =	vmul.f32 $1.442695020e+00, v21  }
0x27b: {  	v22 =	vsel vm0, v22, v25;
	vm0 =	vge.f32 v19, $0.0e+00;
	v25 =	vld [tilespmem:s3+$0xFFFFFFF0]  }
0x27c: {  	v30 =	vld [tilespmem:s1+$0xFFFFFF90];
	v31 =	vmul.f32 $2.000000030e-01, v18;
	v24 =	vadd.f32 v27, v24;
	(erf) = vpow2.f32 v21  }
0x27d: {  	v21 =	vsub.f32 v22, v4;
	v19 =	vsel vm0, v19, v29;
	vm0 =	vge.f32 v18, $0.0e+00;
	v29 =	vld [tilespmem:s21+$0xFFFFFF30]  }
0x27e: {  	vm1 =	vge.f32 v24, $0.0e+00;
	v22 =	vmul.f32 $2.000000030e-01, v24;
	v20 =	vadd.f32 v28, v20;
	v28 =	vld [tilespmem:s21+$0xFFFFFF70]  }
0x27f: {  	v19 =	vsub.f32 v19, v4;
	v21 =	vmul.f32 $1.442695020e+00, v21;
	v18 =	vsel vm0, v18, v31;
	v31 =	vld [tilespmem:s21+$0xFFFFFFB0]  }
0x280: {  	s19 =	sshll.u32 s16, $0x4;
	s16 =	smov.u32 s11;
	vm0 =	vge.f32 v20, $0.0e+00;
	v27 =	vmul.f32 $2.000000030e-01, v20;
	v23 =	vadd.f32 v25, v23;
	v17 =	vld.idx.msk [tilespmem:v17+s15+$0x0], $0xffff  }
0x281: {  	s5 =	sadd.s32 $0x10, s19;
	s4 =	sadd.s32 $0x20, s19;
	s18 =	sadd.s32 $0x70, s19;
	v18 =	vsub.f32 v18, v4;
	v22 =	vsel vm1, v24, v22;
	v25 =	vadd.f32 v26, v30;
	v30 =	vld.idx.msk [tilespmem:v15+s15+$0x0], $0xffff  }
0x282: {  	s8 =	sadd.s32 $0x30, s19;
	s25 =	sadd.s32 $0x40, s19;
	s0 =	sadd.s32 $0x50, s19;
	v24 =	vor.u32 s18, v0;
	vm1 =	vge.f32 v23, $0.0e+00;
	v15 =	vmul.f32 $2.000000030e-01, v23;
	v32 =	vld.idx.msk [tilespmem:v16+s15+$0x0], $0xffff  }
0x283: {  	s14 =	sadd.s32 $0x60, s19;
	v20 =	vsel vm0, v20, v27;
	vm2 =	vge.f32 v25, $0.0e+00;
	v16 =	vmul.f32 $2.000000030e-01, v25;
	v33 =	vld.idx.msk [tilespmem:v14+s15+$0x0], $0xffff  }
0x284: {  	v14 =	vsub.f32 v22, v4;
	v20 =	vsub.f32 v20, v4;
	v15 =	vsel vm1, v23, v15;
	v34 =	vld.idx.msk [tilespmem:v13+s15+$0x0], $0xffff  }
0x285: {  	s22 =	sadd.s32 $0x80, s22;
	v23 =	vsel vm2, v25, v16;
	v16 =	vmul.f32 $1.442695020e+00, v19;
	v15 =	vsub.f32 v15, v4;
	v19 =	vpop (erf);
	v35 =	vld.idx.msk [tilespmem:v12+s15+$0x0], $0xffff  }
0x286: {  	v18 =	vmul.f32 $1.442695020e+00, v18;
	v13 =	vmovc v7;
	v14 =	vmul.f32 $1.442695020e+00, v14;
	v22 =	vsub.f32 v23, v4;
	[tilespmem:s22+$0x0] =	vst v19;
	v36 =	vld.idx.msk [tilespmem:v11+s15+$0x0], $0xffff  }
0x287: {  	s21 =	sadd.s32 $0x200, s21;
	v7 =	vor.u32 s5, v0;
	v12 =	vmovc v5;
	v19 =	vmul.f32 $1.442695020e+00, v20;
	v11 =	vmovc v6;
	v15 =	vmul.f32 $1.442695020e+00, v15;
	v20 =	vld.idx.msk [tilespmem:v24+s15+$0x0], $0xffff  }
0x288: {  	v6 =	vor.u32 s4, v0;
	v5 =	vmul.f32 $1.442695020e+00, v22;
	v22 =	vld [tilespmem:s21+$0xFFFFFFD0];
	(erf) = vpow2.f32 v21  }
0x289: {  	v37 =	vor.u32 s8, v0;
	v38 =	vor.u32 s25, v0;
	(erf) = vpow2.f32 v16;
	v39 =	vld [tilespmem:s2+$0xFFFFFE40]  }
0x28a: {  	v40 =	vor.u32 s0, v0;
	v41 =	vor.u32 s14, v0;
	(erf) = vpow2.f32 v5;
	v42 =	vld [tilespmem:s2+$0xFFFFFE80]  }
0x28b: {  	v16 =	vor.u32 s18, v1;
	v5 =	vor.u32 s19, v0;
	(erf) = vpow2.f32 v18;
	v43 =	vld [tilespmem:s2+$0xFFFFFEC0]  }
0x28c: {  	v44 =	vor.u32 s5, v1;
	v26 =	vor.u32 s4, v1;
	(erf) = vpow2.f32 v14;
	v45 =	vld [tilespmem:s2+$0xFFFFFF00]  }
0x28d: {  	v46 =	vor.u32 s8, v1;
	v14 =	vmul.f32 v22, v20;
	(erf) = vpow2.f32 v19;
	v47 =	vld [tilespmem:s13+$0xFFFFFF40]  }
0x28e: {  	v48 =	vor.u32 s25, v1;
	s10 =	sadd.s32 $0x200, s10;
	v25 =	vor.u32 s0, v1;
	(erf) = vpow2.f32 v15;
	v49 =	vld [tilespmem:s13+$0xFFFFFF80]  }
0x28f: {  	v50 =	vor.u32 s19, v1;
	v27 =	vor.u32 s14, v1;
	v22 =	vor.u32 s5, v2;
	[tilespmem:s10+$0xFFFFFFD0] =	vst v14  }
0x290: {  	v23 =	vor.u32 s4, v2;
	v21 =	vor.u32 s8, v2;
	v19 =	vor.u32 s25, v2;
	v51 =	vld.idx.msk [tilespmem:v16+s15+$0x0], $0xffff  }
0x291: {  	v24 =	vor.u32 s19, v2;
	v18 =	vor.u32 s14, v2;
	v20 =	vor.u32 s0, v2;
	v52 =	vld [tilespmem:s21+$0xFFFFFFE0];
	v14 =	vpop (erf)  }
0x292: {  	v9 =	vmul.f32 v29, v9;
	v10 =	vmul.f32 v28, v10;
	v15 =	vor.u32 s5, v3;
	[tilespmem:s22+$0xFFFFFFA0] =	vst v14;
	v14 =	vpop (erf);
	v28 =	vld [tilespmem:s13+$0xFFFFFFC0];
	s13 =	smov.u32 s2;
	s2 =	smov.u32 s21  }
0x293: {  	v8 =	vmul.f32 v31, v8;
	v16 =	vor.u32 s4, v3;
	v29 =	vld.idx.msk [tilespmem:v7+s15+$0x0], $0xffff;
	[tilespmem:s22+$0xFFFFFFB0] =	vst v14;
	v14 =	vor.u32 s8, v3;
	v7 =	vpop (erf)  }
0x294: {  	v53 =	vor.u32 s18, v2;
	v39 =	vmul.f32 v39, v17;
	[tilespmem:s22+$0xFFFFFF90] =	vst v7;
	v31 =	vld.idx.msk [tilespmem:v6+s15+$0x0], $0xffff;
	v7 =	vor.u32 s25, v3;
	v6 =	vpop (erf)  }
0x295: {  	v30 =	vmul.f32 v42, v30;
	v54 =	vld.idx.msk [tilespmem:v5+s15+$0x0], $0xffff;
	[tilespmem:s22+$0xFFFFFFC0] =	vst v6;
	v5 =	vor.u32 s0, v3;
	v6 =	vor.u32 s14, v3;
	v55 =	vpop (erf)  }
0x296: {  	v17 =	vor.u32 s19, v3;
	v32 =	vmul.f32 v43, v32;
	v37 =	vld.idx.msk [tilespmem:v37+s15+$0x0], $0xffff;
	[tilespmem:s22+$0xFFFFFFD0] =	vst v55;
	v42 =	vmul.f32 v52, v51;
	v51 =	vpop (erf)  }
0x297: {  	v33 =	vmul.f32 v45, v33;
	v34 =	vmul.f32 v47, v34;
	v38 =	vld.idx.msk [tilespmem:v38+s15+$0x0], $0xffff;
	[tilespmem:s22+$0xFFFFFFE0] =	vst v51;
	v43 =	vpop (erf)  }
0x298: {  	v35 =	vmul.f32 v49, v35;
	v28 =	vmul.f32 v28, v36;
	v40 =	vld.idx.msk [tilespmem:v40+s15+$0x0], $0xffff;
	[tilespmem:s10+$0xFFFFFFE0] =	vst v42  }
0x299: {  	[tilespmem:s22+$0xFFFFFFF0] =	vst v43;
	v36 =	vld.idx.msk [tilespmem:v53+s15+$0x0], $0xffff  }
0x29a: {  	v42 =	vld [tilespmem:s21+$0xFFFFFFF0];
	[tilespmem:s20+$0xFFFFFF30] =	vst v9  }
0x29b: {  	v9 =	vld.idx.msk [tilespmem:v41+s15+$0x0], $0xffff;
	[tilespmem:s20+$0xFFFFFF70] =	vst v10  }
0x29c: {  	v10 =	vld [tilespmem:s21+$0xFFFFFE10];
	[tilespmem:s20+$0xFFFFFFB0] =	vst v8  }
0x29d: {  	v41 =	vor.u32 s18, v3;
	v8 =	vld [tilespmem:s21+$0xFFFFFE50];
	[tilespmem:s20+$0xFFFFFE40] =	vst v39  }
0x29e: {  	v39 =	vld [tilespmem:s21+$0xFFFFFE90];
	[tilespmem:s20+$0xFFFFFE80] =	vst v30  }
0x29f: {  	v30 =	vld [tilespmem:s21+$0xFFFFFED0];
	v36 =	vmul.f32 v42, v36;
	[tilespmem:s20+$0xFFFFFEC0] =	vst v32  }
0x2a0: {  	v32 =	vld [tilespmem:s21+$0xFFFFFF10];
	[tilespmem:s20+$0xFFFFFF00] =	vst v33  }
0x2a1: {  	v10 =	vmul.f32 v10, v54;
	v33 =	vld [tilespmem:s21+$0xFFFFFF50];
	[tilespmem:s10+$0xFFFFFFF0] =	vst v36  }
0x2a2: {  	v8 =	vmul.f32 v8, v29;
	v29 =	vld.idx.msk [tilespmem:v41+s15+$0x0], $0xffff;
	[tilespmem:s17+$0xFFFFFF40] =	vst v34  }
0x2a3: {  	[tilespmem:s10+$0xFFFFFE10] =	vst v10;
	v10 =	vmul.f32 v39, v31;
	v31 =	vld [tilespmem:s21+$0x0]  }
0x2a4: {  	[tilespmem:s10+$0xFFFFFE50] =	vst v8;
	v8 =	vmul.f32 v30, v37;
	v30 =	vld [tilespmem:s21+$0xFFFFFF90]  }
0x2a5: {  	v34 =	vld.idx.msk [tilespmem:v50+s15+$0x0], $0xffff;
	[tilespmem:s10+$0xFFFFFE90] =	vst v10;
	v10 =	vmul.f32 v32, v38  }
0x2a6: {  	v32 =	vld.idx.msk [tilespmem:v44+s15+$0x0], $0xffff;
	[tilespmem:s10+$0xFFFFFED0] =	vst v8;
	v8 =	vmul.f32 v33, v40  }
0x2a7: {  	v26 =	vld.idx.msk [tilespmem:v26+s15+$0x0], $0xffff;
	[tilespmem:s10+$0xFFFFFF10] =	vst v10  }
0x2a8: {  	v10 =	vld.idx.msk [tilespmem:v46+s15+$0x0], $0xffff;
	[tilespmem:s10+$0xFFFFFF50] =	vst v8;
	v8 =	vmul.f32 v31, v29  }
0x2a9: {  	v29 =	vld.idx.msk [tilespmem:v48+s15+$0x0], $0xffff;
	v9 =	vmul.f32 v30, v9;
	[tilespmem:s17+$0xFFFFFF80] =	vst v35  }
0x2aa: {  	v25 =	vld.idx.msk [tilespmem:v25+s15+$0x0], $0xffff;
	[tilespmem:s10+$0x0] =	vst v8  }
0x2ab: {  	v8 =	vld [tilespmem:s21+$0xFFFFFE20];
	[tilespmem:s10+$0xFFFFFF90] =	vst v9  }
0x2ac: {  	v9 =	vld.idx.msk [tilespmem:v27+s15+$0x0], $0xffff;
	[tilespmem:s17+$0xFFFFFFC0] =	vst v28;
	s17 =	smov.u32 s20;
	s20 =	smov.u32 s10  }
0x2ad: {  	v27 =	vld [tilespmem:s21+$0xFFFFFE60]  }
0x2ae: {  	v28 =	vld [tilespmem:s21+$0xFFFFFEA0]  }
0x2af: {  	v30 =	vld [tilespmem:s21+$0xFFFFFEE0]  }
0x2b0: {  	v8 =	vmul.f32 v8, v34;
	v31 =	vld [tilespmem:s21+$0xFFFFFF20]  }
0x2b1: {  	v33 =	vld [tilespmem:s21+$0xFFFFFF60]  }
0x2b2: {  	[tilespmem:s10+$0xFFFFFE20] =	vst v8;
	v8 =	vmul.f32 v27, v32;
	v27 =	vld [tilespmem:s21+$0xFFFFFFA0]  }
0x2b3: {  	v32 =	vld.idx.msk [tilespmem:v24+s15+$0x0], $0xffff;
	v26 =	vmul.f32 v28, v26  }
0x2b4: {  	v28 =	vld [tilespmem:s21+$0xFFFFFE30];
	[tilespmem:s10+$0xFFFFFE60] =	vst v8;
	v8 =	vmul.f32 v30, v10  }
0x2b5: {  	v24 =	vld.idx.msk [tilespmem:v22+s15+$0x0], $0xffff;
	[tilespmem:s10+$0xFFFFFEA0] =	vst v26;
	v10 =	vmul.f32 v31, v29  }
0x2b6: {  	v22 =	vld.idx.msk [tilespmem:v23+s15+$0x0], $0xffff;
	[tilespmem:s10+$0xFFFFFEE0] =	vst v8;
	v8 =	vmul.f32 v33, v25  }
0x2b7: {  	v21 =	vld.idx.msk [tilespmem:v21+s15+$0x0], $0xffff;
	[tilespmem:s10+$0xFFFFFF20] =	vst v10;
	v23 =	vmul.f32 v27, v9  }
0x2b8: {  	v9 =	vld.idx.msk [tilespmem:v19+s15+$0x0], $0xffff;
	[tilespmem:s10+$0xFFFFFF60] =	vst v8  }
0x2b9: {  	v19 =	vmul.f32 v28, v32;
	v10 =	vld.idx.msk [tilespmem:v20+s15+$0x0], $0xffff;
	[tilespmem:s10+$0xFFFFFFA0] =	vst v23  }
0x2ba: {  	v8 =	vld.idx.msk [tilespmem:v18+s15+$0x0], $0xffff  }
.Ltmp1:
0x2bb: {  	[tilespmem:s10+$0xFFFFFE30] =	vst v19;
	v20 =	vld [tilespmem:s21+$0xFFFFFE70];
	(pc) =	sbr.rel @p0 .LBB2_5-.Ltmp1, $4  }
0x2bc: {  	v19 =	vld [tilespmem:s21+$0xFFFFFEB0]  }
0x2bd: {  	s1 =	sadd.s32 $0x80, s1;
	v18 =	vld [tilespmem:s21+$0xFFFFFEF0]  }
0x2be: {  	s3 =	sadd.s32 $0x80, s3;
	v23 =	vld [tilespmem:s1+$0x0]  }
0x2bf: {  	s11 =	sadd.s32 $0x8, s11;
	v25 =	vld [tilespmem:s3+$0x0]  }
0x2c0: {  	v26 =	vld [tilespmem:s3+$0xFFFFFF90]  }
0x2c1: {  	v27 =	vld [tilespmem:s1+$0xFFFFFFA0]  }
0x2c2: {  	v28 =	vld [tilespmem:s3+$0xFFFFFFA0]  }
0x2c3: {  	v29 =	vld [tilespmem:s1+$0xFFFFFFB0]  }
0x2c4: {  	v47 =	vld [tilespmem:s3+$0xFFFFFFB0]  }
0x2c5: {  	v30 =	vld [tilespmem:s1+$0xFFFFFFC0]  }
0x2c6: {  	v32 =	vld [tilespmem:s3+$0xFFFFFFC0]  }
0x2c7: {  	v34 =	vld [tilespmem:s1+$0xFFFFFFE0];
	v23 =	vadd.f32 v25, v23  }
0x2c8: {  	v49 =	vld [tilespmem:s3+$0xFFFFFFE0]  }
0x2c9: {  	v35 =	vld [tilespmem:s1+$0xFFFFFFF0];
	v31 =	vmul.f32 $2.000000030e-01, v23  }
0x2ca: {  	v51 =	vld [tilespmem:s1+$0xFFFFFF90];
	vm0 =	vge.f32 v23, $0.0e+00  }
0x2cb: {  	v53 =	vld [tilespmem:s3+$0xFFFFFFF0];
	v23 =	vsel vm0, v23, v31  }
0x2cc: {  	v22 =	vmul.f32 v19, v22;
	v19 =	vld [tilespmem:s21+$0xFFFFFF70];
	v23 =	vsub.f32 v23, v4  }
0x2cd: {  	v33 =	vld [tilespmem:s1+$0xFFFFFFD0];
	v24 =	vmul.f32 v20, v24;
	s11 =	sshll.u32 s16, $0x4  }
0x2ce: {  	v48 =	vld [tilespmem:s3+$0xFFFFFFD0];
	s8 =	sadd.s32 $0x70, s11;
	v21 =	vmul.f32 v18, v21;
	v23 =	vmul.f32 $1.442695020e+00, v23  }
0x2cf: {  	v17 =	vld.idx.msk [tilespmem:v17+s15+$0x0], $0xffff;
	v60 =	vor.u32 s8, v0;
	v27 =	vadd.f32 v28, v27;
	v25 =	vadd.f32 v47, v29  }
0x2d0: {  	v13 =	vld.idx.msk [tilespmem:v13+s15+$0x0], $0xffff;
	v52 =	vadd.f32 v32, v30;
	v26 =	vadd.f32 v26, v51;
	(erf) = vpow2.f32 v23  }
0x2d1: {  	v18 =	vld [tilespmem:s21+$0xFFFFFF30];
	v58 =	vadd.f32 v49, v34;
	v63 =	vadd.f32 v53, v35;
	v10 =	vmul.f32 v19, v10  }
0x2d2: {  	v12 =	vld.idx.msk [tilespmem:v12+s15+$0x0], $0xffff;
	v50 =	vmul.f32 $2.000000030e-01, v27;
	vm11 =	vge.f32 v27, $0.0e+00;
	v54 =	vmul.f32 $2.000000030e-01, v25  }
0x2d3: {  	v11 =	vld.idx.msk [tilespmem:v11+s15+$0x0], $0xffff;
	[tilespmem:s10+$0xFFFFFE70] =	vst v24;
	vm12 =	vge.f32 v25, $0.0e+00;
	v55 =	vmul.f32 $2.000000030e-01, v52;
	vm13 =	vge.f32 v52, $0.0e+00  }
0x2d4: {  	[tilespmem:s10+$0xFFFFFEB0] =	vst v22;
	v15 =	vld.idx.msk [tilespmem:v15+s15+$0x0], $0xffff;
	v62 =	vmul.f32 $2.000000030e-01, v26;
	vm14 =	vge.f32 v58, $0.0e+00;
	vm2 =	vge.f32 v26, $0.0e+00  }
0x2d5: {  	[tilespmem:s10+$0xFFFFFEF0] =	vst v21;
	v16 =	vld.idx.msk [tilespmem:v16+s15+$0x0], $0xffff;
	vm15 =	vge.f32 v63, $0.0e+00;
	v35 =	vmul.f32 $2.000000030e-01, v63;
	v31 =	vadd.f32 v48, v33  }
0x2d6: {  	v14 =	vld.idx.msk [tilespmem:v14+s15+$0x0], $0xffff;
	v9 =	vmul.f32 v18, v9;
	v33 =	vmul.f32 $2.000000030e-01, v58;
	v20 =	vsel vm11, v27, v50  }
0x2d7: {  	v25 =	vsel vm12, v25, v54;
	v27 =	vld [tilespmem:s13+$0xFFFFFF40];
	v56 =	vsub.f32 v20, v4;
	vm1 =	vge.f32 v31, $0.0e+00  }
0x2d8: {  	[tilespmem:s20+$0xFFFFFF70] =	vst v10;
	v20 =	vld [tilespmem:s21+$0xFFFFFFB0];
	v61 =	vsub.f32 v25, v4;
	v25 =	vsel vm2, v26, v62;
	v22 =	vsel vm14, v58, v33  }
0x2d9: {  	s5 =	sadd.s32 $0x80, s22;
	[tilespmem:s20+$0xFFFFFF30] =	vst v9;
	v5 =	vld.idx.msk [tilespmem:v5+s15+$0x0], $0xffff;
	v26 =	vsel vm15, v63, v35;
	v25 =	vsub.f32 v25, v4;
	v59 =	vmul.f32 $1.442695020e+00, v56;
	v34 =	vpop (erf)  }
0x2da: {  	v57 =	vmul.f32 $2.000000030e-01, v31;
	v7 =	vld.idx.msk [tilespmem:v7+s15+$0x0], $0xffff;
	v22 =	vsub.f32 v22, v4;
	v40 =	vsub.f32 v26, v4;
	[tilespmem:s5+$0x0] =	vst v34  }
0x2db: {  	s14 =	sadd.s32 $0x200, s21;
	v21 =	vmul.f32 $1.442695020e+00, v61;
	v23 =	vsel vm13, v52, v55;
	(erf) = vpow2.f32 v59;
	v29 =	vld.idx.msk [tilespmem:v60+s15+$0x0], $0xffff  }
0x2dc: {  	v24 =	vsel vm1, v31, v57;
	v25 =	vmul.f32 $1.442695020e+00, v25;
	v23 =	vsub.f32 v23, v4;
	v36 =	vld [tilespmem:s14+$0xFFFFFFD0]  }
0x2dd: {  	v26 =	vld [tilespmem:s13+$0xFFFFFF80];
	v24 =	vsub.f32 v24, v4;
	v8 =	vmul.f32 v20, v8;
	(erf) = vpow2.f32 v21  }
0x2de: {  	v38 =	vmul.f32 $1.442695020e+00, v22;
	v22 =	vld [tilespmem:s2+$0xFFFFFE80];
	v23 =	vmul.f32 $1.442695020e+00, v23  }
0x2df: {  	v39 =	vor.u32 s8, v1;
	v37 =	vmul.f32 $1.442695020e+00, v24;
	v24 =	vld [tilespmem:s2+$0xFFFFFEC0];
	[tilespmem:s20+$0xFFFFFFB0] =	vst v8;
	(erf) = vpow2.f32 v25  }
0x2e0: {  	s0 =	sadd.s32 $0x10, s11;
	v6 =	vld.idx.msk [tilespmem:v6+s15+$0x0], $0xffff;
	(erf) = vpow2.f32 v23;
	v23 =	vmul.f32 $1.442695020e+00, v40  }
0x2e1: {  	v41 =	vor.u32 s0, v0;
	v21 =	vld [tilespmem:s2+$0xFFFFFE40];
	(erf) = vpow2.f32 v37;
	v29 =	vmul.f32 v36, v29  }
0x2e2: {  	s19 =	sadd.s32 $0x200, s10;
	s4 =	sadd.s32 $0x20, s11;
	v25 =	vld [tilespmem:s2+$0xFFFFFF00];
	(erf) = vpow2.f32 v38  }
0x2e3: {  	v42 =	vor.u32 s4, v0;
	(erf) = vpow2.f32 v23;
	v23 =	vld [tilespmem:s13+$0xFFFFFFC0];
	[tilespmem:s19+$0xFFFFFFD0] =	vst v29  }
0x2e4: {  	v46 =	vpop (erf);
	v31 =	vld.idx.msk [tilespmem:v39+s15+$0x0], $0xffff  }
0x2e5: {  	v43 =	vor.u32 s11, v0;
	v45 =	vld [tilespmem:s14+$0xFFFFFFE0];
	[tilespmem:s5+$0xFFFFFFA0] =	vst v46  }
0x2e6: {  	s18 =	sadd.s32 $0x30, s11;
	v48 =	vpop (erf);
	v28 =	vld.idx.msk [tilespmem:v41+s15+$0x0], $0xffff  }
0x2e7: {  	v44 =	vor.u32 s18, v0;
	[tilespmem:s5+$0xFFFFFFB0] =	vst v48;
	v57 =	vld [tilespmem:s14+$0xFFFFFE50]  }
0x2e8: {  	s21 =	sadd.s32 $0x40, s11;
	v49 =	vpop (erf);
	v30 =	vld.idx.msk [tilespmem:v42+s15+$0x0], $0xffff  }
0x2e9: {  	v47 =	vor.u32 s21, v0;
	[tilespmem:s5+$0xFFFFFF90] =	vst v49;
	v40 =	vld [tilespmem:s14+$0xFFFFFE90]  }
0x2ea: {  	s16 =	sadd.s32 $0x50, s11;
	v37 =	vpop (erf);
	v29 =	vld.idx.msk [tilespmem:v43+s15+$0x0], $0xffff  }
0x2eb: {  	v36 =	vor.u32 s16, v0;
	[tilespmem:s5+$0xFFFFFFC0] =	vst v37;
	v56 =	vld [tilespmem:s14+$0xFFFFFE10]  }
0x2ec: {  	s22 =	sadd.s32 $0x60, s11;
	v51 =	vpop (erf);
	v32 =	vld.idx.msk [tilespmem:v44+s15+$0x0], $0xffff  }
0x2ed: {  	v38 =	vor.u32 s22, v0;
	[tilespmem:s5+$0xFFFFFFD0] =	vst v51;
	v41 =	vld [tilespmem:s14+$0xFFFFFED0]  }
0x2ee: {  	v52 =	vpop (erf);
	v34 =	vld.idx.msk [tilespmem:v47+s15+$0x0], $0xffff  }
0x2ef: {  	v50 =	vor.u32 s8, v2;
	[tilespmem:s5+$0xFFFFFFE0] =	vst v52;
	v42 =	vld [tilespmem:s14+$0xFFFFFF10]  }
0x2f0: {  	v53 =	vpop (erf);
	v33 =	vld.idx.msk [tilespmem:v36+s15+$0x0], $0xffff  }
0x2f1: {  	v43 =	vor.u32 s0, v1;
	v31 =	vmul.f32 v45, v31;
	[tilespmem:s5+$0xFFFFFFF0] =	vst v53;
	v44 =	vld [tilespmem:s14+$0xFFFFFF50]  }
0x2f2: {  	v55 =	vld.idx.msk [tilespmem:v38+s15+$0x0], $0xffff  }
0x2f3: {  	v58 =	vor.u32 s11, v1;
	v28 =	vmul.f32 v57, v28;
	[tilespmem:s19+$0xFFFFFFE0] =	vst v31;
	v62 =	vld [tilespmem:s14+$0xFFFFFF90]  }
0x2f4: {  	v61 =	vmul.f32 v40, v30;
	v35 =	vld.idx.msk [tilespmem:v50+s15+$0x0], $0xffff  }
0x2f5: {  	v60 =	vor.u32 s18, v1;
	v54 =	vld [tilespmem:s14+$0xFFFFFFF0];
	v29 =	vmul.f32 v56, v29;
	[tilespmem:s19+$0xFFFFFE50] =	vst v28  }
0x2f6: {  	[tilespmem:s19+$0xFFFFFE90] =	vst v61;
	v48 =	vld.idx.msk [tilespmem:v43+s15+$0x0], $0xffff  }
0x2f7: {  	v45 =	vor.u32 s21, v1;
	v41 =	vmul.f32 v41, v32;
	[tilespmem:s19+$0xFFFFFE10] =	vst v29;
	v56 =	vld [tilespmem:s14+$0xFFFFFEA0]  }
0x2f8: {  	v46 =	vld.idx.msk [tilespmem:v58+s15+$0x0], $0xffff  }
0x2f9: {  	v63 =	vor.u32 s16, v1;
	v47 =	vmul.f32 v42, v34;
	[tilespmem:s19+$0xFFFFFED0] =	vst v41;
	v53 =	vld [tilespmem:s14+$0xFFFFFE20]  }
0x2fa: {  	v29 =	vld.idx.msk [tilespmem:v60+s15+$0x0], $0xffff  }
0x2fb: {  	v59 =	vor.u32 s4, v1;
	v50 =	vmul.f32 v44, v33;
	[tilespmem:s19+$0xFFFFFF10] =	vst v47;
	v57 =	vld [tilespmem:s14+$0xFFFFFEE0]  }
0x2fc: {  	v49 =	vor.u32 s22, v1;
	v51 =	vld.idx.msk [tilespmem:v45+s15+$0x0], $0xffff  }
0x2fd: {  	v30 =	vmul.f32 v62, v55;
	v31 =	vmul.f32 v54, v35;
	[tilespmem:s19+$0xFFFFFF50] =	vst v50;
	v54 =	vld [tilespmem:s14+$0xFFFFFE60]  }
0x2fe: {  	v39 =	vor.u32 s8, v3;
	v52 =	vld.idx.msk [tilespmem:v63+s15+$0x0], $0xffff  }
0x2ff: {  	[tilespmem:s19+$0xFFFFFF90] =	vst v30;
	v61 =	vld [tilespmem:s14+$0xFFFFFF60]  }
0x300: {  	[tilespmem:s19+$0xFFFFFFF0] =	vst v31;
	v31 =	vld.idx.msk [tilespmem:v59+s15+$0x0], $0xffff  }
0x301: {  	v55 =	vor.u32 s11, v2;
	v30 =	vld.idx.msk [tilespmem:v49+s15+$0x0], $0xffff  }
0x302: {  	v59 =	vld [tilespmem:s14+$0xFFFFFF20]  }
0x303: {  	v62 =	vor.u32 s18, v2;
	v37 =	vld.idx.msk [tilespmem:v39+s15+$0x0], $0xffff;
	v32 =	vmul.f32 v53, v46  }
0x304: {  	v38 =	vld [tilespmem:s14+$0x0]  }
0x305: {  	v58 =	vor.u32 s0, v2;
	v29 =	vmul.f32 v57, v29;
	[tilespmem:s19+$0xFFFFFE20] =	vst v32;
	v63 =	vmul.f32 v54, v48;
	v48 =	vld [tilespmem:s14+$0xFFFFFFA0]  }
0x306: {  	v39 =	vld.idx.msk [tilespmem:v55+s15+$0x0], $0xffff  }
0x307: {  	v60 =	vor.u32 s4, v2;
	v46 =	vld [tilespmem:s14+$0xFFFFFE30];
	[tilespmem:s19+$0xFFFFFEE0] =	vst v29  }
0x308: {  	v49 =	vor.u32 s21, v2;
	v28 =	vmul.f32 v59, v51;
	v51 =	vmul.f32 v61, v52;
	v52 =	vld.idx.msk [tilespmem:v62+s15+$0x0], $0xffff  }
0x309: {  	v50 =	vor.u32 s16, v2;
	v31 =	vmul.f32 v56, v31;
	[tilespmem:s19+$0xFFFFFE60] =	vst v63;
	v57 =	vld [tilespmem:s14+$0xFFFFFEF0]  }
0x30a: {  	v32 =	vld.idx.msk [tilespmem:v58+s15+$0x0], $0xffff  }
0x30b: {  	v54 =	vld [tilespmem:s14+$0xFFFFFE70];
	[tilespmem:s19+$0xFFFFFEA0] =	vst v31  }
0x30c: {  	[tilespmem:s19+$0xFFFFFF20] =	vst v28;
	v31 =	vld.idx.msk [tilespmem:v60+s15+$0x0], $0xffff  }
0x30d: {  	v53 =	vor.u32 s22, v2;
	[tilespmem:s19+$0xFFFFFF60] =	vst v51;
	v35 =	vld.idx.msk [tilespmem:v49+s15+$0x0], $0xffff  }
0x30e: {  	v29 =	vld.idx.msk [tilespmem:v50+s15+$0x0], $0xffff  }
0x30f: {  	v30 =	vmul.f32 v48, v30;
	v55 =	vld [tilespmem:s14+$0xFFFFFEB0]  }
0x310: {  	v56 =	vor.u32 s11, v3;
	v60 =	vld [tilespmem:s14+$0xFFFFFF30]  }
0x311: {  	v13 =	vmul.f32 v27, v13;
	v62 =	vld [tilespmem:s14+$0xFFFFFF70];
	[tilespmem:s19+$0xFFFFFFA0] =	vst v30  }
0x312: {  	v39 =	vmul.f32 v46, v39;
	v28 =	vld.idx.msk [tilespmem:v53+s15+$0x0], $0xffff  }
0x313: {  	v12 =	vmul.f32 v26, v12;
	[tilespmem:s17+$0xFFFFFF40] =	vst v13;
	v61 =	vor.u32 s18, v3;
	v63 =	vld [tilespmem:s14+$0xFFFFFFB0]  }
0x314: {  	v17 =	vmul.f32 v21, v17;
	v32 =	vmul.f32 v54, v32;
	[tilespmem:s19+$0xFFFFFE30] =	vst v39;
	v54 =	vld [tilespmem:s2+$0xFFFFFF40]  }
0x315: {  	[tilespmem:s17+$0xFFFFFF80] =	vst v12;
	v58 =	vor.u32 s0, v3;
	v30 =	vmul.f32 v57, v52;
	v39 =	vld.idx.msk [tilespmem:v56+s15+$0x0], $0xffff  }
0x316: {  	v14 =	vmul.f32 v25, v14;
	[tilespmem:s20+$0xFFFFFE40] =	vst v17;
	v46 =	vld [tilespmem:s14+$0xFFFFFE40]  }
0x317: {  	[tilespmem:s19+$0xFFFFFEF0] =	vst v30;
	v56 =	vld [tilespmem:s2+$0xFFFFFF80]  }
0x318: {  	[tilespmem:s20+$0xFFFFFF00] =	vst v14;
	v11 =	vmul.f32 v23, v11;
	v59 =	vor.u32 s4, v3;
	v42 =	vld.idx.msk [tilespmem:v61+s15+$0x0], $0xffff  }
0x319: {  	v44 =	vmul.f32 v22, v15;
	[tilespmem:s19+$0xFFFFFE70] =	vst v32;
	v52 =	vld [tilespmem:s14+$0xFFFFFF00]  }
0x31a: {  	[tilespmem:s17+$0xFFFFFFC0] =	vst v11;
	v48 =	vor.u32 s21, v3;
	v31 =	vmul.f32 v55, v31;
	v40 =	vld.idx.msk [tilespmem:v58+s15+$0x0], $0xffff  }
0x31b: {  	v45 =	vmul.f32 v24, v16;
	[tilespmem:s20+$0xFFFFFE80] =	vst v44;
	v50 =	vor.u32 s16, v3;
	v47 =	vld [tilespmem:s14+$0xFFFFFE80]  }
0x31c: {  	v55 =	vmul.f32 v60, v35;
	v58 =	vld [tilespmem:s2+$0xFFFFFFC0];
	[tilespmem:s19+$0xFFFFFEB0] =	vst v31  }
0x31d: {  	[tilespmem:s20+$0xFFFFFEC0] =	vst v45;
	v57 =	vmul.f32 v62, v29;
	v41 =	vld.idx.msk [tilespmem:v59+s15+$0x0], $0xffff  }
0x31e: {  	v51 =	vmul.f32 v38, v37;
	v53 =	vor.u32 s22, v3;
	[tilespmem:s19+$0xFFFFFF30] =	vst v55;
	v49 =	vld [tilespmem:s14+$0xFFFFFEC0]  }
0x31f: {  	[tilespmem:s19+$0xFFFFFF70] =	vst v57;
	v59 =	vmul.f32 v63, v28;
	v15 =	vld.idx.msk [tilespmem:v48+s15+$0x0], $0xffff  }
0x320: {  	[tilespmem:s19+$0x0] =	vst v51;
	v16 =	vld.idx.msk [tilespmem:v50+s15+$0x0], $0xffff;
	v7 =	vmul.f32 v54, v7  }
0x321: {  	v61 =	vld [tilespmem:s14+$0xFFFFFF40];
	v10 =	vmul.f32 v46, v39;
	[tilespmem:s19+$0xFFFFFFB0] =	vst v59  }
0x322: {  	v62 =	vld [tilespmem:s14+$0xFFFFFF80];
	v5 =	vmul.f32 v56, v5;
	[tilespmem:s20+$0xFFFFFF40] =	vst v7  }
0x323: {  	v9 =	vmul.f32 v52, v42;
	v60 =	vld.idx.msk [tilespmem:v53+s15+$0x0], $0xffff;
	[tilespmem:s19+$0xFFFFFE40] =	vst v10  }
0x324: {  	v8 =	vmul.f32 v47, v40;
	v63 =	vld [tilespmem:s14+$0xFFFFFFC0];
	[tilespmem:s20+$0xFFFFFF80] =	vst v5  }
0x325: {  	v6 =	vmul.f32 v58, v6;
	[tilespmem:s19+$0xFFFFFF00] =	vst v9  }
0x326: {  	v14 =	vmul.f32 v49, v41;
	[tilespmem:s19+$0xFFFFFE80] =	vst v8  }
0x327: {  	v5 =	vmul.f32 v61, v15;
	[tilespmem:s20+$0xFFFFFFC0] =	vst v6  }
0x328: {  	s23 =	sadd.s32 $0x1, s23;
	v6 =	vmul.f32 v62, v16;
	[tilespmem:s19+$0xFFFFFEC0] =	vst v14  }
0x329: {  	p0 =	sne.s32 s23, $0x14;
	[tilespmem:s19+$0xFFFFFF40] =	vst v5;
	v7 =	vmul.f32 v63, v60  }
.Ltmp2:
0x32a: {  	[tilespmem:s19+$0xFFFFFF80] =	vst v6;
	(pc) =	sbr.rel @p0 .LBB2_2-.Ltmp2, $4  }
0x32b: {  	s25 =	simm.s32 $0x8300;
	[tilespmem:s19+$0xFFFFFFC0] =	vst v7  }
0x32c: {  	[spmem:s29] =	stream.indirect.scatter.add.f32 [tilespmem:s25], [sflag:$0x4], $0x40, s6, s28, $0xb8;
	[tilespmem:$0x17890] =	vst v63  }
0x32d: {  	_ = 	snop  }
0x32e: {  	[spmem:s31] =	stream.indirect.scatter.add.f32 [tilespmem:s15], [sflag:$0x4], $0x10, s6, s28, $0xb8;
	[tilespmem:$0x17890] =	vst v63  }
0x32f: {  	s0 =	simm.s32 $0x3  }
0x330: {  	_ =	swait.ge [sflag:s0], $0x2000  }
0x331: {  	[sflag:s0] =	ssyncset.done $0x0  }
0x332: {  	[sflag:s0] =	ssyncadd.s32 $0xFFFFE000  }
0x333: {  	_ =	swait.ge [sflag:s0], $0x800  }
0x334: {  	[sflag:s0] =	ssyncset.done $0x0  }
0x335: {  	s20 =	simm.s32 $0x4;
	[sflag:s0] =	ssyncadd.s32 $0xFFFFF800  }
0x336: {  	_ =	swait.ge [sflag:s20], $0x2000  }
0x337: {  	[sflag:s20] =	ssyncset.done $0x0  }
0x338: {  	[sflag:s20] =	ssyncadd.s32 $0xFFFFE000  }
0x339: {  	_ =	swait.ge [sflag:s20], $0x800  }
0x33a: {  	[sflag:s20] =	ssyncset.done $0x0  }
0x33b: {  	[sflag:s20] =	ssyncadd.s32 $0xFFFFF800  }
0x33c: {  	[bflag:$0x0] =	sbarrier.arrive $0xFFFF  }
0x33d: {  	s4 =	rddreg [dreg:$0xc]  }
0x33e: {  	s21 =	rddreg [dreg:$0x13]  }
0x33f: {  	s1 =	rddreg [dreg:$0x16]  }
0x340: {  	[hbm:s21], [sflag:s4] =	dma.local [spmem:s1], $0x13C0  }
0x341: {  	_ =	swait.ge [sflag:s24], $0x13C0  }
0x342: {  	[sflag:s24] =	ssyncset.done $0x0;
	s22 =	rddreg [dreg:$0x14]  }
0x343: {  	s2 =	rddreg [dreg:$0x19];
	[sflag:s24] =	ssyncadd.s32 $0xFFFFEC40  }
0x344: {  	[hbm:s22], [sflag:s4] =	dma.local [spmem:s2], $0x4F0  }
0x345: {  	_ =	swait.ge [sflag:s24], $0x4F0  }
0x346: {  	s23 =	rddreg [dreg:$0x18]  }
0x347: {  	s25 =	rddreg [dreg:$0x15];
	s2 =	sadd.s32 $0x1, s23  }
0x348: {  	p0 =	sne.s32 s2, s25  }
.Ltmp3:
0x349: {  	_ = 	snop;
	(pc) =	sbr.rel @p0 .LBB2_1-.Ltmp3, $3  }
0x34a: {  	_ =	sdelay $0x1  }
0x34b: {  	[sflag:s24] =	ssyncset.done $0x0  }
0x34c: {  	[sflag:s24] =	ssyncadd.s32 $0xFFFFFB10  }
0x34d: {  	_ =	sfence.sel $0x180000  }
0x34e: {  	[bflag:$0x0] =	sbarrier.arrive $0xFFFF  }
0x34f: {  	_ =	strace $0x90000047  }
0x350: {  	s0 =	stileid.u32;
	[bflag:$0x2] =	sbarrier.arrive $0xFFFF  }
0x351: {  	p0 =	sne.s32 s0, $0x0;
	s0 =	rddreg [dreg:$0x4]  }
0x352: {  	s0 =	sadd.s32 @!p0 $0x100000, s0  }
0x353: {  	[sflag:s0] =	ssyncadd.tile.s32 @!p0 $0x1;
	_ =	shalt  }
.Lfunc_end2:
_tile_overlayer_lowered:
.L_overlay_start_2:
0x354: {  	(tag) =	ssettag $0x2  }
0x355: {  	s0 =	rddreg [dreg:$0x0];
	s2 =	stileid.u32  }
0x356: {  	s1 =	rddreg [dreg:$0x1];
	p0 =	sne.s32 s2, $0x0  }
0x357: {  	s3 =	rddreg [dreg:$0x2];
	[bflag:$0x3] =	sbarrier.arrive $0xFFFF;
	s2 =	simm.s32 @!p0 $0x1C05  }
0x358: {  	[timem:s3], [sflag:s2] =	dma.local @!p0 [hbm:s0], s1  }
0x359: {  	s0 =	simm.s32 @!p0 $0x5  }
0x35a: {  	_ =	swait.ge @!p0 [sflag:s0], s1  }
0x35b: {  	s1 =	ssub.s32 @!p0 $0x0, s1;
	[sflag:s0] =	ssyncset.done @!p0 $0x0  }
0x35c: {  	[sflag:s0] =	ssyncadd.s32 @!p0 s1  }
0x35d: {  	[bflag:$0x3] =	sbarrier.arrive $0xFFFF  }
0x35e: {  	_ =	shalt  }

</sc_bundles>
